<compile_context>
chip_gen: v7x
topology: tpu7x:2x2x1
jax: 0.10.2.dev20260603
libtpu: 0.0.44.dev20260713+nightly
codegen_flags: <defaults>
</compile_context>

<pallas_src>
import functools

import jax
import jax.numpy as jnp
from jax import lax
from jax.experimental import pallas as pl
from jax.experimental.pallas import tpu as pltpu
from jax.experimental.pallas import tpu_sc as plsc

N_NODES = 10000
N_EDGES = 160000
N_FACES = 160000
D0 = 128
D2P = 16

NC = 2
NS = 16
NW = NC * NS
CH = 128

ADJ_K = 80
ADJ_NNZ_PAD = NW * ADJ_K * CH
ADJ_NACC = 10240
ADJ_RPT = ADJ_NACC // NS
ADJ_TRASH = N_NODES

INC_K = 56
INC_NNZ_PAD = NW * INC_K * CH
INC_RANGE = N_FACES // NC
INC_NACC = 163840
INC_RPT = INC_NACC // NS
INC_TRASH = N_FACES



def _x1_pass_body(x_ref, w_ref, z_ref, s_ref):
    i = pl.program_id(0)
    x = x_ref[...]
    z_ref[...] = jnp.dot(x, w_ref[...],
                         preferred_element_type=jnp.float32
                         ).astype(jnp.bfloat16)
    @pl.when(i == 0)
    def _():
        s_ref[...] = jnp.zeros_like(s_ref)
    s_ref[...] += jnp.sum(x, axis=0, keepdims=True)


def _x1_pass(x1, w12p):
    rb = 8000
    grid = N_EDGES // rb
    return pl.pallas_call(
        _x1_pass_body,
        grid=(grid,),
        in_specs=[
            pl.BlockSpec((rb, D0), lambda i: (i, 0)),
            pl.BlockSpec((D0, D2P), lambda i: (0, 0)),
        ],
        out_specs=[
            pl.BlockSpec((rb, D2P), lambda i: (i, 0)),
            pl.BlockSpec((1, D0), lambda i: (0, 0)),
        ],
        out_shape=[
            jax.ShapeDtypeStruct((N_EDGES, D2P), jnp.bfloat16),
            jax.ShapeDtypeStruct((1, D0), jnp.float32),
        ],
    )(x1, w12p)



def _mm_body(x_ref, w_ref, o_ref):
    o_ref[...] = jnp.dot(x_ref[...], w_ref[...],
                         preferred_element_type=jnp.float32
                         ).astype(jnp.bfloat16)


def _mm(x, w):
    rb = 2000
    grid = x.shape[0] // rb
    return pl.pallas_call(
        _mm_body,
        grid=(grid,),
        in_specs=[
            pl.BlockSpec((rb, D0), lambda i: (i, 0)),
            pl.BlockSpec((D0, D0), lambda i: (0, 0)),
        ],
        out_specs=pl.BlockSpec((rb, D0), lambda i: (i, 0)),
        out_shape=jax.ShapeDtypeStruct((x.shape[0], D0), jnp.bfloat16),
    )(x, w)



def _mid_body(a_ref, w_ref, o_ref):
    t = jax.nn.relu(a_ref[0].astype(jnp.float32) + a_ref[1].astype(jnp.float32))
    o_ref[...] = jnp.dot(t, w_ref[...], preferred_element_type=jnp.float32
                         ).astype(jnp.bfloat16)


def _mid(a, w):
    rb = 2000
    grid = N_NODES // rb
    return pl.pallas_call(
        _mid_body,
        grid=(grid,),
        in_specs=[
            pl.BlockSpec((2, rb, D0), lambda i: (0, i, 0)),
            pl.BlockSpec((D0, D0), lambda i: (0, 0)),
        ],
        out_specs=pl.BlockSpec((rb, D0), lambda i: (i, 0)),
        out_shape=jax.ShapeDtypeStruct((N_NODES, D0), jnp.bfloat16),
    )(a, w)



def _make_sc_spmm(table_rows, d, k_chunks, stage_k, slots, nacc, rpt, trash,
                  split_range, ch=CH, dtype=jnp.float32, tc_tiling=None):
    mesh = plsc.VectorSubcoreMesh(core_axis_name="c", subcore_axis_name="s")

    def body(table, src2d, dst2d, zeros, out, sidx_v, didx_v, rows_v, accum,
             *sems):
        sem_g = sems[:slots]
        sem_s = sems[slots:]
        c = lax.axis_index("c")
        s = lax.axis_index("s")

        def fire_g(u, chunk):
            pltpu.async_copy(table.at[sidx_v.at[chunk]], rows_v.at[u],
                             sem_g[u])

        def wait_g(u):
            pltpu.make_async_copy(table.at[sidx_v.at[0]], rows_v.at[u],
                                  sem_g[u]).wait()

        def fire_s(u, chunk):
            pltpu.async_copy(rows_v.at[u], accum.at[didx_v.at[chunk]],
                             sem_s[u], add=True)

        def wait_s(u):
            pltpu.make_async_copy(rows_v.at[u], accum.at[didx_v.at[0]],
                                  sem_s[u]).wait()

        pltpu.sync_copy(zeros, accum.at[pl.ds(s * rpt, rpt)])
        plsc.subcore_barrier()

        if split_range:
            row_base = s * k_chunks
        else:
            row_base = (s * NC + c) * k_chunks

        n_steps = stage_k // slots
        for stage in range(k_chunks // stage_k):
            row0 = row_base + stage * stage_k
            pltpu.sync_copy(src2d.at[pl.ds(row0, stage_k)], sidx_v)
            pltpu.sync_copy(dst2d.at[pl.ds(row0, stage_k)], didx_v)

            if split_range:
                lo = c * INC_RANGE
                def remap(j, _):
                    def remap16(q, _):
                        dv = didx_v[j, pl.ds(q * 16, 16)]
                        inr = (dv >= lo) & (dv < lo + INC_RANGE)
                        didx_v[j, pl.ds(q * 16, 16)] = jnp.where(
                            inr, dv - lo, trash + (dv & 1023))
                        return 0
                    return lax.fori_loop(0, ch // 16, remap16, 0)
                lax.fori_loop(0, stage_k, remap, 0)

            for u in range(slots):
                fire_g(u, u)

            def step(t, _):
                base = t * slots
                for u in range(slots):
                    wait_g(u)
                    fire_s(u, base + u)
                for u in range(slots):
                    wait_s(u)
                    @pl.when(t < n_steps - 1)
                    def _():
                        fire_g(u, base + slots + u)
                return 0
            lax.fori_loop(0, n_steps, step, 0)

        plsc.subcore_barrier()

        pltpu.sync_copy(accum.at[pl.ds(s * rpt, rpt)],
                        out.at[pl.ds(c * nacc + s * rpt, rpt)])

    return functools.partial(
        pl.kernel,
        out_type=jax.ShapeDtypeStruct((NC * nacc, d), dtype),
        mesh=mesh,
        compiler_params=pltpu.CompilerParams(
            use_tc_tiling_on_sc=(d == D0 and dtype == jnp.float32
                                 if tc_tiling is None else tc_tiling)),
        scratch_types=[
            pltpu.VMEM((stage_k, ch), jnp.int32),
            pltpu.VMEM((stage_k, ch), jnp.int32),
            pltpu.VMEM((slots, ch, d), dtype),
            pltpu.VMEM_SHARED((nacc, d), dtype),
        ] + [pltpu.SemaphoreType.DMA] * (2 * slots),
    )(body)


_adj_spmm = _make_sc_spmm(N_NODES, D0, ADJ_K, 80, 8, ADJ_NACC, ADJ_RPT,
                          ADJ_TRASH, split_range=False, dtype=jnp.bfloat16)
_inc_spmm = _make_sc_spmm(N_EDGES, D2P, INC_K, INC_K, 8, INC_NACC, INC_RPT,
                          INC_TRASH, split_range=False, dtype=jnp.bfloat16)



def _final_body(a_ref, b_ref, cs1_ref, l0_ref, b0_ref, l1_ref, b1_ref,
                l2_ref, b2_ref, o_ref, s0_ref, s2_ref):
    i = pl.program_id(0)
    n = pl.num_programs(0)

    @pl.when(i == 0)
    def _():
        s0_ref[...] = jnp.zeros_like(s0_ref)
        s2_ref[...] = jnp.zeros_like(s2_ref)

    x0 = jax.nn.relu(a_ref[0].astype(jnp.float32)
                     + a_ref[1].astype(jnp.float32))
    s0_ref[...] += jnp.sum(x0, axis=0, keepdims=True)
    x2 = jax.nn.relu(b_ref[0].astype(jnp.float32)
                     + b_ref[1].astype(jnp.float32))
    s2_ref[...] += jnp.sum(x2, axis=0, keepdims=True)

    @pl.when(i == n - 1)
    def _():
        y0 = jnp.dot(s0_ref[...] * (1.0 / N_NODES), l0_ref[...],
                     preferred_element_type=jnp.float32) + b0_ref[...]
        y1 = jnp.dot(cs1_ref[...] * (1.0 / N_EDGES), l1_ref[...],
                     preferred_element_type=jnp.float32) + b1_ref[...]
        y2 = jnp.dot(s2_ref[...] * (1.0 / N_FACES), l2_ref[...],
                     preferred_element_type=jnp.float32) + b2_ref[...]
        o_ref[...] = y0 + y1 + y2


def _final(a, b, cs1, l0p, b0p, l1p, b1p, l2p, b2p):
    grid = 10
    rb0 = N_NODES // grid
    rb2 = N_FACES // grid
    return pl.pallas_call(
        _final_body,
        grid=(grid,),
        in_specs=[
            pl.BlockSpec((2, rb0, D0), lambda i: (0, i, 0)),
            pl.BlockSpec((2, rb2, D2P), lambda i: (0, i, 0)),
            pl.BlockSpec((1, D0), lambda i: (0, 0)),
            pl.BlockSpec((D0, 128), lambda i: (0, 0)),
            pl.BlockSpec((1, 128), lambda i: (0, 0)),
            pl.BlockSpec((D0, 128), lambda i: (0, 0)),
            pl.BlockSpec((1, 128), lambda i: (0, 0)),
            pl.BlockSpec((D2P, 128), lambda i: (0, 0)),
            pl.BlockSpec((1, 128), lambda i: (0, 0)),
        ],
        out_specs=pl.BlockSpec((1, 128), lambda i: (0, 0)),
        out_shape=jax.ShapeDtypeStruct((1, 128), jnp.float32),
        scratch_shapes=[
            pltpu.VMEM((1, D0), jnp.float32),
            pltpu.VMEM((1, D2P), jnp.float32),
        ],
    )(a, b, cs1, l0p, b0p, l1p, b1p, l2p, b2p)



def _pad_idx(src, dst, nnz_pad, trash_dst, trash_spread, ch=CH):
    n = src.shape[0]
    pad = nnz_pad - n
    src_p = jnp.concatenate([src.astype(jnp.int32),
                             jnp.zeros((pad,), jnp.int32)])
    trash = trash_dst + jnp.arange(pad, dtype=jnp.int32) % trash_spread
    dst_p = jnp.concatenate([dst.astype(jnp.int32), trash])
    return src_p.reshape(-1, ch), dst_p.reshape(-1, ch)


def kernel(x_0, x_1, adjacency_0, incidence_2_t,
           W0_0, W12_0, W0_1, W12_1,
           lin0_w, lin0_b, lin1_w, lin1_b, lin2_w, lin2_b):
    f32 = jnp.float32

    w12p = jnp.zeros((D0, D2P), f32).at[:, :5].set(W12_1)
    z1p, cs1 = _x1_pass(x_1, w12p)

    inc_src, inc_dst = _pad_idx(incidence_2_t[1], incidence_2_t[0],
                                INC_NNZ_PAD, N_FACES, 3840)
    inc_zeros = jnp.zeros((INC_RPT, D2P), jnp.bfloat16)
    x2acc = _inc_spmm(z1p, inc_src, inc_dst, inc_zeros)

    adj_src, adj_dst = _pad_idx(adjacency_0[1], adjacency_0[0],
                                ADJ_NNZ_PAD, ADJ_TRASH, 192)
    adj_zeros = jnp.zeros((ADJ_RPT, D0), jnp.bfloat16)

    z0 = _mm(x_0, W0_0)
    a1 = _adj_spmm(z0, adj_src, adj_dst, adj_zeros)
    h = _mid(a1.reshape(2, ADJ_NACC, D0), W0_1)
    a2 = _adj_spmm(h, adj_src, adj_dst, adj_zeros)

    def padw(w, rows):
        wp = jnp.zeros((rows, 128), f32)
        return wp.at[:w.shape[0], :2].set(w)

    def padb(b):
        return jnp.zeros((1, 128), f32).at[0, :2].set(b)

    out = _final(a2.reshape(2, ADJ_NACC, D0),
                 x2acc.reshape(2, INC_NACC, D2P),
                 cs1,
                 padw(lin0_w, D0), padb(lin0_b),
                 padw(lin1_w, D0), padb(lin1_b),
                 padw(lin2_w, D2P), padb(lin2_b))
    return out[0, :2]

# --- scband reference (transcript-rebuilt; emitter-appended) ---
"""Pipeline reference for scband-network-26749056319568 (READ-ONLY COPY).

The authoritative reference and input builder live on the scoring server;
editing this copy changes nothing except your own understanding.
"""

import jax, jax.numpy as jnp
import numpy as np

N_NODES = 10000
N_EDGE_CELLS = 160000
N_FACES = 160000
D0 = 128
D1 = 128
D2 = 5
NUM_CLASSES = 2


def setup_inputs(seed: int = 0) -> dict:
    key = jax.random.key(seed)
    ks = jax.random.split(key, 16)
    x_0 = jax.random.normal(ks[0], (N_NODES, D0), dtype=jnp.float32)
    x_1 = jax.random.normal(ks[1], (N_EDGE_CELLS, D1), dtype=jnp.float32)
    adjacency_0 = jax.random.randint(ks[2], (2, 320000), 0, N_NODES)
    incidence_2_t = jax.random.randint(ks[3], (2, 200000), 0, N_FACES)
    # CCXN layer weights (n_layers=2): conv_0_to_0 [D0,D0], conv_1_to_2 [D1,D2]
    W0_0 = jax.random.normal(ks[4], (D0, D0), dtype=jnp.float32) * 0.02
    W12_0 = jax.random.normal(ks[5], (D1, D2), dtype=jnp.float32) * 0.02
    W0_1 = jax.random.normal(ks[6], (D0, D0), dtype=jnp.float32) * 0.02
    W12_1 = jax.random.normal(ks[7], (D1, D2), dtype=jnp.float32) * 0.02
    # readout linears
    lin0_w = jax.random.normal(ks[8], (D0, NUM_CLASSES), dtype=jnp.float32) * 0.02
    lin0_b = jnp.zeros((NUM_CLASSES,), dtype=jnp.float32)
    lin1_w = jax.random.normal(ks[9], (D1, NUM_CLASSES), dtype=jnp.float32) * 0.02
    lin1_b = jnp.zeros((NUM_CLASSES,), dtype=jnp.float32)
    lin2_w = jax.random.normal(ks[10], (D2, NUM_CLASSES), dtype=jnp.float32) * 0.02
    lin2_b = jnp.zeros((NUM_CLASSES,), dtype=jnp.float32)
    return {
        "x_0": x_0, "x_1": x_1,
        "adjacency_0": adjacency_0, "incidence_2_t": incidence_2_t,
        "W0_0": W0_0, "W12_0": W12_0, "W0_1": W0_1, "W12_1": W12_1,
        "lin0_w": lin0_w, "lin0_b": lin0_b,
        "lin1_w": lin1_w, "lin1_b": lin1_b,
        "lin2_w": lin2_w, "lin2_b": lin2_b,
    }


def _spmm(idx, m, n_rows):
    # sparse (binary) neighborhood matmul: A @ m, A given as [2, nnz] (row, col) indices
    gathered = jnp.take(m, idx[1], axis=0)
    return jax.ops.segment_sum(gathered, idx[0], num_segments=n_rows)


def _nanmean0(y):
    m = jnp.nanmean(y, axis=0)
    return jnp.where(jnp.isnan(m), 0.0, m)


def reference(x_0, x_1, adjacency_0, incidence_2_t,
              W0_0, W12_0, W0_1, W12_1,
              lin0_w, lin0_b, lin1_w, lin1_b, lin2_w, lin2_b):
    x0 = x_0
    x1 = x_1
    x2 = None
    for (W0, W12) in ((W0_0, W12_0), (W0_1, W12_1)):
        # CCXNLayer: conv_0_to_0 then relu; conv_1_to_2 then relu; x_1 passes through
        x0 = jax.nn.relu(_spmm(adjacency_0, x0 @ W0, N_NODES))
        x2 = jax.nn.relu(_spmm(incidence_2_t, x1 @ W12, N_FACES))
    y0 = x0 @ lin0_w + lin0_b
    y1 = x1 @ lin1_w + lin1_b
    y2 = x2 @ lin2_w + lin2_b
    return _nanmean0(y2) + _nanmean0(y1) + _nanmean0(y0)

if __name__ == "__main__":
    import jax
    _d = setup_inputs()
    print(jax.jit(kernel)(*tuple(_d.values())))

</pallas_src>

<mosaic_0001>
#map = affine_map<(d0, d1) -> (0, 0)>
module attributes {stable_mosaic.version = 14 : i64} {
  func.func @body(%arg0: i32, %arg1: i32, %arg2: memref<160000x16xbf16, #tpu.memory_space<hbm>>, %arg3: memref<1792x128xi32, #tpu.memory_space<hbm>>, %arg4: memref<1792x128xi32, #tpu.memory_space<hbm>>, %arg5: memref<10240x16xbf16, #tpu.memory_space<hbm>>, %arg6: memref<327680x16xbf16, #tpu.memory_space<hbm>>, %arg7: memref<56x128xi32, #tpu.memory_space<vmem>>, %arg8: memref<56x128xi32, #tpu.memory_space<vmem>>, %arg9: memref<8x128x16xbf16, #tpu.memory_space<vmem>>, %arg10: memref<163840x16xbf16, #tpu.memory_space<vmem_shared>>, %arg11: memref<!tpu.dma_semaphore, #tpu.memory_space<semaphore_mem>>, %arg12: memref<!tpu.dma_semaphore, #tpu.memory_space<semaphore_mem>>, %arg13: memref<!tpu.dma_semaphore, #tpu.memory_space<semaphore_mem>>, %arg14: memref<!tpu.dma_semaphore, #tpu.memory_space<semaphore_mem>>, %arg15: memref<!tpu.dma_semaphore, #tpu.memory_space<semaphore_mem>>, %arg16: memref<!tpu.dma_semaphore, #tpu.memory_space<semaphore_mem>>, %arg17: memref<!tpu.dma_semaphore, #tpu.memory_space<semaphore_mem>>, %arg18: memref<!tpu.dma_semaphore, #tpu.memory_space<semaphore_mem>>, %arg19: memref<!tpu.dma_semaphore, #tpu.memory_space<semaphore_mem>>, %arg20: memref<!tpu.dma_semaphore, #tpu.memory_space<semaphore_mem>>, %arg21: memref<!tpu.dma_semaphore, #tpu.memory_space<semaphore_mem>>, %arg22: memref<!tpu.dma_semaphore, #tpu.memory_space<semaphore_mem>>, %arg23: memref<!tpu.dma_semaphore, #tpu.memory_space<semaphore_mem>>, %arg24: memref<!tpu.dma_semaphore, #tpu.memory_space<semaphore_mem>>, %arg25: memref<!tpu.dma_semaphore, #tpu.memory_space<semaphore_mem>>, %arg26: memref<!tpu.dma_semaphore, #tpu.memory_space<semaphore_mem>>) attributes {dimension_semantics = [#tpu.dimension_semantics<core_parallel>, #tpu.dimension_semantics<subcore_parallel>], iteration_bounds = array<i64: 2, 16>, scalar_prefetch = 0 : i64, scratch_operands = 20 : i64, tpu.core_type = #tpu.core_type<sc_vector_subcore>, window_params = [{transform_indices = #map}, {transform_indices = #map}, {transform_indices = #map}, {transform_indices = #map}, {transform_indices = #map}]} {
    %mul3A = arith.constant 10240 : i32
    %mul3A_0 = arith.muli %arg1, %mul3A : i32
    "tpu.region"() ({
      %run_scoped3A = tpu.sem_alloc : memref<!tpu.dma_semaphore, #tpu.memory_space<semaphore_mem>>
      %dma_start3A_116 = arith.constant 0 : i32
      %dma_start3A_117 = tpu.memref_slice %arg10[%mul3A_0, %dma_start3A_116] : memref<163840x16xbf16, #tpu.memory_space<vmem_shared>> -> memref<10240x16xbf16, #tpu.memory_space<vmem_shared>>
      tpu.enqueue_dma source(%arg5 : memref<10240x16xbf16, #tpu.memory_space<hbm>>) target(%dma_start3A_117 : memref<10240x16xbf16, #tpu.memory_space<vmem_shared>>) target_semaphore(%run_scoped3A : memref<!tpu.dma_semaphore, #tpu.memory_space<semaphore_mem>>)
      %dma_wait3A = arith.constant 0 : i32
      %dma_wait3A_118 = tpu.memref_slice %arg10[%mul3A_0, %dma_wait3A] : memref<163840x16xbf16, #tpu.memory_space<vmem_shared>> -> memref<10240x16xbf16, #tpu.memory_space<vmem_shared>>
      tpu.wait_dma2 semaphore(%run_scoped3A : memref<!tpu.dma_semaphore, #tpu.memory_space<semaphore_mem>>) src(%arg5 : memref<10240x16xbf16, #tpu.memory_space<hbm>>) dst(%dma_wait3A_118 : memref<10240x16xbf16, #tpu.memory_space<vmem_shared>>)
      tpu.yield
    }) : () -> ()
    %barrier3A = arith.constant 0 : index
    tpu.barrier barrier_id(%barrier3A)
    %mul3A_1 = arith.constant 2 : i32
    %mul3A_2 = arith.muli %arg1, %mul3A_1 : i32
    %add3A = arith.addi %mul3A_2, %arg0 : i32
    %mul3A_3 = arith.constant 56 : i32
    %mul3A_4 = arith.muli %add3A, %mul3A_3 : i32
    %add3A_5 = arith.constant 0 : i32
    %add3A_6 = arith.addi %mul3A_4, %add3A_5 : i32
    "tpu.region"() ({
      %run_scoped3A = tpu.sem_alloc : memref<!tpu.dma_semaphore, #tpu.memory_space<semaphore_mem>>
      %dma_start3A_116 = arith.constant 0 : i32
      %dma_start3A_117 = tpu.memref_slice %arg3[%add3A_6, %dma_start3A_116] : memref<1792x128xi32, #tpu.memory_space<hbm>> -> memref<56x128xi32, #tpu.memory_space<hbm>>
      %dma_start3A_118 = arith.constant 0 : i32
      %dma_start3A_119 = tpu.memref_slice %arg3[%add3A_6, %dma_start3A_118] : memref<1792x128xi32, #tpu.memory_space<hbm>> -> memref<56x128xi32, #tpu.memory_space<hbm>>
      tpu.enqueue_dma source(%dma_start3A_119 : memref<56x128xi32, #tpu.memory_space<hbm>>) target(%arg7 : memref<56x128xi32, #tpu.memory_space<vmem>>) target_semaphore(%run_scoped3A : memref<!tpu.dma_semaphore, #tpu.memory_space<semaphore_mem>>)
      %dma_wait3A = arith.constant 0 : i32
      %dma_wait3A_120 = tpu.memref_slice %arg3[%add3A_6, %dma_wait3A] : memref<1792x128xi32, #tpu.memory_space<hbm>> -> memref<56x128xi32, #tpu.memory_space<hbm>>
      %dma_wait3A_121 = arith.constant 0 : i32
      %dma_wait3A_122 = tpu.memref_slice %arg3[%add3A_6, %dma_wait3A_121] : memref<1792x128xi32, #tpu.memory_space<hbm>> -> memref<56x128xi32, #tpu.memory_space<hbm>>
      tpu.wait_dma2 semaphore(%run_scoped3A : memref<!tpu.dma_semaphore, #tpu.memory_space<semaphore_mem>>) src(%dma_wait3A_122 : memref<56x128xi32, #tpu.memory_space<hbm>>) dst(%arg7 : memref<56x128xi32, #tpu.memory_space<vmem>>)
      tpu.yield
    }) : () -> ()
    "tpu.region"() ({
      %run_scoped3A = tpu.sem_alloc : memref<!tpu.dma_semaphore, #tpu.memory_space<semaphore_mem>>
      %dma_start3A_116 = arith.constant 0 : i32
      %dma_start3A_117 = tpu.memref_slice %arg4[%add3A_6, %dma_start3A_116] : memref<1792x128xi32, #tpu.memory_space<hbm>> -> memref<56x128xi32, #tpu.memory_space<hbm>>
      %dma_start3A_118 = arith.constant 0 : i32
      %dma_start3A_119 = tpu.memref_slice %arg4[%add3A_6, %dma_start3A_118] : memref<1792x128xi32, #tpu.memory_space<hbm>> -> memref<56x128xi32, #tpu.memory_space<hbm>>
      tpu.enqueue_dma source(%dma_start3A_119 : memref<56x128xi32, #tpu.memory_space<hbm>>) target(%arg8 : memref<56x128xi32, #tpu.memory_space<vmem>>) target_semaphore(%run_scoped3A : memref<!tpu.dma_semaphore, #tpu.memory_space<semaphore_mem>>)
      %dma_wait3A = arith.constant 0 : i32
      %dma_wait3A_120 = tpu.memref_slice %arg4[%add3A_6, %dma_wait3A] : memref<1792x128xi32, #tpu.memory_space<hbm>> -> memref<56x128xi32, #tpu.memory_space<hbm>>
      %dma_wait3A_121 = arith.constant 0 : i32
      %dma_wait3A_122 = tpu.memref_slice %arg4[%add3A_6, %dma_wait3A_121] : memref<1792x128xi32, #tpu.memory_space<hbm>> -> memref<56x128xi32, #tpu.memory_space<hbm>>
      tpu.wait_dma2 semaphore(%run_scoped3A : memref<!tpu.dma_semaphore, #tpu.memory_space<semaphore_mem>>) src(%dma_wait3A_122 : memref<56x128xi32, #tpu.memory_space<hbm>>) dst(%arg8 : memref<56x128xi32, #tpu.memory_space<vmem>>)
      tpu.yield
    }) : () -> ()
    %dma_start3A = arith.constant 0 : i32
    %dma_start3A_7 = arith.constant 0 : i32
    %dma_start3A_8 = arith.constant 0 : i32
    %dma_start3A_9 = arith.constant 0 : i32
    %dma_start3A_10 = tpu.memref_slice %arg9[%dma_start3A_7, %dma_start3A_8, %dma_start3A_9] : memref<8x128x16xbf16, #tpu.memory_space<vmem>> -> memref<1x128x16xbf16, #tpu.memory_space<vmem>>
    %dma_start3A_11 = tpu.memref_squeeze %dma_start3A_10 : memref<1x128x16xbf16, #tpu.memory_space<vmem>> -> memref<128x16xbf16, #tpu.memory_space<vmem>>
    %dma_start3A_12 = arith.constant 0 : i32
    %dma_start3A_13 = tpu.memref_slice %arg7[%dma_start3A, %dma_start3A_12] : memref<56x128xi32, #tpu.memory_space<vmem>> -> memref<1x128xi32, #tpu.memory_space<vmem>>
    %dma_start3A_14 = tpu.memref_squeeze %dma_start3A_13 : memref<1x128xi32, #tpu.memory_space<vmem>> -> memref<128xi32, #tpu.memory_space<vmem>>
    %dma_start3A_15 = arith.constant 0 : i32
    %dma_start3A_16 = arith.constant 0 : i32
    %dma_start3A_17 = tpu.memref_slice %arg2[%dma_start3A_15, %dma_start3A_16] : memref<160000x16xbf16, #tpu.memory_space<hbm>> -> memref<160000x16xbf16, #tpu.memory_space<hbm>>
    tpu.enqueue_indirect_dma source(%dma_start3A_17 : memref<160000x16xbf16, #tpu.memory_space<hbm>>) target(%dma_start3A_11 : memref<128x16xbf16, #tpu.memory_space<vmem>>) offsets(%dma_start3A_14 : memref<128xi32, #tpu.memory_space<vmem>>) semaphore(%arg11 : memref<!tpu.dma_semaphore, #tpu.memory_space<semaphore_mem>>)
    %dma_start3A_18 = arith.constant 1 : i32
    %dma_start3A_19 = arith.constant 1 : i32
    %dma_start3A_20 = arith.constant 0 : i32
    %dma_start3A_21 = arith.constant 0 : i32
    %dma_start3A_22 = tpu.memref_slice %arg9[%dma_start3A_19, %dma_start3A_20, %dma_start3A_21] : memref<8x128x16xbf16, #tpu.memory_space<vmem>> -> memref<1x128x16xbf16, #tpu.memory_space<vmem>>
    %dma_start3A_23 = tpu.memref_squeeze %dma_start3A_22 : memref<1x128x16xbf16, #tpu.memory_space<vmem>> -> memref<128x16xbf16, #tpu.memory_space<vmem>>
    %dma_start3A_24 = arith.constant 0 : i32
    %dma_start3A_25 = tpu.memref_slice %arg7[%dma_start3A_18, %dma_start3A_24] : memref<56x128xi32, #tpu.memory_space<vmem>> -> memref<1x128xi32, #tpu.memory_space<vmem>>
    %dma_start3A_26 = tpu.memref_squeeze %dma_start3A_25 : memref<1x128xi32, #tpu.memory_space<vmem>> -> memref<128xi32, #tpu.memory_space<vmem>>
    %dma_start3A_27 = arith.constant 0 : i32
    %dma_start3A_28 = arith.constant 0 : i32
    %dma_start3A_29 = tpu.memref_slice %arg2[%dma_start3A_27, %dma_start3A_28] : memref<160000x16xbf16, #tpu.memory_space<hbm>> -> memref<160000x16xbf16, #tpu.memory_space<hbm>>
    tpu.enqueue_indirect_dma source(%dma_start3A_29 : memref<160000x16xbf16, #tpu.memory_space<hbm>>) target(%dma_start3A_23 : memref<128x16xbf16, #tpu.memory_space<vmem>>) offsets(%dma_start3A_26 : memref<128xi32, #tpu.memory_space<vmem>>) semaphore(%arg12 : memref<!tpu.dma_semaphore, #tpu.memory_space<semaphore_mem>>)
    %dma_start3A_30 = arith.constant 2 : i32
    %dma_start3A_31 = arith.constant 2 : i32
    %dma_start3A_32 = arith.constant 0 : i32
    %dma_start3A_33 = arith.constant 0 : i32
    %dma_start3A_34 = tpu.memref_slice %arg9[%dma_start3A_31, %dma_start3A_32, %dma_start3A_33] : memref<8x128x16xbf16, #tpu.memory_space<vmem>> -> memref<1x128x16xbf16, #tpu.memory_space<vmem>>
    %dma_start3A_35 = tpu.memref_squeeze %dma_start3A_34 : memref<1x128x16xbf16, #tpu.memory_space<vmem>> -> memref<128x16xbf16, #tpu.memory_space<vmem>>
    %dma_start3A_36 = arith.constant 0 : i32
    %dma_start3A_37 = tpu.memref_slice %arg7[%dma_start3A_30, %dma_start3A_36] : memref<56x128xi32, #tpu.memory_space<vmem>> -> memref<1x128xi32, #tpu.memory_space<vmem>>
    %dma_start3A_38 = tpu.memref_squeeze %dma_start3A_37 : memref<1x128xi32, #tpu.memory_space<vmem>> -> memref<128xi32, #tpu.memory_space<vmem>>
    %dma_start3A_39 = arith.constant 0 : i32
    %dma_start3A_40 = arith.constant 0 : i32
    %dma_start3A_41 = tpu.memref_slice %arg2[%dma_start3A_39, %dma_start3A_40] : memref<160000x16xbf16, #tpu.memory_space<hbm>> -> memref<160000x16xbf16, #tpu.memory_space<hbm>>
    tpu.enqueue_indirect_dma source(%dma_start3A_41 : memref<160000x16xbf16, #tpu.memory_space<hbm>>) target(%dma_start3A_35 : memref<128x16xbf16, #tpu.memory_space<vmem>>) offsets(%dma_start3A_38 : memref<128xi32, #tpu.memory_space<vmem>>) semaphore(%arg13 : memref<!tpu.dma_semaphore, #tpu.memory_space<semaphore_mem>>)
    %dma_start3A_42 = arith.constant 3 : i32
    %dma_start3A_43 = arith.constant 3 : i32
    %dma_start3A_44 = arith.constant 0 : i32
    %dma_start3A_45 = arith.constant 0 : i32
    %dma_start3A_46 = tpu.memref_slice %arg9[%dma_start3A_43, %dma_start3A_44, %dma_start3A_45] : memref<8x128x16xbf16, #tpu.memory_space<vmem>> -> memref<1x128x16xbf16, #tpu.memory_space<vmem>>
    %dma_start3A_47 = tpu.memref_squeeze %dma_start3A_46 : memref<1x128x16xbf16, #tpu.memory_space<vmem>> -> memref<128x16xbf16, #tpu.memory_space<vmem>>
    %dma_start3A_48 = arith.constant 0 : i32
    %dma_start3A_49 = tpu.memref_slice %arg7[%dma_start3A_42, %dma_start3A_48] : memref<56x128xi32, #tpu.memory_space<vmem>> -> memref<1x128xi32, #tpu.memory_space<vmem>>
    %dma_start3A_50 = tpu.memref_squeeze %dma_start3A_49 : memref<1x128xi32, #tpu.memory_space<vmem>> -> memref<128xi32, #tpu.memory_space<vmem>>
    %dma_start3A_51 = arith.constant 0 : i32
    %dma_start3A_52 = arith.constant 0 : i32
    %dma_start3A_53 = tpu.memref_slice %arg2[%dma_start3A_51, %dma_start3A_52] : memref<160000x16xbf16, #tpu.memory_space<hbm>> -> memref<160000x16xbf16, #tpu.memory_space<hbm>>
    tpu.enqueue_indirect_dma source(%dma_start3A_53 : memref<160000x16xbf16, #tpu.memory_space<hbm>>) target(%dma_start3A_47 : memref<128x16xbf16, #tpu.memory_space<vmem>>) offsets(%dma_start3A_50 : memref<128xi32, #tpu.memory_space<vmem>>) semaphore(%arg14 : memref<!tpu.dma_semaphore, #tpu.memory_space<semaphore_mem>>)
    %dma_start3A_54 = arith.constant 4 : i32
    %dma_start3A_55 = arith.constant 4 : i32
    %dma_start3A_56 = arith.constant 0 : i32
    %dma_start3A_57 = arith.constant 0 : i32
    %dma_start3A_58 = tpu.memref_slice %arg9[%dma_start3A_55, %dma_start3A_56, %dma_start3A_57] : memref<8x128x16xbf16, #tpu.memory_space<vmem>> -> memref<1x128x16xbf16, #tpu.memory_space<vmem>>
    %dma_start3A_59 = tpu.memref_squeeze %dma_start3A_58 : memref<1x128x16xbf16, #tpu.memory_space<vmem>> -> memref<128x16xbf16, #tpu.memory_space<vmem>>
    %dma_start3A_60 = arith.constant 0 : i32
    %dma_start3A_61 = tpu.memref_slice %arg7[%dma_start3A_54, %dma_start3A_60] : memref<56x128xi32, #tpu.memory_space<vmem>> -> memref<1x128xi32, #tpu.memory_space<vmem>>
    %dma_start3A_62 = tpu.memref_squeeze %dma_start3A_61 : memref<1x128xi32, #tpu.memory_space<vmem>> -> memref<128xi32, #tpu.memory_space<vmem>>
    %dma_start3A_63 = arith.constant 0 : i32
    %dma_start3A_64 = arith.constant 0 : i32
    %dma_start3A_65 = tpu.memref_slice %arg2[%dma_start3A_63, %dma_start3A_64] : memref<160000x16xbf16, #tpu.memory_space<hbm>> -> memref<160000x16xbf16, #tpu.memory_space<hbm>>
    tpu.enqueue_indirect_dma source(%dma_start3A_65 : memref<160000x16xbf16, #tpu.memory_space<hbm>>) target(%dma_start3A_59 : memref<128x16xbf16, #tpu.memory_space<vmem>>) offsets(%dma_start3A_62 : memref<128xi32, #tpu.memory_space<vmem>>) semaphore(%arg15 : memref<!tpu.dma_semaphore, #tpu.memory_space<semaphore_mem>>)
    %dma_start3A_66 = arith.constant 5 : i32
    %dma_start3A_67 = arith.constant 5 : i32
    %dma_start3A_68 = arith.constant 0 : i32
    %dma_start3A_69 = arith.constant 0 : i32
    %dma_start3A_70 = tpu.memref_slice %arg9[%dma_start3A_67, %dma_start3A_68, %dma_start3A_69] : memref<8x128x16xbf16, #tpu.memory_space<vmem>> -> memref<1x128x16xbf16, #tpu.memory_space<vmem>>
    %dma_start3A_71 = tpu.memref_squeeze %dma_start3A_70 : memref<1x128x16xbf16, #tpu.memory_space<vmem>> -> memref<128x16xbf16, #tpu.memory_space<vmem>>
    %dma_start3A_72 = arith.constant 0 : i32
    %dma_start3A_73 = tpu.memref_slice %arg7[%dma_start3A_66, %dma_start3A_72] : memref<56x128xi32, #tpu.memory_space<vmem>> -> memref<1x128xi32, #tpu.memory_space<vmem>>
    %dma_start3A_74 = tpu.memref_squeeze %dma_start3A_73 : memref<1x128xi32, #tpu.memory_space<vmem>> -> memref<128xi32, #tpu.memory_space<vmem>>
    %dma_start3A_75 = arith.constant 0 : i32
    %dma_start3A_76 = arith.constant 0 : i32
    %dma_start3A_77 = tpu.memref_slice %arg2[%dma_start3A_75, %dma_start3A_76] : memref<160000x16xbf16, #tpu.memory_space<hbm>> -> memref<160000x16xbf16, #tpu.memory_space<hbm>>
    tpu.enqueue_indirect_dma source(%dma_start3A_77 : memref<160000x16xbf16, #tpu.memory_space<hbm>>) target(%dma_start3A_71 : memref<128x16xbf16, #tpu.memory_space<vmem>>) offsets(%dma_start3A_74 : memref<128xi32, #tpu.memory_space<vmem>>) semaphore(%arg16 : memref<!tpu.dma_semaphore, #tpu.memory_space<semaphore_mem>>)
    %dma_start3A_78 = arith.constant 6 : i32
    %dma_start3A_79 = arith.constant 6 : i32
    %dma_start3A_80 = arith.constant 0 : i32
    %dma_start3A_81 = arith.constant 0 : i32
    %dma_start3A_82 = tpu.memref_slice %arg9[%dma_start3A_79, %dma_start3A_80, %dma_start3A_81] : memref<8x128x16xbf16, #tpu.memory_space<vmem>> -> memref<1x128x16xbf16, #tpu.memory_space<vmem>>
    %dma_start3A_83 = tpu.memref_squeeze %dma_start3A_82 : memref<1x128x16xbf16, #tpu.memory_space<vmem>> -> memref<128x16xbf16, #tpu.memory_space<vmem>>
    %dma_start3A_84 = arith.constant 0 : i32
    %dma_start3A_85 = tpu.memref_slice %arg7[%dma_start3A_78, %dma_start3A_84] : memref<56x128xi32, #tpu.memory_space<vmem>> -> memref<1x128xi32, #tpu.memory_space<vmem>>
    %dma_start3A_86 = tpu.memref_squeeze %dma_start3A_85 : memref<1x128xi32, #tpu.memory_space<vmem>> -> memref<128xi32, #tpu.memory_space<vmem>>
    %dma_start3A_87 = arith.constant 0 : i32
    %dma_start3A_88 = arith.constant 0 : i32
    %dma_start3A_89 = tpu.memref_slice %arg2[%dma_start3A_87, %dma_start3A_88] : memref<160000x16xbf16, #tpu.memory_space<hbm>> -> memref<160000x16xbf16, #tpu.memory_space<hbm>>
    tpu.enqueue_indirect_dma source(%dma_start3A_89 : memref<160000x16xbf16, #tpu.memory_space<hbm>>) target(%dma_start3A_83 : memref<128x16xbf16, #tpu.memory_space<vmem>>) offsets(%dma_start3A_86 : memref<128xi32, #tpu.memory_space<vmem>>) semaphore(%arg17 : memref<!tpu.dma_semaphore, #tpu.memory_space<semaphore_mem>>)
    %dma_start3A_90 = arith.constant 7 : i32
    %dma_start3A_91 = arith.constant 7 : i32
    %dma_start3A_92 = arith.constant 0 : i32
    %dma_start3A_93 = arith.constant 0 : i32
    %dma_start3A_94 = tpu.memref_slice %arg9[%dma_start3A_91, %dma_start3A_92, %dma_start3A_93] : memref<8x128x16xbf16, #tpu.memory_space<vmem>> -> memref<1x128x16xbf16, #tpu.memory_space<vmem>>
    %dma_start3A_95 = tpu.memref_squeeze %dma_start3A_94 : memref<1x128x16xbf16, #tpu.memory_space<vmem>> -> memref<128x16xbf16, #tpu.memory_space<vmem>>
    %dma_start3A_96 = arith.constant 0 : i32
    %dma_start3A_97 = tpu.memref_slice %arg7[%dma_start3A_90, %dma_start3A_96] : memref<56x128xi32, #tpu.memory_space<vmem>> -> memref<1x128xi32, #tpu.memory_space<vmem>>
    %dma_start3A_98 = tpu.memref_squeeze %dma_start3A_97 : memref<1x128xi32, #tpu.memory_space<vmem>> -> memref<128xi32, #tpu.memory_space<vmem>>
    %dma_start3A_99 = arith.constant 0 : i32
    %dma_start3A_100 = arith.constant 0 : i32
    %dma_start3A_101 = tpu.memref_slice %arg2[%dma_start3A_99, %dma_start3A_100] : memref<160000x16xbf16, #tpu.memory_space<hbm>> -> memref<160000x16xbf16, #tpu.memory_space<hbm>>
    tpu.enqueue_indirect_dma source(%dma_start3A_101 : memref<160000x16xbf16, #tpu.memory_space<hbm>>) target(%dma_start3A_95 : memref<128x16xbf16, #tpu.memory_space<vmem>>) offsets(%dma_start3A_98 : memref<128xi32, #tpu.memory_space<vmem>>) semaphore(%arg18 : memref<!tpu.dma_semaphore, #tpu.memory_space<semaphore_mem>>)
    %scan3A = arith.constant 0 : i32
    %scan3A_102 = arith.constant 0 : i32
    %scan3A_103 = arith.constant 7 : i32
    %scan3A_104 = arith.addi %scan3A_102, %scan3A_103 : i32
    %scan3A_105 = arith.constant 1 : i32
    %scan3A_106 = scf.for %scan3A_116 = %scan3A_102 to %scan3A_104 step %scan3A_105 iter_args(%scan3A_117 = %scan3A) -> (i32)  : i32 {
      %mul3A_118 = arith.constant 8 : i32
      %mul3A_119 = arith.muli %scan3A_116, %mul3A_118 : i32
      %dma_wait3A = arith.constant 0 : i32
      %dma_wait3A_120 = arith.constant 0 : i32
      %dma_wait3A_121 = arith.constant 0 : i32
      %dma_wait3A_122 = arith.constant 0 : i32
      %dma_wait3A_123 = tpu.memref_slice %arg9[%dma_wait3A_120, %dma_wait3A_121, %dma_wait3A_122] : memref<8x128x16xbf16, #tpu.memory_space<vmem>> -> memref<1x128x16xbf16, #tpu.memory_space<vmem>>
      %dma_wait3A_124 = tpu.memref_squeeze %dma_wait3A_123 : memref<1x128x16xbf16, #tpu.memory_space<vmem>> -> memref<128x16xbf16, #tpu.memory_space<vmem>>
      %dma_wait3A_125 = arith.constant 0 : i32
      %dma_wait3A_126 = tpu.memref_slice %arg7[%dma_wait3A, %dma_wait3A_125] : memref<56x128xi32, #tpu.memory_space<vmem>> -> memref<1x128xi32, #tpu.memory_space<vmem>>
      %dma_wait3A_127 = tpu.memref_squeeze %dma_wait3A_126 : memref<1x128xi32, #tpu.memory_space<vmem>> -> memref<128xi32, #tpu.memory_space<vmem>>
      %dma_wait3A_128 = arith.constant 0 : i32
      %dma_wait3A_129 = arith.constant 0 : i32
      %dma_wait3A_130 = tpu.memref_slice %arg2[%dma_wait3A_128, %dma_wait3A_129] : memref<160000x16xbf16, #tpu.memory_space<hbm>> -> memref<160000x16xbf16, #tpu.memory_space<hbm>>
      tpu.wait_indirect_dma semaphore(%arg11 : memref<!tpu.dma_semaphore, #tpu.memory_space<semaphore_mem>>) src(%dma_wait3A_130 : memref<160000x16xbf16, #tpu.memory_space<hbm>>) dst(%dma_wait3A_124 : memref<128x16xbf16, #tpu.memory_space<vmem>>)
      %add3A_131 = arith.constant 0 : i32
      %add3A_132 = arith.addi %mul3A_119, %add3A_131 : i32
      %dma_start3A_133 = arith.constant 0 : i32
      %dma_start3A_134 = arith.constant 0 : i32
      %dma_start3A_135 = arith.constant 0 : i32
      %dma_start3A_136 = tpu.memref_slice %arg9[%dma_start3A_133, %dma_start3A_134, %dma_start3A_135] : memref<8x128x16xbf16, #tpu.memory_space<vmem>> -> memref<1x128x16xbf16, #tpu.memory_space<vmem>>
      %dma_start3A_137 = tpu.memref_squeeze %dma_start3A_136 : memref<1x128x16xbf16, #tpu.memory_space<vmem>> -> memref<128x16xbf16, #tpu.memory_space<vmem>>
      %dma_start3A_138 = arith.constant 0 : i32
      %dma_start3A_139 = tpu.memref_slice %arg8[%add3A_132, %dma_start3A_138] : memref<56x128xi32, #tpu.memory_space<vmem>> -> memref<1x128xi32, #tpu.memory_space<vmem>>
      %dma_start3A_140 = tpu.memref_squeeze %dma_start3A_139 : memref<1x128xi32, #tpu.memory_space<vmem>> -> memref<128xi32, #tpu.memory_space<vmem>>
      %dma_start3A_141 = arith.constant 0 : i32
      %dma_start3A_142 = arith.constant 0 : i32
      %dma_start3A_143 = tpu.memref_slice %arg10[%dma_start3A_141, %dma_start3A_142] : memref<163840x16xbf16, #tpu.memory_space<vmem_shared>> -> memref<163840x16xbf16, #tpu.memory_space<vmem_shared>>
      tpu.enqueue_indirect_dma source(%dma_start3A_137 : memref<128x16xbf16, #tpu.memory_space<vmem>>) target(%dma_start3A_143 : memref<163840x16xbf16, #tpu.memory_space<vmem_shared>>) offsets(%dma_start3A_140 : memref<128xi32, #tpu.memory_space<vmem>>) semaphore(%arg19 : memref<!tpu.dma_semaphore, #tpu.memory_space<semaphore_mem>>) {add = true}
      %dma_wait3A_144 = arith.constant 0 : i32
      %dma_wait3A_145 = arith.constant 1 : i32
      %dma_wait3A_146 = arith.constant 0 : i32
      %dma_wait3A_147 = arith.constant 0 : i32
      %dma_wait3A_148 = tpu.memref_slice %arg9[%dma_wait3A_145, %dma_wait3A_146, %dma_wait3A_147] : memref<8x128x16xbf16, #tpu.memory_space<vmem>> -> memref<1x128x16xbf16, #tpu.memory_space<vmem>>
      %dma_wait3A_149 = tpu.memref_squeeze %dma_wait3A_148 : memref<1x128x16xbf16, #tpu.memory_space<vmem>> -> memref<128x16xbf16, #tpu.memory_space<vmem>>
      %dma_wait3A_150 = arith.constant 0 : i32
      %dma_wait3A_151 = tpu.memref_slice %arg7[%dma_wait3A_144, %dma_wait3A_150] : memref<56x128xi32, #tpu.memory_space<vmem>> -> memref<1x128xi32, #tpu.memory_space<vmem>>
      %dma_wait3A_152 = tpu.memref_squeeze %dma_wait3A_151 : memref<1x128xi32, #tpu.memory_space<vmem>> -> memref<128xi32, #tpu.memory_space<vmem>>
      %dma_wait3A_153 = arith.constant 0 : i32
      %dma_wait3A_154 = arith.constant 0 : i32
      %dma_wait3A_155 = tpu.memref_slice %arg2[%dma_wait3A_153, %dma_wait3A_154] : memref<160000x16xbf16, #tpu.memory_space<hbm>> -> memref<160000x16xbf16, #tpu.memory_space<hbm>>
      tpu.wait_indirect_dma semaphore(%arg12 : memref<!tpu.dma_semaphore, #tpu.memory_space<semaphore_mem>>) src(%dma_wait3A_155 : memref<160000x16xbf16, #tpu.memory_space<hbm>>) dst(%dma_wait3A_149 : memref<128x16xbf16, #tpu.memory_space<vmem>>)
      %add3A_156 = arith.constant 1 : i32
      %add3A_157 = arith.addi %mul3A_119, %add3A_156 : i32
      %dma_start3A_158 = arith.constant 1 : i32
      %dma_start3A_159 = arith.constant 0 : i32
      %dma_start3A_160 = arith.constant 0 : i32
      %dma_start3A_161 = tpu.memref_slice %arg9[%dma_start3A_158, %dma_start3A_159, %dma_start3A_160] : memref<8x128x16xbf16, #tpu.memory_space<vmem>> -> memref<1x128x16xbf16, #tpu.memory_space<vmem>>
      %dma_start3A_162 = tpu.memref_squeeze %dma_start3A_161 : memref<1x128x16xbf16, #tpu.memory_space<vmem>> -> memref<128x16xbf16, #tpu.memory_space<vmem>>
      %dma_start3A_163 = arith.constant 0 : i32
      %dma_start3A_164 = tpu.memref_slice %arg8[%add3A_157, %dma_start3A_163] : memref<56x128xi32, #tpu.memory_space<vmem>> -> memref<1x128xi32, #tpu.memory_space<vmem>>
      %dma_start3A_165 = tpu.memref_squeeze %dma_start3A_164 : memref<1x128xi32, #tpu.memory_space<vmem>> -> memref<128xi32, #tpu.memory_space<vmem>>
      %dma_start3A_166 = arith.constant 0 : i32
      %dma_start3A_167 = arith.constant 0 : i32
      %dma_start3A_168 = tpu.memref_slice %arg10[%dma_start3A_166, %dma_start3A_167] : memref<163840x16xbf16, #tpu.memory_space<vmem_shared>> -> memref<163840x16xbf16, #tpu.memory_space<vmem_shared>>
      tpu.enqueue_indirect_dma source(%dma_start3A_162 : memref<128x16xbf16, #tpu.memory_space<vmem>>) target(%dma_start3A_168 : memref<163840x16xbf16, #tpu.memory_space<vmem_shared>>) offsets(%dma_start3A_165 : memref<128xi32, #tpu.memory_space<vmem>>) semaphore(%arg20 : memref<!tpu.dma_semaphore, #tpu.memory_space<semaphore_mem>>) {add = true}
      %dma_wait3A_169 = arith.constant 0 : i32
      %dma_wait3A_170 = arith.constant 2 : i32
      %dma_wait3A_171 = arith.constant 0 : i32
      %dma_wait3A_172 = arith.constant 0 : i32
      %dma_wait3A_173 = tpu.memref_slice %arg9[%dma_wait3A_170, %dma_wait3A_171, %dma_wait3A_172] : memref<8x128x16xbf16, #tpu.memory_space<vmem>> -> memref<1x128x16xbf16, #tpu.memory_space<vmem>>
      %dma_wait3A_174 = tpu.memref_squeeze %dma_wait3A_173 : memref<1x128x16xbf16, #tpu.memory_space<vmem>> -> memref<128x16xbf16, #tpu.memory_space<vmem>>
      %dma_wait3A_175 = arith.constant 0 : i32
      %dma_wait3A_176 = tpu.memref_slice %arg7[%dma_wait3A_169, %dma_wait3A_175] : memref<56x128xi32, #tpu.memory_space<vmem>> -> memref<1x128xi32, #tpu.memory_space<vmem>>
      %dma_wait3A_177 = tpu.memref_squeeze %dma_wait3A_176 : memref<1x128xi32, #tpu.memory_space<vmem>> -> memref<128xi32, #tpu.memory_space<vmem>>
      %dma_wait3A_178 = arith.constant 0 : i32
      %dma_wait3A_179 = arith.constant 0 : i32
      %dma_wait3A_180 = tpu.memref_slice %arg2[%dma_wait3A_178, %dma_wait3A_179] : memref<160000x16xbf16, #tpu.memory_space<hbm>> -> memref<160000x16xbf16, #tpu.memory_space<hbm>>
      tpu.wait_indirect_dma semaphore(%arg13 : memref<!tpu.dma_semaphore, #tpu.memory_space<semaphore_mem>>) src(%dma_wait3A_180 : memref<160000x16xbf16, #tpu.memory_space<hbm>>) dst(%dma_wait3A_174 : memref<128x16xbf16, #tpu.memory_space<vmem>>)
      %add3A_181 = arith.constant 2 : i32
      %add3A_182 = arith.addi %mul3A_119, %add3A_181 : i32
      %dma_start3A_183 = arith.constant 2 : i32
      %dma_start3A_184 = arith.constant 0 : i32
      %dma_start3A_185 = arith.constant 0 : i32
      %dma_start3A_186 = tpu.memref_slice %arg9[%dma_start3A_183, %dma_start3A_184, %dma_start3A_185] : memref<8x128x16xbf16, #tpu.memory_space<vmem>> -> memref<1x128x16xbf16, #tpu.memory_space<vmem>>
      %dma_start3A_187 = tpu.memref_squeeze %dma_start3A_186 : memref<1x128x16xbf16, #tpu.memory_space<vmem>> -> memref<128x16xbf16, #tpu.memory_space<vmem>>
      %dma_start3A_188 = arith.constant 0 : i32
      %dma_start3A_189 = tpu.memref_slice %arg8[%add3A_182, %dma_start3A_188] : memref<56x128xi32, #tpu.memory_space<vmem>> -> memref<1x128xi32, #tpu.memory_space<vmem>>
      %dma_start3A_190 = tpu.memref_squeeze %dma_start3A_189 : memref<1x128xi32, #tpu.memory_space<vmem>> -> memref<128xi32, #tpu.memory_space<vmem>>
      %dma_start3A_191 = arith.constant 0 : i32
      %dma_start3A_192 = arith.constant 0 : i32
      %dma_start3A_193 = tpu.memref_slice %arg10[%dma_start3A_191, %dma_start3A_192] : memref<163840x16xbf16, #tpu.memory_space<vmem_shared>> -> memref<163840x16xbf16, #tpu.memory_space<vmem_shared>>
      tpu.enqueue_indirect_dma source(%dma_start3A_187 : memref<128x16xbf16, #tpu.memory_space<vmem>>) target(%dma_start3A_193 : memref<163840x16xbf16, #tpu.memory_space<vmem_shared>>) offsets(%dma_start3A_190 : memref<128xi32, #tpu.memory_space<vmem>>) semaphore(%arg21 : memref<!tpu.dma_semaphore, #tpu.memory_space<semaphore_mem>>) {add = true}
      %dma_wait3A_194 = arith.constant 0 : i32
      %dma_wait3A_195 = arith.constant 3 : i32
      %dma_wait3A_196 = arith.constant 0 : i32
      %dma_wait3A_197 = arith.constant 0 : i32
      %dma_wait3A_198 = tpu.memref_slice %arg9[%dma_wait3A_195, %dma_wait3A_196, %dma_wait3A_197] : memref<8x128x16xbf16, #tpu.memory_space<vmem>> -> memref<1x128x16xbf16, #tpu.memory_space<vmem>>
      %dma_wait3A_199 = tpu.memref_squeeze %dma_wait3A_198 : memref<1x128x16xbf16, #tpu.memory_space<vmem>> -> memref<128x16xbf16, #tpu.memory_space<vmem>>
      %dma_wait3A_200 = arith.constant 0 : i32
      %dma_wait3A_201 = tpu.memref_slice %arg7[%dma_wait3A_194, %dma_wait3A_200] : memref<56x128xi32, #tpu.memory_space<vmem>> -> memref<1x128xi32, #tpu.memory_space<vmem>>
      %dma_wait3A_202 = tpu.memref_squeeze %dma_wait3A_201 : memref<1x128xi32, #tpu.memory_space<vmem>> -> memref<128xi32, #tpu.memory_space<vmem>>
      %dma_wait3A_203 = arith.constant 0 : i32
      %dma_wait3A_204 = arith.constant 0 : i32
      %dma_wait3A_205 = tpu.memref_slice %arg2[%dma_wait3A_203, %dma_wait3A_204] : memref<160000x16xbf16, #tpu.memory_space<hbm>> -> memref<160000x16xbf16, #tpu.memory_space<hbm>>
      tpu.wait_indirect_dma semaphore(%arg14 : memref<!tpu.dma_semaphore, #tpu.memory_space<semaphore_mem>>) src(%dma_wait3A_205 : memref<160000x16xbf16, #tpu.memory_space<hbm>>) dst(%dma_wait3A_199 : memref<128x16xbf16, #tpu.memory_space<vmem>>)
      %add3A_206 = arith.constant 3 : i32
      %add3A_207 = arith.addi %mul3A_119, %add3A_206 : i32
      %dma_start3A_208 = arith.constant 3 : i32
      %dma_start3A_209 = arith.constant 0 : i32
      %dma_start3A_210 = arith.constant 0 : i32
      %dma_start3A_211 = tpu.memref_slice %arg9[%dma_start3A_208, %dma_start3A_209, %dma_start3A_210] : memref<8x128x16xbf16, #tpu.memory_space<vmem>> -> memref<1x128x16xbf16, #tpu.memory_space<vmem>>
      %dma_start3A_212 = tpu.memref_squeeze %dma_start3A_211 : memref<1x128x16xbf16, #tpu.memory_space<vmem>> -> memref<128x16xbf16, #tpu.memory_space<vmem>>
      %dma_start3A_213 = arith.constant 0 : i32
      %dma_start3A_214 = tpu.memref_slice %arg8[%add3A_207, %dma_start3A_213] : memref<56x128xi32, #tpu.memory_space<vmem>> -> memref<1x128xi32, #tpu.memory_space<vmem>>
      %dma_start3A_215 = tpu.memref_squeeze %dma_start3A_214 : memref<1x128xi32, #tpu.memory_space<vmem>> -> memref<128xi32, #tpu.memory_space<vmem>>
      %dma_start3A_216 = arith.constant 0 : i32
      %dma_start3A_217 = arith.constant 0 : i32
      %dma_start3A_218 = tpu.memref_slice %arg10[%dma_start3A_216, %dma_start3A_217] : memref<163840x16xbf16, #tpu.memory_space<vmem_shared>> -> memref<163840x16xbf16, #tpu.memory_space<vmem_shared>>
      tpu.enqueue_indirect_dma source(%dma_start3A_212 : memref<128x16xbf16, #tpu.memory_space<vmem>>) target(%dma_start3A_218 : memref<163840x16xbf16, #tpu.memory_space<vmem_shared>>) offsets(%dma_start3A_215 : memref<128xi32, #tpu.memory_space<vmem>>) semaphore(%arg22 : memref<!tpu.dma_semaphore, #tpu.memory_space<semaphore_mem>>) {add = true}
      %dma_wait3A_219 = arith.constant 0 : i32
      %dma_wait3A_220 = arith.constant 4 : i32
      %dma_wait3A_221 = arith.constant 0 : i32
      %dma_wait3A_222 = arith.constant 0 : i32
      %dma_wait3A_223 = tpu.memref_slice %arg9[%dma_wait3A_220, %dma_wait3A_221, %dma_wait3A_222] : memref<8x128x16xbf16, #tpu.memory_space<vmem>> -> memref<1x128x16xbf16, #tpu.memory_space<vmem>>
      %dma_wait3A_224 = tpu.memref_squeeze %dma_wait3A_223 : memref<1x128x16xbf16, #tpu.memory_space<vmem>> -> memref<128x16xbf16, #tpu.memory_space<vmem>>
      %dma_wait3A_225 = arith.constant 0 : i32
      %dma_wait3A_226 = tpu.memref_slice %arg7[%dma_wait3A_219, %dma_wait3A_225] : memref<56x128xi32, #tpu.memory_space<vmem>> -> memref<1x128xi32, #tpu.memory_space<vmem>>
      %dma_wait3A_227 = tpu.memref_squeeze %dma_wait3A_226 : memref<1x128xi32, #tpu.memory_space<vmem>> -> memref<128xi32, #tpu.memory_space<vmem>>
      %dma_wait3A_228 = arith.constant 0 : i32
      %dma_wait3A_229 = arith.constant 0 : i32
      %dma_wait3A_230 = tpu.memref_slice %arg2[%dma_wait3A_228, %dma_wait3A_229] : memref<160000x16xbf16, #tpu.memory_space<hbm>> -> memref<160000x16xbf16, #tpu.memory_space<hbm>>
      tpu.wait_indirect_dma semaphore(%arg15 : memref<!tpu.dma_semaphore, #tpu.memory_space<semaphore_mem>>) src(%dma_wait3A_230 : memref<160000x16xbf16, #tpu.memory_space<hbm>>) dst(%dma_wait3A_224 : memref<128x16xbf16, #tpu.memory_space<vmem>>)
      %add3A_231 = arith.constant 4 : i32
      %add3A_232 = arith.addi %mul3A_119, %add3A_231 : i32
      %dma_start3A_233 = arith.constant 4 : i32
      %dma_start3A_234 = arith.constant 0 : i32
      %dma_start3A_235 = arith.constant 0 : i32
      %dma_start3A_236 = tpu.memref_slice %arg9[%dma_start3A_233, %dma_start3A_234, %dma_start3A_235] : memref<8x128x16xbf16, #tpu.memory_space<vmem>> -> memref<1x128x16xbf16, #tpu.memory_space<vmem>>
      %dma_start3A_237 = tpu.memref_squeeze %dma_start3A_236 : memref<1x128x16xbf16, #tpu.memory_space<vmem>> -> memref<128x16xbf16, #tpu.memory_space<vmem>>
      %dma_start3A_238 = arith.constant 0 : i32
      %dma_start3A_239 = tpu.memref_slice %arg8[%add3A_232, %dma_start3A_238] : memref<56x128xi32, #tpu.memory_space<vmem>> -> memref<1x128xi32, #tpu.memory_space<vmem>>
      %dma_start3A_240 = tpu.memref_squeeze %dma_start3A_239 : memref<1x128xi32, #tpu.memory_space<vmem>> -> memref<128xi32, #tpu.memory_space<vmem>>
      %dma_start3A_241 = arith.constant 0 : i32
      %dma_start3A_242 = arith.constant 0 : i32
      %dma_start3A_243 = tpu.memref_slice %arg10[%dma_start3A_241, %dma_start3A_242] : memref<163840x16xbf16, #tpu.memory_space<vmem_shared>> -> memref<163840x16xbf16, #tpu.memory_space<vmem_shared>>
      tpu.enqueue_indirect_dma source(%dma_start3A_237 : memref<128x16xbf16, #tpu.memory_space<vmem>>) target(%dma_start3A_243 : memref<163840x16xbf16, #tpu.memory_space<vmem_shared>>) offsets(%dma_start3A_240 : memref<128xi32, #tpu.memory_space<vmem>>) semaphore(%arg23 : memref<!tpu.dma_semaphore, #tpu.memory_space<semaphore_mem>>) {add = true}
      %dma_wait3A_244 = arith.constant 0 : i32
      %dma_wait3A_245 = arith.constant 5 : i32
      %dma_wait3A_246 = arith.constant 0 : i32
      %dma_wait3A_247 = arith.constant 0 : i32
      %dma_wait3A_248 = tpu.memref_slice %arg9[%dma_wait3A_245, %dma_wait3A_246, %dma_wait3A_247] : memref<8x128x16xbf16, #tpu.memory_space<vmem>> -> memref<1x128x16xbf16, #tpu.memory_space<vmem>>
      %dma_wait3A_249 = tpu.memref_squeeze %dma_wait3A_248 : memref<1x128x16xbf16, #tpu.memory_space<vmem>> -> memref<128x16xbf16, #tpu.memory_space<vmem>>
      %dma_wait3A_250 = arith.constant 0 : i32
      %dma_wait3A_251 = tpu.memref_slice %arg7[%dma_wait3A_244, %dma_wait3A_250] : memref<56x128xi32, #tpu.memory_space<vmem>> -> memref<1x128xi32, #tpu.memory_space<vmem>>
      %dma_wait3A_252 = tpu.memref_squeeze %dma_wait3A_251 : memref<1x128xi32, #tpu.memory_space<vmem>> -> memref<128xi32, #tpu.memory_space<vmem>>
      %dma_wait3A_253 = arith.constant 0 : i32
      %dma_wait3A_254 = arith.constant 0 : i32
      %dma_wait3A_255 = tpu.memref_slice %arg2[%dma_wait3A_253, %dma_wait3A_254] : memref<160000x16xbf16, #tpu.memory_space<hbm>> -> memref<160000x16xbf16, #tpu.memory_space<hbm>>
      tpu.wait_indirect_dma semaphore(%arg16 : memref<!tpu.dma_semaphore, #tpu.memory_space<semaphore_mem>>) src(%dma_wait3A_255 : memref<160000x16xbf16, #tpu.memory_space<hbm>>) dst(%dma_wait3A_249 : memref<128x16xbf16, #tpu.memory_space<vmem>>)
      %add3A_256 = arith.constant 5 : i32
      %add3A_257 = arith.addi %mul3A_119, %add3A_256 : i32
      %dma_start3A_258 = arith.constant 5 : i32
      %dma_start3A_259 = arith.constant 0 : i32
      %dma_start3A_260 = arith.constant 0 : i32
      %dma_start3A_261 = tpu.memref_slice %arg9[%dma_start3A_258, %dma_start3A_259, %dma_start3A_260] : memref<8x128x16xbf16, #tpu.memory_space<vmem>> -> memref<1x128x16xbf16, #tpu.memory_space<vmem>>
      %dma_start3A_262 = tpu.memref_squeeze %dma_start3A_261 : memref<1x128x16xbf16, #tpu.memory_space<vmem>> -> memref<128x16xbf16, #tpu.memory_space<vmem>>
      %dma_start3A_263 = arith.constant 0 : i32
      %dma_start3A_264 = tpu.memref_slice %arg8[%add3A_257, %dma_start3A_263] : memref<56x128xi32, #tpu.memory_space<vmem>> -> memref<1x128xi32, #tpu.memory_space<vmem>>
      %dma_start3A_265 = tpu.memref_squeeze %dma_start3A_264 : memref<1x128xi32, #tpu.memory_space<vmem>> -> memref<128xi32, #tpu.memory_space<vmem>>
      %dma_start3A_266 = arith.constant 0 : i32
      %dma_start3A_267 = arith.constant 0 : i32
      %dma_start3A_268 = tpu.memref_slice %arg10[%dma_start3A_266, %dma_start3A_267] : memref<163840x16xbf16, #tpu.memory_space<vmem_shared>> -> memref<163840x16xbf16, #tpu.memory_space<vmem_shared>>
      tpu.enqueue_indirect_dma source(%dma_start3A_262 : memref<128x16xbf16, #tpu.memory_space<vmem>>) target(%dma_start3A_268 : memref<163840x16xbf16, #tpu.memory_space<vmem_shared>>) offsets(%dma_start3A_265 : memref<128xi32, #tpu.memory_space<vmem>>) semaphore(%arg24 : memref<!tpu.dma_semaphore, #tpu.memory_space<semaphore_mem>>) {add = true}
      %dma_wait3A_269 = arith.constant 0 : i32
      %dma_wait3A_270 = arith.constant 6 : i32
      %dma_wait3A_271 = arith.constant 0 : i32
      %dma_wait3A_272 = arith.constant 0 : i32
      %dma_wait3A_273 = tpu.memref_slice %arg9[%dma_wait3A_270, %dma_wait3A_271, %dma_wait3A_272] : memref<8x128x16xbf16, #tpu.memory_space<vmem>> -> memref<1x128x16xbf16, #tpu.memory_space<vmem>>
      %dma_wait3A_274 = tpu.memref_squeeze %dma_wait3A_273 : memref<1x128x16xbf16, #tpu.memory_space<vmem>> -> memref<128x16xbf16, #tpu.memory_space<vmem>>
      %dma_wait3A_275 = arith.constant 0 : i32
      %dma_wait3A_276 = tpu.memref_slice %arg7[%dma_wait3A_269, %dma_wait3A_275] : memref<56x128xi32, #tpu.memory_space<vmem>> -> memref<1x128xi32, #tpu.memory_space<vmem>>
      %dma_wait3A_277 = tpu.memref_squeeze %dma_wait3A_276 : memref<1x128xi32, #tpu.memory_space<vmem>> -> memref<128xi32, #tpu.memory_space<vmem>>
      %dma_wait3A_278 = arith.constant 0 : i32
      %dma_wait3A_279 = arith.constant 0 : i32
      %dma_wait3A_280 = tpu.memref_slice %arg2[%dma_wait3A_278, %dma_wait3A_279] : memref<160000x16xbf16, #tpu.memory_space<hbm>> -> memref<160000x16xbf16, #tpu.memory_space<hbm>>
      tpu.wait_indirect_dma semaphore(%arg17 : memref<!tpu.dma_semaphore, #tpu.memory_space<semaphore_mem>>) src(%dma_wait3A_280 : memref<160000x16xbf16, #tpu.memory_space<hbm>>) dst(%dma_wait3A_274 : memref<128x16xbf16, #tpu.memory_space<vmem>>)
      %add3A_281 = arith.constant 6 : i32
      %add3A_282 = arith.addi %mul3A_119, %add3A_281 : i32
      %dma_start3A_283 = arith.constant 6 : i32
      %dma_start3A_284 = arith.constant 0 : i32
      %dma_start3A_285 = arith.constant 0 : i32
      %dma_start3A_286 = tpu.memref_slice %arg9[%dma_start3A_283, %dma_start3A_284, %dma_start3A_285] : memref<8x128x16xbf16, #tpu.memory_space<vmem>> -> memref<1x128x16xbf16, #tpu.memory_space<vmem>>
      %dma_start3A_287 = tpu.memref_squeeze %dma_start3A_286 : memref<1x128x16xbf16, #tpu.memory_space<vmem>> -> memref<128x16xbf16, #tpu.memory_space<vmem>>
      %dma_start3A_288 = arith.constant 0 : i32
      %dma_start3A_289 = tpu.memref_slice %arg8[%add3A_282, %dma_start3A_288] : memref<56x128xi32, #tpu.memory_space<vmem>> -> memref<1x128xi32, #tpu.memory_space<vmem>>
      %dma_start3A_290 = tpu.memref_squeeze %dma_start3A_289 : memref<1x128xi32, #tpu.memory_space<vmem>> -> memref<128xi32, #tpu.memory_space<vmem>>
      %dma_start3A_291 = arith.constant 0 : i32
      %dma_start3A_292 = arith.constant 0 : i32
      %dma_start3A_293 = tpu.memref_slice %arg10[%dma_start3A_291, %dma_start3A_292] : memref<163840x16xbf16, #tpu.memory_space<vmem_shared>> -> memref<163840x16xbf16, #tpu.memory_space<vmem_shared>>
      tpu.enqueue_indirect_dma source(%dma_start3A_287 : memref<128x16xbf16, #tpu.memory_space<vmem>>) target(%dma_start3A_293 : memref<163840x16xbf16, #tpu.memory_space<vmem_shared>>) offsets(%dma_start3A_290 : memref<128xi32, #tpu.memory_space<vmem>>) semaphore(%arg25 : memref<!tpu.dma_semaphore, #tpu.memory_space<semaphore_mem>>) {add = true}
      %dma_wait3A_294 = arith.constant 0 : i32
      %dma_wait3A_295 = arith.constant 7 : i32
      %dma_wait3A_296 = arith.constant 0 : i32
      %dma_wait3A_297 = arith.constant 0 : i32
      %dma_wait3A_298 = tpu.memref_slice %arg9[%dma_wait3A_295, %dma_wait3A_296, %dma_wait3A_297] : memref<8x128x16xbf16, #tpu.memory_space<vmem>> -> memref<1x128x16xbf16, #tpu.memory_space<vmem>>
      %dma_wait3A_299 = tpu.memref_squeeze %dma_wait3A_298 : memref<1x128x16xbf16, #tpu.memory_space<vmem>> -> memref<128x16xbf16, #tpu.memory_space<vmem>>
      %dma_wait3A_300 = arith.constant 0 : i32
      %dma_wait3A_301 = tpu.memref_slice %arg7[%dma_wait3A_294, %dma_wait3A_300] : memref<56x128xi32, #tpu.memory_space<vmem>> -> memref<1x128xi32, #tpu.memory_space<vmem>>
      %dma_wait3A_302 = tpu.memref_squeeze %dma_wait3A_301 : memref<1x128xi32, #tpu.memory_space<vmem>> -> memref<128xi32, #tpu.memory_space<vmem>>
      %dma_wait3A_303 = arith.constant 0 : i32
      %dma_wait3A_304 = arith.constant 0 : i32
      %dma_wait3A_305 = tpu.memref_slice %arg2[%dma_wait3A_303, %dma_wait3A_304] : memref<160000x16xbf16, #tpu.memory_space<hbm>> -> memref<160000x16xbf16, #tpu.memory_space<hbm>>
      tpu.wait_indirect_dma semaphore(%arg18 : memref<!tpu.dma_semaphore, #tpu.memory_space<semaphore_mem>>) src(%dma_wait3A_305 : memref<160000x16xbf16, #tpu.memory_space<hbm>>) dst(%dma_wait3A_299 : memref<128x16xbf16, #tpu.memory_space<vmem>>)
      %add3A_306 = arith.constant 7 : i32
      %add3A_307 = arith.addi %mul3A_119, %add3A_306 : i32
      %dma_start3A_308 = arith.constant 7 : i32
      %dma_start3A_309 = arith.constant 0 : i32
      %dma_start3A_310 = arith.constant 0 : i32
      %dma_start3A_311 = tpu.memref_slice %arg9[%dma_start3A_308, %dma_start3A_309, %dma_start3A_310] : memref<8x128x16xbf16, #tpu.memory_space<vmem>> -> memref<1x128x16xbf16, #tpu.memory_space<vmem>>
      %dma_start3A_312 = tpu.memref_squeeze %dma_start3A_311 : memref<1x128x16xbf16, #tpu.memory_space<vmem>> -> memref<128x16xbf16, #tpu.memory_space<vmem>>
      %dma_start3A_313 = arith.constant 0 : i32
      %dma_start3A_314 = tpu.memref_slice %arg8[%add3A_307, %dma_start3A_313] : memref<56x128xi32, #tpu.memory_space<vmem>> -> memref<1x128xi32, #tpu.memory_space<vmem>>
      %dma_start3A_315 = tpu.memref_squeeze %dma_start3A_314 : memref<1x128xi32, #tpu.memory_space<vmem>> -> memref<128xi32, #tpu.memory_space<vmem>>
      %dma_start3A_316 = arith.constant 0 : i32
      %dma_start3A_317 = arith.constant 0 : i32
      %dma_start3A_318 = tpu.memref_slice %arg10[%dma_start3A_316, %dma_start3A_317] : memref<163840x16xbf16, #tpu.memory_space<vmem_shared>> -> memref<163840x16xbf16, #tpu.memory_space<vmem_shared>>
      tpu.enqueue_indirect_dma source(%dma_start3A_312 : memref<128x16xbf16, #tpu.memory_space<vmem>>) target(%dma_start3A_318 : memref<163840x16xbf16, #tpu.memory_space<vmem_shared>>) offsets(%dma_start3A_315 : memref<128xi32, #tpu.memory_space<vmem>>) semaphore(%arg26 : memref<!tpu.dma_semaphore, #tpu.memory_space<semaphore_mem>>) {add = true}
      %dma_wait3A_319 = arith.constant 0 : i32
      %dma_wait3A_320 = arith.constant 0 : i32
      %dma_wait3A_321 = arith.constant 0 : i32
      %dma_wait3A_322 = arith.constant 0 : i32
      %dma_wait3A_323 = tpu.memref_slice %arg9[%dma_wait3A_319, %dma_wait3A_321, %dma_wait3A_322] : memref<8x128x16xbf16, #tpu.memory_space<vmem>> -> memref<1x128x16xbf16, #tpu.memory_space<vmem>>
      %dma_wait3A_324 = tpu.memref_squeeze %dma_wait3A_323 : memref<1x128x16xbf16, #tpu.memory_space<vmem>> -> memref<128x16xbf16, #tpu.memory_space<vmem>>
      %dma_wait3A_325 = arith.constant 0 : i32
      %dma_wait3A_326 = tpu.memref_slice %arg8[%dma_wait3A_320, %dma_wait3A_325] : memref<56x128xi32, #tpu.memory_space<vmem>> -> memref<1x128xi32, #tpu.memory_space<vmem>>
      %dma_wait3A_327 = tpu.memref_squeeze %dma_wait3A_326 : memref<1x128xi32, #tpu.memory_space<vmem>> -> memref<128xi32, #tpu.memory_space<vmem>>
      %dma_wait3A_328 = arith.constant 0 : i32
      %dma_wait3A_329 = arith.constant 0 : i32
      %dma_wait3A_330 = tpu.memref_slice %arg10[%dma_wait3A_328, %dma_wait3A_329] : memref<163840x16xbf16, #tpu.memory_space<vmem_shared>> -> memref<163840x16xbf16, #tpu.memory_space<vmem_shared>>
      tpu.wait_indirect_dma semaphore(%arg19 : memref<!tpu.dma_semaphore, #tpu.memory_space<semaphore_mem>>) src(%dma_wait3A_324 : memref<128x16xbf16, #tpu.memory_space<vmem>>) dst(%dma_wait3A_330 : memref<163840x16xbf16, #tpu.memory_space<vmem_shared>>)
      %lt3A = arith.constant 6 : i32
      %lt3A_331 = arith.cmpi slt, %scan3A_116, %lt3A : i32
      %convert_element_type3A = arith.extui %lt3A_331 : i1 to i32
      %cond3A = arith.constant 0 : i32
      %cond3A_332 = arith.cmpi ne, %convert_element_type3A, %cond3A : i32
      scf.if %cond3A_332 {
        %add3A_453 = arith.constant 8 : i32
        %add3A_454 = arith.addi %mul3A_119, %add3A_453 : i32
        %add3A_455 = arith.constant 0 : i32
        %add3A_456 = arith.addi %add3A_454, %add3A_455 : i32
        %dma_start3A_457 = arith.constant 0 : i32
        %dma_start3A_458 = arith.constant 0 : i32
        %dma_start3A_459 = arith.constant 0 : i32
        %dma_start3A_460 = tpu.memref_slice %arg9[%dma_start3A_457, %dma_start3A_458, %dma_start3A_459] : memref<8x128x16xbf16, #tpu.memory_space<vmem>> -> memref<1x128x16xbf16, #tpu.memory_space<vmem>>
        %dma_start3A_461 = tpu.memref_squeeze %dma_start3A_460 : memref<1x128x16xbf16, #tpu.memory_space<vmem>> -> memref<128x16xbf16, #tpu.memory_space<vmem>>
        %dma_start3A_462 = arith.constant 0 : i32
        %dma_start3A_463 = tpu.memref_slice %arg7[%add3A_456, %dma_start3A_462] : memref<56x128xi32, #tpu.memory_space<vmem>> -> memref<1x128xi32, #tpu.memory_space<vmem>>
        %dma_start3A_464 = tpu.memref_squeeze %dma_start3A_463 : memref<1x128xi32, #tpu.memory_space<vmem>> -> memref<128xi32, #tpu.memory_space<vmem>>
        %dma_start3A_465 = arith.constant 0 : i32
        %dma_start3A_466 = arith.constant 0 : i32
        %dma_start3A_467 = tpu.memref_slice %arg2[%dma_start3A_465, %dma_start3A_466] : memref<160000x16xbf16, #tpu.memory_space<hbm>> -> memref<160000x16xbf16, #tpu.memory_space<hbm>>
        tpu.enqueue_indirect_dma source(%dma_start3A_467 : memref<160000x16xbf16, #tpu.memory_space<hbm>>) target(%dma_start3A_461 : memref<128x16xbf16, #tpu.memory_space<vmem>>) offsets(%dma_start3A_464 : memref<128xi32, #tpu.memory_space<vmem>>) semaphore(%arg11 : memref<!tpu.dma_semaphore, #tpu.memory_space<semaphore_mem>>)
      } else {
      }
      %dma_wait3A_333 = arith.constant 1 : i32
      %dma_wait3A_334 = arith.constant 0 : i32
      %dma_wait3A_335 = arith.constant 0 : i32
      %dma_wait3A_336 = arith.constant 0 : i32
      %dma_wait3A_337 = tpu.memref_slice %arg9[%dma_wait3A_333, %dma_wait3A_335, %dma_wait3A_336] : memref<8x128x16xbf16, #tpu.memory_space<vmem>> -> memref<1x128x16xbf16, #tpu.memory_space<vmem>>
      %dma_wait3A_338 = tpu.memref_squeeze %dma_wait3A_337 : memref<1x128x16xbf16, #tpu.memory_space<vmem>> -> memref<128x16xbf16, #tpu.memory_space<vmem>>
      %dma_wait3A_339 = arith.constant 0 : i32
      %dma_wait3A_340 = tpu.memref_slice %arg8[%dma_wait3A_334, %dma_wait3A_339] : memref<56x128xi32, #tpu.memory_space<vmem>> -> memref<1x128xi32, #tpu.memory_space<vmem>>
      %dma_wait3A_341 = tpu.memref_squeeze %dma_wait3A_340 : memref<1x128xi32, #tpu.memory_space<vmem>> -> memref<128xi32, #tpu.memory_space<vmem>>
      %dma_wait3A_342 = arith.constant 0 : i32
      %dma_wait3A_343 = arith.constant 0 : i32
      %dma_wait3A_344 = tpu.memref_slice %arg10[%dma_wait3A_342, %dma_wait3A_343] : memref<163840x16xbf16, #tpu.memory_space<vmem_shared>> -> memref<163840x16xbf16, #tpu.memory_space<vmem_shared>>
      tpu.wait_indirect_dma semaphore(%arg20 : memref<!tpu.dma_semaphore, #tpu.memory_space<semaphore_mem>>) src(%dma_wait3A_338 : memref<128x16xbf16, #tpu.memory_space<vmem>>) dst(%dma_wait3A_344 : memref<163840x16xbf16, #tpu.memory_space<vmem_shared>>)
      %lt3A_345 = arith.constant 6 : i32
      %lt3A_346 = arith.cmpi slt, %scan3A_116, %lt3A_345 : i32
      %convert_element_type3A_347 = arith.extui %lt3A_346 : i1 to i32
      %cond3A_348 = arith.constant 0 : i32
      %cond3A_349 = arith.cmpi ne, %convert_element_type3A_347, %cond3A_348 : i32
      scf.if %cond3A_349 {
        %add3A_453 = arith.constant 8 : i32
        %add3A_454 = arith.addi %mul3A_119, %add3A_453 : i32
        %add3A_455 = arith.constant 1 : i32
        %add3A_456 = arith.addi %add3A_454, %add3A_455 : i32
        %dma_start3A_457 = arith.constant 1 : i32
        %dma_start3A_458 = arith.constant 0 : i32
        %dma_start3A_459 = arith.constant 0 : i32
        %dma_start3A_460 = tpu.memref_slice %arg9[%dma_start3A_457, %dma_start3A_458, %dma_start3A_459] : memref<8x128x16xbf16, #tpu.memory_space<vmem>> -> memref<1x128x16xbf16, #tpu.memory_space<vmem>>
        %dma_start3A_461 = tpu.memref_squeeze %dma_start3A_460 : memref<1x128x16xbf16, #tpu.memory_space<vmem>> -> memref<128x16xbf16, #tpu.memory_space<vmem>>
        %dma_start3A_462 = arith.constant 0 : i32
        %dma_start3A_463 = tpu.memref_slice %arg7[%add3A_456, %dma_start3A_462] : memref<56x128xi32, #tpu.memory_space<vmem>> -> memref<1x128xi32, #tpu.memory_space<vmem>>
        %dma_start3A_464 = tpu.memref_squeeze %dma_start3A_463 : memref<1x128xi32, #tpu.memory_space<vmem>> -> memref<128xi32, #tpu.memory_space<vmem>>
        %dma_start3A_465 = arith.constant 0 : i32
        %dma_start3A_466 = arith.constant 0 : i32
        %dma_start3A_467 = tpu.memref_slice %arg2[%dma_start3A_465, %dma_start3A_466] : memref<160000x16xbf16, #tpu.memory_space<hbm>> -> memref<160000x16xbf16, #tpu.memory_space<hbm>>
        tpu.enqueue_indirect_dma source(%dma_start3A_467 : memref<160000x16xbf16, #tpu.memory_space<hbm>>) target(%dma_start3A_461 : memref<128x16xbf16, #tpu.memory_space<vmem>>) offsets(%dma_start3A_464 : memref<128xi32, #tpu.memory_space<vmem>>) semaphore(%arg12 : memref<!tpu.dma_semaphore, #tpu.memory_space<semaphore_mem>>)
      } else {
      }
      %dma_wait3A_350 = arith.constant 2 : i32
      %dma_wait3A_351 = arith.constant 0 : i32
      %dma_wait3A_352 = arith.constant 0 : i32
      %dma_wait3A_353 = arith.constant 0 : i32
      %dma_wait3A_354 = tpu.memref_slice %arg9[%dma_wait3A_350, %dma_wait3A_352, %dma_wait3A_353] : memref<8x128x16xbf16, #tpu.memory_space<vmem>> -> memref<1x128x16xbf16, #tpu.memory_space<vmem>>
      %dma_wait3A_355 = tpu.memref_squeeze %dma_wait3A_354 : memref<1x128x16xbf16, #tpu.memory_space<vmem>> -> memref<128x16xbf16, #tpu.memory_space<vmem>>
      %dma_wait3A_356 = arith.constant 0 : i32
      %dma_wait3A_357 = tpu.memref_slice %arg8[%dma_wait3A_351, %dma_wait3A_356] : memref<56x128xi32, #tpu.memory_space<vmem>> -> memref<1x128xi32, #tpu.memory_space<vmem>>
      %dma_wait3A_358 = tpu.memref_squeeze %dma_wait3A_357 : memref<1x128xi32, #tpu.memory_space<vmem>> -> memref<128xi32, #tpu.memory_space<vmem>>
      %dma_wait3A_359 = arith.constant 0 : i32
      %dma_wait3A_360 = arith.constant 0 : i32
      %dma_wait3A_361 = tpu.memref_slice %arg10[%dma_wait3A_359, %dma_wait3A_360] : memref<163840x16xbf16, #tpu.memory_space<vmem_shared>> -> memref<163840x16xbf16, #tpu.memory_space<vmem_shared>>
      tpu.wait_indirect_dma semaphore(%arg21 : memref<!tpu.dma_semaphore, #tpu.memory_space<semaphore_mem>>) src(%dma_wait3A_355 : memref<128x16xbf16, #tpu.memory_space<vmem>>) dst(%dma_wait3A_361 : memref<163840x16xbf16, #tpu.memory_space<vmem_shared>>)
      %lt3A_362 = arith.constant 6 : i32
      %lt3A_363 = arith.cmpi slt, %scan3A_116, %lt3A_362 : i32
      %convert_element_type3A_364 = arith.extui %lt3A_363 : i1 to i32
      %cond3A_365 = arith.constant 0 : i32
      %cond3A_366 = arith.cmpi ne, %convert_element_type3A_364, %cond3A_365 : i32
      scf.if %cond3A_366 {
        %add3A_453 = arith.constant 8 : i32
        %add3A_454 = arith.addi %mul3A_119, %add3A_453 : i32
        %add3A_455 = arith.constant 2 : i32
        %add3A_456 = arith.addi %add3A_454, %add3A_455 : i32
        %dma_start3A_457 = arith.constant 2 : i32
        %dma_start3A_458 = arith.constant 0 : i32
        %dma_start3A_459 = arith.constant 0 : i32
        %dma_start3A_460 = tpu.memref_slice %arg9[%dma_start3A_457, %dma_start3A_458, %dma_start3A_459] : memref<8x128x16xbf16, #tpu.memory_space<vmem>> -> memref<1x128x16xbf16, #tpu.memory_space<vmem>>
        %dma_start3A_461 = tpu.memref_squeeze %dma_start3A_460 : memref<1x128x16xbf16, #tpu.memory_space<vmem>> -> memref<128x16xbf16, #tpu.memory_space<vmem>>
        %dma_start3A_462 = arith.constant 0 : i32
        %dma_start3A_463 = tpu.memref_slice %arg7[%add3A_456, %dma_start3A_462] : memref<56x128xi32, #tpu.memory_space<vmem>> -> memref<1x128xi32, #tpu.memory_space<vmem>>
        %dma_start3A_464 = tpu.memref_squeeze %dma_start3A_463 : memref<1x128xi32, #tpu.memory_space<vmem>> -> memref<128xi32, #tpu.memory_space<vmem>>
        %dma_start3A_465 = arith.constant 0 : i32
        %dma_start3A_466 = arith.constant 0 : i32
        %dma_start3A_467 = tpu.memref_slice %arg2[%dma_start3A_465, %dma_start3A_466] : memref<160000x16xbf16, #tpu.memory_space<hbm>> -> memref<160000x16xbf16, #tpu.memory_space<hbm>>
        tpu.enqueue_indirect_dma source(%dma_start3A_467 : memref<160000x16xbf16, #tpu.memory_space<hbm>>) target(%dma_start3A_461 : memref<128x16xbf16, #tpu.memory_space<vmem>>) offsets(%dma_start3A_464 : memref<128xi32, #tpu.memory_space<vmem>>) semaphore(%arg13 : memref<!tpu.dma_semaphore, #tpu.memory_space<semaphore_mem>>)
      } else {
      }
      %dma_wait3A_367 = arith.constant 3 : i32
      %dma_wait3A_368 = arith.constant 0 : i32
      %dma_wait3A_369 = arith.constant 0 : i32
      %dma_wait3A_370 = arith.constant 0 : i32
      %dma_wait3A_371 = tpu.memref_slice %arg9[%dma_wait3A_367, %dma_wait3A_369, %dma_wait3A_370] : memref<8x128x16xbf16, #tpu.memory_space<vmem>> -> memref<1x128x16xbf16, #tpu.memory_space<vmem>>
      %dma_wait3A_372 = tpu.memref_squeeze %dma_wait3A_371 : memref<1x128x16xbf16, #tpu.memory_space<vmem>> -> memref<128x16xbf16, #tpu.memory_space<vmem>>
      %dma_wait3A_373 = arith.constant 0 : i32
      %dma_wait3A_374 = tpu.memref_slice %arg8[%dma_wait3A_368, %dma_wait3A_373] : memref<56x128xi32, #tpu.memory_space<vmem>> -> memref<1x128xi32, #tpu.memory_space<vmem>>
      %dma_wait3A_375 = tpu.memref_squeeze %dma_wait3A_374 : memref<1x128xi32, #tpu.memory_space<vmem>> -> memref<128xi32, #tpu.memory_space<vmem>>
      %dma_wait3A_376 = arith.constant 0 : i32
      %dma_wait3A_377 = arith.constant 0 : i32
      %dma_wait3A_378 = tpu.memref_slice %arg10[%dma_wait3A_376, %dma_wait3A_377] : memref<163840x16xbf16, #tpu.memory_space<vmem_shared>> -> memref<163840x16xbf16, #tpu.memory_space<vmem_shared>>
      tpu.wait_indirect_dma semaphore(%arg22 : memref<!tpu.dma_semaphore, #tpu.memory_space<semaphore_mem>>) src(%dma_wait3A_372 : memref<128x16xbf16, #tpu.memory_space<vmem>>) dst(%dma_wait3A_378 : memref<163840x16xbf16, #tpu.memory_space<vmem_shared>>)
      %lt3A_379 = arith.constant 6 : i32
      %lt3A_380 = arith.cmpi slt, %scan3A_116, %lt3A_379 : i32
      %convert_element_type3A_381 = arith.extui %lt3A_380 : i1 to i32
      %cond3A_382 = arith.constant 0 : i32
      %cond3A_383 = arith.cmpi ne, %convert_element_type3A_381, %cond3A_382 : i32
      scf.if %cond3A_383 {
        %add3A_453 = arith.constant 8 : i32
        %add3A_454 = arith.addi %mul3A_119, %add3A_453 : i32
        %add3A_455 = arith.constant 3 : i32
        %add3A_456 = arith.addi %add3A_454, %add3A_455 : i32
        %dma_start3A_457 = arith.constant 3 : i32
        %dma_start3A_458 = arith.constant 0 : i32
        %dma_start3A_459 = arith.constant 0 : i32
        %dma_start3A_460 = tpu.memref_slice %arg9[%dma_start3A_457, %dma_start3A_458, %dma_start3A_459] : memref<8x128x16xbf16, #tpu.memory_space<vmem>> -> memref<1x128x16xbf16, #tpu.memory_space<vmem>>
        %dma_start3A_461 = tpu.memref_squeeze %dma_start3A_460 : memref<1x128x16xbf16, #tpu.memory_space<vmem>> -> memref<128x16xbf16, #tpu.memory_space<vmem>>
        %dma_start3A_462 = arith.constant 0 : i32
        %dma_start3A_463 = tpu.memref_slice %arg7[%add3A_456, %dma_start3A_462] : memref<56x128xi32, #tpu.memory_space<vmem>> -> memref<1x128xi32, #tpu.memory_space<vmem>>
        %dma_start3A_464 = tpu.memref_squeeze %dma_start3A_463 : memref<1x128xi32, #tpu.memory_space<vmem>> -> memref<128xi32, #tpu.memory_space<vmem>>
        %dma_start3A_465 = arith.constant 0 : i32
        %dma_start3A_466 = arith.constant 0 : i32
        %dma_start3A_467 = tpu.memref_slice %arg2[%dma_start3A_465, %dma_start3A_466] : memref<160000x16xbf16, #tpu.memory_space<hbm>> -> memref<160000x16xbf16, #tpu.memory_space<hbm>>
        tpu.enqueue_indirect_dma source(%dma_start3A_467 : memref<160000x16xbf16, #tpu.memory_space<hbm>>) target(%dma_start3A_461 : memref<128x16xbf16, #tpu.memory_space<vmem>>) offsets(%dma_start3A_464 : memref<128xi32, #tpu.memory_space<vmem>>) semaphore(%arg14 : memref<!tpu.dma_semaphore, #tpu.memory_space<semaphore_mem>>)
      } else {
      }
      %dma_wait3A_384 = arith.constant 4 : i32
      %dma_wait3A_385 = arith.constant 0 : i32
      %dma_wait3A_386 = arith.constant 0 : i32
      %dma_wait3A_387 = arith.constant 0 : i32
      %dma_wait3A_388 = tpu.memref_slice %arg9[%dma_wait3A_384, %dma_wait3A_386, %dma_wait3A_387] : memref<8x128x16xbf16, #tpu.memory_space<vmem>> -> memref<1x128x16xbf16, #tpu.memory_space<vmem>>
      %dma_wait3A_389 = tpu.memref_squeeze %dma_wait3A_388 : memref<1x128x16xbf16, #tpu.memory_space<vmem>> -> memref<128x16xbf16, #tpu.memory_space<vmem>>
      %dma_wait3A_390 = arith.constant 0 : i32
      %dma_wait3A_391 = tpu.memref_slice %arg8[%dma_wait3A_385, %dma_wait3A_390] : memref<56x128xi32, #tpu.memory_space<vmem>> -> memref<1x128xi32, #tpu.memory_space<vmem>>
      %dma_wait3A_392 = tpu.memref_squeeze %dma_wait3A_391 : memref<1x128xi32, #tpu.memory_space<vmem>> -> memref<128xi32, #tpu.memory_space<vmem>>
      %dma_wait3A_393 = arith.constant 0 : i32
      %dma_wait3A_394 = arith.constant 0 : i32
      %dma_wait3A_395 = tpu.memref_slice %arg10[%dma_wait3A_393, %dma_wait3A_394] : memref<163840x16xbf16, #tpu.memory_space<vmem_shared>> -> memref<163840x16xbf16, #tpu.memory_space<vmem_shared>>
      tpu.wait_indirect_dma semaphore(%arg23 : memref<!tpu.dma_semaphore, #tpu.memory_space<semaphore_mem>>) src(%dma_wait3A_389 : memref<128x16xbf16, #tpu.memory_space<vmem>>) dst(%dma_wait3A_395 : memref<163840x16xbf16, #tpu.memory_space<vmem_shared>>)
      %lt3A_396 = arith.constant 6 : i32
      %lt3A_397 = arith.cmpi slt, %scan3A_116, %lt3A_396 : i32
      %convert_element_type3A_398 = arith.extui %lt3A_397 : i1 to i32
      %cond3A_399 = arith.constant 0 : i32
      %cond3A_400 = arith.cmpi ne, %convert_element_type3A_398, %cond3A_399 : i32
      scf.if %cond3A_400 {
        %add3A_453 = arith.constant 8 : i32
        %add3A_454 = arith.addi %mul3A_119, %add3A_453 : i32
        %add3A_455 = arith.constant 4 : i32
        %add3A_456 = arith.addi %add3A_454, %add3A_455 : i32
        %dma_start3A_457 = arith.constant 4 : i32
        %dma_start3A_458 = arith.constant 0 : i32
        %dma_start3A_459 = arith.constant 0 : i32
        %dma_start3A_460 = tpu.memref_slice %arg9[%dma_start3A_457, %dma_start3A_458, %dma_start3A_459] : memref<8x128x16xbf16, #tpu.memory_space<vmem>> -> memref<1x128x16xbf16, #tpu.memory_space<vmem>>
        %dma_start3A_461 = tpu.memref_squeeze %dma_start3A_460 : memref<1x128x16xbf16, #tpu.memory_space<vmem>> -> memref<128x16xbf16, #tpu.memory_space<vmem>>
        %dma_start3A_462 = arith.constant 0 : i32
        %dma_start3A_463 = tpu.memref_slice %arg7[%add3A_456, %dma_start3A_462] : memref<56x128xi32, #tpu.memory_space<vmem>> -> memref<1x128xi32, #tpu.memory_space<vmem>>
        %dma_start3A_464 = tpu.memref_squeeze %dma_start3A_463 : memref<1x128xi32, #tpu.memory_space<vmem>> -> memref<128xi32, #tpu.memory_space<vmem>>
        %dma_start3A_465 = arith.constant 0 : i32
        %dma_start3A_466 = arith.constant 0 : i32
        %dma_start3A_467 = tpu.memref_slice %arg2[%dma_start3A_465, %dma_start3A_466] : memref<160000x16xbf16, #tpu.memory_space<hbm>> -> memref<160000x16xbf16, #tpu.memory_space<hbm>>
        tpu.enqueue_indirect_dma source(%dma_start3A_467 : memref<160000x16xbf16, #tpu.memory_space<hbm>>) target(%dma_start3A_461 : memref<128x16xbf16, #tpu.memory_space<vmem>>) offsets(%dma_start3A_464 : memref<128xi32, #tpu.memory_space<vmem>>) semaphore(%arg15 : memref<!tpu.dma_semaphore, #tpu.memory_space<semaphore_mem>>)
      } else {
      }
      %dma_wait3A_401 = arith.constant 5 : i32
      %dma_wait3A_402 = arith.constant 0 : i32
      %dma_wait3A_403 = arith.constant 0 : i32
      %dma_wait3A_404 = arith.constant 0 : i32
      %dma_wait3A_405 = tpu.memref_slice %arg9[%dma_wait3A_401, %dma_wait3A_403, %dma_wait3A_404] : memref<8x128x16xbf16, #tpu.memory_space<vmem>> -> memref<1x128x16xbf16, #tpu.memory_space<vmem>>
      %dma_wait3A_406 = tpu.memref_squeeze %dma_wait3A_405 : memref<1x128x16xbf16, #tpu.memory_space<vmem>> -> memref<128x16xbf16, #tpu.memory_space<vmem>>
      %dma_wait3A_407 = arith.constant 0 : i32
      %dma_wait3A_408 = tpu.memref_slice %arg8[%dma_wait3A_402, %dma_wait3A_407] : memref<56x128xi32, #tpu.memory_space<vmem>> -> memref<1x128xi32, #tpu.memory_space<vmem>>
      %dma_wait3A_409 = tpu.memref_squeeze %dma_wait3A_408 : memref<1x128xi32, #tpu.memory_space<vmem>> -> memref<128xi32, #tpu.memory_space<vmem>>
      %dma_wait3A_410 = arith.constant 0 : i32
      %dma_wait3A_411 = arith.constant 0 : i32
      %dma_wait3A_412 = tpu.memref_slice %arg10[%dma_wait3A_410, %dma_wait3A_411] : memref<163840x16xbf16, #tpu.memory_space<vmem_shared>> -> memref<163840x16xbf16, #tpu.memory_space<vmem_shared>>
      tpu.wait_indirect_dma semaphore(%arg24 : memref<!tpu.dma_semaphore, #tpu.memory_space<semaphore_mem>>) src(%dma_wait3A_406 : memref<128x16xbf16, #tpu.memory_space<vmem>>) dst(%dma_wait3A_412 : memref<163840x16xbf16, #tpu.memory_space<vmem_shared>>)
      %lt3A_413 = arith.constant 6 : i32
      %lt3A_414 = arith.cmpi slt, %scan3A_116, %lt3A_413 : i32
      %convert_element_type3A_415 = arith.extui %lt3A_414 : i1 to i32
      %cond3A_416 = arith.constant 0 : i32
      %cond3A_417 = arith.cmpi ne, %convert_element_type3A_415, %cond3A_416 : i32
      scf.if %cond3A_417 {
        %add3A_453 = arith.constant 8 : i32
        %add3A_454 = arith.addi %mul3A_119, %add3A_453 : i32
        %add3A_455 = arith.constant 5 : i32
        %add3A_456 = arith.addi %add3A_454, %add3A_455 : i32
        %dma_start3A_457 = arith.constant 5 : i32
        %dma_start3A_458 = arith.constant 0 : i32
        %dma_start3A_459 = arith.constant 0 : i32
        %dma_start3A_460 = tpu.memref_slice %arg9[%dma_start3A_457, %dma_start3A_458, %dma_start3A_459] : memref<8x128x16xbf16, #tpu.memory_space<vmem>> -> memref<1x128x16xbf16, #tpu.memory_space<vmem>>
        %dma_start3A_461 = tpu.memref_squeeze %dma_start3A_460 : memref<1x128x16xbf16, #tpu.memory_space<vmem>> -> memref<128x16xbf16, #tpu.memory_space<vmem>>
        %dma_start3A_462 = arith.constant 0 : i32
        %dma_start3A_463 = tpu.memref_slice %arg7[%add3A_456, %dma_start3A_462] : memref<56x128xi32, #tpu.memory_space<vmem>> -> memref<1x128xi32, #tpu.memory_space<vmem>>
        %dma_start3A_464 = tpu.memref_squeeze %dma_start3A_463 : memref<1x128xi32, #tpu.memory_space<vmem>> -> memref<128xi32, #tpu.memory_space<vmem>>
        %dma_start3A_465 = arith.constant 0 : i32
        %dma_start3A_466 = arith.constant 0 : i32
        %dma_start3A_467 = tpu.memref_slice %arg2[%dma_start3A_465, %dma_start3A_466] : memref<160000x16xbf16, #tpu.memory_space<hbm>> -> memref<160000x16xbf16, #tpu.memory_space<hbm>>
        tpu.enqueue_indirect_dma source(%dma_start3A_467 : memref<160000x16xbf16, #tpu.memory_space<hbm>>) target(%dma_start3A_461 : memref<128x16xbf16, #tpu.memory_space<vmem>>) offsets(%dma_start3A_464 : memref<128xi32, #tpu.memory_space<vmem>>) semaphore(%arg16 : memref<!tpu.dma_semaphore, #tpu.memory_space<semaphore_mem>>)
      } else {
      }
      %dma_wait3A_418 = arith.constant 6 : i32
      %dma_wait3A_419 = arith.constant 0 : i32
      %dma_wait3A_420 = arith.constant 0 : i32
      %dma_wait3A_421 = arith.constant 0 : i32
      %dma_wait3A_422 = tpu.memref_slice %arg9[%dma_wait3A_418, %dma_wait3A_420, %dma_wait3A_421] : memref<8x128x16xbf16, #tpu.memory_space<vmem>> -> memref<1x128x16xbf16, #tpu.memory_space<vmem>>
      %dma_wait3A_423 = tpu.memref_squeeze %dma_wait3A_422 : memref<1x128x16xbf16, #tpu.memory_space<vmem>> -> memref<128x16xbf16, #tpu.memory_space<vmem>>
      %dma_wait3A_424 = arith.constant 0 : i32
      %dma_wait3A_425 = tpu.memref_slice %arg8[%dma_wait3A_419, %dma_wait3A_424] : memref<56x128xi32, #tpu.memory_space<vmem>> -> memref<1x128xi32, #tpu.memory_space<vmem>>
      %dma_wait3A_426 = tpu.memref_squeeze %dma_wait3A_425 : memref<1x128xi32, #tpu.memory_space<vmem>> -> memref<128xi32, #tpu.memory_space<vmem>>
      %dma_wait3A_427 = arith.constant 0 : i32
      %dma_wait3A_428 = arith.constant 0 : i32
      %dma_wait3A_429 = tpu.memref_slice %arg10[%dma_wait3A_427, %dma_wait3A_428] : memref<163840x16xbf16, #tpu.memory_space<vmem_shared>> -> memref<163840x16xbf16, #tpu.memory_space<vmem_shared>>
      tpu.wait_indirect_dma semaphore(%arg25 : memref<!tpu.dma_semaphore, #tpu.memory_space<semaphore_mem>>) src(%dma_wait3A_423 : memref<128x16xbf16, #tpu.memory_space<vmem>>) dst(%dma_wait3A_429 : memref<163840x16xbf16, #tpu.memory_space<vmem_shared>>)
      %lt3A_430 = arith.constant 6 : i32
      %lt3A_431 = arith.cmpi slt, %scan3A_116, %lt3A_430 : i32
      %convert_element_type3A_432 = arith.extui %lt3A_431 : i1 to i32
      %cond3A_433 = arith.constant 0 : i32
      %cond3A_434 = arith.cmpi ne, %convert_element_type3A_432, %cond3A_433 : i32
      scf.if %cond3A_434 {
        %add3A_453 = arith.constant 8 : i32
        %add3A_454 = arith.addi %mul3A_119, %add3A_453 : i32
        %add3A_455 = arith.constant 6 : i32
        %add3A_456 = arith.addi %add3A_454, %add3A_455 : i32
        %dma_start3A_457 = arith.constant 6 : i32
        %dma_start3A_458 = arith.constant 0 : i32
        %dma_start3A_459 = arith.constant 0 : i32
        %dma_start3A_460 = tpu.memref_slice %arg9[%dma_start3A_457, %dma_start3A_458, %dma_start3A_459] : memref<8x128x16xbf16, #tpu.memory_space<vmem>> -> memref<1x128x16xbf16, #tpu.memory_space<vmem>>
        %dma_start3A_461 = tpu.memref_squeeze %dma_start3A_460 : memref<1x128x16xbf16, #tpu.memory_space<vmem>> -> memref<128x16xbf16, #tpu.memory_space<vmem>>
        %dma_start3A_462 = arith.constant 0 : i32
        %dma_start3A_463 = tpu.memref_slice %arg7[%add3A_456, %dma_start3A_462] : memref<56x128xi32, #tpu.memory_space<vmem>> -> memref<1x128xi32, #tpu.memory_space<vmem>>
        %dma_start3A_464 = tpu.memref_squeeze %dma_start3A_463 : memref<1x128xi32, #tpu.memory_space<vmem>> -> memref<128xi32, #tpu.memory_space<vmem>>
        %dma_start3A_465 = arith.constant 0 : i32
        %dma_start3A_466 = arith.constant 0 : i32
        %dma_start3A_467 = tpu.memref_slice %arg2[%dma_start3A_465, %dma_start3A_466] : memref<160000x16xbf16, #tpu.memory_space<hbm>> -> memref<160000x16xbf16, #tpu.memory_space<hbm>>
        tpu.enqueue_indirect_dma source(%dma_start3A_467 : memref<160000x16xbf16, #tpu.memory_space<hbm>>) target(%dma_start3A_461 : memref<128x16xbf16, #tpu.memory_space<vmem>>) offsets(%dma_start3A_464 : memref<128xi32, #tpu.memory_space<vmem>>) semaphore(%arg17 : memref<!tpu.dma_semaphore, #tpu.memory_space<semaphore_mem>>)
      } else {
      }
      %dma_wait3A_435 = arith.constant 7 : i32
      %dma_wait3A_436 = arith.constant 0 : i32
      %dma_wait3A_437 = arith.constant 0 : i32
      %dma_wait3A_438 = arith.constant 0 : i32
      %dma_wait3A_439 = tpu.memref_slice %arg9[%dma_wait3A_435, %dma_wait3A_437, %dma_wait3A_438] : memref<8x128x16xbf16, #tpu.memory_space<vmem>> -> memref<1x128x16xbf16, #tpu.memory_space<vmem>>
      %dma_wait3A_440 = tpu.memref_squeeze %dma_wait3A_439 : memref<1x128x16xbf16, #tpu.memory_space<vmem>> -> memref<128x16xbf16, #tpu.memory_space<vmem>>
      %dma_wait3A_441 = arith.constant 0 : i32
      %dma_wait3A_442 = tpu.memref_slice %arg8[%dma_wait3A_436, %dma_wait3A_441] : memref<56x128xi32, #tpu.memory_space<vmem>> -> memref<1x128xi32, #tpu.memory_space<vmem>>
      %dma_wait3A_443 = tpu.memref_squeeze %dma_wait3A_442 : memref<1x128xi32, #tpu.memory_space<vmem>> -> memref<128xi32, #tpu.memory_space<vmem>>
      %dma_wait3A_444 = arith.constant 0 : i32
      %dma_wait3A_445 = arith.constant 0 : i32
      %dma_wait3A_446 = tpu.memref_slice %arg10[%dma_wait3A_444, %dma_wait3A_445] : memref<163840x16xbf16, #tpu.memory_space<vmem_shared>> -> memref<163840x16xbf16, #tpu.memory_space<vmem_shared>>
      tpu.wait_indirect_dma semaphore(%arg26 : memref<!tpu.dma_semaphore, #tpu.memory_space<semaphore_mem>>) src(%dma_wait3A_440 : memref<128x16xbf16, #tpu.memory_space<vmem>>) dst(%dma_wait3A_446 : memref<163840x16xbf16, #tpu.memory_space<vmem_shared>>)
      %lt3A_447 = arith.constant 6 : i32
      %lt3A_448 = arith.cmpi slt, %scan3A_116, %lt3A_447 : i32
      %convert_element_type3A_449 = arith.extui %lt3A_448 : i1 to i32
      %cond3A_450 = arith.constant 0 : i32
      %cond3A_451 = arith.cmpi ne, %convert_element_type3A_449, %cond3A_450 : i32
      scf.if %cond3A_451 {
        %add3A_453 = arith.constant 8 : i32
        %add3A_454 = arith.addi %mul3A_119, %add3A_453 : i32
        %add3A_455 = arith.constant 7 : i32
        %add3A_456 = arith.addi %add3A_454, %add3A_455 : i32
        %dma_start3A_457 = arith.constant 7 : i32
        %dma_start3A_458 = arith.constant 0 : i32
        %dma_start3A_459 = arith.constant 0 : i32
        %dma_start3A_460 = tpu.memref_slice %arg9[%dma_start3A_457, %dma_start3A_458, %dma_start3A_459] : memref<8x128x16xbf16, #tpu.memory_space<vmem>> -> memref<1x128x16xbf16, #tpu.memory_space<vmem>>
        %dma_start3A_461 = tpu.memref_squeeze %dma_start3A_460 : memref<1x128x16xbf16, #tpu.memory_space<vmem>> -> memref<128x16xbf16, #tpu.memory_space<vmem>>
        %dma_start3A_462 = arith.constant 0 : i32
        %dma_start3A_463 = tpu.memref_slice %arg7[%add3A_456, %dma_start3A_462] : memref<56x128xi32, #tpu.memory_space<vmem>> -> memref<1x128xi32, #tpu.memory_space<vmem>>
        %dma_start3A_464 = tpu.memref_squeeze %dma_start3A_463 : memref<1x128xi32, #tpu.memory_space<vmem>> -> memref<128xi32, #tpu.memory_space<vmem>>
        %dma_start3A_465 = arith.constant 0 : i32
        %dma_start3A_466 = arith.constant 0 : i32
        %dma_start3A_467 = tpu.memref_slice %arg2[%dma_start3A_465, %dma_start3A_466] : memref<160000x16xbf16, #tpu.memory_space<hbm>> -> memref<160000x16xbf16, #tpu.memory_space<hbm>>
        tpu.enqueue_indirect_dma source(%dma_start3A_467 : memref<160000x16xbf16, #tpu.memory_space<hbm>>) target(%dma_start3A_461 : memref<128x16xbf16, #tpu.memory_space<vmem>>) offsets(%dma_start3A_464 : memref<128xi32, #tpu.memory_space<vmem>>) semaphore(%arg18 : memref<!tpu.dma_semaphore, #tpu.memory_space<semaphore_mem>>)
      } else {
      }
      %scan3A_452 = arith.constant 0 : i32
      scf.yield %scan3A_452 : i32
    }
    %scan3A_107 = arith.constant 7 : i32
    %barrier3A_108 = arith.constant 0 : index
    tpu.barrier barrier_id(%barrier3A_108)
    %mul3A_109 = arith.constant 10240 : i32
    %mul3A_110 = arith.muli %arg1, %mul3A_109 : i32
    %mul3A_111 = arith.constant 163840 : i32
    %mul3A_112 = arith.muli %arg0, %mul3A_111 : i32
    %mul3A_113 = arith.constant 10240 : i32
    %mul3A_114 = arith.muli %arg1, %mul3A_113 : i32
    %add3A_115 = arith.addi %mul3A_112, %mul3A_114 : i32
    "tpu.region"() ({
      %run_scoped3A = tpu.sem_alloc : memref<!tpu.dma_semaphore, #tpu.memory_space<semaphore_mem>>
      %dma_start3A_116 = arith.constant 0 : i32
      %dma_start3A_117 = tpu.memref_slice %arg6[%add3A_115, %dma_start3A_116] : memref<327680x16xbf16, #tpu.memory_space<hbm>> -> memref<10240x16xbf16, #tpu.memory_space<hbm>>
      %dma_start3A_118 = arith.constant 0 : i32
      %dma_start3A_119 = tpu.memref_slice %arg10[%mul3A_110, %dma_start3A_118] : memref<163840x16xbf16, #tpu.memory_space<vmem_shared>> -> memref<10240x16xbf16, #tpu.memory_space<vmem_shared>>
      tpu.enqueue_dma source(%dma_start3A_119 : memref<10240x16xbf16, #tpu.memory_space<vmem_shared>>) target(%dma_start3A_117 : memref<10240x16xbf16, #tpu.memory_space<hbm>>) target_semaphore(%run_scoped3A : memref<!tpu.dma_semaphore, #tpu.memory_space<semaphore_mem>>)
      %dma_wait3A = arith.constant 0 : i32
      %dma_wait3A_120 = tpu.memref_slice %arg6[%add3A_115, %dma_wait3A] : memref<327680x16xbf16, #tpu.memory_space<hbm>> -> memref<10240x16xbf16, #tpu.memory_space<hbm>>
      %dma_wait3A_121 = arith.constant 0 : i32
      %dma_wait3A_122 = tpu.memref_slice %arg10[%mul3A_110, %dma_wait3A_121] : memref<163840x16xbf16, #tpu.memory_space<vmem_shared>> -> memref<10240x16xbf16, #tpu.memory_space<vmem_shared>>
      tpu.wait_dma2 semaphore(%run_scoped3A : memref<!tpu.dma_semaphore, #tpu.memory_space<semaphore_mem>>) src(%dma_wait3A_122 : memref<10240x16xbf16, #tpu.memory_space<vmem_shared>>) dst(%dma_wait3A_120 : memref<10240x16xbf16, #tpu.memory_space<hbm>>)
      tpu.yield
    }) : () -> ()
    return
  }
}

#map = affine_map<(d0, d1) -> (0, 0)>
module attributes {stable_mosaic.version = 14 : i64} {
  func.func @body(%arg0: i32, %arg1: i32, %arg2: memref<10000x128xbf16, #tpu.memory_space<hbm>>, %arg3: memref<2560x128xi32, #tpu.memory_space<hbm>>, %arg4: memref<2560x128xi32, #tpu.memory_space<hbm>>, %arg5: memref<640x128xbf16, #tpu.memory_space<hbm>>, %arg6: memref<20480x128xbf16, #tpu.memory_space<hbm>>, %arg7: memref<80x128xi32, #tpu.memory_space<vmem>>, %arg8: memref<80x128xi32, #tpu.memory_space<vmem>>, %arg9: memref<8x128x128xbf16, #tpu.memory_space<vmem>>, %arg10: memref<10240x128xbf16, #tpu.memory_space<vmem_shared>>, %arg11: memref<!tpu.dma_semaphore, #tpu.memory_space<semaphore_mem>>, %arg12: memref<!tpu.dma_semaphore, #tpu.memory_space<semaphore_mem>>, %arg13: memref<!tpu.dma_semaphore, #tpu.memory_space<semaphore_mem>>, %arg14: memref<!tpu.dma_semaphore, #tpu.memory_space<semaphore_mem>>, %arg15: memref<!tpu.dma_semaphore, #tpu.memory_space<semaphore_mem>>, %arg16: memref<!tpu.dma_semaphore, #tpu.memory_space<semaphore_mem>>, %arg17: memref<!tpu.dma_semaphore, #tpu.memory_space<semaphore_mem>>, %arg18: memref<!tpu.dma_semaphore, #tpu.memory_space<semaphore_mem>>, %arg19: memref<!tpu.dma_semaphore, #tpu.memory_space<semaphore_mem>>, %arg20: memref<!tpu.dma_semaphore, #tpu.memory_space<semaphore_mem>>, %arg21: memref<!tpu.dma_semaphore, #tpu.memory_space<semaphore_mem>>, %arg22: memref<!tpu.dma_semaphore, #tpu.memory_space<semaphore_mem>>, %arg23: memref<!tpu.dma_semaphore, #tpu.memory_space<semaphore_mem>>, %arg24: memref<!tpu.dma_semaphore, #tpu.memory_space<semaphore_mem>>, %arg25: memref<!tpu.dma_semaphore, #tpu.memory_space<semaphore_mem>>, %arg26: memref<!tpu.dma_semaphore, #tpu.memory_space<semaphore_mem>>) attributes {dimension_semantics = [#tpu.dimension_semantics<core_parallel>, #tpu.dimension_semantics<subcore_parallel>], iteration_bounds = array<i64: 2, 16>, scalar_prefetch = 0 : i64, scratch_operands = 20 : i64, tpu.core_type = #tpu.core_type<sc_vector_subcore>, window_params = [{transform_indices = #map}, {transform_indices = #map}, {transform_indices = #map}, {transform_indices = #map}, {transform_indices = #map}]} {
    %mul3A = arith.constant 640 : i32
    %mul3A_0 = arith.muli %arg1, %mul3A : i32
    "tpu.region"() ({
      %run_scoped3A = tpu.sem_alloc : memref<!tpu.dma_semaphore, #tpu.memory_space<semaphore_mem>>
      %dma_start3A_116 = arith.constant 0 : i32
      %dma_start3A_117 = tpu.memref_slice %arg10[%mul3A_0, %dma_start3A_116] : memref<10240x128xbf16, #tpu.memory_space<vmem_shared>> -> memref<640x128xbf16, #tpu.memory_space<vmem_shared>>
      tpu.enqueue_dma source(%arg5 : memref<640x128xbf16, #tpu.memory_space<hbm>>) target(%dma_start3A_117 : memref<640x128xbf16, #tpu.memory_space<vmem_shared>>) target_semaphore(%run_scoped3A : memref<!tpu.dma_semaphore, #tpu.memory_space<semaphore_mem>>)
      %dma_wait3A = arith.constant 0 : i32
      %dma_wait3A_118 = tpu.memref_slice %arg10[%mul3A_0, %dma_wait3A] : memref<10240x128xbf16, #tpu.memory_space<vmem_shared>> -> memref<640x128xbf16, #tpu.memory_space<vmem_shared>>
      tpu.wait_dma2 semaphore(%run_scoped3A : memref<!tpu.dma_semaphore, #tpu.memory_space<semaphore_mem>>) src(%arg5 : memref<640x128xbf16, #tpu.memory_space<hbm>>) dst(%dma_wait3A_118 : memref<640x128xbf16, #tpu.memory_space<vmem_shared>>)
      tpu.yield
    }) : () -> ()
    %barrier3A = arith.constant 0 : index
    tpu.barrier barrier_id(%barrier3A)
    %mul3A_1 = arith.constant 2 : i32
    %mul3A_2 = arith.muli %arg1, %mul3A_1 : i32
    %add3A = arith.addi %mul3A_2, %arg0 : i32
    %mul3A_3 = arith.constant 80 : i32
    %mul3A_4 = arith.muli %add3A, %mul3A_3 : i32
    %add3A_5 = arith.constant 0 : i32
    %add3A_6 = arith.addi %mul3A_4, %add3A_5 : i32
    "tpu.region"() ({
      %run_scoped3A = tpu.sem_alloc : memref<!tpu.dma_semaphore, #tpu.memory_space<semaphore_mem>>
      %dma_start3A_116 = arith.constant 0 : i32
      %dma_start3A_117 = tpu.memref_slice %arg3[%add3A_6, %dma_start3A_116] : memref<2560x128xi32, #tpu.memory_space<hbm>> -> memref<80x128xi32, #tpu.memory_space<hbm>>
      %dma_start3A_118 = arith.constant 0 : i32
      %dma_start3A_119 = tpu.memref_slice %arg3[%add3A_6, %dma_start3A_118] : memref<2560x128xi32, #tpu.memory_space<hbm>> -> memref<80x128xi32, #tpu.memory_space<hbm>>
      tpu.enqueue_dma source(%dma_start3A_119 : memref<80x128xi32, #tpu.memory_space<hbm>>) target(%arg7 : memref<80x128xi32, #tpu.memory_space<vmem>>) target_semaphore(%run_scoped3A : memref<!tpu.dma_semaphore, #tpu.memory_space<semaphore_mem>>)
      %dma_wait3A = arith.constant 0 : i32
      %dma_wait3A_120 = tpu.memref_slice %arg3[%add3A_6, %dma_wait3A] : memref<2560x128xi32, #tpu.memory_space<hbm>> -> memref<80x128xi32, #tpu.memory_space<hbm>>
      %dma_wait3A_121 = arith.constant 0 : i32
      %dma_wait3A_122 = tpu.memref_slice %arg3[%add3A_6, %dma_wait3A_121] : memref<2560x128xi32, #tpu.memory_space<hbm>> -> memref<80x128xi32, #tpu.memory_space<hbm>>
      tpu.wait_dma2 semaphore(%run_scoped3A : memref<!tpu.dma_semaphore, #tpu.memory_space<semaphore_mem>>) src(%dma_wait3A_122 : memref<80x128xi32, #tpu.memory_space<hbm>>) dst(%arg7 : memref<80x128xi32, #tpu.memory_space<vmem>>)
      tpu.yield
    }) : () -> ()
    "tpu.region"() ({
      %run_scoped3A = tpu.sem_alloc : memref<!tpu.dma_semaphore, #tpu.memory_space<semaphore_mem>>
      %dma_start3A_116 = arith.constant 0 : i32
      %dma_start3A_117 = tpu.memref_slice %arg4[%add3A_6, %dma_start3A_116] : memref<2560x128xi32, #tpu.memory_space<hbm>> -> memref<80x128xi32, #tpu.memory_space<hbm>>
      %dma_start3A_118 = arith.constant 0 : i32
      %dma_start3A_119 = tpu.memref_slice %arg4[%add3A_6, %dma_start3A_118] : memref<2560x128xi32, #tpu.memory_space<hbm>> -> memref<80x128xi32, #tpu.memory_space<hbm>>
      tpu.enqueue_dma source(%dma_start3A_119 : memref<80x128xi32, #tpu.memory_space<hbm>>) target(%arg8 : memref<80x128xi32, #tpu.memory_space<vmem>>) target_semaphore(%run_scoped3A : memref<!tpu.dma_semaphore, #tpu.memory_space<semaphore_mem>>)
      %dma_wait3A = arith.constant 0 : i32
      %dma_wait3A_120 = tpu.memref_slice %arg4[%add3A_6, %dma_wait3A] : memref<2560x128xi32, #tpu.memory_space<hbm>> -> memref<80x128xi32, #tpu.memory_space<hbm>>
      %dma_wait3A_121 = arith.constant 0 : i32
      %dma_wait3A_122 = tpu.memref_slice %arg4[%add3A_6, %dma_wait3A_121] : memref<2560x128xi32, #tpu.memory_space<hbm>> -> memref<80x128xi32, #tpu.memory_space<hbm>>
      tpu.wait_dma2 semaphore(%run_scoped3A : memref<!tpu.dma_semaphore, #tpu.memory_space<semaphore_mem>>) src(%dma_wait3A_122 : memref<80x128xi32, #tpu.memory_space<hbm>>) dst(%arg8 : memref<80x128xi32, #tpu.memory_space<vmem>>)
      tpu.yield
    }) : () -> ()
    %dma_start3A = arith.constant 0 : i32
    %dma_start3A_7 = arith.constant 0 : i32
    %dma_start3A_8 = arith.constant 0 : i32
    %dma_start3A_9 = arith.constant 0 : i32
    %dma_start3A_10 = tpu.memref_slice %arg9[%dma_start3A_7, %dma_start3A_8, %dma_start3A_9] : memref<8x128x128xbf16, #tpu.memory_space<vmem>> -> memref<1x128x128xbf16, #tpu.memory_space<vmem>>
    %dma_start3A_11 = tpu.memref_squeeze %dma_start3A_10 : memref<1x128x128xbf16, #tpu.memory_space<vmem>> -> memref<128x128xbf16, #tpu.memory_space<vmem>>
    %dma_start3A_12 = arith.constant 0 : i32
    %dma_start3A_13 = tpu.memref_slice %arg7[%dma_start3A, %dma_start3A_12] : memref<80x128xi32, #tpu.memory_space<vmem>> -> memref<1x128xi32, #tpu.memory_space<vmem>>
    %dma_start3A_14 = tpu.memref_squeeze %dma_start3A_13 : memref<1x128xi32, #tpu.memory_space<vmem>> -> memref<128xi32, #tpu.memory_space<vmem>>
    %dma_start3A_15 = arith.constant 0 : i32
    %dma_start3A_16 = arith.constant 0 : i32
    %dma_start3A_17 = tpu.memref_slice %arg2[%dma_start3A_15, %dma_start3A_16] : memref<10000x128xbf16, #tpu.memory_space<hbm>> -> memref<10000x128xbf16, #tpu.memory_space<hbm>>
    tpu.enqueue_indirect_dma source(%dma_start3A_17 : memref<10000x128xbf16, #tpu.memory_space<hbm>>) target(%dma_start3A_11 : memref<128x128xbf16, #tpu.memory_space<vmem>>) offsets(%dma_start3A_14 : memref<128xi32, #tpu.memory_space<vmem>>) semaphore(%arg11 : memref<!tpu.dma_semaphore, #tpu.memory_space<semaphore_mem>>)
    %dma_start3A_18 = arith.constant 1 : i32
    %dma_start3A_19 = arith.constant 1 : i32
    %dma_start3A_20 = arith.constant 0 : i32
    %dma_start3A_21 = arith.constant 0 : i32
    %dma_start3A_22 = tpu.memref_slice %arg9[%dma_start3A_19, %dma_start3A_20, %dma_start3A_21] : memref<8x128x128xbf16, #tpu.memory_space<vmem>> -> memref<1x128x128xbf16, #tpu.memory_space<vmem>>
    %dma_start3A_23 = tpu.memref_squeeze %dma_start3A_22 : memref<1x128x128xbf16, #tpu.memory_space<vmem>> -> memref<128x128xbf16, #tpu.memory_space<vmem>>
    %dma_start3A_24 = arith.constant 0 : i32
    %dma_start3A_25 = tpu.memref_slice %arg7[%dma_start3A_18, %dma_start3A_24] : memref<80x128xi32, #tpu.memory_space<vmem>> -> memref<1x128xi32, #tpu.memory_space<vmem>>
    %dma_start3A_26 = tpu.memref_squeeze %dma_start3A_25 : memref<1x128xi32, #tpu.memory_space<vmem>> -> memref<128xi32, #tpu.memory_space<vmem>>
    %dma_start3A_27 = arith.constant 0 : i32
    %dma_start3A_28 = arith.constant 0 : i32
    %dma_start3A_29 = tpu.memref_slice %arg2[%dma_start3A_27, %dma_start3A_28] : memref<10000x128xbf16, #tpu.memory_space<hbm>> -> memref<10000x128xbf16, #tpu.memory_space<hbm>>
    tpu.enqueue_indirect_dma source(%dma_start3A_29 : memref<10000x128xbf16, #tpu.memory_space<hbm>>) target(%dma_start3A_23 : memref<128x128xbf16, #tpu.memory_space<vmem>>) offsets(%dma_start3A_26 : memref<128xi32, #tpu.memory_space<vmem>>) semaphore(%arg12 : memref<!tpu.dma_semaphore, #tpu.memory_space<semaphore_mem>>)
    %dma_start3A_30 = arith.constant 2 : i32
    %dma_start3A_31 = arith.constant 2 : i32
    %dma_start3A_32 = arith.constant 0 : i32
    %dma_start3A_33 = arith.constant 0 : i32
    %dma_start3A_34 = tpu.memref_slice %arg9[%dma_start3A_31, %dma_start3A_32, %dma_start3A_33] : memref<8x128x128xbf16, #tpu.memory_space<vmem>> -> memref<1x128x128xbf16, #tpu.memory_space<vmem>>
    %dma_start3A_35 = tpu.memref_squeeze %dma_start3A_34 : memref<1x128x128xbf16, #tpu.memory_space<vmem>> -> memref<128x128xbf16, #tpu.memory_space<vmem>>
    %dma_start3A_36 = arith.constant 0 : i32
    %dma_start3A_37 = tpu.memref_slice %arg7[%dma_start3A_30, %dma_start3A_36] : memref<80x128xi32, #tpu.memory_space<vmem>> -> memref<1x128xi32, #tpu.memory_space<vmem>>
    %dma_start3A_38 = tpu.memref_squeeze %dma_start3A_37 : memref<1x128xi32, #tpu.memory_space<vmem>> -> memref<128xi32, #tpu.memory_space<vmem>>
    %dma_start3A_39 = arith.constant 0 : i32
    %dma_start3A_40 = arith.constant 0 : i32
    %dma_start3A_41 = tpu.memref_slice %arg2[%dma_start3A_39, %dma_start3A_40] : memref<10000x128xbf16, #tpu.memory_space<hbm>> -> memref<10000x128xbf16, #tpu.memory_space<hbm>>
    tpu.enqueue_indirect_dma source(%dma_start3A_41 : memref<10000x128xbf16, #tpu.memory_space<hbm>>) target(%dma_start3A_35 : memref<128x128xbf16, #tpu.memory_space<vmem>>) offsets(%dma_start3A_38 : memref<128xi32, #tpu.memory_space<vmem>>) semaphore(%arg13 : memref<!tpu.dma_semaphore, #tpu.memory_space<semaphore_mem>>)
    %dma_start3A_42 = arith.constant 3 : i32
    %dma_start3A_43 = arith.constant 3 : i32
    %dma_start3A_44 = arith.constant 0 : i32
    %dma_start3A_45 = arith.constant 0 : i32
    %dma_start3A_46 = tpu.memref_slice %arg9[%dma_start3A_43, %dma_start3A_44, %dma_start3A_45] : memref<8x128x128xbf16, #tpu.memory_space<vmem>> -> memref<1x128x128xbf16, #tpu.memory_space<vmem>>
    %dma_start3A_47 = tpu.memref_squeeze %dma_start3A_46 : memref<1x128x128xbf16, #tpu.memory_space<vmem>> -> memref<128x128xbf16, #tpu.memory_space<vmem>>
    %dma_start3A_48 = arith.constant 0 : i32
    %dma_start3A_49 = tpu.memref_slice %arg7[%dma_start3A_42, %dma_start3A_48] : memref<80x128xi32, #tpu.memory_space<vmem>> -> memref<1x128xi32, #tpu.memory_space<vmem>>
    %dma_start3A_50 = tpu.memref_squeeze %dma_start3A_49 : memref<1x128xi32, #tpu.memory_space<vmem>> -> memref<128xi32, #tpu.memory_space<vmem>>
    %dma_start3A_51 = arith.constant 0 : i32
    %dma_start3A_52 = arith.constant 0 : i32
    %dma_start3A_53 = tpu.memref_slice %arg2[%dma_start3A_51, %dma_start3A_52] : memref<10000x128xbf16, #tpu.memory_space<hbm>> -> memref<10000x128xbf16, #tpu.memory_space<hbm>>
    tpu.enqueue_indirect_dma source(%dma_start3A_53 : memref<10000x128xbf16, #tpu.memory_space<hbm>>) target(%dma_start3A_47 : memref<128x128xbf16, #tpu.memory_space<vmem>>) offsets(%dma_start3A_50 : memref<128xi32, #tpu.memory_space<vmem>>) semaphore(%arg14 : memref<!tpu.dma_semaphore, #tpu.memory_space<semaphore_mem>>)
    %dma_start3A_54 = arith.constant 4 : i32
    %dma_start3A_55 = arith.constant 4 : i32
    %dma_start3A_56 = arith.constant 0 : i32
    %dma_start3A_57 = arith.constant 0 : i32
    %dma_start3A_58 = tpu.memref_slice %arg9[%dma_start3A_55, %dma_start3A_56, %dma_start3A_57] : memref<8x128x128xbf16, #tpu.memory_space<vmem>> -> memref<1x128x128xbf16, #tpu.memory_space<vmem>>
    %dma_start3A_59 = tpu.memref_squeeze %dma_start3A_58 : memref<1x128x128xbf16, #tpu.memory_space<vmem>> -> memref<128x128xbf16, #tpu.memory_space<vmem>>
    %dma_start3A_60 = arith.constant 0 : i32
    %dma_start3A_61 = tpu.memref_slice %arg7[%dma_start3A_54, %dma_start3A_60] : memref<80x128xi32, #tpu.memory_space<vmem>> -> memref<1x128xi32, #tpu.memory_space<vmem>>
    %dma_start3A_62 = tpu.memref_squeeze %dma_start3A_61 : memref<1x128xi32, #tpu.memory_space<vmem>> -> memref<128xi32, #tpu.memory_space<vmem>>
    %dma_start3A_63 = arith.constant 0 : i32
    %dma_start3A_64 = arith.constant 0 : i32
    %dma_start3A_65 = tpu.memref_slice %arg2[%dma_start3A_63, %dma_start3A_64] : memref<10000x128xbf16, #tpu.memory_space<hbm>> -> memref<10000x128xbf16, #tpu.memory_space<hbm>>
    tpu.enqueue_indirect_dma source(%dma_start3A_65 : memref<10000x128xbf16, #tpu.memory_space<hbm>>) target(%dma_start3A_59 : memref<128x128xbf16, #tpu.memory_space<vmem>>) offsets(%dma_start3A_62 : memref<128xi32, #tpu.memory_space<vmem>>) semaphore(%arg15 : memref<!tpu.dma_semaphore, #tpu.memory_space<semaphore_mem>>)
    %dma_start3A_66 = arith.constant 5 : i32
    %dma_start3A_67 = arith.constant 5 : i32
    %dma_start3A_68 = arith.constant 0 : i32
    %dma_start3A_69 = arith.constant 0 : i32
    %dma_start3A_70 = tpu.memref_slice %arg9[%dma_start3A_67, %dma_start3A_68, %dma_start3A_69] : memref<8x128x128xbf16, #tpu.memory_space<vmem>> -> memref<1x128x128xbf16, #tpu.memory_space<vmem>>
    %dma_start3A_71 = tpu.memref_squeeze %dma_start3A_70 : memref<1x128x128xbf16, #tpu.memory_space<vmem>> -> memref<128x128xbf16, #tpu.memory_space<vmem>>
    %dma_start3A_72 = arith.constant 0 : i32
    %dma_start3A_73 = tpu.memref_slice %arg7[%dma_start3A_66, %dma_start3A_72] : memref<80x128xi32, #tpu.memory_space<vmem>> -> memref<1x128xi32, #tpu.memory_space<vmem>>
    %dma_start3A_74 = tpu.memref_squeeze %dma_start3A_73 : memref<1x128xi32, #tpu.memory_space<vmem>> -> memref<128xi32, #tpu.memory_space<vmem>>
    %dma_start3A_75 = arith.constant 0 : i32
    %dma_start3A_76 = arith.constant 0 : i32
    %dma_start3A_77 = tpu.memref_slice %arg2[%dma_start3A_75, %dma_start3A_76] : memref<10000x128xbf16, #tpu.memory_space<hbm>> -> memref<10000x128xbf16, #tpu.memory_space<hbm>>
    tpu.enqueue_indirect_dma source(%dma_start3A_77 : memref<10000x128xbf16, #tpu.memory_space<hbm>>) target(%dma_start3A_71 : memref<128x128xbf16, #tpu.memory_space<vmem>>) offsets(%dma_start3A_74 : memref<128xi32, #tpu.memory_space<vmem>>) semaphore(%arg16 : memref<!tpu.dma_semaphore, #tpu.memory_space<semaphore_mem>>)
    %dma_start3A_78 = arith.constant 6 : i32
    %dma_start3A_79 = arith.constant 6 : i32
    %dma_start3A_80 = arith.constant 0 : i32
    %dma_start3A_81 = arith.constant 0 : i32
    %dma_start3A_82 = tpu.memref_slice %arg9[%dma_start3A_79, %dma_start3A_80, %dma_start3A_81] : memref<8x128x128xbf16, #tpu.memory_space<vmem>> -> memref<1x128x128xbf16, #tpu.memory_space<vmem>>
    %dma_start3A_83 = tpu.memref_squeeze %dma_start3A_82 : memref<1x128x128xbf16, #tpu.memory_space<vmem>> -> memref<128x128xbf16, #tpu.memory_space<vmem>>
    %dma_start3A_84 = arith.constant 0 : i32
    %dma_start3A_85 = tpu.memref_slice %arg7[%dma_start3A_78, %dma_start3A_84] : memref<80x128xi32, #tpu.memory_space<vmem>> -> memref<1x128xi32, #tpu.memory_space<vmem>>
    %dma_start3A_86 = tpu.memref_squeeze %dma_start3A_85 : memref<1x128xi32, #tpu.memory_space<vmem>> -> memref<128xi32, #tpu.memory_space<vmem>>
    %dma_start3A_87 = arith.constant 0 : i32
    %dma_start3A_88 = arith.constant 0 : i32
    %dma_start3A_89 = tpu.memref_slice %arg2[%dma_start3A_87, %dma_start3A_88] : memref<10000x128xbf16, #tpu.memory_space<hbm>> -> memref<10000x128xbf16, #tpu.memory_space<hbm>>
    tpu.enqueue_indirect_dma source(%dma_start3A_89 : memref<10000x128xbf16, #tpu.memory_space<hbm>>) target(%dma_start3A_83 : memref<128x128xbf16, #tpu.memory_space<vmem>>) offsets(%dma_start3A_86 : memref<128xi32, #tpu.memory_space<vmem>>) semaphore(%arg17 : memref<!tpu.dma_semaphore, #tpu.memory_space<semaphore_mem>>)
    %dma_start3A_90 = arith.constant 7 : i32
    %dma_start3A_91 = arith.constant 7 : i32
    %dma_start3A_92 = arith.constant 0 : i32
    %dma_start3A_93 = arith.constant 0 : i32
    %dma_start3A_94 = tpu.memref_slice %arg9[%dma_start3A_91, %dma_start3A_92, %dma_start3A_93] : memref<8x128x128xbf16, #tpu.memory_space<vmem>> -> memref<1x128x128xbf16, #tpu.memory_space<vmem>>
    %dma_start3A_95 = tpu.memref_squeeze %dma_start3A_94 : memref<1x128x128xbf16, #tpu.memory_space<vmem>> -> memref<128x128xbf16, #tpu.memory_space<vmem>>
    %dma_start3A_96 = arith.constant 0 : i32
    %dma_start3A_97 = tpu.memref_slice %arg7[%dma_start3A_90, %dma_start3A_96] : memref<80x128xi32, #tpu.memory_space<vmem>> -> memref<1x128xi32, #tpu.memory_space<vmem>>
    %dma_start3A_98 = tpu.memref_squeeze %dma_start3A_97 : memref<1x128xi32, #tpu.memory_space<vmem>> -> memref<128xi32, #tpu.memory_space<vmem>>
    %dma_start3A_99 = arith.constant 0 : i32
    %dma_start3A_100 = arith.constant 0 : i32
    %dma_start3A_101 = tpu.memref_slice %arg2[%dma_start3A_99, %dma_start3A_100] : memref<10000x128xbf16, #tpu.memory_space<hbm>> -> memref<10000x128xbf16, #tpu.memory_space<hbm>>
    tpu.enqueue_indirect_dma source(%dma_start3A_101 : memref<10000x128xbf16, #tpu.memory_space<hbm>>) target(%dma_start3A_95 : memref<128x128xbf16, #tpu.memory_space<vmem>>) offsets(%dma_start3A_98 : memref<128xi32, #tpu.memory_space<vmem>>) semaphore(%arg18 : memref<!tpu.dma_semaphore, #tpu.memory_space<semaphore_mem>>)
    %scan3A = arith.constant 0 : i32
    %scan3A_102 = arith.constant 0 : i32
    %scan3A_103 = arith.constant 10 : i32
    %scan3A_104 = arith.addi %scan3A_102, %scan3A_103 : i32
    %scan3A_105 = arith.constant 1 : i32
    %scan3A_106 = scf.for %scan3A_116 = %scan3A_102 to %scan3A_104 step %scan3A_105 iter_args(%scan3A_117 = %scan3A) -> (i32)  : i32 {
      %mul3A_118 = arith.constant 8 : i32
      %mul3A_119 = arith.muli %scan3A_116, %mul3A_118 : i32
      %dma_wait3A = arith.constant 0 : i32
      %dma_wait3A_120 = arith.constant 0 : i32
      %dma_wait3A_121 = arith.constant 0 : i32
      %dma_wait3A_122 = arith.constant 0 : i32
      %dma_wait3A_123 = tpu.memref_slice %arg9[%dma_wait3A_120, %dma_wait3A_121, %dma_wait3A_122] : memref<8x128x128xbf16, #tpu.memory_space<vmem>> -> memref<1x128x128xbf16, #tpu.memory_space<vmem>>
      %dma_wait3A_124 = tpu.memref_squeeze %dma_wait3A_123 : memref<1x128x128xbf16, #tpu.memory_space<vmem>> -> memref<128x128xbf16, #tpu.memory_space<vmem>>
      %dma_wait3A_125 = arith.constant 0 : i32
      %dma_wait3A_126 = tpu.memref_slice %arg7[%dma_wait3A, %dma_wait3A_125] : memref<80x128xi32, #tpu.memory_space<vmem>> -> memref<1x128xi32, #tpu.memory_space<vmem>>
      %dma_wait3A_127 = tpu.memref_squeeze %dma_wait3A_126 : memref<1x128xi32, #tpu.memory_space<vmem>> -> memref<128xi32, #tpu.memory_space<vmem>>
      %dma_wait3A_128 = arith.constant 0 : i32
      %dma_wait3A_129 = arith.constant 0 : i32
      %dma_wait3A_130 = tpu.memref_slice %arg2[%dma_wait3A_128, %dma_wait3A_129] : memref<10000x128xbf16, #tpu.memory_space<hbm>> -> memref<10000x128xbf16, #tpu.memory_space<hbm>>
      tpu.wait_indirect_dma semaphore(%arg11 : memref<!tpu.dma_semaphore, #tpu.memory_space<semaphore_mem>>) src(%dma_wait3A_130 : memref<10000x128xbf16, #tpu.memory_space<hbm>>) dst(%dma_wait3A_124 : memref<128x128xbf16, #tpu.memory_space<vmem>>)
      %add3A_131 = arith.constant 0 : i32
      %add3A_132 = arith.addi %mul3A_119, %add3A_131 : i32
      %dma_start3A_133 = arith.constant 0 : i32
      %dma_start3A_134 = arith.constant 0 : i32
      %dma_start3A_135 = arith.constant 0 : i32
      %dma_start3A_136 = tpu.memref_slice %arg9[%dma_start3A_133, %dma_start3A_134, %dma_start3A_135] : memref<8x128x128xbf16, #tpu.memory_space<vmem>> -> memref<1x128x128xbf16, #tpu.memory_space<vmem>>
      %dma_start3A_137 = tpu.memref_squeeze %dma_start3A_136 : memref<1x128x128xbf16, #tpu.memory_space<vmem>> -> memref<128x128xbf16, #tpu.memory_space<vmem>>
      %dma_start3A_138 = arith.constant 0 : i32
      %dma_start3A_139 = tpu.memref_slice %arg8[%add3A_132, %dma_start3A_138] : memref<80x128xi32, #tpu.memory_space<vmem>> -> memref<1x128xi32, #tpu.memory_space<vmem>>
      %dma_start3A_140 = tpu.memref_squeeze %dma_start3A_139 : memref<1x128xi32, #tpu.memory_space<vmem>> -> memref<128xi32, #tpu.memory_space<vmem>>
      %dma_start3A_141 = arith.constant 0 : i32
      %dma_start3A_142 = arith.constant 0 : i32
      %dma_start3A_143 = tpu.memref_slice %arg10[%dma_start3A_141, %dma_start3A_142] : memref<10240x128xbf16, #tpu.memory_space<vmem_shared>> -> memref<10240x128xbf16, #tpu.memory_space<vmem_shared>>
      tpu.enqueue_indirect_dma source(%dma_start3A_137 : memref<128x128xbf16, #tpu.memory_space<vmem>>) target(%dma_start3A_143 : memref<10240x128xbf16, #tpu.memory_space<vmem_shared>>) offsets(%dma_start3A_140 : memref<128xi32, #tpu.memory_space<vmem>>) semaphore(%arg19 : memref<!tpu.dma_semaphore, #tpu.memory_space<semaphore_mem>>) {add = true}
      %dma_wait3A_144 = arith.constant 0 : i32
      %dma_wait3A_145 = arith.constant 1 : i32
      %dma_wait3A_146 = arith.constant 0 : i32
      %dma_wait3A_147 = arith.constant 0 : i32
      %dma_wait3A_148 = tpu.memref_slice %arg9[%dma_wait3A_145, %dma_wait3A_146, %dma_wait3A_147] : memref<8x128x128xbf16, #tpu.memory_space<vmem>> -> memref<1x128x128xbf16, #tpu.memory_space<vmem>>
      %dma_wait3A_149 = tpu.memref_squeeze %dma_wait3A_148 : memref<1x128x128xbf16, #tpu.memory_space<vmem>> -> memref<128x128xbf16, #tpu.memory_space<vmem>>
      %dma_wait3A_150 = arith.constant 0 : i32
      %dma_wait3A_151 = tpu.memref_slice %arg7[%dma_wait3A_144, %dma_wait3A_150] : memref<80x128xi32, #tpu.memory_space<vmem>> -> memref<1x128xi32, #tpu.memory_space<vmem>>
      %dma_wait3A_152 = tpu.memref_squeeze %dma_wait3A_151 : memref<1x128xi32, #tpu.memory_space<vmem>> -> memref<128xi32, #tpu.memory_space<vmem>>
      %dma_wait3A_153 = arith.constant 0 : i32
      %dma_wait3A_154 = arith.constant 0 : i32
      %dma_wait3A_155 = tpu.memref_slice %arg2[%dma_wait3A_153, %dma_wait3A_154] : memref<10000x128xbf16, #tpu.memory_space<hbm>> -> memref<10000x128xbf16, #tpu.memory_space<hbm>>
      tpu.wait_indirect_dma semaphore(%arg12 : memref<!tpu.dma_semaphore, #tpu.memory_space<semaphore_mem>>) src(%dma_wait3A_155 : memref<10000x128xbf16, #tpu.memory_space<hbm>>) dst(%dma_wait3A_149 : memref<128x128xbf16, #tpu.memory_space<vmem>>)
      %add3A_156 = arith.constant 1 : i32
      %add3A_157 = arith.addi %mul3A_119, %add3A_156 : i32
      %dma_start3A_158 = arith.constant 1 : i32
      %dma_start3A_159 = arith.constant 0 : i32
      %dma_start3A_160 = arith.constant 0 : i32
      %dma_start3A_161 = tpu.memref_slice %arg9[%dma_start3A_158, %dma_start3A_159, %dma_start3A_160] : memref<8x128x128xbf16, #tpu.memory_space<vmem>> -> memref<1x128x128xbf16, #tpu.memory_space<vmem>>
      %dma_start3A_162 = tpu.memref_squeeze %dma_start3A_161 : memref<1x128x128xbf16, #tpu.memory_space<vmem>> -> memref<128x128xbf16, #tpu.memory_space<vmem>>
      %dma_start3A_163 = arith.constant 0 : i32
      %dma_start3A_164 = tpu.memref_slice %arg8[%add3A_157, %dma_start3A_163] : memref<80x128xi32, #tpu.memory_space<vmem>> -> memref<1x128xi32, #tpu.memory_space<vmem>>
      %dma_start3A_165 = tpu.memref_squeeze %dma_start3A_164 : memref<1x128xi32, #tpu.memory_space<vmem>> -> memref<128xi32, #tpu.memory_space<vmem>>
      %dma_start3A_166 = arith.constant 0 : i32
      %dma_start3A_167 = arith.constant 0 : i32
      %dma_start3A_168 = tpu.memref_slice %arg10[%dma_start3A_166, %dma_start3A_167] : memref<10240x128xbf16, #tpu.memory_space<vmem_shared>> -> memref<10240x128xbf16, #tpu.memory_space<vmem_shared>>
      tpu.enqueue_indirect_dma source(%dma_start3A_162 : memref<128x128xbf16, #tpu.memory_space<vmem>>) target(%dma_start3A_168 : memref<10240x128xbf16, #tpu.memory_space<vmem_shared>>) offsets(%dma_start3A_165 : memref<128xi32, #tpu.memory_space<vmem>>) semaphore(%arg20 : memref<!tpu.dma_semaphore, #tpu.memory_space<semaphore_mem>>) {add = true}
      %dma_wait3A_169 = arith.constant 0 : i32
      %dma_wait3A_170 = arith.constant 2 : i32
      %dma_wait3A_171 = arith.constant 0 : i32
      %dma_wait3A_172 = arith.constant 0 : i32
      %dma_wait3A_173 = tpu.memref_slice %arg9[%dma_wait3A_170, %dma_wait3A_171, %dma_wait3A_172] : memref<8x128x128xbf16, #tpu.memory_space<vmem>> -> memref<1x128x128xbf16, #tpu.memory_space<vmem>>
      %dma_wait3A_174 = tpu.memref_squeeze %dma_wait3A_173 : memref<1x128x128xbf16, #tpu.memory_space<vmem>> -> memref<128x128xbf16, #tpu.memory_space<vmem>>
      %dma_wait3A_175 = arith.constant 0 : i32
      %dma_wait3A_176 = tpu.memref_slice %arg7[%dma_wait3A_169, %dma_wait3A_175] : memref<80x128xi32, #tpu.memory_space<vmem>> -> memref<1x128xi32, #tpu.memory_space<vmem>>
      %dma_wait3A_177 = tpu.memref_squeeze %dma_wait3A_176 : memref<1x128xi32, #tpu.memory_space<vmem>> -> memref<128xi32, #tpu.memory_space<vmem>>
      %dma_wait3A_178 = arith.constant 0 : i32
      %dma_wait3A_179 = arith.constant 0 : i32
      %dma_wait3A_180 = tpu.memref_slice %arg2[%dma_wait3A_178, %dma_wait3A_179] : memref<10000x128xbf16, #tpu.memory_space<hbm>> -> memref<10000x128xbf16, #tpu.memory_space<hbm>>
      tpu.wait_indirect_dma semaphore(%arg13 : memref<!tpu.dma_semaphore, #tpu.memory_space<semaphore_mem>>) src(%dma_wait3A_180 : memref<10000x128xbf16, #tpu.memory_space<hbm>>) dst(%dma_wait3A_174 : memref<128x128xbf16, #tpu.memory_space<vmem>>)
      %add3A_181 = arith.constant 2 : i32
      %add3A_182 = arith.addi %mul3A_119, %add3A_181 : i32
      %dma_start3A_183 = arith.constant 2 : i32
      %dma_start3A_184 = arith.constant 0 : i32
      %dma_start3A_185 = arith.constant 0 : i32
      %dma_start3A_186 = tpu.memref_slice %arg9[%dma_start3A_183, %dma_start3A_184, %dma_start3A_185] : memref<8x128x128xbf16, #tpu.memory_space<vmem>> -> memref<1x128x128xbf16, #tpu.memory_space<vmem>>
      %dma_start3A_187 = tpu.memref_squeeze %dma_start3A_186 : memref<1x128x128xbf16, #tpu.memory_space<vmem>> -> memref<128x128xbf16, #tpu.memory_space<vmem>>
      %dma_start3A_188 = arith.constant 0 : i32
      %dma_start3A_189 = tpu.memref_slice %arg8[%add3A_182, %dma_start3A_188] : memref<80x128xi32, #tpu.memory_space<vmem>> -> memref<1x128xi32, #tpu.memory_space<vmem>>
      %dma_start3A_190 = tpu.memref_squeeze %dma_start3A_189 : memref<1x128xi32, #tpu.memory_space<vmem>> -> memref<128xi32, #tpu.memory_space<vmem>>
      %dma_start3A_191 = arith.constant 0 : i32
      %dma_start3A_192 = arith.constant 0 : i32
      %dma_start3A_193 = tpu.memref_slice %arg10[%dma_start3A_191, %dma_start3A_192] : memref<10240x128xbf16, #tpu.memory_space<vmem_shared>> -> memref<10240x128xbf16, #tpu.memory_space<vmem_shared>>
      tpu.enqueue_indirect_dma source(%dma_start3A_187 : memref<128x128xbf16, #tpu.memory_space<vmem>>) target(%dma_start3A_193 : memref<10240x128xbf16, #tpu.memory_space<vmem_shared>>) offsets(%dma_start3A_190 : memref<128xi32, #tpu.memory_space<vmem>>) semaphore(%arg21 : memref<!tpu.dma_semaphore, #tpu.memory_space<semaphore_mem>>) {add = true}
      %dma_wait3A_194 = arith.constant 0 : i32
      %dma_wait3A_195 = arith.constant 3 : i32
      %dma_wait3A_196 = arith.constant 0 : i32
      %dma_wait3A_197 = arith.constant 0 : i32
      %dma_wait3A_198 = tpu.memref_slice %arg9[%dma_wait3A_195, %dma_wait3A_196, %dma_wait3A_197] : memref<8x128x128xbf16, #tpu.memory_space<vmem>> -> memref<1x128x128xbf16, #tpu.memory_space<vmem>>
      %dma_wait3A_199 = tpu.memref_squeeze %dma_wait3A_198 : memref<1x128x128xbf16, #tpu.memory_space<vmem>> -> memref<128x128xbf16, #tpu.memory_space<vmem>>
      %dma_wait3A_200 = arith.constant 0 : i32
      %dma_wait3A_201 = tpu.memref_slice %arg7[%dma_wait3A_194, %dma_wait3A_200] : memref<80x128xi32, #tpu.memory_space<vmem>> -> memref<1x128xi32, #tpu.memory_space<vmem>>
      %dma_wait3A_202 = tpu.memref_squeeze %dma_wait3A_201 : memref<1x128xi32, #tpu.memory_space<vmem>> -> memref<128xi32, #tpu.memory_space<vmem>>
      %dma_wait3A_203 = arith.constant 0 : i32
      %dma_wait3A_204 = arith.constant 0 : i32
      %dma_wait3A_205 = tpu.memref_slice %arg2[%dma_wait3A_203, %dma_wait3A_204] : memref<10000x128xbf16, #tpu.memory_space<hbm>> -> memref<10000x128xbf16, #tpu.memory_space<hbm>>
      tpu.wait_indirect_dma semaphore(%arg14 : memref<!tpu.dma_semaphore, #tpu.memory_space<semaphore_mem>>) src(%dma_wait3A_205 : memref<10000x128xbf16, #tpu.memory_space<hbm>>) dst(%dma_wait3A_199 : memref<128x128xbf16, #tpu.memory_space<vmem>>)
      %add3A_206 = arith.constant 3 : i32
      %add3A_207 = arith.addi %mul3A_119, %add3A_206 : i32
      %dma_start3A_208 = arith.constant 3 : i32
      %dma_start3A_209 = arith.constant 0 : i32
      %dma_start3A_210 = arith.constant 0 : i32
      %dma_start3A_211 = tpu.memref_slice %arg9[%dma_start3A_208, %dma_start3A_209, %dma_start3A_210] : memref<8x128x128xbf16, #tpu.memory_space<vmem>> -> memref<1x128x128xbf16, #tpu.memory_space<vmem>>
      %dma_start3A_212 = tpu.memref_squeeze %dma_start3A_211 : memref<1x128x128xbf16, #tpu.memory_space<vmem>> -> memref<128x128xbf16, #tpu.memory_space<vmem>>
      %dma_start3A_213 = arith.constant 0 : i32
      %dma_start3A_214 = tpu.memref_slice %arg8[%add3A_207, %dma_start3A_213] : memref<80x128xi32, #tpu.memory_space<vmem>> -> memref<1x128xi32, #tpu.memory_space<vmem>>
      %dma_start3A_215 = tpu.memref_squeeze %dma_start3A_214 : memref<1x128xi32, #tpu.memory_space<vmem>> -> memref<128xi32, #tpu.memory_space<vmem>>
      %dma_start3A_216 = arith.constant 0 : i32
      %dma_start3A_217 = arith.constant 0 : i32
      %dma_start3A_218 = tpu.memref_slice %arg10[%dma_start3A_216, %dma_start3A_217] : memref<10240x128xbf16, #tpu.memory_space<vmem_shared>> -> memref<10240x128xbf16, #tpu.memory_space<vmem_shared>>
      tpu.enqueue_indirect_dma source(%dma_start3A_212 : memref<128x128xbf16, #tpu.memory_space<vmem>>) target(%dma_start3A_218 : memref<10240x128xbf16, #tpu.memory_space<vmem_shared>>) offsets(%dma_start3A_215 : memref<128xi32, #tpu.memory_space<vmem>>) semaphore(%arg22 : memref<!tpu.dma_semaphore, #tpu.memory_space<semaphore_mem>>) {add = true}
      %dma_wait3A_219 = arith.constant 0 : i32
      %dma_wait3A_220 = arith.constant 4 : i32
      %dma_wait3A_221 = arith.constant 0 : i32
      %dma_wait3A_222 = arith.constant 0 : i32
      %dma_wait3A_223 = tpu.memref_slice %arg9[%dma_wait3A_220, %dma_wait3A_221, %dma_wait3A_222] : memref<8x128x128xbf16, #tpu.memory_space<vmem>> -> memref<1x128x128xbf16, #tpu.memory_space<vmem>>
      %dma_wait3A_224 = tpu.memref_squeeze %dma_wait3A_223 : memref<1x128x128xbf16, #tpu.memory_space<vmem>> -> memref<128x128xbf16, #tpu.memory_space<vmem>>
      %dma_wait3A_225 = arith.constant 0 : i32
      %dma_wait3A_226 = tpu.memref_slice %arg7[%dma_wait3A_219, %dma_wait3A_225] : memref<80x128xi32, #tpu.memory_space<vmem>> -> memref<1x128xi32, #tpu.memory_space<vmem>>
      %dma_wait3A_227 = tpu.memref_squeeze %dma_wait3A_226 : memref<1x128xi32, #tpu.memory_space<vmem>> -> memref<128xi32, #tpu.memory_space<vmem>>
      %dma_wait3A_228 = arith.constant 0 : i32
      %dma_wait3A_229 = arith.constant 0 : i32
      %dma_wait3A_230 = tpu.memref_slice %arg2[%dma_wait3A_228, %dma_wait3A_229] : memref<10000x128xbf16, #tpu.memory_space<hbm>> -> memref<10000x128xbf16, #tpu.memory_space<hbm>>
      tpu.wait_indirect_dma semaphore(%arg15 : memref<!tpu.dma_semaphore, #tpu.memory_space<semaphore_mem>>) src(%dma_wait3A_230 : memref<10000x128xbf16, #tpu.memory_space<hbm>>) dst(%dma_wait3A_224 : memref<128x128xbf16, #tpu.memory_space<vmem>>)
      %add3A_231 = arith.constant 4 : i32
      %add3A_232 = arith.addi %mul3A_119, %add3A_231 : i32
      %dma_start3A_233 = arith.constant 4 : i32
      %dma_start3A_234 = arith.constant 0 : i32
      %dma_start3A_235 = arith.constant 0 : i32
      %dma_start3A_236 = tpu.memref_slice %arg9[%dma_start3A_233, %dma_start3A_234, %dma_start3A_235] : memref<8x128x128xbf16, #tpu.memory_space<vmem>> -> memref<1x128x128xbf16, #tpu.memory_space<vmem>>
      %dma_start3A_237 = tpu.memref_squeeze %dma_start3A_236 : memref<1x128x128xbf16, #tpu.memory_space<vmem>> -> memref<128x128xbf16, #tpu.memory_space<vmem>>
      %dma_start3A_238 = arith.constant 0 : i32
      %dma_start3A_239 = tpu.memref_slice %arg8[%add3A_232, %dma_start3A_238] : memref<80x128xi32, #tpu.memory_space<vmem>> -> memref<1x128xi32, #tpu.memory_space<vmem>>
      %dma_start3A_240 = tpu.memref_squeeze %dma_start3A_239 : memref<1x128xi32, #tpu.memory_space<vmem>> -> memref<128xi32, #tpu.memory_space<vmem>>
      %dma_start3A_241 = arith.constant 0 : i32
      %dma_start3A_242 = arith.constant 0 : i32
      %dma_start3A_243 = tpu.memref_slice %arg10[%dma_start3A_241, %dma_start3A_242] : memref<10240x128xbf16, #tpu.memory_space<vmem_shared>> -> memref<10240x128xbf16, #tpu.memory_space<vmem_shared>>
      tpu.enqueue_indirect_dma source(%dma_start3A_237 : memref<128x128xbf16, #tpu.memory_space<vmem>>) target(%dma_start3A_243 : memref<10240x128xbf16, #tpu.memory_space<vmem_shared>>) offsets(%dma_start3A_240 : memref<128xi32, #tpu.memory_space<vmem>>) semaphore(%arg23 : memref<!tpu.dma_semaphore, #tpu.memory_space<semaphore_mem>>) {add = true}
      %dma_wait3A_244 = arith.constant 0 : i32
      %dma_wait3A_245 = arith.constant 5 : i32
      %dma_wait3A_246 = arith.constant 0 : i32
      %dma_wait3A_247 = arith.constant 0 : i32
      %dma_wait3A_248 = tpu.memref_slice %arg9[%dma_wait3A_245, %dma_wait3A_246, %dma_wait3A_247] : memref<8x128x128xbf16, #tpu.memory_space<vmem>> -> memref<1x128x128xbf16, #tpu.memory_space<vmem>>
      %dma_wait3A_249 = tpu.memref_squeeze %dma_wait3A_248 : memref<1x128x128xbf16, #tpu.memory_space<vmem>> -> memref<128x128xbf16, #tpu.memory_space<vmem>>
      %dma_wait3A_250 = arith.constant 0 : i32
      %dma_wait3A_251 = tpu.memref_slice %arg7[%dma_wait3A_244, %dma_wait3A_250] : memref<80x128xi32, #tpu.memory_space<vmem>> -> memref<1x128xi32, #tpu.memory_space<vmem>>
      %dma_wait3A_252 = tpu.memref_squeeze %dma_wait3A_251 : memref<1x128xi32, #tpu.memory_space<vmem>> -> memref<128xi32, #tpu.memory_space<vmem>>
      %dma_wait3A_253 = arith.constant 0 : i32
      %dma_wait3A_254 = arith.constant 0 : i32
      %dma_wait3A_255 = tpu.memref_slice %arg2[%dma_wait3A_253, %dma_wait3A_254] : memref<10000x128xbf16, #tpu.memory_space<hbm>> -> memref<10000x128xbf16, #tpu.memory_space<hbm>>
      tpu.wait_indirect_dma semaphore(%arg16 : memref<!tpu.dma_semaphore, #tpu.memory_space<semaphore_mem>>) src(%dma_wait3A_255 : memref<10000x128xbf16, #tpu.memory_space<hbm>>) dst(%dma_wait3A_249 : memref<128x128xbf16, #tpu.memory_space<vmem>>)
      %add3A_256 = arith.constant 5 : i32
      %add3A_257 = arith.addi %mul3A_119, %add3A_256 : i32
      %dma_start3A_258 = arith.constant 5 : i32
      %dma_start3A_259 = arith.constant 0 : i32
      %dma_start3A_260 = arith.constant 0 : i32
      %dma_start3A_261 = tpu.memref_slice %arg9[%dma_start3A_258, %dma_start3A_259, %dma_start3A_260] : memref<8x128x128xbf16, #tpu.memory_space<vmem>> -> memref<1x128x128xbf16, #tpu.memory_space<vmem>>
      %dma_start3A_262 = tpu.memref_squeeze %dma_start3A_261 : memref<1x128x128xbf16, #tpu.memory_space<vmem>> -> memref<128x128xbf16, #tpu.memory_space<vmem>>
      %dma_start3A_263 = arith.constant 0 : i32
      %dma_start3A_264 = tpu.memref_slice %arg8[%add3A_257, %dma_start3A_263] : memref<80x128xi32, #tpu.memory_space<vmem>> -> memref<1x128xi32, #tpu.memory_space<vmem>>
      %dma_start3A_265 = tpu.memref_squeeze %dma_start3A_264 : memref<1x128xi32, #tpu.memory_space<vmem>> -> memref<128xi32, #tpu.memory_space<vmem>>
      %dma_start3A_266 = arith.constant 0 : i32
      %dma_start3A_267 = arith.constant 0 : i32
      %dma_start3A_268 = tpu.memref_slice %arg10[%dma_start3A_266, %dma_start3A_267] : memref<10240x128xbf16, #tpu.memory_space<vmem_shared>> -> memref<10240x128xbf16, #tpu.memory_space<vmem_shared>>
      tpu.enqueue_indirect_dma source(%dma_start3A_262 : memref<128x128xbf16, #tpu.memory_space<vmem>>) target(%dma_start3A_268 : memref<10240x128xbf16, #tpu.memory_space<vmem_shared>>) offsets(%dma_start3A_265 : memref<128xi32, #tpu.memory_space<vmem>>) semaphore(%arg24 : memref<!tpu.dma_semaphore, #tpu.memory_space<semaphore_mem>>) {add = true}
      %dma_wait3A_269 = arith.constant 0 : i32
      %dma_wait3A_270 = arith.constant 6 : i32
      %dma_wait3A_271 = arith.constant 0 : i32
      %dma_wait3A_272 = arith.constant 0 : i32
      %dma_wait3A_273 = tpu.memref_slice %arg9[%dma_wait3A_270, %dma_wait3A_271, %dma_wait3A_272] : memref<8x128x128xbf16, #tpu.memory_space<vmem>> -> memref<1x128x128xbf16, #tpu.memory_space<vmem>>
      %dma_wait3A_274 = tpu.memref_squeeze %dma_wait3A_273 : memref<1x128x128xbf16, #tpu.memory_space<vmem>> -> memref<128x128xbf16, #tpu.memory_space<vmem>>
      %dma_wait3A_275 = arith.constant 0 : i32
      %dma_wait3A_276 = tpu.memref_slice %arg7[%dma_wait3A_269, %dma_wait3A_275] : memref<80x128xi32, #tpu.memory_space<vmem>> -> memref<1x128xi32, #tpu.memory_space<vmem>>
      %dma_wait3A_277 = tpu.memref_squeeze %dma_wait3A_276 : memref<1x128xi32, #tpu.memory_space<vmem>> -> memref<128xi32, #tpu.memory_space<vmem>>
      %dma_wait3A_278 = arith.constant 0 : i32
      %dma_wait3A_279 = arith.constant 0 : i32
      %dma_wait3A_280 = tpu.memref_slice %arg2[%dma_wait3A_278, %dma_wait3A_279] : memref<10000x128xbf16, #tpu.memory_space<hbm>> -> memref<10000x128xbf16, #tpu.memory_space<hbm>>
      tpu.wait_indirect_dma semaphore(%arg17 : memref<!tpu.dma_semaphore, #tpu.memory_space<semaphore_mem>>) src(%dma_wait3A_280 : memref<10000x128xbf16, #tpu.memory_space<hbm>>) dst(%dma_wait3A_274 : memref<128x128xbf16, #tpu.memory_space<vmem>>)
      %add3A_281 = arith.constant 6 : i32
      %add3A_282 = arith.addi %mul3A_119, %add3A_281 : i32
      %dma_start3A_283 = arith.constant 6 : i32
      %dma_start3A_284 = arith.constant 0 : i32
      %dma_start3A_285 = arith.constant 0 : i32
      %dma_start3A_286 = tpu.memref_slice %arg9[%dma_start3A_283, %dma_start3A_284, %dma_start3A_285] : memref<8x128x128xbf16, #tpu.memory_space<vmem>> -> memref<1x128x128xbf16, #tpu.memory_space<vmem>>
      %dma_start3A_287 = tpu.memref_squeeze %dma_start3A_286 : memref<1x128x128xbf16, #tpu.memory_space<vmem>> -> memref<128x128xbf16, #tpu.memory_space<vmem>>
      %dma_start3A_288 = arith.constant 0 : i32
      %dma_start3A_289 = tpu.memref_slice %arg8[%add3A_282, %dma_start3A_288] : memref<80x128xi32, #tpu.memory_space<vmem>> -> memref<1x128xi32, #tpu.memory_space<vmem>>
      %dma_start3A_290 = tpu.memref_squeeze %dma_start3A_289 : memref<1x128xi32, #tpu.memory_space<vmem>> -> memref<128xi32, #tpu.memory_space<vmem>>
      %dma_start3A_291 = arith.constant 0 : i32
      %dma_start3A_292 = arith.constant 0 : i32
      %dma_start3A_293 = tpu.memref_slice %arg10[%dma_start3A_291, %dma_start3A_292] : memref<10240x128xbf16, #tpu.memory_space<vmem_shared>> -> memref<10240x128xbf16, #tpu.memory_space<vmem_shared>>
      tpu.enqueue_indirect_dma source(%dma_start3A_287 : memref<128x128xbf16, #tpu.memory_space<vmem>>) target(%dma_start3A_293 : memref<10240x128xbf16, #tpu.memory_space<vmem_shared>>) offsets(%dma_start3A_290 : memref<128xi32, #tpu.memory_space<vmem>>) semaphore(%arg25 : memref<!tpu.dma_semaphore, #tpu.memory_space<semaphore_mem>>) {add = true}
      %dma_wait3A_294 = arith.constant 0 : i32
      %dma_wait3A_295 = arith.constant 7 : i32
      %dma_wait3A_296 = arith.constant 0 : i32
      %dma_wait3A_297 = arith.constant 0 : i32
      %dma_wait3A_298 = tpu.memref_slice %arg9[%dma_wait3A_295, %dma_wait3A_296, %dma_wait3A_297] : memref<8x128x128xbf16, #tpu.memory_space<vmem>> -> memref<1x128x128xbf16, #tpu.memory_space<vmem>>
      %dma_wait3A_299 = tpu.memref_squeeze %dma_wait3A_298 : memref<1x128x128xbf16, #tpu.memory_space<vmem>> -> memref<128x128xbf16, #tpu.memory_space<vmem>>
      %dma_wait3A_300 = arith.constant 0 : i32
      %dma_wait3A_301 = tpu.memref_slice %arg7[%dma_wait3A_294, %dma_wait3A_300] : memref<80x128xi32, #tpu.memory_space<vmem>> -> memref<1x128xi32, #tpu.memory_space<vmem>>
      %dma_wait3A_302 = tpu.memref_squeeze %dma_wait3A_301 : memref<1x128xi32, #tpu.memory_space<vmem>> -> memref<128xi32, #tpu.memory_space<vmem>>
      %dma_wait3A_303 = arith.constant 0 : i32
      %dma_wait3A_304 = arith.constant 0 : i32
      %dma_wait3A_305 = tpu.memref_slice %arg2[%dma_wait3A_303, %dma_wait3A_304] : memref<10000x128xbf16, #tpu.memory_space<hbm>> -> memref<10000x128xbf16, #tpu.memory_space<hbm>>
      tpu.wait_indirect_dma semaphore(%arg18 : memref<!tpu.dma_semaphore, #tpu.memory_space<semaphore_mem>>) src(%dma_wait3A_305 : memref<10000x128xbf16, #tpu.memory_space<hbm>>) dst(%dma_wait3A_299 : memref<128x128xbf16, #tpu.memory_space<vmem>>)
      %add3A_306 = arith.constant 7 : i32
      %add3A_307 = arith.addi %mul3A_119, %add3A_306 : i32
      %dma_start3A_308 = arith.constant 7 : i32
      %dma_start3A_309 = arith.constant 0 : i32
      %dma_start3A_310 = arith.constant 0 : i32
      %dma_start3A_311 = tpu.memref_slice %arg9[%dma_start3A_308, %dma_start3A_309, %dma_start3A_310] : memref<8x128x128xbf16, #tpu.memory_space<vmem>> -> memref<1x128x128xbf16, #tpu.memory_space<vmem>>
      %dma_start3A_312 = tpu.memref_squeeze %dma_start3A_311 : memref<1x128x128xbf16, #tpu.memory_space<vmem>> -> memref<128x128xbf16, #tpu.memory_space<vmem>>
      %dma_start3A_313 = arith.constant 0 : i32
      %dma_start3A_314 = tpu.memref_slice %arg8[%add3A_307, %dma_start3A_313] : memref<80x128xi32, #tpu.memory_space<vmem>> -> memref<1x128xi32, #tpu.memory_space<vmem>>
      %dma_start3A_315 = tpu.memref_squeeze %dma_start3A_314 : memref<1x128xi32, #tpu.memory_space<vmem>> -> memref<128xi32, #tpu.memory_space<vmem>>
      %dma_start3A_316 = arith.constant 0 : i32
      %dma_start3A_317 = arith.constant 0 : i32
      %dma_start3A_318 = tpu.memref_slice %arg10[%dma_start3A_316, %dma_start3A_317] : memref<10240x128xbf16, #tpu.memory_space<vmem_shared>> -> memref<10240x128xbf16, #tpu.memory_space<vmem_shared>>
      tpu.enqueue_indirect_dma source(%dma_start3A_312 : memref<128x128xbf16, #tpu.memory_space<vmem>>) target(%dma_start3A_318 : memref<10240x128xbf16, #tpu.memory_space<vmem_shared>>) offsets(%dma_start3A_315 : memref<128xi32, #tpu.memory_space<vmem>>) semaphore(%arg26 : memref<!tpu.dma_semaphore, #tpu.memory_space<semaphore_mem>>) {add = true}
      %dma_wait3A_319 = arith.constant 0 : i32
      %dma_wait3A_320 = arith.constant 0 : i32
      %dma_wait3A_321 = arith.constant 0 : i32
      %dma_wait3A_322 = arith.constant 0 : i32
      %dma_wait3A_323 = tpu.memref_slice %arg9[%dma_wait3A_319, %dma_wait3A_321, %dma_wait3A_322] : memref<8x128x128xbf16, #tpu.memory_space<vmem>> -> memref<1x128x128xbf16, #tpu.memory_space<vmem>>
      %dma_wait3A_324 = tpu.memref_squeeze %dma_wait3A_323 : memref<1x128x128xbf16, #tpu.memory_space<vmem>> -> memref<128x128xbf16, #tpu.memory_space<vmem>>
      %dma_wait3A_325 = arith.constant 0 : i32
      %dma_wait3A_326 = tpu.memref_slice %arg8[%dma_wait3A_320, %dma_wait3A_325] : memref<80x128xi32, #tpu.memory_space<vmem>> -> memref<1x128xi32, #tpu.memory_space<vmem>>
      %dma_wait3A_327 = tpu.memref_squeeze %dma_wait3A_326 : memref<1x128xi32, #tpu.memory_space<vmem>> -> memref<128xi32, #tpu.memory_space<vmem>>
      %dma_wait3A_328 = arith.constant 0 : i32
      %dma_wait3A_329 = arith.constant 0 : i32
      %dma_wait3A_330 = tpu.memref_slice %arg10[%dma_wait3A_328, %dma_wait3A_329] : memref<10240x128xbf16, #tpu.memory_space<vmem_shared>> -> memref<10240x128xbf16, #tpu.memory_space<vmem_shared>>
      tpu.wait_indirect_dma semaphore(%arg19 : memref<!tpu.dma_semaphore, #tpu.memory_space<semaphore_mem>>) src(%dma_wait3A_324 : memref<128x128xbf16, #tpu.memory_space<vmem>>) dst(%dma_wait3A_330 : memref<10240x128xbf16, #tpu.memory_space<vmem_shared>>)
      %lt3A = arith.constant 9 : i32
      %lt3A_331 = arith.cmpi slt, %scan3A_116, %lt3A : i32
      %convert_element_type3A = arith.extui %lt3A_331 : i1 to i32
      %cond3A = arith.constant 0 : i32
      %cond3A_332 = arith.cmpi ne, %convert_element_type3A, %cond3A : i32
      scf.if %cond3A_332 {
        %add3A_453 = arith.constant 8 : i32
        %add3A_454 = arith.addi %mul3A_119, %add3A_453 : i32
        %add3A_455 = arith.constant 0 : i32
        %add3A_456 = arith.addi %add3A_454, %add3A_455 : i32
        %dma_start3A_457 = arith.constant 0 : i32
        %dma_start3A_458 = arith.constant 0 : i32
        %dma_start3A_459 = arith.constant 0 : i32
        %dma_start3A_460 = tpu.memref_slice %arg9[%dma_start3A_457, %dma_start3A_458, %dma_start3A_459] : memref<8x128x128xbf16, #tpu.memory_space<vmem>> -> memref<1x128x128xbf16, #tpu.memory_space<vmem>>
        %dma_start3A_461 = tpu.memref_squeeze %dma_start3A_460 : memref<1x128x128xbf16, #tpu.memory_space<vmem>> -> memref<128x128xbf16, #tpu.memory_space<vmem>>
        %dma_start3A_462 = arith.constant 0 : i32
        %dma_start3A_463 = tpu.memref_slice %arg7[%add3A_456, %dma_start3A_462] : memref<80x128xi32, #tpu.memory_space<vmem>> -> memref<1x128xi32, #tpu.memory_space<vmem>>
        %dma_start3A_464 = tpu.memref_squeeze %dma_start3A_463 : memref<1x128xi32, #tpu.memory_space<vmem>> -> memref<128xi32, #tpu.memory_space<vmem>>
        %dma_start3A_465 = arith.constant 0 : i32
        %dma_start3A_466 = arith.constant 0 : i32
        %dma_start3A_467 = tpu.memref_slice %arg2[%dma_start3A_465, %dma_start3A_466] : memref<10000x128xbf16, #tpu.memory_space<hbm>> -> memref<10000x128xbf16, #tpu.memory_space<hbm>>
        tpu.enqueue_indirect_dma source(%dma_start3A_467 : memref<10000x128xbf16, #tpu.memory_space<hbm>>) target(%dma_start3A_461 : memref<128x128xbf16, #tpu.memory_space<vmem>>) offsets(%dma_start3A_464 : memref<128xi32, #tpu.memory_space<vmem>>) semaphore(%arg11 : memref<!tpu.dma_semaphore, #tpu.memory_space<semaphore_mem>>)
      } else {
      }
      %dma_wait3A_333 = arith.constant 1 : i32
      %dma_wait3A_334 = arith.constant 0 : i32
      %dma_wait3A_335 = arith.constant 0 : i32
      %dma_wait3A_336 = arith.constant 0 : i32
      %dma_wait3A_337 = tpu.memref_slice %arg9[%dma_wait3A_333, %dma_wait3A_335, %dma_wait3A_336] : memref<8x128x128xbf16, #tpu.memory_space<vmem>> -> memref<1x128x128xbf16, #tpu.memory_space<vmem>>
      %dma_wait3A_338 = tpu.memref_squeeze %dma_wait3A_337 : memref<1x128x128xbf16, #tpu.memory_space<vmem>> -> memref<128x128xbf16, #tpu.memory_space<vmem>>
      %dma_wait3A_339 = arith.constant 0 : i32
      %dma_wait3A_340 = tpu.memref_slice %arg8[%dma_wait3A_334, %dma_wait3A_339] : memref<80x128xi32, #tpu.memory_space<vmem>> -> memref<1x128xi32, #tpu.memory_space<vmem>>
      %dma_wait3A_341 = tpu.memref_squeeze %dma_wait3A_340 : memref<1x128xi32, #tpu.memory_space<vmem>> -> memref<128xi32, #tpu.memory_space<vmem>>
      %dma_wait3A_342 = arith.constant 0 : i32
      %dma_wait3A_343 = arith.constant 0 : i32
      %dma_wait3A_344 = tpu.memref_slice %arg10[%dma_wait3A_342, %dma_wait3A_343] : memref<10240x128xbf16, #tpu.memory_space<vmem_shared>> -> memref<10240x128xbf16, #tpu.memory_space<vmem_shared>>
      tpu.wait_indirect_dma semaphore(%arg20 : memref<!tpu.dma_semaphore, #tpu.memory_space<semaphore_mem>>) src(%dma_wait3A_338 : memref<128x128xbf16, #tpu.memory_space<vmem>>) dst(%dma_wait3A_344 : memref<10240x128xbf16, #tpu.memory_space<vmem_shared>>)
      %lt3A_345 = arith.constant 9 : i32
      %lt3A_346 = arith.cmpi slt, %scan3A_116, %lt3A_345 : i32
      %convert_element_type3A_347 = arith.extui %lt3A_346 : i1 to i32
      %cond3A_348 = arith.constant 0 : i32
      %cond3A_349 = arith.cmpi ne, %convert_element_type3A_347, %cond3A_348 : i32
      scf.if %cond3A_349 {
        %add3A_453 = arith.constant 8 : i32
        %add3A_454 = arith.addi %mul3A_119, %add3A_453 : i32
        %add3A_455 = arith.constant 1 : i32
        %add3A_456 = arith.addi %add3A_454, %add3A_455 : i32
        %dma_start3A_457 = arith.constant 1 : i32
        %dma_start3A_458 = arith.constant 0 : i32
        %dma_start3A_459 = arith.constant 0 : i32
        %dma_start3A_460 = tpu.memref_slice %arg9[%dma_start3A_457, %dma_start3A_458, %dma_start3A_459] : memref<8x128x128xbf16, #tpu.memory_space<vmem>> -> memref<1x128x128xbf16, #tpu.memory_space<vmem>>
        %dma_start3A_461 = tpu.memref_squeeze %dma_start3A_460 : memref<1x128x128xbf16, #tpu.memory_space<vmem>> -> memref<128x128xbf16, #tpu.memory_space<vmem>>
        %dma_start3A_462 = arith.constant 0 : i32
        %dma_start3A_463 = tpu.memref_slice %arg7[%add3A_456, %dma_start3A_462] : memref<80x128xi32, #tpu.memory_space<vmem>> -> memref<1x128xi32, #tpu.memory_space<vmem>>
        %dma_start3A_464 = tpu.memref_squeeze %dma_start3A_463 : memref<1x128xi32, #tpu.memory_space<vmem>> -> memref<128xi32, #tpu.memory_space<vmem>>
        %dma_start3A_465 = arith.constant 0 : i32
        %dma_start3A_466 = arith.constant 0 : i32
        %dma_start3A_467 = tpu.memref_slice %arg2[%dma_start3A_465, %dma_start3A_466] : memref<10000x128xbf16, #tpu.memory_space<hbm>> -> memref<10000x128xbf16, #tpu.memory_space<hbm>>
        tpu.enqueue_indirect_dma source(%dma_start3A_467 : memref<10000x128xbf16, #tpu.memory_space<hbm>>) target(%dma_start3A_461 : memref<128x128xbf16, #tpu.memory_space<vmem>>) offsets(%dma_start3A_464 : memref<128xi32, #tpu.memory_space<vmem>>) semaphore(%arg12 : memref<!tpu.dma_semaphore, #tpu.memory_space<semaphore_mem>>)
      } else {
      }
      %dma_wait3A_350 = arith.constant 2 : i32
      %dma_wait3A_351 = arith.constant 0 : i32
      %dma_wait3A_352 = arith.constant 0 : i32
      %dma_wait3A_353 = arith.constant 0 : i32
      %dma_wait3A_354 = tpu.memref_slice %arg9[%dma_wait3A_350, %dma_wait3A_352, %dma_wait3A_353] : memref<8x128x128xbf16, #tpu.memory_space<vmem>> -> memref<1x128x128xbf16, #tpu.memory_space<vmem>>
      %dma_wait3A_355 = tpu.memref_squeeze %dma_wait3A_354 : memref<1x128x128xbf16, #tpu.memory_space<vmem>> -> memref<128x128xbf16, #tpu.memory_space<vmem>>
      %dma_wait3A_356 = arith.constant 0 : i32
      %dma_wait3A_357 = tpu.memref_slice %arg8[%dma_wait3A_351, %dma_wait3A_356] : memref<80x128xi32, #tpu.memory_space<vmem>> -> memref<1x128xi32, #tpu.memory_space<vmem>>
      %dma_wait3A_358 = tpu.memref_squeeze %dma_wait3A_357 : memref<1x128xi32, #tpu.memory_space<vmem>> -> memref<128xi32, #tpu.memory_space<vmem>>
      %dma_wait3A_359 = arith.constant 0 : i32
      %dma_wait3A_360 = arith.constant 0 : i32
      %dma_wait3A_361 = tpu.memref_slice %arg10[%dma_wait3A_359, %dma_wait3A_360] : memref<10240x128xbf16, #tpu.memory_space<vmem_shared>> -> memref<10240x128xbf16, #tpu.memory_space<vmem_shared>>
      tpu.wait_indirect_dma semaphore(%arg21 : memref<!tpu.dma_semaphore, #tpu.memory_space<semaphore_mem>>) src(%dma_wait3A_355 : memref<128x128xbf16, #tpu.memory_space<vmem>>) dst(%dma_wait3A_361 : memref<10240x128xbf16, #tpu.memory_space<vmem_shared>>)
      %lt3A_362 = arith.constant 9 : i32
      %lt3A_363 = arith.cmpi slt, %scan3A_116, %lt3A_362 : i32
      %convert_element_type3A_364 = arith.extui %lt3A_363 : i1 to i32
      %cond3A_365 = arith.constant 0 : i32
      %cond3A_366 = arith.cmpi ne, %convert_element_type3A_364, %cond3A_365 : i32
      scf.if %cond3A_366 {
        %add3A_453 = arith.constant 8 : i32
        %add3A_454 = arith.addi %mul3A_119, %add3A_453 : i32
        %add3A_455 = arith.constant 2 : i32
        %add3A_456 = arith.addi %add3A_454, %add3A_455 : i32
        %dma_start3A_457 = arith.constant 2 : i32
        %dma_start3A_458 = arith.constant 0 : i32
        %dma_start3A_459 = arith.constant 0 : i32
        %dma_start3A_460 = tpu.memref_slice %arg9[%dma_start3A_457, %dma_start3A_458, %dma_start3A_459] : memref<8x128x128xbf16, #tpu.memory_space<vmem>> -> memref<1x128x128xbf16, #tpu.memory_space<vmem>>
        %dma_start3A_461 = tpu.memref_squeeze %dma_start3A_460 : memref<1x128x128xbf16, #tpu.memory_space<vmem>> -> memref<128x128xbf16, #tpu.memory_space<vmem>>
        %dma_start3A_462 = arith.constant 0 : i32
        %dma_start3A_463 = tpu.memref_slice %arg7[%add3A_456, %dma_start3A_462] : memref<80x128xi32, #tpu.memory_space<vmem>> -> memref<1x128xi32, #tpu.memory_space<vmem>>
        %dma_start3A_464 = tpu.memref_squeeze %dma_start3A_463 : memref<1x128xi32, #tpu.memory_space<vmem>> -> memref<128xi32, #tpu.memory_space<vmem>>
        %dma_start3A_465 = arith.constant 0 : i32
        %dma_start3A_466 = arith.constant 0 : i32
        %dma_start3A_467 = tpu.memref_slice %arg2[%dma_start3A_465, %dma_start3A_466] : memref<10000x128xbf16, #tpu.memory_space<hbm>> -> memref<10000x128xbf16, #tpu.memory_space<hbm>>
        tpu.enqueue_indirect_dma source(%dma_start3A_467 : memref<10000x128xbf16, #tpu.memory_space<hbm>>) target(%dma_start3A_461 : memref<128x128xbf16, #tpu.memory_space<vmem>>) offsets(%dma_start3A_464 : memref<128xi32, #tpu.memory_space<vmem>>) semaphore(%arg13 : memref<!tpu.dma_semaphore, #tpu.memory_space<semaphore_mem>>)
      } else {
      }
      %dma_wait3A_367 = arith.constant 3 : i32
      %dma_wait3A_368 = arith.constant 0 : i32
      %dma_wait3A_369 = arith.constant 0 : i32
      %dma_wait3A_370 = arith.constant 0 : i32
      %dma_wait3A_371 = tpu.memref_slice %arg9[%dma_wait3A_367, %dma_wait3A_369, %dma_wait3A_370] : memref<8x128x128xbf16, #tpu.memory_space<vmem>> -> memref<1x128x128xbf16, #tpu.memory_space<vmem>>
      %dma_wait3A_372 = tpu.memref_squeeze %dma_wait3A_371 : memref<1x128x128xbf16, #tpu.memory_space<vmem>> -> memref<128x128xbf16, #tpu.memory_space<vmem>>
      %dma_wait3A_373 = arith.constant 0 : i32
      %dma_wait3A_374 = tpu.memref_slice %arg8[%dma_wait3A_368, %dma_wait3A_373] : memref<80x128xi32, #tpu.memory_space<vmem>> -> memref<1x128xi32, #tpu.memory_space<vmem>>
      %dma_wait3A_375 = tpu.memref_squeeze %dma_wait3A_374 : memref<1x128xi32, #tpu.memory_space<vmem>> -> memref<128xi32, #tpu.memory_space<vmem>>
      %dma_wait3A_376 = arith.constant 0 : i32
      %dma_wait3A_377 = arith.constant 0 : i32
      %dma_wait3A_378 = tpu.memref_slice %arg10[%dma_wait3A_376, %dma_wait3A_377] : memref<10240x128xbf16, #tpu.memory_space<vmem_shared>> -> memref<10240x128xbf16, #tpu.memory_space<vmem_shared>>
      tpu.wait_indirect_dma semaphore(%arg22 : memref<!tpu.dma_semaphore, #tpu.memory_space<semaphore_mem>>) src(%dma_wait3A_372 : memref<128x128xbf16, #tpu.memory_space<vmem>>) dst(%dma_wait3A_378 : memref<10240x128xbf16, #tpu.memory_space<vmem_shared>>)
      %lt3A_379 = arith.constant 9 : i32
      %lt3A_380 = arith.cmpi slt, %scan3A_116, %lt3A_379 : i32
      %convert_element_type3A_381 = arith.extui %lt3A_380 : i1 to i32
      %cond3A_382 = arith.constant 0 : i32
      %cond3A_383 = arith.cmpi ne, %convert_element_type3A_381, %cond3A_382 : i32
      scf.if %cond3A_383 {
        %add3A_453 = arith.constant 8 : i32
        %add3A_454 = arith.addi %mul3A_119, %add3A_453 : i32
        %add3A_455 = arith.constant 3 : i32
        %add3A_456 = arith.addi %add3A_454, %add3A_455 : i32
        %dma_start3A_457 = arith.constant 3 : i32
        %dma_start3A_458 = arith.constant 0 : i32
        %dma_start3A_459 = arith.constant 0 : i32
        %dma_start3A_460 = tpu.memref_slice %arg9[%dma_start3A_457, %dma_start3A_458, %dma_start3A_459] : memref<8x128x128xbf16, #tpu.memory_space<vmem>> -> memref<1x128x128xbf16, #tpu.memory_space<vmem>>
        %dma_start3A_461 = tpu.memref_squeeze %dma_start3A_460 : memref<1x128x128xbf16, #tpu.memory_space<vmem>> -> memref<128x128xbf16, #tpu.memory_space<vmem>>
        %dma_start3A_462 = arith.constant 0 : i32
        %dma_start3A_463 = tpu.memref_slice %arg7[%add3A_456, %dma_start3A_462] : memref<80x128xi32, #tpu.memory_space<vmem>> -> memref<1x128xi32, #tpu.memory_space<vmem>>
        %dma_start3A_464 = tpu.memref_squeeze %dma_start3A_463 : memref<1x128xi32, #tpu.memory_space<vmem>> -> memref<128xi32, #tpu.memory_space<vmem>>
        %dma_start3A_465 = arith.constant 0 : i32
        %dma_start3A_466 = arith.constant 0 : i32
        %dma_start3A_467 = tpu.memref_slice %arg2[%dma_start3A_465, %dma_start3A_466] : memref<10000x128xbf16, #tpu.memory_space<hbm>> -> memref<10000x128xbf16, #tpu.memory_space<hbm>>
        tpu.enqueue_indirect_dma source(%dma_start3A_467 : memref<10000x128xbf16, #tpu.memory_space<hbm>>) target(%dma_start3A_461 : memref<128x128xbf16, #tpu.memory_space<vmem>>) offsets(%dma_start3A_464 : memref<128xi32, #tpu.memory_space<vmem>>) semaphore(%arg14 : memref<!tpu.dma_semaphore, #tpu.memory_space<semaphore_mem>>)
      } else {
      }
      %dma_wait3A_384 = arith.constant 4 : i32
      %dma_wait3A_385 = arith.constant 0 : i32
      %dma_wait3A_386 = arith.constant 0 : i32
      %dma_wait3A_387 = arith.constant 0 : i32
      %dma_wait3A_388 = tpu.memref_slice %arg9[%dma_wait3A_384, %dma_wait3A_386, %dma_wait3A_387] : memref<8x128x128xbf16, #tpu.memory_space<vmem>> -> memref<1x128x128xbf16, #tpu.memory_space<vmem>>
      %dma_wait3A_389 = tpu.memref_squeeze %dma_wait3A_388 : memref<1x128x128xbf16, #tpu.memory_space<vmem>> -> memref<128x128xbf16, #tpu.memory_space<vmem>>
      %dma_wait3A_390 = arith.constant 0 : i32
      %dma_wait3A_391 = tpu.memref_slice %arg8[%dma_wait3A_385, %dma_wait3A_390] : memref<80x128xi32, #tpu.memory_space<vmem>> -> memref<1x128xi32, #tpu.memory_space<vmem>>
      %dma_wait3A_392 = tpu.memref_squeeze %dma_wait3A_391 : memref<1x128xi32, #tpu.memory_space<vmem>> -> memref<128xi32, #tpu.memory_space<vmem>>
      %dma_wait3A_393 = arith.constant 0 : i32
      %dma_wait3A_394 = arith.constant 0 : i32
      %dma_wait3A_395 = tpu.memref_slice %arg10[%dma_wait3A_393, %dma_wait3A_394] : memref<10240x128xbf16, #tpu.memory_space<vmem_shared>> -> memref<10240x128xbf16, #tpu.memory_space<vmem_shared>>
      tpu.wait_indirect_dma semaphore(%arg23 : memref<!tpu.dma_semaphore, #tpu.memory_space<semaphore_mem>>) src(%dma_wait3A_389 : memref<128x128xbf16, #tpu.memory_space<vmem>>) dst(%dma_wait3A_395 : memref<10240x128xbf16, #tpu.memory_space<vmem_shared>>)
      %lt3A_396 = arith.constant 9 : i32
      %lt3A_397 = arith.cmpi slt, %scan3A_116, %lt3A_396 : i32
      %convert_element_type3A_398 = arith.extui %lt3A_397 : i1 to i32
      %cond3A_399 = arith.constant 0 : i32
      %cond3A_400 = arith.cmpi ne, %convert_element_type3A_398, %cond3A_399 : i32
      scf.if %cond3A_400 {
        %add3A_453 = arith.constant 8 : i32
        %add3A_454 = arith.addi %mul3A_119, %add3A_453 : i32
        %add3A_455 = arith.constant 4 : i32
        %add3A_456 = arith.addi %add3A_454, %add3A_455 : i32
        %dma_start3A_457 = arith.constant 4 : i32
        %dma_start3A_458 = arith.constant 0 : i32
        %dma_start3A_459 = arith.constant 0 : i32
        %dma_start3A_460 = tpu.memref_slice %arg9[%dma_start3A_457, %dma_start3A_458, %dma_start3A_459] : memref<8x128x128xbf16, #tpu.memory_space<vmem>> -> memref<1x128x128xbf16, #tpu.memory_space<vmem>>
        %dma_start3A_461 = tpu.memref_squeeze %dma_start3A_460 : memref<1x128x128xbf16, #tpu.memory_space<vmem>> -> memref<128x128xbf16, #tpu.memory_space<vmem>>
        %dma_start3A_462 = arith.constant 0 : i32
        %dma_start3A_463 = tpu.memref_slice %arg7[%add3A_456, %dma_start3A_462] : memref<80x128xi32, #tpu.memory_space<vmem>> -> memref<1x128xi32, #tpu.memory_space<vmem>>
        %dma_start3A_464 = tpu.memref_squeeze %dma_start3A_463 : memref<1x128xi32, #tpu.memory_space<vmem>> -> memref<128xi32, #tpu.memory_space<vmem>>
        %dma_start3A_465 = arith.constant 0 : i32
        %dma_start3A_466 = arith.constant 0 : i32
        %dma_start3A_467 = tpu.memref_slice %arg2[%dma_start3A_465, %dma_start3A_466] : memref<10000x128xbf16, #tpu.memory_space<hbm>> -> memref<10000x128xbf16, #tpu.memory_space<hbm>>
        tpu.enqueue_indirect_dma source(%dma_start3A_467 : memref<10000x128xbf16, #tpu.memory_space<hbm>>) target(%dma_start3A_461 : memref<128x128xbf16, #tpu.memory_space<vmem>>) offsets(%dma_start3A_464 : memref<128xi32, #tpu.memory_space<vmem>>) semaphore(%arg15 : memref<!tpu.dma_semaphore, #tpu.memory_space<semaphore_mem>>)
      } else {
      }
      %dma_wait3A_401 = arith.constant 5 : i32
      %dma_wait3A_402 = arith.constant 0 : i32
      %dma_wait3A_403 = arith.constant 0 : i32
      %dma_wait3A_404 = arith.constant 0 : i32
      %dma_wait3A_405 = tpu.memref_slice %arg9[%dma_wait3A_401, %dma_wait3A_403, %dma_wait3A_404] : memref<8x128x128xbf16, #tpu.memory_space<vmem>> -> memref<1x128x128xbf16, #tpu.memory_space<vmem>>
      %dma_wait3A_406 = tpu.memref_squeeze %dma_wait3A_405 : memref<1x128x128xbf16, #tpu.memory_space<vmem>> -> memref<128x128xbf16, #tpu.memory_space<vmem>>
      %dma_wait3A_407 = arith.constant 0 : i32
      %dma_wait3A_408 = tpu.memref_slice %arg8[%dma_wait3A_402, %dma_wait3A_407] : memref<80x128xi32, #tpu.memory_space<vmem>> -> memref<1x128xi32, #tpu.memory_space<vmem>>
      %dma_wait3A_409 = tpu.memref_squeeze %dma_wait3A_408 : memref<1x128xi32, #tpu.memory_space<vmem>> -> memref<128xi32, #tpu.memory_space<vmem>>
      %dma_wait3A_410 = arith.constant 0 : i32
      %dma_wait3A_411 = arith.constant 0 : i32
      %dma_wait3A_412 = tpu.memref_slice %arg10[%dma_wait3A_410, %dma_wait3A_411] : memref<10240x128xbf16, #tpu.memory_space<vmem_shared>> -> memref<10240x128xbf16, #tpu.memory_space<vmem_shared>>
      tpu.wait_indirect_dma semaphore(%arg24 : memref<!tpu.dma_semaphore, #tpu.memory_space<semaphore_mem>>) src(%dma_wait3A_406 : memref<128x128xbf16, #tpu.memory_space<vmem>>) dst(%dma_wait3A_412 : memref<10240x128xbf16, #tpu.memory_space<vmem_shared>>)
      %lt3A_413 = arith.constant 9 : i32
      %lt3A_414 = arith.cmpi slt, %scan3A_116, %lt3A_413 : i32
      %convert_element_type3A_415 = arith.extui %lt3A_414 : i1 to i32
      %cond3A_416 = arith.constant 0 : i32
      %cond3A_417 = arith.cmpi ne, %convert_element_type3A_415, %cond3A_416 : i32
      scf.if %cond3A_417 {
        %add3A_453 = arith.constant 8 : i32
        %add3A_454 = arith.addi %mul3A_119, %add3A_453 : i32
        %add3A_455 = arith.constant 5 : i32
        %add3A_456 = arith.addi %add3A_454, %add3A_455 : i32
        %dma_start3A_457 = arith.constant 5 : i32
        %dma_start3A_458 = arith.constant 0 : i32
        %dma_start3A_459 = arith.constant 0 : i32
        %dma_start3A_460 = tpu.memref_slice %arg9[%dma_start3A_457, %dma_start3A_458, %dma_start3A_459] : memref<8x128x128xbf16, #tpu.memory_space<vmem>> -> memref<1x128x128xbf16, #tpu.memory_space<vmem>>
        %dma_start3A_461 = tpu.memref_squeeze %dma_start3A_460 : memref<1x128x128xbf16, #tpu.memory_space<vmem>> -> memref<128x128xbf16, #tpu.memory_space<vmem>>
        %dma_start3A_462 = arith.constant 0 : i32
        %dma_start3A_463 = tpu.memref_slice %arg7[%add3A_456, %dma_start3A_462] : memref<80x128xi32, #tpu.memory_space<vmem>> -> memref<1x128xi32, #tpu.memory_space<vmem>>
        %dma_start3A_464 = tpu.memref_squeeze %dma_start3A_463 : memref<1x128xi32, #tpu.memory_space<vmem>> -> memref<128xi32, #tpu.memory_space<vmem>>
        %dma_start3A_465 = arith.constant 0 : i32
        %dma_start3A_466 = arith.constant 0 : i32
        %dma_start3A_467 = tpu.memref_slice %arg2[%dma_start3A_465, %dma_start3A_466] : memref<10000x128xbf16, #tpu.memory_space<hbm>> -> memref<10000x128xbf16, #tpu.memory_space<hbm>>
        tpu.enqueue_indirect_dma source(%dma_start3A_467 : memref<10000x128xbf16, #tpu.memory_space<hbm>>) target(%dma_start3A_461 : memref<128x128xbf16, #tpu.memory_space<vmem>>) offsets(%dma_start3A_464 : memref<128xi32, #tpu.memory_space<vmem>>) semaphore(%arg16 : memref<!tpu.dma_semaphore, #tpu.memory_space<semaphore_mem>>)
      } else {
      }
      %dma_wait3A_418 = arith.constant 6 : i32
      %dma_wait3A_419 = arith.constant 0 : i32
      %dma_wait3A_420 = arith.constant 0 : i32
      %dma_wait3A_421 = arith.constant 0 : i32
      %dma_wait3A_422 = tpu.memref_slice %arg9[%dma_wait3A_418, %dma_wait3A_420, %dma_wait3A_421] : memref<8x128x128xbf16, #tpu.memory_space<vmem>> -> memref<1x128x128xbf16, #tpu.memory_space<vmem>>
      %dma_wait3A_423 = tpu.memref_squeeze %dma_wait3A_422 : memref<1x128x128xbf16, #tpu.memory_space<vmem>> -> memref<128x128xbf16, #tpu.memory_space<vmem>>
      %dma_wait3A_424 = arith.constant 0 : i32
      %dma_wait3A_425 = tpu.memref_slice %arg8[%dma_wait3A_419, %dma_wait3A_424] : memref<80x128xi32, #tpu.memory_space<vmem>> -> memref<1x128xi32, #tpu.memory_space<vmem>>
      %dma_wait3A_426 = tpu.memref_squeeze %dma_wait3A_425 : memref<1x128xi32, #tpu.memory_space<vmem>> -> memref<128xi32, #tpu.memory_space<vmem>>
      %dma_wait3A_427 = arith.constant 0 : i32
      %dma_wait3A_428 = arith.constant 0 : i32
      %dma_wait3A_429 = tpu.memref_slice %arg10[%dma_wait3A_427, %dma_wait3A_428] : memref<10240x128xbf16, #tpu.memory_space<vmem_shared>> -> memref<10240x128xbf16, #tpu.memory_space<vmem_shared>>
      tpu.wait_indirect_dma semaphore(%arg25 : memref<!tpu.dma_semaphore, #tpu.memory_space<semaphore_mem>>) src(%dma_wait3A_423 : memref<128x128xbf16, #tpu.memory_space<vmem>>) dst(%dma_wait3A_429 : memref<10240x128xbf16, #tpu.memory_space<vmem_shared>>)
      %lt3A_430 = arith.constant 9 : i32
      %lt3A_431 = arith.cmpi slt, %scan3A_116, %lt3A_430 : i32
      %convert_element_type3A_432 = arith.extui %lt3A_431 : i1 to i32
      %cond3A_433 = arith.constant 0 : i32
      %cond3A_434 = arith.cmpi ne, %convert_element_type3A_432, %cond3A_433 : i32
      scf.if %cond3A_434 {
        %add3A_453 = arith.constant 8 : i32
        %add3A_454 = arith.addi %mul3A_119, %add3A_453 : i32
        %add3A_455 = arith.constant 6 : i32
        %add3A_456 = arith.addi %add3A_454, %add3A_455 : i32
        %dma_start3A_457 = arith.constant 6 : i32
        %dma_start3A_458 = arith.constant 0 : i32
        %dma_start3A_459 = arith.constant 0 : i32
        %dma_start3A_460 = tpu.memref_slice %arg9[%dma_start3A_457, %dma_start3A_458, %dma_start3A_459] : memref<8x128x128xbf16, #tpu.memory_space<vmem>> -> memref<1x128x128xbf16, #tpu.memory_space<vmem>>
        %dma_start3A_461 = tpu.memref_squeeze %dma_start3A_460 : memref<1x128x128xbf16, #tpu.memory_space<vmem>> -> memref<128x128xbf16, #tpu.memory_space<vmem>>
        %dma_start3A_462 = arith.constant 0 : i32
        %dma_start3A_463 = tpu.memref_slice %arg7[%add3A_456, %dma_start3A_462] : memref<80x128xi32, #tpu.memory_space<vmem>> -> memref<1x128xi32, #tpu.memory_space<vmem>>
        %dma_start3A_464 = tpu.memref_squeeze %dma_start3A_463 : memref<1x128xi32, #tpu.memory_space<vmem>> -> memref<128xi32, #tpu.memory_space<vmem>>
        %dma_start3A_465 = arith.constant 0 : i32
        %dma_start3A_466 = arith.constant 0 : i32
        %dma_start3A_467 = tpu.memref_slice %arg2[%dma_start3A_465, %dma_start3A_466] : memref<10000x128xbf16, #tpu.memory_space<hbm>> -> memref<10000x128xbf16, #tpu.memory_space<hbm>>
        tpu.enqueue_indirect_dma source(%dma_start3A_467 : memref<10000x128xbf16, #tpu.memory_space<hbm>>) target(%dma_start3A_461 : memref<128x128xbf16, #tpu.memory_space<vmem>>) offsets(%dma_start3A_464 : memref<128xi32, #tpu.memory_space<vmem>>) semaphore(%arg17 : memref<!tpu.dma_semaphore, #tpu.memory_space<semaphore_mem>>)
      } else {
      }
      %dma_wait3A_435 = arith.constant 7 : i32
      %dma_wait3A_436 = arith.constant 0 : i32
      %dma_wait3A_437 = arith.constant 0 : i32
      %dma_wait3A_438 = arith.constant 0 : i32
      %dma_wait3A_439 = tpu.memref_slice %arg9[%dma_wait3A_435, %dma_wait3A_437, %dma_wait3A_438] : memref<8x128x128xbf16, #tpu.memory_space<vmem>> -> memref<1x128x128xbf16, #tpu.memory_space<vmem>>
      %dma_wait3A_440 = tpu.memref_squeeze %dma_wait3A_439 : memref<1x128x128xbf16, #tpu.memory_space<vmem>> -> memref<128x128xbf16, #tpu.memory_space<vmem>>
      %dma_wait3A_441 = arith.constant 0 : i32
      %dma_wait3A_442 = tpu.memref_slice %arg8[%dma_wait3A_436, %dma_wait3A_441] : memref<80x128xi32, #tpu.memory_space<vmem>> -> memref<1x128xi32, #tpu.memory_space<vmem>>
      %dma_wait3A_443 = tpu.memref_squeeze %dma_wait3A_442 : memref<1x128xi32, #tpu.memory_space<vmem>> -> memref<128xi32, #tpu.memory_space<vmem>>
      %dma_wait3A_444 = arith.constant 0 : i32
      %dma_wait3A_445 = arith.constant 0 : i32
      %dma_wait3A_446 = tpu.memref_slice %arg10[%dma_wait3A_444, %dma_wait3A_445] : memref<10240x128xbf16, #tpu.memory_space<vmem_shared>> -> memref<10240x128xbf16, #tpu.memory_space<vmem_shared>>
      tpu.wait_indirect_dma semaphore(%arg26 : memref<!tpu.dma_semaphore, #tpu.memory_space<semaphore_mem>>) src(%dma_wait3A_440 : memref<128x128xbf16, #tpu.memory_space<vmem>>) dst(%dma_wait3A_446 : memref<10240x128xbf16, #tpu.memory_space<vmem_shared>>)
      %lt3A_447 = arith.constant 9 : i32
      %lt3A_448 = arith.cmpi slt, %scan3A_116, %lt3A_447 : i32
      %convert_element_type3A_449 = arith.extui %lt3A_448 : i1 to i32
      %cond3A_450 = arith.constant 0 : i32
      %cond3A_451 = arith.cmpi ne, %convert_element_type3A_449, %cond3A_450 : i32
      scf.if %cond3A_451 {
        %add3A_453 = arith.constant 8 : i32
        %add3A_454 = arith.addi %mul3A_119, %add3A_453 : i32
        %add3A_455 = arith.constant 7 : i32
        %add3A_456 = arith.addi %add3A_454, %add3A_455 : i32
        %dma_start3A_457 = arith.constant 7 : i32
        %dma_start3A_458 = arith.constant 0 : i32
        %dma_start3A_459 = arith.constant 0 : i32
        %dma_start3A_460 = tpu.memref_slice %arg9[%dma_start3A_457, %dma_start3A_458, %dma_start3A_459] : memref<8x128x128xbf16, #tpu.memory_space<vmem>> -> memref<1x128x128xbf16, #tpu.memory_space<vmem>>
        %dma_start3A_461 = tpu.memref_squeeze %dma_start3A_460 : memref<1x128x128xbf16, #tpu.memory_space<vmem>> -> memref<128x128xbf16, #tpu.memory_space<vmem>>
        %dma_start3A_462 = arith.constant 0 : i32
        %dma_start3A_463 = tpu.memref_slice %arg7[%add3A_456, %dma_start3A_462] : memref<80x128xi32, #tpu.memory_space<vmem>> -> memref<1x128xi32, #tpu.memory_space<vmem>>
        %dma_start3A_464 = tpu.memref_squeeze %dma_start3A_463 : memref<1x128xi32, #tpu.memory_space<vmem>> -> memref<128xi32, #tpu.memory_space<vmem>>
        %dma_start3A_465 = arith.constant 0 : i32
        %dma_start3A_466 = arith.constant 0 : i32
        %dma_start3A_467 = tpu.memref_slice %arg2[%dma_start3A_465, %dma_start3A_466] : memref<10000x128xbf16, #tpu.memory_space<hbm>> -> memref<10000x128xbf16, #tpu.memory_space<hbm>>
        tpu.enqueue_indirect_dma source(%dma_start3A_467 : memref<10000x128xbf16, #tpu.memory_space<hbm>>) target(%dma_start3A_461 : memref<128x128xbf16, #tpu.memory_space<vmem>>) offsets(%dma_start3A_464 : memref<128xi32, #tpu.memory_space<vmem>>) semaphore(%arg18 : memref<!tpu.dma_semaphore, #tpu.memory_space<semaphore_mem>>)
      } else {
      }
      %scan3A_452 = arith.constant 0 : i32
      scf.yield %scan3A_452 : i32
    }
    %scan3A_107 = arith.constant 10 : i32
    %barrier3A_108 = arith.constant 0 : index
    tpu.barrier barrier_id(%barrier3A_108)
    %mul3A_109 = arith.constant 640 : i32
    %mul3A_110 = arith.muli %arg1, %mul3A_109 : i32
    %mul3A_111 = arith.constant 10240 : i32
    %mul3A_112 = arith.muli %arg0, %mul3A_111 : i32
    %mul3A_113 = arith.constant 640 : i32
    %mul3A_114 = arith.muli %arg1, %mul3A_113 : i32
    %add3A_115 = arith.addi %mul3A_112, %mul3A_114 : i32
    "tpu.region"() ({
      %run_scoped3A = tpu.sem_alloc : memref<!tpu.dma_semaphore, #tpu.memory_space<semaphore_mem>>
      %dma_start3A_116 = arith.constant 0 : i32
      %dma_start3A_117 = tpu.memref_slice %arg6[%add3A_115, %dma_start3A_116] : memref<20480x128xbf16, #tpu.memory_space<hbm>> -> memref<640x128xbf16, #tpu.memory_space<hbm>>
      %dma_start3A_118 = arith.constant 0 : i32
      %dma_start3A_119 = tpu.memref_slice %arg10[%mul3A_110, %dma_start3A_118] : memref<10240x128xbf16, #tpu.memory_space<vmem_shared>> -> memref<640x128xbf16, #tpu.memory_space<vmem_shared>>
      tpu.enqueue_dma source(%dma_start3A_119 : memref<640x128xbf16, #tpu.memory_space<vmem_shared>>) target(%dma_start3A_117 : memref<640x128xbf16, #tpu.memory_space<hbm>>) target_semaphore(%run_scoped3A : memref<!tpu.dma_semaphore, #tpu.memory_space<semaphore_mem>>)
      %dma_wait3A = arith.constant 0 : i32
      %dma_wait3A_120 = tpu.memref_slice %arg6[%add3A_115, %dma_wait3A] : memref<20480x128xbf16, #tpu.memory_space<hbm>> -> memref<640x128xbf16, #tpu.memory_space<hbm>>
      %dma_wait3A_121 = arith.constant 0 : i32
      %dma_wait3A_122 = tpu.memref_slice %arg10[%mul3A_110, %dma_wait3A_121] : memref<10240x128xbf16, #tpu.memory_space<vmem_shared>> -> memref<640x128xbf16, #tpu.memory_space<vmem_shared>>
      tpu.wait_dma2 semaphore(%run_scoped3A : memref<!tpu.dma_semaphore, #tpu.memory_space<semaphore_mem>>) src(%dma_wait3A_122 : memref<640x128xbf16, #tpu.memory_space<vmem_shared>>) dst(%dma_wait3A_120 : memref<640x128xbf16, #tpu.memory_space<hbm>>)
      tpu.yield
    }) : () -> ()
    return
  }
}

#map = affine_map<(d0, d1) -> (0, 0)>
module attributes {stable_mosaic.version = 14 : i64} {
  func.func @body(%arg0: i32, %arg1: i32, %arg2: memref<10000x128xbf16, #tpu.memory_space<hbm>>, %arg3: memref<2560x128xi32, #tpu.memory_space<hbm>>, %arg4: memref<2560x128xi32, #tpu.memory_space<hbm>>, %arg5: memref<640x128xbf16, #tpu.memory_space<hbm>>, %arg6: memref<20480x128xbf16, #tpu.memory_space<hbm>>, %arg7: memref<80x128xi32, #tpu.memory_space<vmem>>, %arg8: memref<80x128xi32, #tpu.memory_space<vmem>>, %arg9: memref<8x128x128xbf16, #tpu.memory_space<vmem>>, %arg10: memref<10240x128xbf16, #tpu.memory_space<vmem_shared>>, %arg11: memref<!tpu.dma_semaphore, #tpu.memory_space<semaphore_mem>>, %arg12: memref<!tpu.dma_semaphore, #tpu.memory_space<semaphore_mem>>, %arg13: memref<!tpu.dma_semaphore, #tpu.memory_space<semaphore_mem>>, %arg14: memref<!tpu.dma_semaphore, #tpu.memory_space<semaphore_mem>>, %arg15: memref<!tpu.dma_semaphore, #tpu.memory_space<semaphore_mem>>, %arg16: memref<!tpu.dma_semaphore, #tpu.memory_space<semaphore_mem>>, %arg17: memref<!tpu.dma_semaphore, #tpu.memory_space<semaphore_mem>>, %arg18: memref<!tpu.dma_semaphore, #tpu.memory_space<semaphore_mem>>, %arg19: memref<!tpu.dma_semaphore, #tpu.memory_space<semaphore_mem>>, %arg20: memref<!tpu.dma_semaphore, #tpu.memory_space<semaphore_mem>>, %arg21: memref<!tpu.dma_semaphore, #tpu.memory_space<semaphore_mem>>, %arg22: memref<!tpu.dma_semaphore, #tpu.memory_space<semaphore_mem>>, %arg23: memref<!tpu.dma_semaphore, #tpu.memory_space<semaphore_mem>>, %arg24: memref<!tpu.dma_semaphore, #tpu.memory_space<semaphore_mem>>, %arg25: memref<!tpu.dma_semaphore, #tpu.memory_space<semaphore_mem>>, %arg26: memref<!tpu.dma_semaphore, #tpu.memory_space<semaphore_mem>>) attributes {dimension_semantics = [#tpu.dimension_semantics<core_parallel>, #tpu.dimension_semantics<subcore_parallel>], iteration_bounds = array<i64: 2, 16>, scalar_prefetch = 0 : i64, scratch_operands = 20 : i64, tpu.core_type = #tpu.core_type<sc_vector_subcore>, window_params = [{transform_indices = #map}, {transform_indices = #map}, {transform_indices = #map}, {transform_indices = #map}, {transform_indices = #map}]} {
    %mul3A = arith.constant 640 : i32
    %mul3A_0 = arith.muli %arg1, %mul3A : i32
    "tpu.region"() ({
      %run_scoped3A = tpu.sem_alloc : memref<!tpu.dma_semaphore, #tpu.memory_space<semaphore_mem>>
      %dma_start3A_116 = arith.constant 0 : i32
      %dma_start3A_117 = tpu.memref_slice %arg10[%mul3A_0, %dma_start3A_116] : memref<10240x128xbf16, #tpu.memory_space<vmem_shared>> -> memref<640x128xbf16, #tpu.memory_space<vmem_shared>>
      tpu.enqueue_dma source(%arg5 : memref<640x128xbf16, #tpu.memory_space<hbm>>) target(%dma_start3A_117 : memref<640x128xbf16, #tpu.memory_space<vmem_shared>>) target_semaphore(%run_scoped3A : memref<!tpu.dma_semaphore, #tpu.memory_space<semaphore_mem>>)
      %dma_wait3A = arith.constant 0 : i32
      %dma_wait3A_118 = tpu.memref_slice %arg10[%mul3A_0, %dma_wait3A] : memref<10240x128xbf16, #tpu.memory_space<vmem_shared>> -> memref<640x128xbf16, #tpu.memory_space<vmem_shared>>
      tpu.wait_dma2 semaphore(%run_scoped3A : memref<!tpu.dma_semaphore, #tpu.memory_space<semaphore_mem>>) src(%arg5 : memref<640x128xbf16, #tpu.memory_space<hbm>>) dst(%dma_wait3A_118 : memref<640x128xbf16, #tpu.memory_space<vmem_shared>>)
      tpu.yield
    }) : () -> ()
    %barrier3A = arith.constant 0 : index
    tpu.barrier barrier_id(%barrier3A)
    %mul3A_1 = arith.constant 2 : i32
    %mul3A_2 = arith.muli %arg1, %mul3A_1 : i32
    %add3A = arith.addi %mul3A_2, %arg0 : i32
    %mul3A_3 = arith.constant 80 : i32
    %mul3A_4 = arith.muli %add3A, %mul3A_3 : i32
    %add3A_5 = arith.constant 0 : i32
    %add3A_6 = arith.addi %mul3A_4, %add3A_5 : i32
    "tpu.region"() ({
      %run_scoped3A = tpu.sem_alloc : memref<!tpu.dma_semaphore, #tpu.memory_space<semaphore_mem>>
      %dma_start3A_116 = arith.constant 0 : i32
      %dma_start3A_117 = tpu.memref_slice %arg3[%add3A_6, %dma_start3A_116] : memref<2560x128xi32, #tpu.memory_space<hbm>> -> memref<80x128xi32, #tpu.memory_space<hbm>>
      %dma_start3A_118 = arith.constant 0 : i32
      %dma_start3A_119 = tpu.memref_slice %arg3[%add3A_6, %dma_start3A_118] : memref<2560x128xi32, #tpu.memory_space<hbm>> -> memref<80x128xi32, #tpu.memory_space<hbm>>
      tpu.enqueue_dma source(%dma_start3A_119 : memref<80x128xi32, #tpu.memory_space<hbm>>) target(%arg7 : memref<80x128xi32, #tpu.memory_space<vmem>>) target_semaphore(%run_scoped3A : memref<!tpu.dma_semaphore, #tpu.memory_space<semaphore_mem>>)
      %dma_wait3A = arith.constant 0 : i32
      %dma_wait3A_120 = tpu.memref_slice %arg3[%add3A_6, %dma_wait3A] : memref<2560x128xi32, #tpu.memory_space<hbm>> -> memref<80x128xi32, #tpu.memory_space<hbm>>
      %dma_wait3A_121 = arith.constant 0 : i32
      %dma_wait3A_122 = tpu.memref_slice %arg3[%add3A_6, %dma_wait3A_121] : memref<2560x128xi32, #tpu.memory_space<hbm>> -> memref<80x128xi32, #tpu.memory_space<hbm>>
      tpu.wait_dma2 semaphore(%run_scoped3A : memref<!tpu.dma_semaphore, #tpu.memory_space<semaphore_mem>>) src(%dma_wait3A_122 : memref<80x128xi32, #tpu.memory_space<hbm>>) dst(%arg7 : memref<80x128xi32, #tpu.memory_space<vmem>>)
      tpu.yield
    }) : () -> ()
    "tpu.region"() ({
      %run_scoped3A = tpu.sem_alloc : memref<!tpu.dma_semaphore, #tpu.memory_space<semaphore_mem>>
      %dma_start3A_116 = arith.constant 0 : i32
      %dma_start3A_117 = tpu.memref_slice %arg4[%add3A_6, %dma_start3A_116] : memref<2560x128xi32, #tpu.memory_space<hbm>> -> memref<80x128xi32, #tpu.memory_space<hbm>>
      %dma_start3A_118 = arith.constant 0 : i32
      %dma_start3A_119 = tpu.memref_slice %arg4[%add3A_6, %dma_start3A_118] : memref<2560x128xi32, #tpu.memory_space<hbm>> -> memref<80x128xi32, #tpu.memory_space<hbm>>
      tpu.enqueue_dma source(%dma_start3A_119 : memref<80x128xi32, #tpu.memory_space<hbm>>) target(%arg8 : memref<80x128xi32, #tpu.memory_space<vmem>>) target_semaphore(%run_scoped3A : memref<!tpu.dma_semaphore, #tpu.memory_space<semaphore_mem>>)
      %dma_wait3A = arith.constant 0 : i32
      %dma_wait3A_120 = tpu.memref_slice %arg4[%add3A_6, %dma_wait3A] : memref<2560x128xi32, #tpu.memory_space<hbm>> -> memref<80x128xi32, #tpu.memory_space<hbm>>
      %dma_wait3A_121 = arith.constant 0 : i32
      %dma_wait3A_122 = tpu.memref_slice %arg4[%add3A_6, %dma_wait3A_121] : memref<2560x128xi32, #tpu.memory_space<hbm>> -> memref<80x128xi32, #tpu.memory_space<hbm>>
      tpu.wait_dma2 semaphore(%run_scoped3A : memref<!tpu.dma_semaphore, #tpu.memory_space<semaphore_mem>>) src(%dma_wait3A_122 : memref<80x128xi32, #tpu.memory_space<hbm>>) dst(%arg8 : memref<80x128xi32, #tpu.memory_space<vmem>>)
      tpu.yield
    }) : () -> ()
    %dma_start3A = arith.constant 0 : i32
    %dma_start3A_7 = arith.constant 0 : i32
    %dma_start3A_8 = arith.constant 0 : i32
    %dma_start3A_9 = arith.constant 0 : i32
    %dma_start3A_10 = tpu.memref_slice %arg9[%dma_start3A_7, %dma_start3A_8, %dma_start3A_9] : memref<8x128x128xbf16, #tpu.memory_space<vmem>> -> memref<1x128x128xbf16, #tpu.memory_space<vmem>>
    %dma_start3A_11 = tpu.memref_squeeze %dma_start3A_10 : memref<1x128x128xbf16, #tpu.memory_space<vmem>> -> memref<128x128xbf16, #tpu.memory_space<vmem>>
    %dma_start3A_12 = arith.constant 0 : i32
    %dma_start3A_13 = tpu.memref_slice %arg7[%dma_start3A, %dma_start3A_12] : memref<80x128xi32, #tpu.memory_space<vmem>> -> memref<1x128xi32, #tpu.memory_space<vmem>>
    %dma_start3A_14 = tpu.memref_squeeze %dma_start3A_13 : memref<1x128xi32, #tpu.memory_space<vmem>> -> memref<128xi32, #tpu.memory_space<vmem>>
    %dma_start3A_15 = arith.constant 0 : i32
    %dma_start3A_16 = arith.constant 0 : i32
    %dma_start3A_17 = tpu.memref_slice %arg2[%dma_start3A_15, %dma_start3A_16] : memref<10000x128xbf16, #tpu.memory_space<hbm>> -> memref<10000x128xbf16, #tpu.memory_space<hbm>>
    tpu.enqueue_indirect_dma source(%dma_start3A_17 : memref<10000x128xbf16, #tpu.memory_space<hbm>>) target(%dma_start3A_11 : memref<128x128xbf16, #tpu.memory_space<vmem>>) offsets(%dma_start3A_14 : memref<128xi32, #tpu.memory_space<vmem>>) semaphore(%arg11 : memref<!tpu.dma_semaphore, #tpu.memory_space<semaphore_mem>>)
    %dma_start3A_18 = arith.constant 1 : i32
    %dma_start3A_19 = arith.constant 1 : i32
    %dma_start3A_20 = arith.constant 0 : i32
    %dma_start3A_21 = arith.constant 0 : i32
    %dma_start3A_22 = tpu.memref_slice %arg9[%dma_start3A_19, %dma_start3A_20, %dma_start3A_21] : memref<8x128x128xbf16, #tpu.memory_space<vmem>> -> memref<1x128x128xbf16, #tpu.memory_space<vmem>>
    %dma_start3A_23 = tpu.memref_squeeze %dma_start3A_22 : memref<1x128x128xbf16, #tpu.memory_space<vmem>> -> memref<128x128xbf16, #tpu.memory_space<vmem>>
    %dma_start3A_24 = arith.constant 0 : i32
    %dma_start3A_25 = tpu.memref_slice %arg7[%dma_start3A_18, %dma_start3A_24] : memref<80x128xi32, #tpu.memory_space<vmem>> -> memref<1x128xi32, #tpu.memory_space<vmem>>
    %dma_start3A_26 = tpu.memref_squeeze %dma_start3A_25 : memref<1x128xi32, #tpu.memory_space<vmem>> -> memref<128xi32, #tpu.memory_space<vmem>>
    %dma_start3A_27 = arith.constant 0 : i32
    %dma_start3A_28 = arith.constant 0 : i32
    %dma_start3A_29 = tpu.memref_slice %arg2[%dma_start3A_27, %dma_start3A_28] : memref<10000x128xbf16, #tpu.memory_space<hbm>> -> memref<10000x128xbf16, #tpu.memory_space<hbm>>
    tpu.enqueue_indirect_dma source(%dma_start3A_29 : memref<10000x128xbf16, #tpu.memory_space<hbm>>) target(%dma_start3A_23 : memref<128x128xbf16, #tpu.memory_space<vmem>>) offsets(%dma_start3A_26 : memref<128xi32, #tpu.memory_space<vmem>>) semaphore(%arg12 : memref<!tpu.dma_semaphore, #tpu.memory_space<semaphore_mem>>)
    %dma_start3A_30 = arith.constant 2 : i32
    %dma_start3A_31 = arith.constant 2 : i32
    %dma_start3A_32 = arith.constant 0 : i32
    %dma_start3A_33 = arith.constant 0 : i32
    %dma_start3A_34 = tpu.memref_slice %arg9[%dma_start3A_31, %dma_start3A_32, %dma_start3A_33] : memref<8x128x128xbf16, #tpu.memory_space<vmem>> -> memref<1x128x128xbf16, #tpu.memory_space<vmem>>
    %dma_start3A_35 = tpu.memref_squeeze %dma_start3A_34 : memref<1x128x128xbf16, #tpu.memory_space<vmem>> -> memref<128x128xbf16, #tpu.memory_space<vmem>>
    %dma_start3A_36 = arith.constant 0 : i32
    %dma_start3A_37 = tpu.memref_slice %arg7[%dma_start3A_30, %dma_start3A_36] : memref<80x128xi32, #tpu.memory_space<vmem>> -> memref<1x128xi32, #tpu.memory_space<vmem>>
    %dma_start3A_38 = tpu.memref_squeeze %dma_start3A_37 : memref<1x128xi32, #tpu.memory_space<vmem>> -> memref<128xi32, #tpu.memory_space<vmem>>
    %dma_start3A_39 = arith.constant 0 : i32
    %dma_start3A_40 = arith.constant 0 : i32
    %dma_start3A_41 = tpu.memref_slice %arg2[%dma_start3A_39, %dma_start3A_40] : memref<10000x128xbf16, #tpu.memory_space<hbm>> -> memref<10000x128xbf16, #tpu.memory_space<hbm>>
    tpu.enqueue_indirect_dma source(%dma_start3A_41 : memref<10000x128xbf16, #tpu.memory_space<hbm>>) target(%dma_start3A_35 : memref<128x128xbf16, #tpu.memory_space<vmem>>) offsets(%dma_start3A_38 : memref<128xi32, #tpu.memory_space<vmem>>) semaphore(%arg13 : memref<!tpu.dma_semaphore, #tpu.memory_space<semaphore_mem>>)
    %dma_start3A_42 = arith.constant 3 : i32
    %dma_start3A_43 = arith.constant 3 : i32
    %dma_start3A_44 = arith.constant 0 : i32
    %dma_start3A_45 = arith.constant 0 : i32
    %dma_start3A_46 = tpu.memref_slice %arg9[%dma_start3A_43, %dma_start3A_44, %dma_start3A_45] : memref<8x128x128xbf16, #tpu.memory_space<vmem>> -> memref<1x128x128xbf16, #tpu.memory_space<vmem>>
    %dma_start3A_47 = tpu.memref_squeeze %dma_start3A_46 : memref<1x128x128xbf16, #tpu.memory_space<vmem>> -> memref<128x128xbf16, #tpu.memory_space<vmem>>
    %dma_start3A_48 = arith.constant 0 : i32
    %dma_start3A_49 = tpu.memref_slice %arg7[%dma_start3A_42, %dma_start3A_48] : memref<80x128xi32, #tpu.memory_space<vmem>> -> memref<1x128xi32, #tpu.memory_space<vmem>>
    %dma_start3A_50 = tpu.memref_squeeze %dma_start3A_49 : memref<1x128xi32, #tpu.memory_space<vmem>> -> memref<128xi32, #tpu.memory_space<vmem>>
    %dma_start3A_51 = arith.constant 0 : i32
    %dma_start3A_52 = arith.constant 0 : i32
    %dma_start3A_53 = tpu.memref_slice %arg2[%dma_start3A_51, %dma_start3A_52] : memref<10000x128xbf16, #tpu.memory_space<hbm>> -> memref<10000x128xbf16, #tpu.memory_space<hbm>>
    tpu.enqueue_indirect_dma source(%dma_start3A_53 : memref<10000x128xbf16, #tpu.memory_space<hbm>>) target(%dma_start3A_47 : memref<128x128xbf16, #tpu.memory_space<vmem>>) offsets(%dma_start3A_50 : memref<128xi32, #tpu.memory_space<vmem>>) semaphore(%arg14 : memref<!tpu.dma_semaphore, #tpu.memory_space<semaphore_mem>>)
    %dma_start3A_54 = arith.constant 4 : i32
    %dma_start3A_55 = arith.constant 4 : i32
    %dma_start3A_56 = arith.constant 0 : i32
    %dma_start3A_57 = arith.constant 0 : i32
    %dma_start3A_58 = tpu.memref_slice %arg9[%dma_start3A_55, %dma_start3A_56, %dma_start3A_57] : memref<8x128x128xbf16, #tpu.memory_space<vmem>> -> memref<1x128x128xbf16, #tpu.memory_space<vmem>>
    %dma_start3A_59 = tpu.memref_squeeze %dma_start3A_58 : memref<1x128x128xbf16, #tpu.memory_space<vmem>> -> memref<128x128xbf16, #tpu.memory_space<vmem>>
    %dma_start3A_60 = arith.constant 0 : i32
    %dma_start3A_61 = tpu.memref_slice %arg7[%dma_start3A_54, %dma_start3A_60] : memref<80x128xi32, #tpu.memory_space<vmem>> -> memref<1x128xi32, #tpu.memory_space<vmem>>
    %dma_start3A_62 = tpu.memref_squeeze %dma_start3A_61 : memref<1x128xi32, #tpu.memory_space<vmem>> -> memref<128xi32, #tpu.memory_space<vmem>>
    %dma_start3A_63 = arith.constant 0 : i32
    %dma_start3A_64 = arith.constant 0 : i32
    %dma_start3A_65 = tpu.memref_slice %arg2[%dma_start3A_63, %dma_start3A_64] : memref<10000x128xbf16, #tpu.memory_space<hbm>> -> memref<10000x128xbf16, #tpu.memory_space<hbm>>
    tpu.enqueue_indirect_dma source(%dma_start3A_65 : memref<10000x128xbf16, #tpu.memory_space<hbm>>) target(%dma_start3A_59 : memref<128x128xbf16, #tpu.memory_space<vmem>>) offsets(%dma_start3A_62 : memref<128xi32, #tpu.memory_space<vmem>>) semaphore(%arg15 : memref<!tpu.dma_semaphore, #tpu.memory_space<semaphore_mem>>)
    %dma_start3A_66 = arith.constant 5 : i32
    %dma_start3A_67 = arith.constant 5 : i32
    %dma_start3A_68 = arith.constant 0 : i32
    %dma_start3A_69 = arith.constant 0 : i32
    %dma_start3A_70 = tpu.memref_slice %arg9[%dma_start3A_67, %dma_start3A_68, %dma_start3A_69] : memref<8x128x128xbf16, #tpu.memory_space<vmem>> -> memref<1x128x128xbf16, #tpu.memory_space<vmem>>
    %dma_start3A_71 = tpu.memref_squeeze %dma_start3A_70 : memref<1x128x128xbf16, #tpu.memory_space<vmem>> -> memref<128x128xbf16, #tpu.memory_space<vmem>>
    %dma_start3A_72 = arith.constant 0 : i32
    %dma_start3A_73 = tpu.memref_slice %arg7[%dma_start3A_66, %dma_start3A_72] : memref<80x128xi32, #tpu.memory_space<vmem>> -> memref<1x128xi32, #tpu.memory_space<vmem>>
    %dma_start3A_74 = tpu.memref_squeeze %dma_start3A_73 : memref<1x128xi32, #tpu.memory_space<vmem>> -> memref<128xi32, #tpu.memory_space<vmem>>
    %dma_start3A_75 = arith.constant 0 : i32
    %dma_start3A_76 = arith.constant 0 : i32
    %dma_start3A_77 = tpu.memref_slice %arg2[%dma_start3A_75, %dma_start3A_76] : memref<10000x128xbf16, #tpu.memory_space<hbm>> -> memref<10000x128xbf16, #tpu.memory_space<hbm>>
    tpu.enqueue_indirect_dma source(%dma_start3A_77 : memref<10000x128xbf16, #tpu.memory_space<hbm>>) target(%dma_start3A_71 : memref<128x128xbf16, #tpu.memory_space<vmem>>) offsets(%dma_start3A_74 : memref<128xi32, #tpu.memory_space<vmem>>) semaphore(%arg16 : memref<!tpu.dma_semaphore, #tpu.memory_space<semaphore_mem>>)
    %dma_start3A_78 = arith.constant 6 : i32
    %dma_start3A_79 = arith.constant 6 : i32
    %dma_start3A_80 = arith.constant 0 : i32
    %dma_start3A_81 = arith.constant 0 : i32
    %dma_start3A_82 = tpu.memref_slice %arg9[%dma_start3A_79, %dma_start3A_80, %dma_start3A_81] : memref<8x128x128xbf16, #tpu.memory_space<vmem>> -> memref<1x128x128xbf16, #tpu.memory_space<vmem>>
    %dma_start3A_83 = tpu.memref_squeeze %dma_start3A_82 : memref<1x128x128xbf16, #tpu.memory_space<vmem>> -> memref<128x128xbf16, #tpu.memory_space<vmem>>
    %dma_start3A_84 = arith.constant 0 : i32
    %dma_start3A_85 = tpu.memref_slice %arg7[%dma_start3A_78, %dma_start3A_84] : memref<80x128xi32, #tpu.memory_space<vmem>> -> memref<1x128xi32, #tpu.memory_space<vmem>>
    %dma_start3A_86 = tpu.memref_squeeze %dma_start3A_85 : memref<1x128xi32, #tpu.memory_space<vmem>> -> memref<128xi32, #tpu.memory_space<vmem>>
    %dma_start3A_87 = arith.constant 0 : i32
    %dma_start3A_88 = arith.constant 0 : i32
    %dma_start3A_89 = tpu.memref_slice %arg2[%dma_start3A_87, %dma_start3A_88] : memref<10000x128xbf16, #tpu.memory_space<hbm>> -> memref<10000x128xbf16, #tpu.memory_space<hbm>>
    tpu.enqueue_indirect_dma source(%dma_start3A_89 : memref<10000x128xbf16, #tpu.memory_space<hbm>>) target(%dma_start3A_83 : memref<128x128xbf16, #tpu.memory_space<vmem>>) offsets(%dma_start3A_86 : memref<128xi32, #tpu.memory_space<vmem>>) semaphore(%arg17 : memref<!tpu.dma_semaphore, #tpu.memory_space<semaphore_mem>>)
    %dma_start3A_90 = arith.constant 7 : i32
    %dma_start3A_91 = arith.constant 7 : i32
    %dma_start3A_92 = arith.constant 0 : i32
    %dma_start3A_93 = arith.constant 0 : i32
    %dma_start3A_94 = tpu.memref_slice %arg9[%dma_start3A_91, %dma_start3A_92, %dma_start3A_93] : memref<8x128x128xbf16, #tpu.memory_space<vmem>> -> memref<1x128x128xbf16, #tpu.memory_space<vmem>>
    %dma_start3A_95 = tpu.memref_squeeze %dma_start3A_94 : memref<1x128x128xbf16, #tpu.memory_space<vmem>> -> memref<128x128xbf16, #tpu.memory_space<vmem>>
    %dma_start3A_96 = arith.constant 0 : i32
    %dma_start3A_97 = tpu.memref_slice %arg7[%dma_start3A_90, %dma_start3A_96] : memref<80x128xi32, #tpu.memory_space<vmem>> -> memref<1x128xi32, #tpu.memory_space<vmem>>
    %dma_start3A_98 = tpu.memref_squeeze %dma_start3A_97 : memref<1x128xi32, #tpu.memory_space<vmem>> -> memref<128xi32, #tpu.memory_space<vmem>>
    %dma_start3A_99 = arith.constant 0 : i32
    %dma_start3A_100 = arith.constant 0 : i32
    %dma_start3A_101 = tpu.memref_slice %arg2[%dma_start3A_99, %dma_start3A_100] : memref<10000x128xbf16, #tpu.memory_space<hbm>> -> memref<10000x128xbf16, #tpu.memory_space<hbm>>
    tpu.enqueue_indirect_dma source(%dma_start3A_101 : memref<10000x128xbf16, #tpu.memory_space<hbm>>) target(%dma_start3A_95 : memref<128x128xbf16, #tpu.memory_space<vmem>>) offsets(%dma_start3A_98 : memref<128xi32, #tpu.memory_space<vmem>>) semaphore(%arg18 : memref<!tpu.dma_semaphore, #tpu.memory_space<semaphore_mem>>)
    %scan3A = arith.constant 0 : i32
    %scan3A_102 = arith.constant 0 : i32
    %scan3A_103 = arith.constant 10 : i32
    %scan3A_104 = arith.addi %scan3A_102, %scan3A_103 : i32
    %scan3A_105 = arith.constant 1 : i32
    %scan3A_106 = scf.for %scan3A_116 = %scan3A_102 to %scan3A_104 step %scan3A_105 iter_args(%scan3A_117 = %scan3A) -> (i32)  : i32 {
      %mul3A_118 = arith.constant 8 : i32
      %mul3A_119 = arith.muli %scan3A_116, %mul3A_118 : i32
      %dma_wait3A = arith.constant 0 : i32
      %dma_wait3A_120 = arith.constant 0 : i32
      %dma_wait3A_121 = arith.constant 0 : i32
      %dma_wait3A_122 = arith.constant 0 : i32
      %dma_wait3A_123 = tpu.memref_slice %arg9[%dma_wait3A_120, %dma_wait3A_121, %dma_wait3A_122] : memref<8x128x128xbf16, #tpu.memory_space<vmem>> -> memref<1x128x128xbf16, #tpu.memory_space<vmem>>
      %dma_wait3A_124 = tpu.memref_squeeze %dma_wait3A_123 : memref<1x128x128xbf16, #tpu.memory_space<vmem>> -> memref<128x128xbf16, #tpu.memory_space<vmem>>
      %dma_wait3A_125 = arith.constant 0 : i32
      %dma_wait3A_126 = tpu.memref_slice %arg7[%dma_wait3A, %dma_wait3A_125] : memref<80x128xi32, #tpu.memory_space<vmem>> -> memref<1x128xi32, #tpu.memory_space<vmem>>
      %dma_wait3A_127 = tpu.memref_squeeze %dma_wait3A_126 : memref<1x128xi32, #tpu.memory_space<vmem>> -> memref<128xi32, #tpu.memory_space<vmem>>
      %dma_wait3A_128 = arith.constant 0 : i32
      %dma_wait3A_129 = arith.constant 0 : i32
      %dma_wait3A_130 = tpu.memref_slice %arg2[%dma_wait3A_128, %dma_wait3A_129] : memref<10000x128xbf16, #tpu.memory_space<hbm>> -> memref<10000x128xbf16, #tpu.memory_space<hbm>>
      tpu.wait_indirect_dma semaphore(%arg11 : memref<!tpu.dma_semaphore, #tpu.memory_space<semaphore_mem>>) src(%dma_wait3A_130 : memref<10000x128xbf16, #tpu.memory_space<hbm>>) dst(%dma_wait3A_124 : memref<128x128xbf16, #tpu.memory_space<vmem>>)
      %add3A_131 = arith.constant 0 : i32
      %add3A_132 = arith.addi %mul3A_119, %add3A_131 : i32
      %dma_start3A_133 = arith.constant 0 : i32
      %dma_start3A_134 = arith.constant 0 : i32
      %dma_start3A_135 = arith.constant 0 : i32
      %dma_start3A_136 = tpu.memref_slice %arg9[%dma_start3A_133, %dma_start3A_134, %dma_start3A_135] : memref<8x128x128xbf16, #tpu.memory_space<vmem>> -> memref<1x128x128xbf16, #tpu.memory_space<vmem>>
      %dma_start3A_137 = tpu.memref_squeeze %dma_start3A_136 : memref<1x128x128xbf16, #tpu.memory_space<vmem>> -> memref<128x128xbf16, #tpu.memory_space<vmem>>
      %dma_start3A_138 = arith.constant 0 : i32
      %dma_start3A_139 = tpu.memref_slice %arg8[%add3A_132, %dma_start3A_138] : memref<80x128xi32, #tpu.memory_space<vmem>> -> memref<1x128xi32, #tpu.memory_space<vmem>>
      %dma_start3A_140 = tpu.memref_squeeze %dma_start3A_139 : memref<1x128xi32, #tpu.memory_space<vmem>> -> memref<128xi32, #tpu.memory_space<vmem>>
      %dma_start3A_141 = arith.constant 0 : i32
      %dma_start3A_142 = arith.constant 0 : i32
      %dma_start3A_143 = tpu.memref_slice %arg10[%dma_start3A_141, %dma_start3A_142] : memref<10240x128xbf16, #tpu.memory_space<vmem_shared>> -> memref<10240x128xbf16, #tpu.memory_space<vmem_shared>>
      tpu.enqueue_indirect_dma source(%dma_start3A_137 : memref<128x128xbf16, #tpu.memory_space<vmem>>) target(%dma_start3A_143 : memref<10240x128xbf16, #tpu.memory_space<vmem_shared>>) offsets(%dma_start3A_140 : memref<128xi32, #tpu.memory_space<vmem>>) semaphore(%arg19 : memref<!tpu.dma_semaphore, #tpu.memory_space<semaphore_mem>>) {add = true}
      %dma_wait3A_144 = arith.constant 0 : i32
      %dma_wait3A_145 = arith.constant 1 : i32
      %dma_wait3A_146 = arith.constant 0 : i32
      %dma_wait3A_147 = arith.constant 0 : i32
      %dma_wait3A_148 = tpu.memref_slice %arg9[%dma_wait3A_145, %dma_wait3A_146, %dma_wait3A_147] : memref<8x128x128xbf16, #tpu.memory_space<vmem>> -> memref<1x128x128xbf16, #tpu.memory_space<vmem>>
      %dma_wait3A_149 = tpu.memref_squeeze %dma_wait3A_148 : memref<1x128x128xbf16, #tpu.memory_space<vmem>> -> memref<128x128xbf16, #tpu.memory_space<vmem>>
      %dma_wait3A_150 = arith.constant 0 : i32
      %dma_wait3A_151 = tpu.memref_slice %arg7[%dma_wait3A_144, %dma_wait3A_150] : memref<80x128xi32, #tpu.memory_space<vmem>> -> memref<1x128xi32, #tpu.memory_space<vmem>>
      %dma_wait3A_152 = tpu.memref_squeeze %dma_wait3A_151 : memref<1x128xi32, #tpu.memory_space<vmem>> -> memref<128xi32, #tpu.memory_space<vmem>>
      %dma_wait3A_153 = arith.constant 0 : i32
      %dma_wait3A_154 = arith.constant 0 : i32
      %dma_wait3A_155 = tpu.memref_slice %arg2[%dma_wait3A_153, %dma_wait3A_154] : memref<10000x128xbf16, #tpu.memory_space<hbm>> -> memref<10000x128xbf16, #tpu.memory_space<hbm>>
      tpu.wait_indirect_dma semaphore(%arg12 : memref<!tpu.dma_semaphore, #tpu.memory_space<semaphore_mem>>) src(%dma_wait3A_155 : memref<10000x128xbf16, #tpu.memory_space<hbm>>) dst(%dma_wait3A_149 : memref<128x128xbf16, #tpu.memory_space<vmem>>)
      %add3A_156 = arith.constant 1 : i32
      %add3A_157 = arith.addi %mul3A_119, %add3A_156 : i32
      %dma_start3A_158 = arith.constant 1 : i32
      %dma_start3A_159 = arith.constant 0 : i32
      %dma_start3A_160 = arith.constant 0 : i32
      %dma_start3A_161 = tpu.memref_slice %arg9[%dma_start3A_158, %dma_start3A_159, %dma_start3A_160] : memref<8x128x128xbf16, #tpu.memory_space<vmem>> -> memref<1x128x128xbf16, #tpu.memory_space<vmem>>
      %dma_start3A_162 = tpu.memref_squeeze %dma_start3A_161 : memref<1x128x128xbf16, #tpu.memory_space<vmem>> -> memref<128x128xbf16, #tpu.memory_space<vmem>>
      %dma_start3A_163 = arith.constant 0 : i32
      %dma_start3A_164 = tpu.memref_slice %arg8[%add3A_157, %dma_start3A_163] : memref<80x128xi32, #tpu.memory_space<vmem>> -> memref<1x128xi32, #tpu.memory_space<vmem>>
      %dma_start3A_165 = tpu.memref_squeeze %dma_start3A_164 : memref<1x128xi32, #tpu.memory_space<vmem>> -> memref<128xi32, #tpu.memory_space<vmem>>
      %dma_start3A_166 = arith.constant 0 : i32
      %dma_start3A_167 = arith.constant 0 : i32
      %dma_start3A_168 = tpu.memref_slice %arg10[%dma_start3A_166, %dma_start3A_167] : memref<10240x128xbf16, #tpu.memory_space<vmem_shared>> -> memref<10240x128xbf16, #tpu.memory_space<vmem_shared>>
      tpu.enqueue_indirect_dma source(%dma_start3A_162 : memref<128x128xbf16, #tpu.memory_space<vmem>>) target(%dma_start3A_168 : memref<10240x128xbf16, #tpu.memory_space<vmem_shared>>) offsets(%dma_start3A_165 : memref<128xi32, #tpu.memory_space<vmem>>) semaphore(%arg20 : memref<!tpu.dma_semaphore, #tpu.memory_space<semaphore_mem>>) {add = true}
      %dma_wait3A_169 = arith.constant 0 : i32
      %dma_wait3A_170 = arith.constant 2 : i32
      %dma_wait3A_171 = arith.constant 0 : i32
      %dma_wait3A_172 = arith.constant 0 : i32
      %dma_wait3A_173 = tpu.memref_slice %arg9[%dma_wait3A_170, %dma_wait3A_171, %dma_wait3A_172] : memref<8x128x128xbf16, #tpu.memory_space<vmem>> -> memref<1x128x128xbf16, #tpu.memory_space<vmem>>
      %dma_wait3A_174 = tpu.memref_squeeze %dma_wait3A_173 : memref<1x128x128xbf16, #tpu.memory_space<vmem>> -> memref<128x128xbf16, #tpu.memory_space<vmem>>
      %dma_wait3A_175 = arith.constant 0 : i32
      %dma_wait3A_176 = tpu.memref_slice %arg7[%dma_wait3A_169, %dma_wait3A_175] : memref<80x128xi32, #tpu.memory_space<vmem>> -> memref<1x128xi32, #tpu.memory_space<vmem>>
      %dma_wait3A_177 = tpu.memref_squeeze %dma_wait3A_176 : memref<1x128xi32, #tpu.memory_space<vmem>> -> memref<128xi32, #tpu.memory_space<vmem>>
      %dma_wait3A_178 = arith.constant 0 : i32
      %dma_wait3A_179 = arith.constant 0 : i32
      %dma_wait3A_180 = tpu.memref_slice %arg2[%dma_wait3A_178, %dma_wait3A_179] : memref<10000x128xbf16, #tpu.memory_space<hbm>> -> memref<10000x128xbf16, #tpu.memory_space<hbm>>
      tpu.wait_indirect_dma semaphore(%arg13 : memref<!tpu.dma_semaphore, #tpu.memory_space<semaphore_mem>>) src(%dma_wait3A_180 : memref<10000x128xbf16, #tpu.memory_space<hbm>>) dst(%dma_wait3A_174 : memref<128x128xbf16, #tpu.memory_space<vmem>>)
      %add3A_181 = arith.constant 2 : i32
      %add3A_182 = arith.addi %mul3A_119, %add3A_181 : i32
      %dma_start3A_183 = arith.constant 2 : i32
      %dma_start3A_184 = arith.constant 0 : i32
      %dma_start3A_185 = arith.constant 0 : i32
      %dma_start3A_186 = tpu.memref_slice %arg9[%dma_start3A_183, %dma_start3A_184, %dma_start3A_185] : memref<8x128x128xbf16, #tpu.memory_space<vmem>> -> memref<1x128x128xbf16, #tpu.memory_space<vmem>>
      %dma_start3A_187 = tpu.memref_squeeze %dma_start3A_186 : memref<1x128x128xbf16, #tpu.memory_space<vmem>> -> memref<128x128xbf16, #tpu.memory_space<vmem>>
      %dma_start3A_188 = arith.constant 0 : i32
      %dma_start3A_189 = tpu.memref_slice %arg8[%add3A_182, %dma_start3A_188] : memref<80x128xi32, #tpu.memory_space<vmem>> -> memref<1x128xi32, #tpu.memory_space<vmem>>
      %dma_start3A_190 = tpu.memref_squeeze %dma_start3A_189 : memref<1x128xi32, #tpu.memory_space<vmem>> -> memref<128xi32, #tpu.memory_space<vmem>>
      %dma_start3A_191 = arith.constant 0 : i32
      %dma_start3A_192 = arith.constant 0 : i32
      %dma_start3A_193 = tpu.memref_slice %arg10[%dma_start3A_191, %dma_start3A_192] : memref<10240x128xbf16, #tpu.memory_space<vmem_shared>> -> memref<10240x128xbf16, #tpu.memory_space<vmem_shared>>
      tpu.enqueue_indirect_dma source(%dma_start3A_187 : memref<128x128xbf16, #tpu.memory_space<vmem>>) target(%dma_start3A_193 : memref<10240x128xbf16, #tpu.memory_space<vmem_shared>>) offsets(%dma_start3A_190 : memref<128xi32, #tpu.memory_space<vmem>>) semaphore(%arg21 : memref<!tpu.dma_semaphore, #tpu.memory_space<semaphore_mem>>) {add = true}
      %dma_wait3A_194 = arith.constant 0 : i32
      %dma_wait3A_195 = arith.constant 3 : i32
      %dma_wait3A_196 = arith.constant 0 : i32
      %dma_wait3A_197 = arith.constant 0 : i32
      %dma_wait3A_198 = tpu.memref_slice %arg9[%dma_wait3A_195, %dma_wait3A_196, %dma_wait3A_197] : memref<8x128x128xbf16, #tpu.memory_space<vmem>> -> memref<1x128x128xbf16, #tpu.memory_space<vmem>>
      %dma_wait3A_199 = tpu.memref_squeeze %dma_wait3A_198 : memref<1x128x128xbf16, #tpu.memory_space<vmem>> -> memref<128x128xbf16, #tpu.memory_space<vmem>>
      %dma_wait3A_200 = arith.constant 0 : i32
      %dma_wait3A_201 = tpu.memref_slice %arg7[%dma_wait3A_194, %dma_wait3A_200] : memref<80x128xi32, #tpu.memory_space<vmem>> -> memref<1x128xi32, #tpu.memory_space<vmem>>
      %dma_wait3A_202 = tpu.memref_squeeze %dma_wait3A_201 : memref<1x128xi32, #tpu.memory_space<vmem>> -> memref<128xi32, #tpu.memory_space<vmem>>
      %dma_wait3A_203 = arith.constant 0 : i32
      %dma_wait3A_204 = arith.constant 0 : i32
      %dma_wait3A_205 = tpu.memref_slice %arg2[%dma_wait3A_203, %dma_wait3A_204] : memref<10000x128xbf16, #tpu.memory_space<hbm>> -> memref<10000x128xbf16, #tpu.memory_space<hbm>>
      tpu.wait_indirect_dma semaphore(%arg14 : memref<!tpu.dma_semaphore, #tpu.memory_space<semaphore_mem>>) src(%dma_wait3A_205 : memref<10000x128xbf16, #tpu.memory_space<hbm>>) dst(%dma_wait3A_199 : memref<128x128xbf16, #tpu.memory_space<vmem>>)
      %add3A_206 = arith.constant 3 : i32
      %add3A_207 = arith.addi %mul3A_119, %add3A_206 : i32
      %dma_start3A_208 = arith.constant 3 : i32
      %dma_start3A_209 = arith.constant 0 : i32
      %dma_start3A_210 = arith.constant 0 : i32
      %dma_start3A_211 = tpu.memref_slice %arg9[%dma_start3A_208, %dma_start3A_209, %dma_start3A_210] : memref<8x128x128xbf16, #tpu.memory_space<vmem>> -> memref<1x128x128xbf16, #tpu.memory_space<vmem>>
      %dma_start3A_212 = tpu.memref_squeeze %dma_start3A_211 : memref<1x128x128xbf16, #tpu.memory_space<vmem>> -> memref<128x128xbf16, #tpu.memory_space<vmem>>
      %dma_start3A_213 = arith.constant 0 : i32
      %dma_start3A_214 = tpu.memref_slice %arg8[%add3A_207, %dma_start3A_213] : memref<80x128xi32, #tpu.memory_space<vmem>> -> memref<1x128xi32, #tpu.memory_space<vmem>>
      %dma_start3A_215 = tpu.memref_squeeze %dma_start3A_214 : memref<1x128xi32, #tpu.memory_space<vmem>> -> memref<128xi32, #tpu.memory_space<vmem>>
      %dma_start3A_216 = arith.constant 0 : i32
      %dma_start3A_217 = arith.constant 0 : i32
      %dma_start3A_218 = tpu.memref_slice %arg10[%dma_start3A_216, %dma_start3A_217] : memref<10240x128xbf16, #tpu.memory_space<vmem_shared>> -> memref<10240x128xbf16, #tpu.memory_space<vmem_shared>>
      tpu.enqueue_indirect_dma source(%dma_start3A_212 : memref<128x128xbf16, #tpu.memory_space<vmem>>) target(%dma_start3A_218 : memref<10240x128xbf16, #tpu.memory_space<vmem_shared>>) offsets(%dma_start3A_215 : memref<128xi32, #tpu.memory_space<vmem>>) semaphore(%arg22 : memref<!tpu.dma_semaphore, #tpu.memory_space<semaphore_mem>>) {add = true}
      %dma_wait3A_219 = arith.constant 0 : i32
      %dma_wait3A_220 = arith.constant 4 : i32
      %dma_wait3A_221 = arith.constant 0 : i32
      %dma_wait3A_222 = arith.constant 0 : i32
      %dma_wait3A_223 = tpu.memref_slice %arg9[%dma_wait3A_220, %dma_wait3A_221, %dma_wait3A_222] : memref<8x128x128xbf16, #tpu.memory_space<vmem>> -> memref<1x128x128xbf16, #tpu.memory_space<vmem>>
      %dma_wait3A_224 = tpu.memref_squeeze %dma_wait3A_223 : memref<1x128x128xbf16, #tpu.memory_space<vmem>> -> memref<128x128xbf16, #tpu.memory_space<vmem>>
      %dma_wait3A_225 = arith.constant 0 : i32
      %dma_wait3A_226 = tpu.memref_slice %arg7[%dma_wait3A_219, %dma_wait3A_225] : memref<80x128xi32, #tpu.memory_space<vmem>> -> memref<1x128xi32, #tpu.memory_space<vmem>>
      %dma_wait3A_227 = tpu.memref_squeeze %dma_wait3A_226 : memref<1x128xi32, #tpu.memory_space<vmem>> -> memref<128xi32, #tpu.memory_space<vmem>>
      %dma_wait3A_228 = arith.constant 0 : i32
      %dma_wait3A_229 = arith.constant 0 : i32
      %dma_wait3A_230 = tpu.memref_slice %arg2[%dma_wait3A_228, %dma_wait3A_229] : memref<10000x128xbf16, #tpu.memory_space<hbm>> -> memref<10000x128xbf16, #tpu.memory_space<hbm>>
      tpu.wait_indirect_dma semaphore(%arg15 : memref<!tpu.dma_semaphore, #tpu.memory_space<semaphore_mem>>) src(%dma_wait3A_230 : memref<10000x128xbf16, #tpu.memory_space<hbm>>) dst(%dma_wait3A_224 : memref<128x128xbf16, #tpu.memory_space<vmem>>)
      %add3A_231 = arith.constant 4 : i32
      %add3A_232 = arith.addi %mul3A_119, %add3A_231 : i32
      %dma_start3A_233 = arith.constant 4 : i32
      %dma_start3A_234 = arith.constant 0 : i32
      %dma_start3A_235 = arith.constant 0 : i32
      %dma_start3A_236 = tpu.memref_slice %arg9[%dma_start3A_233, %dma_start3A_234, %dma_start3A_235] : memref<8x128x128xbf16, #tpu.memory_space<vmem>> -> memref<1x128x128xbf16, #tpu.memory_space<vmem>>
      %dma_start3A_237 = tpu.memref_squeeze %dma_start3A_236 : memref<1x128x128xbf16, #tpu.memory_space<vmem>> -> memref<128x128xbf16, #tpu.memory_space<vmem>>
      %dma_start3A_238 = arith.constant 0 : i32
      %dma_start3A_239 = tpu.memref_slice %arg8[%add3A_232, %dma_start3A_238] : memref<80x128xi32, #tpu.memory_space<vmem>> -> memref<1x128xi32, #tpu.memory_space<vmem>>
      %dma_start3A_240 = tpu.memref_squeeze %dma_start3A_239 : memref<1x128xi32, #tpu.memory_space<vmem>> -> memref<128xi32, #tpu.memory_space<vmem>>
      %dma_start3A_241 = arith.constant 0 : i32
      %dma_start3A_242 = arith.constant 0 : i32
      %dma_start3A_243 = tpu.memref_slice %arg10[%dma_start3A_241, %dma_start3A_242] : memref<10240x128xbf16, #tpu.memory_space<vmem_shared>> -> memref<10240x128xbf16, #tpu.memory_space<vmem_shared>>
      tpu.enqueue_indirect_dma source(%dma_start3A_237 : memref<128x128xbf16, #tpu.memory_space<vmem>>) target(%dma_start3A_243 : memref<10240x128xbf16, #tpu.memory_space<vmem_shared>>) offsets(%dma_start3A_240 : memref<128xi32, #tpu.memory_space<vmem>>) semaphore(%arg23 : memref<!tpu.dma_semaphore, #tpu.memory_space<semaphore_mem>>) {add = true}
      %dma_wait3A_244 = arith.constant 0 : i32
      %dma_wait3A_245 = arith.constant 5 : i32
      %dma_wait3A_246 = arith.constant 0 : i32
      %dma_wait3A_247 = arith.constant 0 : i32
      %dma_wait3A_248 = tpu.memref_slice %arg9[%dma_wait3A_245, %dma_wait3A_246, %dma_wait3A_247] : memref<8x128x128xbf16, #tpu.memory_space<vmem>> -> memref<1x128x128xbf16, #tpu.memory_space<vmem>>
      %dma_wait3A_249 = tpu.memref_squeeze %dma_wait3A_248 : memref<1x128x128xbf16, #tpu.memory_space<vmem>> -> memref<128x128xbf16, #tpu.memory_space<vmem>>
      %dma_wait3A_250 = arith.constant 0 : i32
      %dma_wait3A_251 = tpu.memref_slice %arg7[%dma_wait3A_244, %dma_wait3A_250] : memref<80x128xi32, #tpu.memory_space<vmem>> -> memref<1x128xi32, #tpu.memory_space<vmem>>
      %dma_wait3A_252 = tpu.memref_squeeze %dma_wait3A_251 : memref<1x128xi32, #tpu.memory_space<vmem>> -> memref<128xi32, #tpu.memory_space<vmem>>
      %dma_wait3A_253 = arith.constant 0 : i32
      %dma_wait3A_254 = arith.constant 0 : i32
      %dma_wait3A_255 = tpu.memref_slice %arg2[%dma_wait3A_253, %dma_wait3A_254] : memref<10000x128xbf16, #tpu.memory_space<hbm>> -> memref<10000x128xbf16, #tpu.memory_space<hbm>>
      tpu.wait_indirect_dma semaphore(%arg16 : memref<!tpu.dma_semaphore, #tpu.memory_space<semaphore_mem>>) src(%dma_wait3A_255 : memref<10000x128xbf16, #tpu.memory_space<hbm>>) dst(%dma_wait3A_249 : memref<128x128xbf16, #tpu.memory_space<vmem>>)
      %add3A_256 = arith.constant 5 : i32
      %add3A_257 = arith.addi %mul3A_119, %add3A_256 : i32
      %dma_start3A_258 = arith.constant 5 : i32
      %dma_start3A_259 = arith.constant 0 : i32
      %dma_start3A_260 = arith.constant 0 : i32
      %dma_start3A_261 = tpu.memref_slice %arg9[%dma_start3A_258, %dma_start3A_259, %dma_start3A_260] : memref<8x128x128xbf16, #tpu.memory_space<vmem>> -> memref<1x128x128xbf16, #tpu.memory_space<vmem>>
      %dma_start3A_262 = tpu.memref_squeeze %dma_start3A_261 : memref<1x128x128xbf16, #tpu.memory_space<vmem>> -> memref<128x128xbf16, #tpu.memory_space<vmem>>
      %dma_start3A_263 = arith.constant 0 : i32
      %dma_start3A_264 = tpu.memref_slice %arg8[%add3A_257, %dma_start3A_263] : memref<80x128xi32, #tpu.memory_space<vmem>> -> memref<1x128xi32, #tpu.memory_space<vmem>>
      %dma_start3A_265 = tpu.memref_squeeze %dma_start3A_264 : memref<1x128xi32, #tpu.memory_space<vmem>> -> memref<128xi32, #tpu.memory_space<vmem>>
      %dma_start3A_266 = arith.constant 0 : i32
      %dma_start3A_267 = arith.constant 0 : i32
      %dma_start3A_268 = tpu.memref_slice %arg10[%dma_start3A_266, %dma_start3A_267] : memref<10240x128xbf16, #tpu.memory_space<vmem_shared>> -> memref<10240x128xbf16, #tpu.memory_space<vmem_shared>>
      tpu.enqueue_indirect_dma source(%dma_start3A_262 : memref<128x128xbf16, #tpu.memory_space<vmem>>) target(%dma_start3A_268 : memref<10240x128xbf16, #tpu.memory_space<vmem_shared>>) offsets(%dma_start3A_265 : memref<128xi32, #tpu.memory_space<vmem>>) semaphore(%arg24 : memref<!tpu.dma_semaphore, #tpu.memory_space<semaphore_mem>>) {add = true}
      %dma_wait3A_269 = arith.constant 0 : i32
      %dma_wait3A_270 = arith.constant 6 : i32
      %dma_wait3A_271 = arith.constant 0 : i32
      %dma_wait3A_272 = arith.constant 0 : i32
      %dma_wait3A_273 = tpu.memref_slice %arg9[%dma_wait3A_270, %dma_wait3A_271, %dma_wait3A_272] : memref<8x128x128xbf16, #tpu.memory_space<vmem>> -> memref<1x128x128xbf16, #tpu.memory_space<vmem>>
      %dma_wait3A_274 = tpu.memref_squeeze %dma_wait3A_273 : memref<1x128x128xbf16, #tpu.memory_space<vmem>> -> memref<128x128xbf16, #tpu.memory_space<vmem>>
      %dma_wait3A_275 = arith.constant 0 : i32
      %dma_wait3A_276 = tpu.memref_slice %arg7[%dma_wait3A_269, %dma_wait3A_275] : memref<80x128xi32, #tpu.memory_space<vmem>> -> memref<1x128xi32, #tpu.memory_space<vmem>>
      %dma_wait3A_277 = tpu.memref_squeeze %dma_wait3A_276 : memref<1x128xi32, #tpu.memory_space<vmem>> -> memref<128xi32, #tpu.memory_space<vmem>>
      %dma_wait3A_278 = arith.constant 0 : i32
      %dma_wait3A_279 = arith.constant 0 : i32
      %dma_wait3A_280 = tpu.memref_slice %arg2[%dma_wait3A_278, %dma_wait3A_279] : memref<10000x128xbf16, #tpu.memory_space<hbm>> -> memref<10000x128xbf16, #tpu.memory_space<hbm>>
      tpu.wait_indirect_dma semaphore(%arg17 : memref<!tpu.dma_semaphore, #tpu.memory_space<semaphore_mem>>) src(%dma_wait3A_280 : memref<10000x128xbf16, #tpu.memory_space<hbm>>) dst(%dma_wait3A_274 : memref<128x128xbf16, #tpu.memory_space<vmem>>)
      %add3A_281 = arith.constant 6 : i32
      %add3A_282 = arith.addi %mul3A_119, %add3A_281 : i32
      %dma_start3A_283 = arith.constant 6 : i32
      %dma_start3A_284 = arith.constant 0 : i32
      %dma_start3A_285 = arith.constant 0 : i32
      %dma_start3A_286 = tpu.memref_slice %arg9[%dma_start3A_283, %dma_start3A_284, %dma_start3A_285] : memref<8x128x128xbf16, #tpu.memory_space<vmem>> -> memref<1x128x128xbf16, #tpu.memory_space<vmem>>
      %dma_start3A_287 = tpu.memref_squeeze %dma_start3A_286 : memref<1x128x128xbf16, #tpu.memory_space<vmem>> -> memref<128x128xbf16, #tpu.memory_space<vmem>>
      %dma_start3A_288 = arith.constant 0 : i32
      %dma_start3A_289 = tpu.memref_slice %arg8[%add3A_282, %dma_start3A_288] : memref<80x128xi32, #tpu.memory_space<vmem>> -> memref<1x128xi32, #tpu.memory_space<vmem>>
      %dma_start3A_290 = tpu.memref_squeeze %dma_start3A_289 : memref<1x128xi32, #tpu.memory_space<vmem>> -> memref<128xi32, #tpu.memory_space<vmem>>
      %dma_start3A_291 = arith.constant 0 : i32
      %dma_start3A_292 = arith.constant 0 : i32
      %dma_start3A_293 = tpu.memref_slice %arg10[%dma_start3A_291, %dma_start3A_292] : memref<10240x128xbf16, #tpu.memory_space<vmem_shared>> -> memref<10240x128xbf16, #tpu.memory_space<vmem_shared>>
      tpu.enqueue_indirect_dma source(%dma_start3A_287 : memref<128x128xbf16, #tpu.memory_space<vmem>>) target(%dma_start3A_293 : memref<10240x128xbf16, #tpu.memory_space<vmem_shared>>) offsets(%dma_start3A_290 : memref<128xi32, #tpu.memory_space<vmem>>) semaphore(%arg25 : memref<!tpu.dma_semaphore, #tpu.memory_space<semaphore_mem>>) {add = true}
      %dma_wait3A_294 = arith.constant 0 : i32
      %dma_wait3A_295 = arith.constant 7 : i32
      %dma_wait3A_296 = arith.constant 0 : i32
      %dma_wait3A_297 = arith.constant 0 : i32
      %dma_wait3A_298 = tpu.memref_slice %arg9[%dma_wait3A_295, %dma_wait3A_296, %dma_wait3A_297] : memref<8x128x128xbf16, #tpu.memory_space<vmem>> -> memref<1x128x128xbf16, #tpu.memory_space<vmem>>
      %dma_wait3A_299 = tpu.memref_squeeze %dma_wait3A_298 : memref<1x128x128xbf16, #tpu.memory_space<vmem>> -> memref<128x128xbf16, #tpu.memory_space<vmem>>
      %dma_wait3A_300 = arith.constant 0 : i32
      %dma_wait3A_301 = tpu.memref_slice %arg7[%dma_wait3A_294, %dma_wait3A_300] : memref<80x128xi32, #tpu.memory_space<vmem>> -> memref<1x128xi32, #tpu.memory_space<vmem>>
      %dma_wait3A_302 = tpu.memref_squeeze %dma_wait3A_301 : memref<1x128xi32, #tpu.memory_space<vmem>> -> memref<128xi32, #tpu.memory_space<vmem>>
      %dma_wait3A_303 = arith.constant 0 : i32
      %dma_wait3A_304 = arith.constant 0 : i32
      %dma_wait3A_305 = tpu.memref_slice %arg2[%dma_wait3A_303, %dma_wait3A_304] : memref<10000x128xbf16, #tpu.memory_space<hbm>> -> memref<10000x128xbf16, #tpu.memory_space<hbm>>
      tpu.wait_indirect_dma semaphore(%arg18 : memref<!tpu.dma_semaphore, #tpu.memory_space<semaphore_mem>>) src(%dma_wait3A_305 : memref<10000x128xbf16, #tpu.memory_space<hbm>>) dst(%dma_wait3A_299 : memref<128x128xbf16, #tpu.memory_space<vmem>>)
      %add3A_306 = arith.constant 7 : i32
      %add3A_307 = arith.addi %mul3A_119, %add3A_306 : i32
      %dma_start3A_308 = arith.constant 7 : i32
      %dma_start3A_309 = arith.constant 0 : i32
      %dma_start3A_310 = arith.constant 0 : i32
      %dma_start3A_311 = tpu.memref_slice %arg9[%dma_start3A_308, %dma_start3A_309, %dma_start3A_310] : memref<8x128x128xbf16, #tpu.memory_space<vmem>> -> memref<1x128x128xbf16, #tpu.memory_space<vmem>>
      %dma_start3A_312 = tpu.memref_squeeze %dma_start3A_311 : memref<1x128x128xbf16, #tpu.memory_space<vmem>> -> memref<128x128xbf16, #tpu.memory_space<vmem>>
      %dma_start3A_313 = arith.constant 0 : i32
      %dma_start3A_314 = tpu.memref_slice %arg8[%add3A_307, %dma_start3A_313] : memref<80x128xi32, #tpu.memory_space<vmem>> -> memref<1x128xi32, #tpu.memory_space<vmem>>
      %dma_start3A_315 = tpu.memref_squeeze %dma_start3A_314 : memref<1x128xi32, #tpu.memory_space<vmem>> -> memref<128xi32, #tpu.memory_space<vmem>>
      %dma_start3A_316 = arith.constant 0 : i32
      %dma_start3A_317 = arith.constant 0 : i32
      %dma_start3A_318 = tpu.memref_slice %arg10[%dma_start3A_316, %dma_start3A_317] : memref<10240x128xbf16, #tpu.memory_space<vmem_shared>> -> memref<10240x128xbf16, #tpu.memory_space<vmem_shared>>
      tpu.enqueue_indirect_dma source(%dma_start3A_312 : memref<128x128xbf16, #tpu.memory_space<vmem>>) target(%dma_start3A_318 : memref<10240x128xbf16, #tpu.memory_space<vmem_shared>>) offsets(%dma_start3A_315 : memref<128xi32, #tpu.memory_space<vmem>>) semaphore(%arg26 : memref<!tpu.dma_semaphore, #tpu.memory_space<semaphore_mem>>) {add = true}
      %dma_wait3A_319 = arith.constant 0 : i32
      %dma_wait3A_320 = arith.constant 0 : i32
      %dma_wait3A_321 = arith.constant 0 : i32
      %dma_wait3A_322 = arith.constant 0 : i32
      %dma_wait3A_323 = tpu.memref_slice %arg9[%dma_wait3A_319, %dma_wait3A_321, %dma_wait3A_322] : memref<8x128x128xbf16, #tpu.memory_space<vmem>> -> memref<1x128x128xbf16, #tpu.memory_space<vmem>>
      %dma_wait3A_324 = tpu.memref_squeeze %dma_wait3A_323 : memref<1x128x128xbf16, #tpu.memory_space<vmem>> -> memref<128x128xbf16, #tpu.memory_space<vmem>>
      %dma_wait3A_325 = arith.constant 0 : i32
      %dma_wait3A_326 = tpu.memref_slice %arg8[%dma_wait3A_320, %dma_wait3A_325] : memref<80x128xi32, #tpu.memory_space<vmem>> -> memref<1x128xi32, #tpu.memory_space<vmem>>
      %dma_wait3A_327 = tpu.memref_squeeze %dma_wait3A_326 : memref<1x128xi32, #tpu.memory_space<vmem>> -> memref<128xi32, #tpu.memory_space<vmem>>
      %dma_wait3A_328 = arith.constant 0 : i32
      %dma_wait3A_329 = arith.constant 0 : i32
      %dma_wait3A_330 = tpu.memref_slice %arg10[%dma_wait3A_328, %dma_wait3A_329] : memref<10240x128xbf16, #tpu.memory_space<vmem_shared>> -> memref<10240x128xbf16, #tpu.memory_space<vmem_shared>>
      tpu.wait_indirect_dma semaphore(%arg19 : memref<!tpu.dma_semaphore, #tpu.memory_space<semaphore_mem>>) src(%dma_wait3A_324 : memref<128x128xbf16, #tpu.memory_space<vmem>>) dst(%dma_wait3A_330 : memref<10240x128xbf16, #tpu.memory_space<vmem_shared>>)
      %lt3A = arith.constant 9 : i32
      %lt3A_331 = arith.cmpi slt, %scan3A_116, %lt3A : i32
      %convert_element_type3A = arith.extui %lt3A_331 : i1 to i32
      %cond3A = arith.constant 0 : i32
      %cond3A_332 = arith.cmpi ne, %convert_element_type3A, %cond3A : i32
      scf.if %cond3A_332 {
        %add3A_453 = arith.constant 8 : i32
        %add3A_454 = arith.addi %mul3A_119, %add3A_453 : i32
        %add3A_455 = arith.constant 0 : i32
        %add3A_456 = arith.addi %add3A_454, %add3A_455 : i32
        %dma_start3A_457 = arith.constant 0 : i32
        %dma_start3A_458 = arith.constant 0 : i32
        %dma_start3A_459 = arith.constant 0 : i32
        %dma_start3A_460 = tpu.memref_slice %arg9[%dma_start3A_457, %dma_start3A_458, %dma_start3A_459] : memref<8x128x128xbf16, #tpu.memory_space<vmem>> -> memref<1x128x128xbf16, #tpu.memory_space<vmem>>
        %dma_start3A_461 = tpu.memref_squeeze %dma_start3A_460 : memref<1x128x128xbf16, #tpu.memory_space<vmem>> -> memref<128x128xbf16, #tpu.memory_space<vmem>>
        %dma_start3A_462 = arith.constant 0 : i32
        %dma_start3A_463 = tpu.memref_slice %arg7[%add3A_456, %dma_start3A_462] : memref<80x128xi32, #tpu.memory_space<vmem>> -> memref<1x128xi32, #tpu.memory_space<vmem>>
        %dma_start3A_464 = tpu.memref_squeeze %dma_start3A_463 : memref<1x128xi32, #tpu.memory_space<vmem>> -> memref<128xi32, #tpu.memory_space<vmem>>
        %dma_start3A_465 = arith.constant 0 : i32
        %dma_start3A_466 = arith.constant 0 : i32
        %dma_start3A_467 = tpu.memref_slice %arg2[%dma_start3A_465, %dma_start3A_466] : memref<10000x128xbf16, #tpu.memory_space<hbm>> -> memref<10000x128xbf16, #tpu.memory_space<hbm>>
        tpu.enqueue_indirect_dma source(%dma_start3A_467 : memref<10000x128xbf16, #tpu.memory_space<hbm>>) target(%dma_start3A_461 : memref<128x128xbf16, #tpu.memory_space<vmem>>) offsets(%dma_start3A_464 : memref<128xi32, #tpu.memory_space<vmem>>) semaphore(%arg11 : memref<!tpu.dma_semaphore, #tpu.memory_space<semaphore_mem>>)
      } else {
      }
      %dma_wait3A_333 = arith.constant 1 : i32
      %dma_wait3A_334 = arith.constant 0 : i32
      %dma_wait3A_335 = arith.constant 0 : i32
      %dma_wait3A_336 = arith.constant 0 : i32
      %dma_wait3A_337 = tpu.memref_slice %arg9[%dma_wait3A_333, %dma_wait3A_335, %dma_wait3A_336] : memref<8x128x128xbf16, #tpu.memory_space<vmem>> -> memref<1x128x128xbf16, #tpu.memory_space<vmem>>
      %dma_wait3A_338 = tpu.memref_squeeze %dma_wait3A_337 : memref<1x128x128xbf16, #tpu.memory_space<vmem>> -> memref<128x128xbf16, #tpu.memory_space<vmem>>
      %dma_wait3A_339 = arith.constant 0 : i32
      %dma_wait3A_340 = tpu.memref_slice %arg8[%dma_wait3A_334, %dma_wait3A_339] : memref<80x128xi32, #tpu.memory_space<vmem>> -> memref<1x128xi32, #tpu.memory_space<vmem>>
      %dma_wait3A_341 = tpu.memref_squeeze %dma_wait3A_340 : memref<1x128xi32, #tpu.memory_space<vmem>> -> memref<128xi32, #tpu.memory_space<vmem>>
      %dma_wait3A_342 = arith.constant 0 : i32
      %dma_wait3A_343 = arith.constant 0 : i32
      %dma_wait3A_344 = tpu.memref_slice %arg10[%dma_wait3A_342, %dma_wait3A_343] : memref<10240x128xbf16, #tpu.memory_space<vmem_shared>> -> memref<10240x128xbf16, #tpu.memory_space<vmem_shared>>
      tpu.wait_indirect_dma semaphore(%arg20 : memref<!tpu.dma_semaphore, #tpu.memory_space<semaphore_mem>>) src(%dma_wait3A_338 : memref<128x128xbf16, #tpu.memory_space<vmem>>) dst(%dma_wait3A_344 : memref<10240x128xbf16, #tpu.memory_space<vmem_shared>>)
      %lt3A_345 = arith.constant 9 : i32
      %lt3A_346 = arith.cmpi slt, %scan3A_116, %lt3A_345 : i32
      %convert_element_type3A_347 = arith.extui %lt3A_346 : i1 to i32
      %cond3A_348 = arith.constant 0 : i32
      %cond3A_349 = arith.cmpi ne, %convert_element_type3A_347, %cond3A_348 : i32
      scf.if %cond3A_349 {
        %add3A_453 = arith.constant 8 : i32
        %add3A_454 = arith.addi %mul3A_119, %add3A_453 : i32
        %add3A_455 = arith.constant 1 : i32
        %add3A_456 = arith.addi %add3A_454, %add3A_455 : i32
        %dma_start3A_457 = arith.constant 1 : i32
        %dma_start3A_458 = arith.constant 0 : i32
        %dma_start3A_459 = arith.constant 0 : i32
        %dma_start3A_460 = tpu.memref_slice %arg9[%dma_start3A_457, %dma_start3A_458, %dma_start3A_459] : memref<8x128x128xbf16, #tpu.memory_space<vmem>> -> memref<1x128x128xbf16, #tpu.memory_space<vmem>>
        %dma_start3A_461 = tpu.memref_squeeze %dma_start3A_460 : memref<1x128x128xbf16, #tpu.memory_space<vmem>> -> memref<128x128xbf16, #tpu.memory_space<vmem>>
        %dma_start3A_462 = arith.constant 0 : i32
        %dma_start3A_463 = tpu.memref_slice %arg7[%add3A_456, %dma_start3A_462] : memref<80x128xi32, #tpu.memory_space<vmem>> -> memref<1x128xi32, #tpu.memory_space<vmem>>
        %dma_start3A_464 = tpu.memref_squeeze %dma_start3A_463 : memref<1x128xi32, #tpu.memory_space<vmem>> -> memref<128xi32, #tpu.memory_space<vmem>>
        %dma_start3A_465 = arith.constant 0 : i32
        %dma_start3A_466 = arith.constant 0 : i32
        %dma_start3A_467 = tpu.memref_slice %arg2[%dma_start3A_465, %dma_start3A_466] : memref<10000x128xbf16, #tpu.memory_space<hbm>> -> memref<10000x128xbf16, #tpu.memory_space<hbm>>
        tpu.enqueue_indirect_dma source(%dma_start3A_467 : memref<10000x128xbf16, #tpu.memory_space<hbm>>) target(%dma_start3A_461 : memref<128x128xbf16, #tpu.memory_space<vmem>>) offsets(%dma_start3A_464 : memref<128xi32, #tpu.memory_space<vmem>>) semaphore(%arg12 : memref<!tpu.dma_semaphore, #tpu.memory_space<semaphore_mem>>)
      } else {
      }
      %dma_wait3A_350 = arith.constant 2 : i32
      %dma_wait3A_351 = arith.constant 0 : i32
      %dma_wait3A_352 = arith.constant 0 : i32
      %dma_wait3A_353 = arith.constant 0 : i32
      %dma_wait3A_354 = tpu.memref_slice %arg9[%dma_wait3A_350, %dma_wait3A_352, %dma_wait3A_353] : memref<8x128x128xbf16, #tpu.memory_space<vmem>> -> memref<1x128x128xbf16, #tpu.memory_space<vmem>>
      %dma_wait3A_355 = tpu.memref_squeeze %dma_wait3A_354 : memref<1x128x128xbf16, #tpu.memory_space<vmem>> -> memref<128x128xbf16, #tpu.memory_space<vmem>>
      %dma_wait3A_356 = arith.constant 0 : i32
      %dma_wait3A_357 = tpu.memref_slice %arg8[%dma_wait3A_351, %dma_wait3A_356] : memref<80x128xi32, #tpu.memory_space<vmem>> -> memref<1x128xi32, #tpu.memory_space<vmem>>
      %dma_wait3A_358 = tpu.memref_squeeze %dma_wait3A_357 : memref<1x128xi32, #tpu.memory_space<vmem>> -> memref<128xi32, #tpu.memory_space<vmem>>
      %dma_wait3A_359 = arith.constant 0 : i32
      %dma_wait3A_360 = arith.constant 0 : i32
      %dma_wait3A_361 = tpu.memref_slice %arg10[%dma_wait3A_359, %dma_wait3A_360] : memref<10240x128xbf16, #tpu.memory_space<vmem_shared>> -> memref<10240x128xbf16, #tpu.memory_space<vmem_shared>>
      tpu.wait_indirect_dma semaphore(%arg21 : memref<!tpu.dma_semaphore, #tpu.memory_space<semaphore_mem>>) src(%dma_wait3A_355 : memref<128x128xbf16, #tpu.memory_space<vmem>>) dst(%dma_wait3A_361 : memref<10240x128xbf16, #tpu.memory_space<vmem_shared>>)
      %lt3A_362 = arith.constant 9 : i32
      %lt3A_363 = arith.cmpi slt, %scan3A_116, %lt3A_362 : i32
      %convert_element_type3A_364 = arith.extui %lt3A_363 : i1 to i32
      %cond3A_365 = arith.constant 0 : i32
      %cond3A_366 = arith.cmpi ne, %convert_element_type3A_364, %cond3A_365 : i32
      scf.if %cond3A_366 {
        %add3A_453 = arith.constant 8 : i32
        %add3A_454 = arith.addi %mul3A_119, %add3A_453 : i32
        %add3A_455 = arith.constant 2 : i32
        %add3A_456 = arith.addi %add3A_454, %add3A_455 : i32
        %dma_start3A_457 = arith.constant 2 : i32
        %dma_start3A_458 = arith.constant 0 : i32
        %dma_start3A_459 = arith.constant 0 : i32
        %dma_start3A_460 = tpu.memref_slice %arg9[%dma_start3A_457, %dma_start3A_458, %dma_start3A_459] : memref<8x128x128xbf16, #tpu.memory_space<vmem>> -> memref<1x128x128xbf16, #tpu.memory_space<vmem>>
        %dma_start3A_461 = tpu.memref_squeeze %dma_start3A_460 : memref<1x128x128xbf16, #tpu.memory_space<vmem>> -> memref<128x128xbf16, #tpu.memory_space<vmem>>
        %dma_start3A_462 = arith.constant 0 : i32
        %dma_start3A_463 = tpu.memref_slice %arg7[%add3A_456, %dma_start3A_462] : memref<80x128xi32, #tpu.memory_space<vmem>> -> memref<1x128xi32, #tpu.memory_space<vmem>>
        %dma_start3A_464 = tpu.memref_squeeze %dma_start3A_463 : memref<1x128xi32, #tpu.memory_space<vmem>> -> memref<128xi32, #tpu.memory_space<vmem>>
        %dma_start3A_465 = arith.constant 0 : i32
        %dma_start3A_466 = arith.constant 0 : i32
        %dma_start3A_467 = tpu.memref_slice %arg2[%dma_start3A_465, %dma_start3A_466] : memref<10000x128xbf16, #tpu.memory_space<hbm>> -> memref<10000x128xbf16, #tpu.memory_space<hbm>>
        tpu.enqueue_indirect_dma source(%dma_start3A_467 : memref<10000x128xbf16, #tpu.memory_space<hbm>>) target(%dma_start3A_461 : memref<128x128xbf16, #tpu.memory_space<vmem>>) offsets(%dma_start3A_464 : memref<128xi32, #tpu.memory_space<vmem>>) semaphore(%arg13 : memref<!tpu.dma_semaphore, #tpu.memory_space<semaphore_mem>>)
      } else {
      }
      %dma_wait3A_367 = arith.constant 3 : i32
      %dma_wait3A_368 = arith.constant 0 : i32
      %dma_wait3A_369 = arith.constant 0 : i32
      %dma_wait3A_370 = arith.constant 0 : i32
      %dma_wait3A_371 = tpu.memref_slice %arg9[%dma_wait3A_367, %dma_wait3A_369, %dma_wait3A_370] : memref<8x128x128xbf16, #tpu.memory_space<vmem>> -> memref<1x128x128xbf16, #tpu.memory_space<vmem>>
      %dma_wait3A_372 = tpu.memref_squeeze %dma_wait3A_371 : memref<1x128x128xbf16, #tpu.memory_space<vmem>> -> memref<128x128xbf16, #tpu.memory_space<vmem>>
      %dma_wait3A_373 = arith.constant 0 : i32
      %dma_wait3A_374 = tpu.memref_slice %arg8[%dma_wait3A_368, %dma_wait3A_373] : memref<80x128xi32, #tpu.memory_space<vmem>> -> memref<1x128xi32, #tpu.memory_space<vmem>>
      %dma_wait3A_375 = tpu.memref_squeeze %dma_wait3A_374 : memref<1x128xi32, #tpu.memory_space<vmem>> -> memref<128xi32, #tpu.memory_space<vmem>>
      %dma_wait3A_376 = arith.constant 0 : i32
      %dma_wait3A_377 = arith.constant 0 : i32
      %dma_wait3A_378 = tpu.memref_slice %arg10[%dma_wait3A_376, %dma_wait3A_377] : memref<10240x128xbf16, #tpu.memory_space<vmem_shared>> -> memref<10240x128xbf16, #tpu.memory_space<vmem_shared>>
      tpu.wait_indirect_dma semaphore(%arg22 : memref<!tpu.dma_semaphore, #tpu.memory_space<semaphore_mem>>) src(%dma_wait3A_372 : memref<128x128xbf16, #tpu.memory_space<vmem>>) dst(%dma_wait3A_378 : memref<10240x128xbf16, #tpu.memory_space<vmem_shared>>)
      %lt3A_379 = arith.constant 9 : i32
      %lt3A_380 = arith.cmpi slt, %scan3A_116, %lt3A_379 : i32
      %convert_element_type3A_381 = arith.extui %lt3A_380 : i1 to i32
      %cond3A_382 = arith.constant 0 : i32
      %cond3A_383 = arith.cmpi ne, %convert_element_type3A_381, %cond3A_382 : i32
      scf.if %cond3A_383 {
        %add3A_453 = arith.constant 8 : i32
        %add3A_454 = arith.addi %mul3A_119, %add3A_453 : i32
        %add3A_455 = arith.constant 3 : i32
        %add3A_456 = arith.addi %add3A_454, %add3A_455 : i32
        %dma_start3A_457 = arith.constant 3 : i32
        %dma_start3A_458 = arith.constant 0 : i32
        %dma_start3A_459 = arith.constant 0 : i32
        %dma_start3A_460 = tpu.memref_slice %arg9[%dma_start3A_457, %dma_start3A_458, %dma_start3A_459] : memref<8x128x128xbf16, #tpu.memory_space<vmem>> -> memref<1x128x128xbf16, #tpu.memory_space<vmem>>
        %dma_start3A_461 = tpu.memref_squeeze %dma_start3A_460 : memref<1x128x128xbf16, #tpu.memory_space<vmem>> -> memref<128x128xbf16, #tpu.memory_space<vmem>>
        %dma_start3A_462 = arith.constant 0 : i32
        %dma_start3A_463 = tpu.memref_slice %arg7[%add3A_456, %dma_start3A_462] : memref<80x128xi32, #tpu.memory_space<vmem>> -> memref<1x128xi32, #tpu.memory_space<vmem>>
        %dma_start3A_464 = tpu.memref_squeeze %dma_start3A_463 : memref<1x128xi32, #tpu.memory_space<vmem>> -> memref<128xi32, #tpu.memory_space<vmem>>
        %dma_start3A_465 = arith.constant 0 : i32
        %dma_start3A_466 = arith.constant 0 : i32
        %dma_start3A_467 = tpu.memref_slice %arg2[%dma_start3A_465, %dma_start3A_466] : memref<10000x128xbf16, #tpu.memory_space<hbm>> -> memref<10000x128xbf16, #tpu.memory_space<hbm>>
        tpu.enqueue_indirect_dma source(%dma_start3A_467 : memref<10000x128xbf16, #tpu.memory_space<hbm>>) target(%dma_start3A_461 : memref<128x128xbf16, #tpu.memory_space<vmem>>) offsets(%dma_start3A_464 : memref<128xi32, #tpu.memory_space<vmem>>) semaphore(%arg14 : memref<!tpu.dma_semaphore, #tpu.memory_space<semaphore_mem>>)
      } else {
      }
      %dma_wait3A_384 = arith.constant 4 : i32
      %dma_wait3A_385 = arith.constant 0 : i32
      %dma_wait3A_386 = arith.constant 0 : i32
      %dma_wait3A_387 = arith.constant 0 : i32
      %dma_wait3A_388 = tpu.memref_slice %arg9[%dma_wait3A_384, %dma_wait3A_386, %dma_wait3A_387] : memref<8x128x128xbf16, #tpu.memory_space<vmem>> -> memref<1x128x128xbf16, #tpu.memory_space<vmem>>
      %dma_wait3A_389 = tpu.memref_squeeze %dma_wait3A_388 : memref<1x128x128xbf16, #tpu.memory_space<vmem>> -> memref<128x128xbf16, #tpu.memory_space<vmem>>
      %dma_wait3A_390 = arith.constant 0 : i32
      %dma_wait3A_391 = tpu.memref_slice %arg8[%dma_wait3A_385, %dma_wait3A_390] : memref<80x128xi32, #tpu.memory_space<vmem>> -> memref<1x128xi32, #tpu.memory_space<vmem>>
      %dma_wait3A_392 = tpu.memref_squeeze %dma_wait3A_391 : memref<1x128xi32, #tpu.memory_space<vmem>> -> memref<128xi32, #tpu.memory_space<vmem>>
      %dma_wait3A_393 = arith.constant 0 : i32
      %dma_wait3A_394 = arith.constant 0 : i32
      %dma_wait3A_395 = tpu.memref_slice %arg10[%dma_wait3A_393, %dma_wait3A_394] : memref<10240x128xbf16, #tpu.memory_space<vmem_shared>> -> memref<10240x128xbf16, #tpu.memory_space<vmem_shared>>
      tpu.wait_indirect_dma semaphore(%arg23 : memref<!tpu.dma_semaphore, #tpu.memory_space<semaphore_mem>>) src(%dma_wait3A_389 : memref<128x128xbf16, #tpu.memory_space<vmem>>) dst(%dma_wait3A_395 : memref<10240x128xbf16, #tpu.memory_space<vmem_shared>>)
      %lt3A_396 = arith.constant 9 : i32
      %lt3A_397 = arith.cmpi slt, %scan3A_116, %lt3A_396 : i32
      %convert_element_type3A_398 = arith.extui %lt3A_397 : i1 to i32
      %cond3A_399 = arith.constant 0 : i32
      %cond3A_400 = arith.cmpi ne, %convert_element_type3A_398, %cond3A_399 : i32
      scf.if %cond3A_400 {
        %add3A_453 = arith.constant 8 : i32
        %add3A_454 = arith.addi %mul3A_119, %add3A_453 : i32
        %add3A_455 = arith.constant 4 : i32
        %add3A_456 = arith.addi %add3A_454, %add3A_455 : i32
        %dma_start3A_457 = arith.constant 4 : i32
        %dma_start3A_458 = arith.constant 0 : i32
        %dma_start3A_459 = arith.constant 0 : i32
        %dma_start3A_460 = tpu.memref_slice %arg9[%dma_start3A_457, %dma_start3A_458, %dma_start3A_459] : memref<8x128x128xbf16, #tpu.memory_space<vmem>> -> memref<1x128x128xbf16, #tpu.memory_space<vmem>>
        %dma_start3A_461 = tpu.memref_squeeze %dma_start3A_460 : memref<1x128x128xbf16, #tpu.memory_space<vmem>> -> memref<128x128xbf16, #tpu.memory_space<vmem>>
        %dma_start3A_462 = arith.constant 0 : i32
        %dma_start3A_463 = tpu.memref_slice %arg7[%add3A_456, %dma_start3A_462] : memref<80x128xi32, #tpu.memory_space<vmem>> -> memref<1x128xi32, #tpu.memory_space<vmem>>
        %dma_start3A_464 = tpu.memref_squeeze %dma_start3A_463 : memref<1x128xi32, #tpu.memory_space<vmem>> -> memref<128xi32, #tpu.memory_space<vmem>>
        %dma_start3A_465 = arith.constant 0 : i32
        %dma_start3A_466 = arith.constant 0 : i32
        %dma_start3A_467 = tpu.memref_slice %arg2[%dma_start3A_465, %dma_start3A_466] : memref<10000x128xbf16, #tpu.memory_space<hbm>> -> memref<10000x128xbf16, #tpu.memory_space<hbm>>
        tpu.enqueue_indirect_dma source(%dma_start3A_467 : memref<10000x128xbf16, #tpu.memory_space<hbm>>) target(%dma_start3A_461 : memref<128x128xbf16, #tpu.memory_space<vmem>>) offsets(%dma_start3A_464 : memref<128xi32, #tpu.memory_space<vmem>>) semaphore(%arg15 : memref<!tpu.dma_semaphore, #tpu.memory_space<semaphore_mem>>)
      } else {
      }
      %dma_wait3A_401 = arith.constant 5 : i32
      %dma_wait3A_402 = arith.constant 0 : i32
      %dma_wait3A_403 = arith.constant 0 : i32
      %dma_wait3A_404 = arith.constant 0 : i32
      %dma_wait3A_405 = tpu.memref_slice %arg9[%dma_wait3A_401, %dma_wait3A_403, %dma_wait3A_404] : memref<8x128x128xbf16, #tpu.memory_space<vmem>> -> memref<1x128x128xbf16, #tpu.memory_space<vmem>>
      %dma_wait3A_406 = tpu.memref_squeeze %dma_wait3A_405 : memref<1x128x128xbf16, #tpu.memory_space<vmem>> -> memref<128x128xbf16, #tpu.memory_space<vmem>>
      %dma_wait3A_407 = arith.constant 0 : i32
      %dma_wait3A_408 = tpu.memref_slice %arg8[%dma_wait3A_402, %dma_wait3A_407] : memref<80x128xi32, #tpu.memory_space<vmem>> -> memref<1x128xi32, #tpu.memory_space<vmem>>
      %dma_wait3A_409 = tpu.memref_squeeze %dma_wait3A_408 : memref<1x128xi32, #tpu.memory_space<vmem>> -> memref<128xi32, #tpu.memory_space<vmem>>
      %dma_wait3A_410 = arith.constant 0 : i32
      %dma_wait3A_411 = arith.constant 0 : i32
      %dma_wait3A_412 = tpu.memref_slice %arg10[%dma_wait3A_410, %dma_wait3A_411] : memref<10240x128xbf16, #tpu.memory_space<vmem_shared>> -> memref<10240x128xbf16, #tpu.memory_space<vmem_shared>>
      tpu.wait_indirect_dma semaphore(%arg24 : memref<!tpu.dma_semaphore, #tpu.memory_space<semaphore_mem>>) src(%dma_wait3A_406 : memref<128x128xbf16, #tpu.memory_space<vmem>>) dst(%dma_wait3A_412 : memref<10240x128xbf16, #tpu.memory_space<vmem_shared>>)
      %lt3A_413 = arith.constant 9 : i32
      %lt3A_414 = arith.cmpi slt, %scan3A_116, %lt3A_413 : i32
      %convert_element_type3A_415 = arith.extui %lt3A_414 : i1 to i32
      %cond3A_416 = arith.constant 0 : i32
      %cond3A_417 = arith.cmpi ne, %convert_element_type3A_415, %cond3A_416 : i32
      scf.if %cond3A_417 {
        %add3A_453 = arith.constant 8 : i32
        %add3A_454 = arith.addi %mul3A_119, %add3A_453 : i32
        %add3A_455 = arith.constant 5 : i32
        %add3A_456 = arith.addi %add3A_454, %add3A_455 : i32
        %dma_start3A_457 = arith.constant 5 : i32
        %dma_start3A_458 = arith.constant 0 : i32
        %dma_start3A_459 = arith.constant 0 : i32
        %dma_start3A_460 = tpu.memref_slice %arg9[%dma_start3A_457, %dma_start3A_458, %dma_start3A_459] : memref<8x128x128xbf16, #tpu.memory_space<vmem>> -> memref<1x128x128xbf16, #tpu.memory_space<vmem>>
        %dma_start3A_461 = tpu.memref_squeeze %dma_start3A_460 : memref<1x128x128xbf16, #tpu.memory_space<vmem>> -> memref<128x128xbf16, #tpu.memory_space<vmem>>
        %dma_start3A_462 = arith.constant 0 : i32
        %dma_start3A_463 = tpu.memref_slice %arg7[%add3A_456, %dma_start3A_462] : memref<80x128xi32, #tpu.memory_space<vmem>> -> memref<1x128xi32, #tpu.memory_space<vmem>>
        %dma_start3A_464 = tpu.memref_squeeze %dma_start3A_463 : memref<1x128xi32, #tpu.memory_space<vmem>> -> memref<128xi32, #tpu.memory_space<vmem>>
        %dma_start3A_465 = arith.constant 0 : i32
        %dma_start3A_466 = arith.constant 0 : i32
        %dma_start3A_467 = tpu.memref_slice %arg2[%dma_start3A_465, %dma_start3A_466] : memref<10000x128xbf16, #tpu.memory_space<hbm>> -> memref<10000x128xbf16, #tpu.memory_space<hbm>>
        tpu.enqueue_indirect_dma source(%dma_start3A_467 : memref<10000x128xbf16, #tpu.memory_space<hbm>>) target(%dma_start3A_461 : memref<128x128xbf16, #tpu.memory_space<vmem>>) offsets(%dma_start3A_464 : memref<128xi32, #tpu.memory_space<vmem>>) semaphore(%arg16 : memref<!tpu.dma_semaphore, #tpu.memory_space<semaphore_mem>>)
      } else {
      }
      %dma_wait3A_418 = arith.constant 6 : i32
      %dma_wait3A_419 = arith.constant 0 : i32
      %dma_wait3A_420 = arith.constant 0 : i32
      %dma_wait3A_421 = arith.constant 0 : i32
      %dma_wait3A_422 = tpu.memref_slice %arg9[%dma_wait3A_418, %dma_wait3A_420, %dma_wait3A_421] : memref<8x128x128xbf16, #tpu.memory_space<vmem>> -> memref<1x128x128xbf16, #tpu.memory_space<vmem>>
      %dma_wait3A_423 = tpu.memref_squeeze %dma_wait3A_422 : memref<1x128x128xbf16, #tpu.memory_space<vmem>> -> memref<128x128xbf16, #tpu.memory_space<vmem>>
      %dma_wait3A_424 = arith.constant 0 : i32
      %dma_wait3A_425 = tpu.memref_slice %arg8[%dma_wait3A_419, %dma_wait3A_424] : memref<80x128xi32, #tpu.memory_space<vmem>> -> memref<1x128xi32, #tpu.memory_space<vmem>>
      %dma_wait3A_426 = tpu.memref_squeeze %dma_wait3A_425 : memref<1x128xi32, #tpu.memory_space<vmem>> -> memref<128xi32, #tpu.memory_space<vmem>>
      %dma_wait3A_427 = arith.constant 0 : i32
      %dma_wait3A_428 = arith.constant 0 : i32
      %dma_wait3A_429 = tpu.memref_slice %arg10[%dma_wait3A_427, %dma_wait3A_428] : memref<10240x128xbf16, #tpu.memory_space<vmem_shared>> -> memref<10240x128xbf16, #tpu.memory_space<vmem_shared>>
      tpu.wait_indirect_dma semaphore(%arg25 : memref<!tpu.dma_semaphore, #tpu.memory_space<semaphore_mem>>) src(%dma_wait3A_423 : memref<128x128xbf16, #tpu.memory_space<vmem>>) dst(%dma_wait3A_429 : memref<10240x128xbf16, #tpu.memory_space<vmem_shared>>)
      %lt3A_430 = arith.constant 9 : i32
      %lt3A_431 = arith.cmpi slt, %scan3A_116, %lt3A_430 : i32
      %convert_element_type3A_432 = arith.extui %lt3A_431 : i1 to i32
      %cond3A_433 = arith.constant 0 : i32
      %cond3A_434 = arith.cmpi ne, %convert_element_type3A_432, %cond3A_433 : i32
      scf.if %cond3A_434 {
        %add3A_453 = arith.constant 8 : i32
        %add3A_454 = arith.addi %mul3A_119, %add3A_453 : i32
        %add3A_455 = arith.constant 6 : i32
        %add3A_456 = arith.addi %add3A_454, %add3A_455 : i32
        %dma_start3A_457 = arith.constant 6 : i32
        %dma_start3A_458 = arith.constant 0 : i32
        %dma_start3A_459 = arith.constant 0 : i32
        %dma_start3A_460 = tpu.memref_slice %arg9[%dma_start3A_457, %dma_start3A_458, %dma_start3A_459] : memref<8x128x128xbf16, #tpu.memory_space<vmem>> -> memref<1x128x128xbf16, #tpu.memory_space<vmem>>
        %dma_start3A_461 = tpu.memref_squeeze %dma_start3A_460 : memref<1x128x128xbf16, #tpu.memory_space<vmem>> -> memref<128x128xbf16, #tpu.memory_space<vmem>>
        %dma_start3A_462 = arith.constant 0 : i32
        %dma_start3A_463 = tpu.memref_slice %arg7[%add3A_456, %dma_start3A_462] : memref<80x128xi32, #tpu.memory_space<vmem>> -> memref<1x128xi32, #tpu.memory_space<vmem>>
        %dma_start3A_464 = tpu.memref_squeeze %dma_start3A_463 : memref<1x128xi32, #tpu.memory_space<vmem>> -> memref<128xi32, #tpu.memory_space<vmem>>
        %dma_start3A_465 = arith.constant 0 : i32
        %dma_start3A_466 = arith.constant 0 : i32
        %dma_start3A_467 = tpu.memref_slice %arg2[%dma_start3A_465, %dma_start3A_466] : memref<10000x128xbf16, #tpu.memory_space<hbm>> -> memref<10000x128xbf16, #tpu.memory_space<hbm>>
        tpu.enqueue_indirect_dma source(%dma_start3A_467 : memref<10000x128xbf16, #tpu.memory_space<hbm>>) target(%dma_start3A_461 : memref<128x128xbf16, #tpu.memory_space<vmem>>) offsets(%dma_start3A_464 : memref<128xi32, #tpu.memory_space<vmem>>) semaphore(%arg17 : memref<!tpu.dma_semaphore, #tpu.memory_space<semaphore_mem>>)
      } else {
      }
      %dma_wait3A_435 = arith.constant 7 : i32
      %dma_wait3A_436 = arith.constant 0 : i32
      %dma_wait3A_437 = arith.constant 0 : i32
      %dma_wait3A_438 = arith.constant 0 : i32
      %dma_wait3A_439 = tpu.memref_slice %arg9[%dma_wait3A_435, %dma_wait3A_437, %dma_wait3A_438] : memref<8x128x128xbf16, #tpu.memory_space<vmem>> -> memref<1x128x128xbf16, #tpu.memory_space<vmem>>
      %dma_wait3A_440 = tpu.memref_squeeze %dma_wait3A_439 : memref<1x128x128xbf16, #tpu.memory_space<vmem>> -> memref<128x128xbf16, #tpu.memory_space<vmem>>
      %dma_wait3A_441 = arith.constant 0 : i32
      %dma_wait3A_442 = tpu.memref_slice %arg8[%dma_wait3A_436, %dma_wait3A_441] : memref<80x128xi32, #tpu.memory_space<vmem>> -> memref<1x128xi32, #tpu.memory_space<vmem>>
      %dma_wait3A_443 = tpu.memref_squeeze %dma_wait3A_442 : memref<1x128xi32, #tpu.memory_space<vmem>> -> memref<128xi32, #tpu.memory_space<vmem>>
      %dma_wait3A_444 = arith.constant 0 : i32
      %dma_wait3A_445 = arith.constant 0 : i32
      %dma_wait3A_446 = tpu.memref_slice %arg10[%dma_wait3A_444, %dma_wait3A_445] : memref<10240x128xbf16, #tpu.memory_space<vmem_shared>> -> memref<10240x128xbf16, #tpu.memory_space<vmem_shared>>
      tpu.wait_indirect_dma semaphore(%arg26 : memref<!tpu.dma_semaphore, #tpu.memory_space<semaphore_mem>>) src(%dma_wait3A_440 : memref<128x128xbf16, #tpu.memory_space<vmem>>) dst(%dma_wait3A_446 : memref<10240x128xbf16, #tpu.memory_space<vmem_shared>>)
      %lt3A_447 = arith.constant 9 : i32
      %lt3A_448 = arith.cmpi slt, %scan3A_116, %lt3A_447 : i32
      %convert_element_type3A_449 = arith.extui %lt3A_448 : i1 to i32
      %cond3A_450 = arith.constant 0 : i32
      %cond3A_451 = arith.cmpi ne, %convert_element_type3A_449, %cond3A_450 : i32
      scf.if %cond3A_451 {
        %add3A_453 = arith.constant 8 : i32
        %add3A_454 = arith.addi %mul3A_119, %add3A_453 : i32
        %add3A_455 = arith.constant 7 : i32
        %add3A_456 = arith.addi %add3A_454, %add3A_455 : i32
        %dma_start3A_457 = arith.constant 7 : i32
        %dma_start3A_458 = arith.constant 0 : i32
        %dma_start3A_459 = arith.constant 0 : i32
        %dma_start3A_460 = tpu.memref_slice %arg9[%dma_start3A_457, %dma_start3A_458, %dma_start3A_459] : memref<8x128x128xbf16, #tpu.memory_space<vmem>> -> memref<1x128x128xbf16, #tpu.memory_space<vmem>>
        %dma_start3A_461 = tpu.memref_squeeze %dma_start3A_460 : memref<1x128x128xbf16, #tpu.memory_space<vmem>> -> memref<128x128xbf16, #tpu.memory_space<vmem>>
        %dma_start3A_462 = arith.constant 0 : i32
        %dma_start3A_463 = tpu.memref_slice %arg7[%add3A_456, %dma_start3A_462] : memref<80x128xi32, #tpu.memory_space<vmem>> -> memref<1x128xi32, #tpu.memory_space<vmem>>
        %dma_start3A_464 = tpu.memref_squeeze %dma_start3A_463 : memref<1x128xi32, #tpu.memory_space<vmem>> -> memref<128xi32, #tpu.memory_space<vmem>>
        %dma_start3A_465 = arith.constant 0 : i32
        %dma_start3A_466 = arith.constant 0 : i32
        %dma_start3A_467 = tpu.memref_slice %arg2[%dma_start3A_465, %dma_start3A_466] : memref<10000x128xbf16, #tpu.memory_space<hbm>> -> memref<10000x128xbf16, #tpu.memory_space<hbm>>
        tpu.enqueue_indirect_dma source(%dma_start3A_467 : memref<10000x128xbf16, #tpu.memory_space<hbm>>) target(%dma_start3A_461 : memref<128x128xbf16, #tpu.memory_space<vmem>>) offsets(%dma_start3A_464 : memref<128xi32, #tpu.memory_space<vmem>>) semaphore(%arg18 : memref<!tpu.dma_semaphore, #tpu.memory_space<semaphore_mem>>)
      } else {
      }
      %scan3A_452 = arith.constant 0 : i32
      scf.yield %scan3A_452 : i32
    }
    %scan3A_107 = arith.constant 10 : i32
    %barrier3A_108 = arith.constant 0 : index
    tpu.barrier barrier_id(%barrier3A_108)
    %mul3A_109 = arith.constant 640 : i32
    %mul3A_110 = arith.muli %arg1, %mul3A_109 : i32
    %mul3A_111 = arith.constant 10240 : i32
    %mul3A_112 = arith.muli %arg0, %mul3A_111 : i32
    %mul3A_113 = arith.constant 640 : i32
    %mul3A_114 = arith.muli %arg1, %mul3A_113 : i32
    %add3A_115 = arith.addi %mul3A_112, %mul3A_114 : i32
    "tpu.region"() ({
      %run_scoped3A = tpu.sem_alloc : memref<!tpu.dma_semaphore, #tpu.memory_space<semaphore_mem>>
      %dma_start3A_116 = arith.constant 0 : i32
      %dma_start3A_117 = tpu.memref_slice %arg6[%add3A_115, %dma_start3A_116] : memref<20480x128xbf16, #tpu.memory_space<hbm>> -> memref<640x128xbf16, #tpu.memory_space<hbm>>
      %dma_start3A_118 = arith.constant 0 : i32
      %dma_start3A_119 = tpu.memref_slice %arg10[%mul3A_110, %dma_start3A_118] : memref<10240x128xbf16, #tpu.memory_space<vmem_shared>> -> memref<640x128xbf16, #tpu.memory_space<vmem_shared>>
      tpu.enqueue_dma source(%dma_start3A_119 : memref<640x128xbf16, #tpu.memory_space<vmem_shared>>) target(%dma_start3A_117 : memref<640x128xbf16, #tpu.memory_space<hbm>>) target_semaphore(%run_scoped3A : memref<!tpu.dma_semaphore, #tpu.memory_space<semaphore_mem>>)
      %dma_wait3A = arith.constant 0 : i32
      %dma_wait3A_120 = tpu.memref_slice %arg6[%add3A_115, %dma_wait3A] : memref<20480x128xbf16, #tpu.memory_space<hbm>> -> memref<640x128xbf16, #tpu.memory_space<hbm>>
      %dma_wait3A_121 = arith.constant 0 : i32
      %dma_wait3A_122 = tpu.memref_slice %arg10[%mul3A_110, %dma_wait3A_121] : memref<10240x128xbf16, #tpu.memory_space<vmem_shared>> -> memref<640x128xbf16, #tpu.memory_space<vmem_shared>>
      tpu.wait_dma2 semaphore(%run_scoped3A : memref<!tpu.dma_semaphore, #tpu.memory_space<semaphore_mem>>) src(%dma_wait3A_122 : memref<640x128xbf16, #tpu.memory_space<vmem_shared>>) dst(%dma_wait3A_120 : memref<640x128xbf16, #tpu.memory_space<hbm>>)
      tpu.yield
    }) : () -> ()
    return
  }
}

module attributes {stable_mosaic.version = 14 : i64} {
  func.func @_mm_body(%arg0: i32, %arg1: memref<2000x128xf32, #tpu.memory_space<vmem>>, %arg2: memref<128x128xf32, #tpu.memory_space<vmem>>, %arg3: memref<2000x128xbf16, #tpu.memory_space<vmem>>) attributes {dimension_semantics = [#tpu.dimension_semantics<arbitrary>], iteration_bounds = array<i64: 5>, scalar_prefetch = 0 : i64, scratch_operands = 0 : i64, tpu.core_type = #tpu.core_type<tc>, window_params = [{transform_indices = @transform_0, window_bounds = array<i64: 2000, 128>}, {pipeline_mode = #tpu.pipeline_mode<synchronous>, transform_indices = @transform_1, window_bounds = array<i64: 128, 128>}, {transform_indices = @transform_2, window_bounds = array<i64: 2000, 128>}]} {
    %get3A = arith.constant 0 : index
    %get3A_0 = arith.constant 0 : index
    %get3A_1 = vector.load %arg1[%get3A, %get3A_0] : memref<2000x128xf32, #tpu.memory_space<vmem>>, vector<2000x128xf32>
    %get3A_2 = arith.constant 0 : index
    %get3A_3 = arith.constant 0 : index
    %get3A_4 = vector.load %arg2[%get3A_2, %get3A_3] : memref<128x128xf32, #tpu.memory_space<vmem>>, vector<128x128xf32>
    %dot_general3A = arith.constant dense<0.000000e+00> : vector<2000x128xf32>
    %dot_general3A_5 = tpu.matmul %get3A_1, %get3A_4, %dot_general3A {dimension_numbers = #tpu.dot_dimension_numbers<[1], [0], [0], [1], [0, 0, 1, 1], [], []>, transpose_lhs_hint = false} : vector<2000x128xf32>, vector<128x128xf32>, vector<2000x128xf32> -> vector<2000x128xf32>
    %convert_element_type3A = arith.truncf %dot_general3A_5 : vector<2000x128xf32> to vector<2000x128xbf16>
    %swap3A = arith.constant 0 : index
    %swap3A_6 = arith.constant 0 : index
    %swap3A_7 = vector.load %arg3[%swap3A, %swap3A_6] : memref<2000x128xbf16, #tpu.memory_space<vmem>>, vector<2000x128xbf16>
    tpu.vector_store %arg3[%swap3A, %swap3A_6], %convert_element_type3A {strides = array<i32>} : memref<2000x128xbf16, #tpu.memory_space<vmem>>, vector<2000x128xbf16>,
    return
  }
  func.func @transform_0(%arg0: i32) -> (i32, i32) {
    %c0_i32 = arith.constant 0 : i32
    %c0_i32_0 = arith.constant 0 : i32
    return %arg0, %c0_i32 : i32, i32
  }
  func.func @transform_1(%arg0: i32) -> (i32, i32) {
    %c0_i32 = arith.constant 0 : i32
    %c0_i32_0 = arith.constant 0 : i32
    %c0_i32_1 = arith.constant 0 : i32
    return %c0_i32, %c0_i32_0 : i32, i32
  }
  func.func @transform_2(%arg0: i32) -> (i32, i32) {
    %c0_i32 = arith.constant 0 : i32
    %c0_i32_0 = arith.constant 0 : i32
    return %arg0, %c0_i32 : i32, i32
  }
}

module attributes {stable_mosaic.version = 14 : i64} {
  func.func @_x1_pass_body(%arg0: i32, %arg1: memref<8000x128xf32, #tpu.memory_space<vmem>>, %arg2: memref<128x16xf32, #tpu.memory_space<vmem>>, %arg3: memref<8000x16xbf16, #tpu.memory_space<vmem>>, %arg4: memref<1x128xf32, #tpu.memory_space<vmem>>) attributes {dimension_semantics = [#tpu.dimension_semantics<arbitrary>], iteration_bounds = array<i64: 20>, scalar_prefetch = 0 : i64, scratch_operands = 0 : i64, tpu.core_type = #tpu.core_type<tc>, window_params = [{transform_indices = @transform_0, window_bounds = array<i64: 8000, 128>}, {pipeline_mode = #tpu.pipeline_mode<synchronous>, transform_indices = @transform_1, window_bounds = array<i64: 128, 16>}, {transform_indices = @transform_2, window_bounds = array<i64: 8000, 16>}, {pipeline_mode = #tpu.pipeline_mode<synchronous>, transform_indices = @transform_3, window_bounds = array<i64: 1, 128>}]} {
    %get3A = arith.constant 0 : index
    %get3A_0 = arith.constant 0 : index
    %get3A_1 = vector.load %arg1[%get3A, %get3A_0] : memref<8000x128xf32, #tpu.memory_space<vmem>>, vector<8000x128xf32>
    %get3A_2 = arith.constant 0 : index
    %get3A_3 = arith.constant 0 : index
    %get3A_4 = vector.load %arg2[%get3A_2, %get3A_3] : memref<128x16xf32, #tpu.memory_space<vmem>>, vector<128x16xf32>
    %dot_general3A = arith.constant dense<0.000000e+00> : vector<8000x16xf32>
    %dot_general3A_5 = tpu.matmul %get3A_1, %get3A_4, %dot_general3A {dimension_numbers = #tpu.dot_dimension_numbers<[1], [0], [0], [1], [0, 0, 1, 1], [], []>, transpose_lhs_hint = false} : vector<8000x128xf32>, vector<128x16xf32>, vector<8000x16xf32> -> vector<8000x16xf32>
    %convert_element_type3A = arith.truncf %dot_general3A_5 : vector<8000x16xf32> to vector<8000x16xbf16>
    %swap3A = arith.constant 0 : index
    %swap3A_6 = arith.constant 0 : index
    %swap3A_7 = vector.load %arg3[%swap3A, %swap3A_6] : memref<8000x16xbf16, #tpu.memory_space<vmem>>, vector<8000x16xbf16>
    tpu.vector_store %arg3[%swap3A, %swap3A_6], %convert_element_type3A {strides = array<i32>} : memref<8000x16xbf16, #tpu.memory_space<vmem>>, vector<8000x16xbf16>,
    %eq3A = arith.constant 0 : i32
    %eq3A_8 = arith.cmpi eq, %arg0, %eq3A : i32
    %convert_element_type3A_9 = arith.extui %eq3A_8 : i1 to i32
    %cond3A = arith.constant 0 : i32
    %cond3A_10 = arith.cmpi ne, %convert_element_type3A_9, %cond3A : i32
    scf.if %cond3A_10 {
      %broadcast_in_dim3A_18 = arith.constant 0.000000e+00 : f32
      %broadcast_in_dim3A_19 = vector.broadcast %broadcast_in_dim3A_18 : f32 to vector<1x128xf32>
      %swap3A_20 = arith.constant 0 : index
      %swap3A_21 = arith.constant 0 : index
      %swap3A_22 = vector.load %arg4[%swap3A_20, %swap3A_21] : memref<1x128xf32, #tpu.memory_space<vmem>>, vector<1x128xf32>
      tpu.vector_store %arg4[%swap3A_20, %swap3A_21], %broadcast_in_dim3A_19 {strides = array<i32>} : memref<1x128xf32, #tpu.memory_space<vmem>>, vector<1x128xf32>,
    } else {
    }
    %get3A_11 = arith.constant 0 : index
    %get3A_12 = arith.constant 0 : index
    %get3A_13 = vector.load %arg4[%get3A_11, %get3A_12] : memref<1x128xf32, #tpu.memory_space<vmem>>, vector<1x128xf32>
    %reduce_sum3A = arith.constant dense<0.000000e+00> : vector<128xf32>
    %reduce_sum3A_14 = vector.multi_reduction <add>, %get3A_1, %reduce_sum3A [0] : vector<8000x128xf32> to vector<128xf32>
    %broadcast_in_dim3A = vector.shape_cast %reduce_sum3A_14 : vector<128xf32> to vector<1x128xf32>
    %add3A = arith.addf %get3A_13, %broadcast_in_dim3A : vector<1x128xf32>
    %swap3A_15 = arith.constant 0 : index
    %swap3A_16 = arith.constant 0 : index
    %swap3A_17 = vector.load %arg4[%swap3A_15, %swap3A_16] : memref<1x128xf32, #tpu.memory_space<vmem>>, vector<1x128xf32>
    tpu.vector_store %arg4[%swap3A_15, %swap3A_16], %add3A {strides = array<i32>} : memref<1x128xf32, #tpu.memory_space<vmem>>, vector<1x128xf32>,
    return
  }
  func.func @transform_0(%arg0: i32) -> (i32, i32) {
    %c0_i32 = arith.constant 0 : i32
    %c0_i32_0 = arith.constant 0 : i32
    return %arg0, %c0_i32 : i32, i32
  }
  func.func @transform_1(%arg0: i32) -> (i32, i32) {
    %c0_i32 = arith.constant 0 : i32
    %c0_i32_0 = arith.constant 0 : i32
    %c0_i32_1 = arith.constant 0 : i32
    return %c0_i32, %c0_i32_0 : i32, i32
  }
  func.func @transform_2(%arg0: i32) -> (i32, i32) {
    %c0_i32 = arith.constant 0 : i32
    %c0_i32_0 = arith.constant 0 : i32
    return %arg0, %c0_i32 : i32, i32
  }
  func.func @transform_3(%arg0: i32) -> (i32, i32) {
    %c0_i32 = arith.constant 0 : i32
    %c0_i32_0 = arith.constant 0 : i32
    %c0_i32_1 = arith.constant 0 : i32
    return %c0_i32, %c0_i32_0 : i32, i32
  }
}

module attributes {stable_mosaic.version = 14 : i64} {
  func.func @_mid_body(%arg0: i32, %arg1: memref<2x2000x128xbf16, #tpu.memory_space<vmem>>, %arg2: memref<128x128xf32, #tpu.memory_space<vmem>>, %arg3: memref<2000x128xbf16, #tpu.memory_space<vmem>>) attributes {dimension_semantics = [#tpu.dimension_semantics<arbitrary>], iteration_bounds = array<i64: 5>, scalar_prefetch = 0 : i64, scratch_operands = 0 : i64, tpu.core_type = #tpu.core_type<tc>, window_params = [{transform_indices = @transform_0, window_bounds = array<i64: 2, 2000, 128>}, {pipeline_mode = #tpu.pipeline_mode<synchronous>, transform_indices = @transform_1, window_bounds = array<i64: 128, 128>}, {transform_indices = @transform_2, window_bounds = array<i64: 2000, 128>}]} {
    %get3A = arith.constant 0 : index
    %get3A_0 = arith.constant 0 : index
    %get3A_1 = arith.constant 0 : index
    %get3A_2 = vector.load %arg1[%get3A, %get3A_0, %get3A_1] : memref<2x2000x128xbf16, #tpu.memory_space<vmem>>, vector<1x2000x128xbf16>
    %get3A_3 = vector.shape_cast %get3A_2 : vector<1x2000x128xbf16> to vector<2000x128xbf16>
    %convert_element_type3A = arith.extf %get3A_3 : vector<2000x128xbf16> to vector<2000x128xf32>
    %get3A_4 = arith.constant 1 : index
    %get3A_5 = arith.constant 0 : index
    %get3A_6 = arith.constant 0 : index
    %get3A_7 = vector.load %arg1[%get3A_4, %get3A_5, %get3A_6] : memref<2x2000x128xbf16, #tpu.memory_space<vmem>>, vector<1x2000x128xbf16>
    %get3A_8 = vector.shape_cast %get3A_7 : vector<1x2000x128xbf16> to vector<2000x128xbf16>
    %convert_element_type3A_9 = arith.extf %get3A_8 : vector<2000x128xbf16> to vector<2000x128xf32>
    %add3A = arith.addf %convert_element_type3A, %convert_element_type3A_9 : vector<2000x128xf32>
    %max3A = arith.constant 0.000000e+00 : f32
    %max3A_10 = vector.broadcast %max3A : f32 to vector<2000x128xf32>
    %max3A_11 = arith.maximumf %add3A, %max3A_10 : vector<2000x128xf32>
    %get3A_12 = arith.constant 0 : index
    %get3A_13 = arith.constant 0 : index
    %get3A_14 = vector.load %arg2[%get3A_12, %get3A_13] : memref<128x128xf32, #tpu.memory_space<vmem>>, vector<128x128xf32>
    %dot_general3A = arith.constant dense<0.000000e+00> : vector<2000x128xf32>
    %dot_general3A_15 = tpu.matmul %max3A_11, %get3A_14, %dot_general3A {dimension_numbers = #tpu.dot_dimension_numbers<[1], [0], [0], [1], [0, 0, 1, 1], [], []>, transpose_lhs_hint = false} : vector<2000x128xf32>, vector<128x128xf32>, vector<2000x128xf32> -> vector<2000x128xf32>
    %convert_element_type3A_16 = arith.truncf %dot_general3A_15 : vector<2000x128xf32> to vector<2000x128xbf16>
    %swap3A = arith.constant 0 : index
    %swap3A_17 = arith.constant 0 : index
    %swap3A_18 = vector.load %arg3[%swap3A, %swap3A_17] : memref<2000x128xbf16, #tpu.memory_space<vmem>>, vector<2000x128xbf16>
    tpu.vector_store %arg3[%swap3A, %swap3A_17], %convert_element_type3A_16 {strides = array<i32>} : memref<2000x128xbf16, #tpu.memory_space<vmem>>, vector<2000x128xbf16>,
    return
  }
  func.func @transform_0(%arg0: i32) -> (i32, i32, i32) {
    %c0_i32 = arith.constant 0 : i32
    %c0_i32_0 = arith.constant 0 : i32
    %c0_i32_1 = arith.constant 0 : i32
    return %c0_i32, %arg0, %c0_i32_0 : i32, i32, i32
  }
  func.func @transform_1(%arg0: i32) -> (i32, i32) {
    %c0_i32 = arith.constant 0 : i32
    %c0_i32_0 = arith.constant 0 : i32
    %c0_i32_1 = arith.constant 0 : i32
    return %c0_i32, %c0_i32_0 : i32, i32
  }
  func.func @transform_2(%arg0: i32) -> (i32, i32) {
    %c0_i32 = arith.constant 0 : i32
    %c0_i32_0 = arith.constant 0 : i32
    return %arg0, %c0_i32 : i32, i32
  }
}

module attributes {stable_mosaic.version = 14 : i64} {
  func.func @_final_body(%arg0: i32, %arg1: memref<2x1000x128xbf16, #tpu.memory_space<vmem>>, %arg2: memref<2x16000x16xbf16, #tpu.memory_space<vmem>>, %arg3: memref<1x128xf32, #tpu.memory_space<vmem>>, %arg4: memref<128x128xf32, #tpu.memory_space<vmem>>, %arg5: memref<1x128xf32, #tpu.memory_space<vmem>>, %arg6: memref<128x128xf32, #tpu.memory_space<vmem>>, %arg7: memref<1x128xf32, #tpu.memory_space<vmem>>, %arg8: memref<16x128xf32, #tpu.memory_space<vmem>>, %arg9: memref<1x128xf32, #tpu.memory_space<vmem>>, %arg10: memref<1x128xf32, #tpu.memory_space<vmem>>, %arg11: memref<1x128xf32, #tpu.memory_space<vmem>>, %arg12: memref<1x16xf32, #tpu.memory_space<vmem>>) attributes {dimension_semantics = [#tpu.dimension_semantics<arbitrary>], iteration_bounds = array<i64: 10>, scalar_prefetch = 0 : i64, scratch_operands = 2 : i64, tpu.core_type = #tpu.core_type<tc>, window_params = [{transform_indices = @transform_0, window_bounds = array<i64: 2, 1000, 128>}, {transform_indices = @transform_1, window_bounds = array<i64: 2, 16000, 16>}, {pipeline_mode = #tpu.pipeline_mode<synchronous>, transform_indices = @transform_2, window_bounds = array<i64: 1, 128>}, {pipeline_mode = #tpu.pipeline_mode<synchronous>, transform_indices = @transform_3, window_bounds = array<i64: 128, 128>}, {pipeline_mode = #tpu.pipeline_mode<synchronous>, transform_indices = @transform_4, window_bounds = array<i64: 1, 128>}, {pipeline_mode = #tpu.pipeline_mode<synchronous>, transform_indices = @transform_5, window_bounds = array<i64: 128, 128>}, {pipeline_mode = #tpu.pipeline_mode<synchronous>, transform_indices = @transform_6, window_bounds = array<i64: 1, 128>}, {pipeline_mode = #tpu.pipeline_mode<synchronous>, transform_indices = @transform_7, window_bounds = array<i64: 16, 128>}, {pipeline_mode = #tpu.pipeline_mode<synchronous>, transform_indices = @transform_8, window_bounds = array<i64: 1, 128>}, {pipeline_mode = #tpu.pipeline_mode<synchronous>, transform_indices = @transform_9, window_bounds = array<i64: 1, 128>}]} {
    %eq3A = arith.constant 0 : i32
    %eq3A_0 = arith.cmpi eq, %arg0, %eq3A : i32
    %convert_element_type3A = arith.extui %eq3A_0 : i1 to i32
    %cond3A = arith.constant 0 : i32
    %cond3A_1 = arith.cmpi ne, %convert_element_type3A, %cond3A : i32
    scf.if %cond3A_1 {
      %broadcast_in_dim3A_53 = arith.constant 0.000000e+00 : f32
      %broadcast_in_dim3A_54 = vector.broadcast %broadcast_in_dim3A_53 : f32 to vector<1x128xf32>
      %swap3A_55 = arith.constant 0 : index
      %swap3A_56 = arith.constant 0 : index
      %swap3A_57 = vector.load %arg11[%swap3A_55, %swap3A_56] : memref<1x128xf32, #tpu.memory_space<vmem>>, vector<1x128xf32>
      tpu.vector_store %arg11[%swap3A_55, %swap3A_56], %broadcast_in_dim3A_54 {strides = array<i32>} : memref<1x128xf32, #tpu.memory_space<vmem>>, vector<1x128xf32>,
      %broadcast_in_dim3A_58 = arith.constant 0.000000e+00 : f32
      %broadcast_in_dim3A_59 = vector.broadcast %broadcast_in_dim3A_58 : f32 to vector<1x16xf32>
      %swap3A_60 = arith.constant 0 : index
      %swap3A_61 = arith.constant 0 : index
      %swap3A_62 = vector.load %arg12[%swap3A_60, %swap3A_61] : memref<1x16xf32, #tpu.memory_space<vmem>>, vector<1x16xf32>
      tpu.vector_store %arg12[%swap3A_60, %swap3A_61], %broadcast_in_dim3A_59 {strides = array<i32>} : memref<1x16xf32, #tpu.memory_space<vmem>>, vector<1x16xf32>,
    } else {
    }
    %get3A = arith.constant 0 : index
    %get3A_2 = arith.constant 0 : index
    %get3A_3 = arith.constant 0 : index
    %get3A_4 = vector.load %arg1[%get3A, %get3A_2, %get3A_3] : memref<2x1000x128xbf16, #tpu.memory_space<vmem>>, vector<1x1000x128xbf16>
    %get3A_5 = vector.shape_cast %get3A_4 : vector<1x1000x128xbf16> to vector<1000x128xbf16>
    %convert_element_type3A_6 = arith.extf %get3A_5 : vector<1000x128xbf16> to vector<1000x128xf32>
    %get3A_7 = arith.constant 1 : index
    %get3A_8 = arith.constant 0 : index
    %get3A_9 = arith.constant 0 : index
    %get3A_10 = vector.load %arg1[%get3A_7, %get3A_8, %get3A_9] : memref<2x1000x128xbf16, #tpu.memory_space<vmem>>, vector<1x1000x128xbf16>
    %get3A_11 = vector.shape_cast %get3A_10 : vector<1x1000x128xbf16> to vector<1000x128xbf16>
    %convert_element_type3A_12 = arith.extf %get3A_11 : vector<1000x128xbf16> to vector<1000x128xf32>
    %add3A = arith.addf %convert_element_type3A_6, %convert_element_type3A_12 : vector<1000x128xf32>
    %max3A = arith.constant 0.000000e+00 : f32
    %max3A_13 = vector.broadcast %max3A : f32 to vector<1000x128xf32>
    %max3A_14 = arith.maximumf %add3A, %max3A_13 : vector<1000x128xf32>
    %get3A_15 = arith.constant 0 : index
    %get3A_16 = arith.constant 0 : index
    %get3A_17 = vector.load %arg11[%get3A_15, %get3A_16] : memref<1x128xf32, #tpu.memory_space<vmem>>, vector<1x128xf32>
    %reduce_sum3A = arith.constant dense<0.000000e+00> : vector<128xf32>
    %reduce_sum3A_18 = vector.multi_reduction <add>, %max3A_14, %reduce_sum3A [0] : vector<1000x128xf32> to vector<128xf32>
    %broadcast_in_dim3A = vector.shape_cast %reduce_sum3A_18 : vector<128xf32> to vector<1x128xf32>
    %add3A_19 = arith.addf %get3A_17, %broadcast_in_dim3A : vector<1x128xf32>
    %swap3A = arith.constant 0 : index
    %swap3A_20 = arith.constant 0 : index
    %swap3A_21 = vector.load %arg11[%swap3A, %swap3A_20] : memref<1x128xf32, #tpu.memory_space<vmem>>, vector<1x128xf32>
    tpu.vector_store %arg11[%swap3A, %swap3A_20], %add3A_19 {strides = array<i32>} : memref<1x128xf32, #tpu.memory_space<vmem>>, vector<1x128xf32>,
    %get3A_22 = arith.constant 0 : index
    %get3A_23 = arith.constant 0 : index
    %get3A_24 = arith.constant 0 : index
    %get3A_25 = vector.load %arg2[%get3A_22, %get3A_23, %get3A_24] : memref<2x16000x16xbf16, #tpu.memory_space<vmem>>, vector<1x16000x16xbf16>
    %get3A_26 = vector.shape_cast %get3A_25 : vector<1x16000x16xbf16> to vector<16000x16xbf16>
    %convert_element_type3A_27 = arith.extf %get3A_26 : vector<16000x16xbf16> to vector<16000x16xf32>
    %get3A_28 = arith.constant 1 : index
    %get3A_29 = arith.constant 0 : index
    %get3A_30 = arith.constant 0 : index
    %get3A_31 = vector.load %arg2[%get3A_28, %get3A_29, %get3A_30] : memref<2x16000x16xbf16, #tpu.memory_space<vmem>>, vector<1x16000x16xbf16>
    %get3A_32 = vector.shape_cast %get3A_31 : vector<1x16000x16xbf16> to vector<16000x16xbf16>
    %convert_element_type3A_33 = arith.extf %get3A_32 : vector<16000x16xbf16> to vector<16000x16xf32>
    %add3A_34 = arith.addf %convert_element_type3A_27, %convert_element_type3A_33 : vector<16000x16xf32>
    %max3A_35 = arith.constant 0.000000e+00 : f32
    %max3A_36 = vector.broadcast %max3A_35 : f32 to vector<16000x16xf32>
    %max3A_37 = arith.maximumf %add3A_34, %max3A_36 : vector<16000x16xf32>
    %get3A_38 = arith.constant 0 : index
    %get3A_39 = arith.constant 0 : index
    %get3A_40 = vector.load %arg12[%get3A_38, %get3A_39] : memref<1x16xf32, #tpu.memory_space<vmem>>, vector<1x16xf32>
    %reduce_sum3A_41 = arith.constant dense<0.000000e+00> : vector<16xf32>
    %reduce_sum3A_42 = vector.multi_reduction <add>, %max3A_37, %reduce_sum3A_41 [0] : vector<16000x16xf32> to vector<16xf32>
    %broadcast_in_dim3A_43 = vector.shape_cast %reduce_sum3A_42 : vector<16xf32> to vector<1x16xf32>
    %add3A_44 = arith.addf %get3A_40, %broadcast_in_dim3A_43 : vector<1x16xf32>
    %swap3A_45 = arith.constant 0 : index
    %swap3A_46 = arith.constant 0 : index
    %swap3A_47 = vector.load %arg12[%swap3A_45, %swap3A_46] : memref<1x16xf32, #tpu.memory_space<vmem>>, vector<1x16xf32>
    tpu.vector_store %arg12[%swap3A_45, %swap3A_46], %add3A_44 {strides = array<i32>} : memref<1x16xf32, #tpu.memory_space<vmem>>, vector<1x16xf32>,
    %eq3A_48 = arith.constant 9 : i32
    %eq3A_49 = arith.cmpi eq, %arg0, %eq3A_48 : i32
    %convert_element_type3A_50 = arith.extui %eq3A_49 : i1 to i32
    %cond3A_51 = arith.constant 0 : i32
    %cond3A_52 = arith.cmpi ne, %convert_element_type3A_50, %cond3A_51 : i32
    scf.if %cond3A_52 {
      %get3A_53 = arith.constant 0 : index
      %get3A_54 = arith.constant 0 : index
      %get3A_55 = vector.load %arg11[%get3A_53, %get3A_54] : memref<1x128xf32, #tpu.memory_space<vmem>>, vector<1x128xf32>
      %mul3A = arith.constant 9.99999974E-5 : f32
      %mul3A_56 = vector.broadcast %mul3A : f32 to vector<1x128xf32>
      %mul3A_57 = arith.mulf %get3A_55, %mul3A_56 : vector<1x128xf32>
      %get3A_58 = arith.constant 0 : index
      %get3A_59 = arith.constant 0 : index
      %get3A_60 = vector.load %arg4[%get3A_58, %get3A_59] : memref<128x128xf32, #tpu.memory_space<vmem>>, vector<128x128xf32>
      %dot_general3A = arith.constant dense<0.000000e+00> : vector<1x128xf32>
      %dot_general3A_61 = tpu.matmul %mul3A_57, %get3A_60, %dot_general3A {dimension_numbers = #tpu.dot_dimension_numbers<[1], [0], [0], [1], [0, 0, 1, 1], [], []>, transpose_lhs_hint = false} : vector<1x128xf32>, vector<128x128xf32>, vector<1x128xf32> -> vector<1x128xf32>
      %get3A_62 = arith.constant 0 : index
      %get3A_63 = arith.constant 0 : index
      %get3A_64 = vector.load %arg5[%get3A_62, %get3A_63] : memref<1x128xf32, #tpu.memory_space<vmem>>, vector<1x128xf32>
      %add3A_65 = arith.addf %dot_general3A_61, %get3A_64 : vector<1x128xf32>
      %get3A_66 = arith.constant 0 : index
      %get3A_67 = arith.constant 0 : index
      %get3A_68 = vector.load %arg3[%get3A_66, %get3A_67] : memref<1x128xf32, #tpu.memory_space<vmem>>, vector<1x128xf32>
      %mul3A_69 = arith.constant 6.250000e-06 : f32
      %mul3A_70 = vector.broadcast %mul3A_69 : f32 to vector<1x128xf32>
      %mul3A_71 = arith.mulf %get3A_68, %mul3A_70 : vector<1x128xf32>
      %get3A_72 = arith.constant 0 : index
      %get3A_73 = arith.constant 0 : index
      %get3A_74 = vector.load %arg6[%get3A_72, %get3A_73] : memref<128x128xf32, #tpu.memory_space<vmem>>, vector<128x128xf32>
      %dot_general3A_75 = arith.constant dense<0.000000e+00> : vector<1x128xf32>
      %dot_general3A_76 = tpu.matmul %mul3A_71, %get3A_74, %dot_general3A_75 {dimension_numbers = #tpu.dot_dimension_numbers<[1], [0], [0], [1], [0, 0, 1, 1], [], []>, transpose_lhs_hint = false} : vector<1x128xf32>, vector<128x128xf32>, vector<1x128xf32> -> vector<1x128xf32>
      %get3A_77 = arith.constant 0 : index
      %get3A_78 = arith.constant 0 : index
      %get3A_79 = vector.load %arg7[%get3A_77, %get3A_78] : memref<1x128xf32, #tpu.memory_space<vmem>>, vector<1x128xf32>
      %add3A_80 = arith.addf %dot_general3A_76, %get3A_79 : vector<1x128xf32>
      %get3A_81 = arith.constant 0 : index
      %get3A_82 = arith.constant 0 : index
      %get3A_83 = vector.load %arg12[%get3A_81, %get3A_82] : memref<1x16xf32, #tpu.memory_space<vmem>>, vector<1x16xf32>
      %mul3A_84 = arith.constant 6.250000e-06 : f32
      %mul3A_85 = vector.broadcast %mul3A_84 : f32 to vector<1x16xf32>
      %mul3A_86 = arith.mulf %get3A_83, %mul3A_85 : vector<1x16xf32>
      %get3A_87 = arith.constant 0 : index
      %get3A_88 = arith.constant 0 : index
      %get3A_89 = vector.load %arg8[%get3A_87, %get3A_88] : memref<16x128xf32, #tpu.memory_space<vmem>>, vector<16x128xf32>
      %dot_general3A_90 = arith.constant dense<0.000000e+00> : vector<1x128xf32>
      %dot_general3A_91 = tpu.matmul %mul3A_86, %get3A_89, %dot_general3A_90 {dimension_numbers = #tpu.dot_dimension_numbers<[1], [0], [0], [1], [0, 0, 1, 1], [], []>, transpose_lhs_hint = false} : vector<1x16xf32>, vector<16x128xf32>, vector<1x128xf32> -> vector<1x128xf32>
      %get3A_92 = arith.constant 0 : index
      %get3A_93 = arith.constant 0 : index
      %get3A_94 = vector.load %arg9[%get3A_92, %get3A_93] : memref<1x128xf32, #tpu.memory_space<vmem>>, vector<1x128xf32>
      %add3A_95 = arith.addf %dot_general3A_91, %get3A_94 : vector<1x128xf32>
      %add3A_96 = arith.addf %add3A_65, %add3A_80 : vector<1x128xf32>
      %add3A_97 = arith.addf %add3A_96, %add3A_95 : vector<1x128xf32>
      %swap3A_98 = arith.constant 0 : index
      %swap3A_99 = arith.constant 0 : index
      %swap3A_100 = vector.load %arg10[%swap3A_98, %swap3A_99] : memref<1x128xf32, #tpu.memory_space<vmem>>, vector<1x128xf32>
      tpu.vector_store %arg10[%swap3A_98, %swap3A_99], %add3A_97 {strides = array<i32>} : memref<1x128xf32, #tpu.memory_space<vmem>>, vector<1x128xf32>,
    } else {
    }
    return
  }
  func.func @transform_0(%arg0: i32) -> (i32, i32, i32) {
    %c0_i32 = arith.constant 0 : i32
    %c0_i32_0 = arith.constant 0 : i32
    %c0_i32_1 = arith.constant 0 : i32
    return %c0_i32, %arg0, %c0_i32_0 : i32, i32, i32
  }
  func.func @transform_1(%arg0: i32) -> (i32, i32, i32) {
    %c0_i32 = arith.constant 0 : i32
    %c0_i32_0 = arith.constant 0 : i32
    %c0_i32_1 = arith.constant 0 : i32
    return %c0_i32, %arg0, %c0_i32_0 : i32, i32, i32
  }
  func.func @transform_2(%arg0: i32) -> (i32, i32) {
    %c0_i32 = arith.constant 0 : i32
    %c0_i32_0 = arith.constant 0 : i32
    %c0_i32_1 = arith.constant 0 : i32
    return %c0_i32, %c0_i32_0 : i32, i32
  }
  func.func @transform_3(%arg0: i32) -> (i32, i32) {
    %c0_i32 = arith.constant 0 : i32
    %c0_i32_0 = arith.constant 0 : i32
    %c0_i32_1 = arith.constant 0 : i32
    return %c0_i32, %c0_i32_0 : i32, i32
  }
  func.func @transform_4(%arg0: i32) -> (i32, i32) {
    %c0_i32 = arith.constant 0 : i32
    %c0_i32_0 = arith.constant 0 : i32
    %c0_i32_1 = arith.constant 0 : i32
    return %c0_i32, %c0_i32_0 : i32, i32
  }
  func.func @transform_5(%arg0: i32) -> (i32, i32) {
    %c0_i32 = arith.constant 0 : i32
    %c0_i32_0 = arith.constant 0 : i32
    %c0_i32_1 = arith.constant 0 : i32
    return %c0_i32, %c0_i32_0 : i32, i32
  }
  func.func @transform_6(%arg0: i32) -> (i32, i32) {
    %c0_i32 = arith.constant 0 : i32
    %c0_i32_0 = arith.constant 0 : i32
    %c0_i32_1 = arith.constant 0 : i32
    return %c0_i32, %c0_i32_0 : i32, i32
  }
  func.func @transform_7(%arg0: i32) -> (i32, i32) {
    %c0_i32 = arith.constant 0 : i32
    %c0_i32_0 = arith.constant 0 : i32
    %c0_i32_1 = arith.constant 0 : i32
    return %c0_i32, %c0_i32_0 : i32, i32
  }
  func.func @transform_8(%arg0: i32) -> (i32, i32) {
    %c0_i32 = arith.constant 0 : i32
    %c0_i32_0 = arith.constant 0 : i32
    %c0_i32_1 = arith.constant 0 : i32
    return %c0_i32, %c0_i32_0 : i32, i32
  }
  func.func @transform_9(%arg0: i32) -> (i32, i32) {
    %c0_i32 = arith.constant 0 : i32
    %c0_i32_0 = arith.constant 0 : i32
    %c0_i32_1 = arith.constant 0 : i32
    return %c0_i32, %c0_i32_0 : i32, i32
  }
}

</mosaic_0001>

<sc_bundles>
// kernel: kernel.12.cloned.1.call-start
scs
__scs_entry_jumppad:
0x0: {  	(pc) =	sbr.rel $0x88, $3  }
0x1: {  	(tag) =	ssettag $0x0;
	lr =	simm.s32 $0x1  }
0x2: {  	[smem:$0x3F94] =	sst lr;
	_ =	strace $0xD0000000  }
0x3: {  	_ = 	snop  }
0x4: {  	_ = 	snop  }
0x5: {  	_ = 	snop  }
0x6: {  	_ = 	snop  }
0x7: {  	_ = 	snop  }
__scs_overlays_trampoline_lowered:
0x8: {  	[smem:$0x3FA3] =	sst s0  }
0x9: {  	[smem:$0x3FA4] =	sst s1  }
0xa: {  	[smem:$0x3FA5] =	sst s2  }
0xb: {  	[smem:$0x3FA6] =	sst s3  }
0xc: {  	[smem:$0x3FA7] =	sst s4  }
0xd: {  	[smem:$0x3FA8] =	sst s5  }
0xe: {  	[smem:$0x3FA9] =	sst s6  }
0xf: {  	[smem:$0x3FAA] =	sst s7  }
0x10: {  	[smem:$0x3FAB] =	sst s8  }
0x11: {  	[smem:$0x3FAC] =	sst s9;
	s0 =	simm.s32 @!p0 $0x0  }
0x12: {  	s1 =	sld [smem:$0x3F92];
	s0 =	simm.s32 @p0 $0x1  }
0x13: {  	[smem:$0x3FAD] =	sst s0;
	s0 =	simm.s32 @!p1 $0x0  }
0x14: {  	s2 =	sld [smem:$0x3F91];
	s0 =	simm.s32 @p1 $0x1  }
0x15: {  	[smem:$0x3FAE] =	sst s0;
	s0 =	simm.s32 @!p2 $0x0  }
0x16: {  	s3 =	sld [smem:$0x3FDB];
	s0 =	simm.s32 @p2 $0x1  }
0x17: {  	s4 =	simm.s32 $0x1BF5;
	[smem:$0x3FB0] =	sst s0  }
0x18: {  	s0 =	sld [smem:$0x3F93];
	_ =	swait.ge [sflag:s4], $0x0  }
0x19: {  	s7 =	sld [smem:$0x3F94]  }
0x1a: {  	s8 =	sadd.s32 $0xFFFFE003, lr  }
0x1b: {  	s9 =	sadd.s32 $0xFFFFFEF7, lr;
	s5 =	simm.s32 $0xFFFFFFFF;
	p2 =	slt.u32 s8, $0xFFFFF086  }
0x1c: {  	p1 =	slt.u32 s9, $0xF7A;
	s5 =	simm.s32 @!p2 $0x0  }
0x1d: {  	s5 =	simm.s32 @p1 $0x1;
	p0 =	seq.s32 s7, s2  }
0x1e: {  	s7 =	smul.u32 @!p0 $0xF7A, s2;
	p2 =	seq.s32 @!p0 s5, $0x0  }
0x1f: {  	s9 =	smul.u32 $0xF7A, s1;
	s8 =	simm.s32 @!p0 $0x1BF5;
	p2 =	por !p2, p0  }
0x20: {  	[sflag:s8] =	ssyncset.s32 @!p0 $0xFFFFF086;
	s6 =	sadd.s32 @!p0 s3, s7;
	s7 =	simm.s32 @!p0 $0x108  }
0x21: {  	s3 =	sadd.s32 s3, s9;
	s6 =	sadd.s32 @!p0 $0x88, s6;
	s7 =	simm.s32 @p2 $0x1082  }
0x22: {  	[simem:s7], [sflag:s8] =	dma.local @!p0 [hbm:s6], $0xF7A  }
0x23: {  	s9 =	sor.u32 $0xD0000000, s2;
	s6 =	simm.s32 $0x108;
	_ =	swait.ge @!p0 [sflag:s8], $0x0  }
0x24: {  	s3 =	sadd.s32 $0x88, s3;
	s6 =	simm.s32 @!p1 $0x1082;
	[sflag:s4] =	ssyncset.s32 $0xFFFFF086  }
0x25: {  	[simem:s6], [sflag:s4] =	dma.local [hbm:s3], $0xF7A  }
0x26: {  	[smem:$0x3F94] =	sst s1;
	(tag) =	ssettag s2;
	_ =	strace s9  }
0x27: {  	s1 =	sld [smem:$0x3FA4]  }
0x28: {  	s2 =	sld [smem:$0x3FA5]  }
0x29: {  	s4 =	sld [smem:$0x3FA7]  }
0x2a: {  	p0 =	seq.s32 s5, $0x0;
	s5 =	sld [smem:$0x3FA8]  }
0x2b: {  	s6 =	sld [smem:$0x3FA9]  }
0x2c: {  	s7 =	sld [smem:$0x3FAA]  }
0x2d: {  	s3 =	simm.s32 $0x108;
	s8 =	sld [smem:$0x3FAB]  }
0x2e: {  	s3 =	simm.s32 @!p0 $0x1082;
	s9 =	sld [smem:$0x3FAC]  }
0x2f: {  	lr =	sadd.s32 s0, s3;
	s0 =	sld [smem:$0x3FA3]  }
0x30: {  	s3 =	sld [smem:$0x3FA6]  }
0x31: {  	[smem:$0x3FAF] =	sst s10  }
0x32: {  	s10 =	sld [smem:$0x3FAD];
	_ =	sdelay $0x3  }
0x33: {  	p0 =	seq.s32 s10, $0x1;
	s10 =	sld [smem:$0x3FAF];
	_ =	sdelay $0x3  }
0x34: {  	[smem:$0x3FAF] =	sst s10  }
0x35: {  	s10 =	sld [smem:$0x3FAE];
	_ =	sdelay $0x3  }
0x36: {  	p1 =	seq.s32 s10, $0x1;
	s10 =	sld [smem:$0x3FAF];
	_ =	sdelay $0x3  }
0x37: {  	[smem:$0x3FAF] =	sst s10  }
0x38: {  	s10 =	sld [smem:$0x3FB0]  }
0x39: {  	_ = 	snop;
	(pc) =	sbr.ind lr, $3  }
0x3a: {  	_ = 	snop  }
0x3b: {  	_ = 	snop  }
0x3c: {  	p2 =	seq.s32 s10, $0x1;
	s10 =	sld [smem:$0x3FAF]  }
0x3d: {  	_ =	shalt  }
0x3e: {  	_ =	shalt  }
0x3f: {  	_ =	shalt  }
0x40: {  	_ =	shalt  }
0x41: {  	_ =	shalt  }
0x42: {  	_ =	shalt  }
0x43: {  	_ =	shalt  }
0x44: {  	_ =	shalt  }
0x45: {  	_ =	shalt  }
0x46: {  	_ =	shalt  }
0x47: {  	_ =	shalt  }
0x48: {  	_ =	shalt  }
0x49: {  	_ =	shalt  }
0x4a: {  	_ =	shalt  }
0x4b: {  	_ =	shalt  }
0x4c: {  	_ =	shalt  }
0x4d: {  	_ =	shalt  }
0x4e: {  	_ =	shalt  }
0x4f: {  	_ =	shalt  }
0x50: {  	_ =	shalt  }
0x51: {  	_ =	shalt  }
0x52: {  	_ =	shalt  }
0x53: {  	_ =	shalt  }
0x54: {  	_ =	shalt  }
0x55: {  	_ =	shalt  }
0x56: {  	_ =	shalt  }
0x57: {  	_ =	shalt  }
0x58: {  	_ =	shalt  }
0x59: {  	_ =	shalt  }
0x5a: {  	_ =	shalt  }
0x5b: {  	_ =	shalt  }
0x5c: {  	_ =	shalt  }
0x5d: {  	_ =	shalt  }
0x5e: {  	_ =	shalt  }
0x5f: {  	_ =	shalt  }
0x60: {  	_ =	shalt  }
0x61: {  	_ =	shalt  }
0x62: {  	_ =	shalt  }
0x63: {  	_ =	shalt  }
0x64: {  	_ =	shalt  }
0x65: {  	_ =	shalt  }
0x66: {  	_ =	shalt  }
0x67: {  	_ =	shalt  }
0x68: {  	_ =	shalt  }
0x69: {  	_ =	shalt  }
0x6a: {  	_ =	shalt  }
0x6b: {  	_ =	shalt  }
0x6c: {  	_ =	shalt  }
0x6d: {  	_ =	shalt  }
0x6e: {  	_ =	shalt  }
0x6f: {  	_ =	shalt  }
0x70: {  	_ =	shalt  }
0x71: {  	_ =	shalt  }
0x72: {  	_ =	shalt  }
0x73: {  	_ =	shalt  }
0x74: {  	_ =	shalt  }
0x75: {  	_ =	shalt  }
0x76: {  	_ =	shalt  }
0x77: {  	_ =	shalt  }
0x78: {  	_ =	shalt  }
0x79: {  	_ =	shalt  }
0x7a: {  	_ =	shalt  }
0x7b: {  	_ =	shalt  }
0x7c: {  	_ =	shalt  }
0x7d: {  	_ =	shalt  }
0x7e: {  	_ =	shalt  }
0x7f: {  	_ =	shalt  }
0x80: {  	_ =	shalt  }
0x81: {  	_ =	shalt  }
0x82: {  	_ =	shalt  }
0x83: {  	_ =	shalt  }
0x84: {  	_ =	shalt  }
0x85: {  	_ =	shalt  }
0x86: {  	_ =	shalt  }
0x87: {  	_ =	shalt  }
.Lfunc_end0:
.L_simem_size_0:
called_computation.1_lowered:
.L_overlay_start_0:
0x88: {  	s2 =	sld [smem:$0x3FD9]  }
0x89: {  	s3 =	sld [smem:$0x3FFE];
	_ =	sdelay $0x1  }
0x8a: {  	s1 =	srdreg.scid  }
0x8b: {  	s0 =	sand.u32 $0x1, s1  }
0x8c: {  	s16 =	sshll.u32 s0, $0xA;
	s2 =	sadd.s32 s3, s2  }
0x8d: {  	s2 =	sadd.s32 s2, s16  }
0x8e: {  	[smem:$0x3FBB] =	sst s2  }
0x8f: {  	_ = 	snop  }
0x90: {  	(tm) =	ssettm $0x1  }
0x91: {  	s17 =	sld [smem:$0x3FFB];
	_ =	sdelay $0x3  }
0x92: {  	_ =	strace s17  }
0x93: {  	s2 =	sld [smem:$0x3FFC];
	_ =	sdelay $0x3  }
0x94: {  	_ =	strace s2  }
0x95: {  	s2 =	sld [smem:$0x3FFD];
	_ =	sdelay $0x3  }
0x96: {  	_ =	strace s2  }
0x97: {  	_ =	strace $0x8FFFFFFF  }
0x98: {  	s18 =	sld [smem:$0x3FDB];
	_ =	sdelay $0x1  }
0x99: {  	s19 =	simm.s32 $_scs_section_size  }
0x9a: {  	s4 =	simm.s32 $_size__tile_overlayer_lowered;
	s5 =	simm.s32 $_tile_overlayer_lowered  }
0x9b: {  	s22 =	simm.s32 $0x1BFF;
	s21 =	sshll.u32 s5, $0x1;
	s2 =	sadd.s32 s19, s18  }
0x9c: {  	s6 =	simm.s32 $0x0;
	s20 =	sshll.u32 s4, $0x1;
	s4 =	sadd.s32 s21, s2  }
0x9d: {  	[timem:s6], [sflag:s22] =	dma.local [hbm:s4], s20  }
0x9e: {  	_ =	swait.ge [sflag:s22], s20  }
0x9f: {  	s3 =	ssub.s32 $0x0, s20;
	[sflag:s22] =	ssyncset.done $0x0  }
0xa0: {  	[sflag:s22] =	ssyncadd.s32 s3;
	_ =	sdelay $0x1  }
0xa1: {  	s23 =	simm.s32 $0x1B8B  }
0xa2: {  	_ =	swait.ge [sflag:s23], $0x1  }
0xa3: {  	[sflag:s23] =	ssyncset.done $0x0  }
0xa4: {  	s25 =	simm.s32 $0x1B8E;
	s24 =	sld [smem:$0x3FFE];
	[sflag:s23] =	ssyncadd.s32 $0xFFFFFFFF  }
0xa5: {  	s26 =	simm.s32 $execute0_lowered;
	[smem:$0x3FD2] =	sst s25  }
0xa6: {  	s4 =	sshll.u32 s26, $0x1;
	_ =	strace $0x80000046;
	[dreg:$0x1] =	wrdreg $0xFFFFFFFF  }
0xa7: {  	s28 =	simm.s32 $_size_execute0_lowered;
	s2 =	sadd.s32 s2, s4;
	[dreg:$0x0] =	wrdreg $0x0  }
0xa8: {  	s4 =	sshll.u32 s28, $0x1;
	[dreg:$0x2] =	wrdreg s2  }
0xa9: {  	[dreg:$0x3] =	wrdreg s4  }
0xaa: {  	[dreg:$0x4] =	wrdreg $0xC0  }
0xab: {  	_ =	task [dreg:s6], $0x5FFFF  }
0xac: {  	[dreg:$0x1] =	wrdreg $0xFFFFFFFF  }
0xad: {  	[dreg:$0x0] =	wrdreg $0x60  }
0xae: {  	[dreg:$0x2] =	wrdreg s24  }
0xaf: {  	[dreg:$0x3] =	wrdreg $0x150000  }
0xb0: {  	[dreg:$0x4] =	wrdreg $0xA  }
0xb1: {  	_ =	task.clear_ibuf [dreg:s6], $0x5FFFF;
	_ =	strace $0x90000046  }
0xb2: {  	s29 =	simm.s32 $0xA;
	_ =	strace $0x80000048  }
0xb3: {  	_ =	swait.ge [sflag:s29], $0x1  }
0xb4: {  	[sflag:s29] =	ssyncadd.s32 $0xFFFFFFFF  }
0xb5: {  	_ =	strace $0x90000048  }
0xb6: {  	_ =	sfence  }
0xb7: {  	s30 =	sld [smem:$0x0];
	_ =	sdelay $0x2  }
0xb8: {  	s31 =	sshll.u32 s1, $0xD;
	s1 =	sshrl.u32 s1, $0x2  }
0xb9: {  	s3 =	sand.u32 $0x4000, s31;
	s1 =	sadd.s32 s1, s30  }
0xba: {  	s0 =	sor.u32 s3, s0;
	s1 =	sshll.u32 s1, $0x11  }
0xbb: {  	s0 =	sor.u32 s1, s0  }
0xbc: {  	s0 =	sadd.s32 $0x8F2B, s0  }
0xbd: {  	[sflag:s0] =	ssyncadd.remote.s32 $0x1  }
0xbe: {  	_ =	sfence.sel $0xFFFF  }
0xbf: {  	[dreg:$0x0] =	wrdreg $0xFFFFFFFF;
	(pc) =	sbr.abs _section_cstart, $3  }
0xc0: {  	[dreg:$0x1] =	wrdreg $0xFFFFFFFF  }
0xc1: {  	_ =	task.clear_ibuf [dreg:s6], $0x2FFFF;
	_ =	strace $0x9FFFFFFF  }
0xc2: {  	(tm) =	ssettm $0x7FFFFFFF  }
0xc3: {  	_ =	shalt  }
tec
execute0_lowered:
.L_overlay_start_1:
0x0: {  	(tag) =	ssettag $0x1  }
0x1: {  	s0 =	srdreg.scid  }
0x2: {  	s7 =	stileid.u32;
	s3 =	rddreg [dreg:$0x0]  }
0x3: {  	s2 =	rddreg [dreg:$0x1];
	s4 =	simm.s32 $0x0;
	s14 =	simm.s32 $0x80  }
0x4: {  	s15 =	simm.s32 $0x5000;
	s16 =	simm.s32 $0x7000;
	s18 =	simm.s32 $0x9000  }
0x5: {  	s20 =	simm.s32 $0xB000;
	s22 =	simm.s32 $0xD000;
	s29 =	simm.s32 $0x13000  }
0x6: {  	s30 =	simm.s32 $0x1;
	s31 =	simm.s32 $0x2;
	s13 =	simm.s32 $0x5  }
0x7: {  	s17 =	simm.s32 $0x6;
	s19 =	simm.s32 $0x7;
	s21 =	simm.s32 $0x8  }
0x8: {  	s28 =	simm.s32 $0xB;
	s9 =	simm.s32 $0xF;
	s10 =	simm.s32 $0x10  }
0x9: {  	s0 =	sand.u32 $0x1, s0;
	s1 =	sshll.u32 s7, $0x1;
	s5 =	smul.u32 $0x1400, s7  }
0xa: {  	[smem:$0x7FF] =	sst s4;
	s4 =	sadd.s32 $0x1E00, s3;
	s23 =	smul.u32 $0x28000, s7  }
0xb: {  	s8 =	sadd.s32 $0xA00, s3;
	s7 =	sshll.u32 s7, $0x6;
	s1 =	sor.u32 s0, s1  }
0xc: {  	s6 =	smul.u32 $0x14000, s0;
	_ =	strace $0x80000047;
	[dreg:$0x3] =	wrdreg s8  }
0xd: {  	s0 =	ssub.s32 $0x2, s0;
	s11 =	sor.u32 $0x1C11, s7;
	s7 =	simm.s32 $0xD  }
0xe: {  	s8 =	simm.s32 $0xE;
	s1 =	smul.u32 $0x500, s1;
	s24 =	sshrl.u32 s0, $0x1  }
0xf: {  	[dreg:$0x4] =	wrdreg s11;
	s5 =	sadd.s32 s5, s6;
	s6 =	sshrl.u32 s23, $0x2  }
0x10: {  	s0 =	ssub.s32 s0, s24;
	s24 =	simm.s32 $0xF000;
	s23 =	simm.s32 $0x9  }
0x11: {  	s1 =	sadd.s32 s1, s3;
	s3 =	sadd.s32 s5, s3;
	s0 =	smax.u32 s0, $0x1  }
0x12: {  	s25 =	sadd.s32 s6, s2;
	s6 =	simm.s32 $0x0;
	[dreg:$0x8] =	wrdreg s0  }
.Ltmp0:
0x13: {  	s26 =	sadd.s32 $0x1F800, s1;
	[dreg:$0xa] =	wrdreg s6;
	(pc) =	sbr.rel .LBB2_1-.Ltmp0, $4  }
0x14: {  	s5 =	simm.s32 $0xC;
	s1 =	sadd.s32 $0x15800, s1;
	[dreg:$0x5] =	wrdreg s26  }
0x15: {  	s3 =	sadd.s32 $0x29800, s3;
	s12 =	sshrl.u32 s25, $0x3;
	[dreg:$0x6] =	wrdreg s1  }
0x16: {  	s0 =	simm.s32 $0x4;
	s25 =	simm.s32 $0xA;
	[dreg:$0x7] =	wrdreg s3  }
0x17: {  	s26 =	simm.s32 $0x11000;
	s1 =	simm.s32 $0x3;
	[dreg:$0x9] =	wrdreg s12  }
.LBB2_4:
0x18: {  	_ =	swait.ge [sflag:s25], $0x2000  }
0x19: {  	[sflag:s25] =	ssyncset.done $0x0  }
0x1a: {  	[sflag:s25] =	ssyncadd.s32 $0xFFFFE000  }
0x1b: {  	_ =	swait.ge [sflag:s28], $0x2000  }
0x1c: {  	[sflag:s28] =	ssyncset.done $0x0  }
0x1d: {  	[sflag:s28] =	ssyncadd.s32 $0xFFFFE000  }
0x1e: {  	_ =	swait.ge [sflag:s5], $0x2000  }
0x1f: {  	[sflag:s5] =	ssyncset.done $0x0  }
0x20: {  	[sflag:s5] =	ssyncadd.s32 $0xFFFFE000  }
0x21: {  	_ =	swait.ge [sflag:s7], $0x2000  }
0x22: {  	[sflag:s7] =	ssyncset.done $0x0  }
0x23: {  	[sflag:s7] =	ssyncadd.s32 $0xFFFFE000  }
0x24: {  	_ =	swait.ge [sflag:s8], $0x2000  }
0x25: {  	[sflag:s8] =	ssyncset.done $0x0  }
0x26: {  	[sflag:s8] =	ssyncadd.s32 $0xFFFFE000  }
0x27: {  	_ =	swait.ge [sflag:s9], $0x2000  }
0x28: {  	[sflag:s9] =	ssyncset.done $0x0  }
0x29: {  	[sflag:s9] =	ssyncadd.s32 $0xFFFFE000  }
0x2a: {  	_ =	swait.ge [sflag:s10], $0x2000  }
0x2b: {  	[sflag:s10] =	ssyncset.done $0x0  }
0x2c: {  	[sflag:s10] =	ssyncadd.s32 $0xFFFFE000  }
0x2d: {  	[bflag:$0x0] =	sbarrier.arrive $0xFFFF  }
0x2e: {  	s11 =	rddreg [dreg:$0x4]  }
0x2f: {  	s6 =	rddreg [dreg:$0x7]  }
0x30: {  	s12 =	rddreg [dreg:$0x9]  }
0x31: {  	[hbm:s6], [sflag:s11] =	dma.local [spmem:s12], $0x1400  }
0x32: {  	s6 =	simm.s32 $0x11  }
0x33: {  	_ =	swait.ge [sflag:s6], $0x1400  }
0x34: {  	s3 =	rddreg [dreg:$0xa]  }
0x35: {  	[sflag:s6] =	ssyncset.done $0x0;
	s6 =	rddreg [dreg:$0x8];
	s3 =	sadd.s32 $0x1, s3  }
0x36: {  	p0 =	sne.s32 s3, s6  }
.Ltmp1:
0x37: {  	_ = 	snop;
	(pc) =	sbr.rel @!p0 .LBB2_5-.Ltmp1, $3  }
0x38: {  	_ =	sdelay $0x1  }
0x39: {  	s6 =	simm.s32 $0x11  }
0x3a: {  	[dreg:$0xa] =	wrdreg s3;
	[sflag:s6] =	ssyncadd.s32 $0xFFFFEC00  }
.LBB2_1:
0x3b: {  	s3 =	simm.s32 $0x11;
	s6 =	rddreg [dreg:$0x3]  }
0x3c: {  	[spmem:s12], [sflag:s11] =	dma.local [hbm:s6], $0x1400  }
0x3d: {  	_ =	swait.ge [sflag:s3], $0x1400  }
0x3e: {  	[sflag:s3] =	ssyncset.done $0x0  }
0x3f: {  	[sflag:s3] =	ssyncadd.s32 $0xFFFFEC00  }
0x40: {  	[bflag:$0x0] =	sbarrier.arrive $0xFFFF  }
0x41: {  	s6 =	simm.s32 $0x0;
	s12 =	rddreg [dreg:$0x5]  }
0x42: {  	[tilespmem:s6], [sflag:$0x11] =	stream.linear.gather [hbm4b:s12+s6], $0x2800, $0x38;
	[tilespmem:$0x1F000] =	vst v63  }
0x43: {  	_ =	swait.ge [sflag:s3], $0x2800  }
0x44: {  	[sflag:s3] =	ssyncset.done $0x0  }
0x45: {  	s12 =	simm.s32 $0x2800;
	s11 =	rddreg [dreg:$0x6];
	[sflag:s3] =	ssyncadd.s32 $0xFFFFD800  }
0x46: {  	[tilespmem:s12], [sflag:$0x11] =	stream.linear.gather [hbm4b:s11+s6], $0x2800, $0x38;
	[tilespmem:$0x1F000] =	vst v63  }
0x47: {  	_ =	swait.ge [sflag:s3], $0x2800  }
0x48: {  	[sflag:s3] =	ssyncset.done $0x0  }
0x49: {  	[sflag:s3] =	ssyncadd.s32 $0xFFFFD800  }
0x4a: {  	[tilespmem:s15], [sflag:$0x1] =	stream.indirect.gather [hbm4b:s4+s14], $0x40, s6, s14, $0xb8;
	[tilespmem:$0x1F000] =	vst v63  }
0x4b: {  	_ = 	snop  }
0x4c: {  	[tilespmem:s16], [sflag:$0x2] =	stream.indirect.gather [hbm4b:s4+s14], $0x40, s14, s14, $0xb8;
	[tilespmem:$0x1F000] =	vst v63  }
0x4d: {  	s6 =	simm.s32 $0x100  }
0x4e: {  	[tilespmem:s18], [sflag:$0x3] =	stream.indirect.gather [hbm4b:s4+s14], $0x40, s6, s14, $0xb8;
	[tilespmem:$0x1F000] =	vst v63  }
0x4f: {  	s11 =	simm.s32 $0x180  }
0x50: {  	[tilespmem:s20], [sflag:$0x4] =	stream.indirect.gather [hbm4b:s4+s14], $0x40, s11, s14, $0xb8;
	[tilespmem:$0x1F000] =	vst v63  }
0x51: {  	s12 =	simm.s32 $0x200  }
0x52: {  	[tilespmem:s22], [sflag:$0x5] =	stream.indirect.gather [hbm4b:s4+s14], $0x40, s12, s14, $0xb8;
	[tilespmem:$0x1F000] =	vst v63  }
0x53: {  	s6 =	simm.s32 $0x280  }
0x54: {  	[tilespmem:s24], [sflag:$0x6] =	stream.indirect.gather [hbm4b:s4+s14], $0x40, s6, s14, $0xb8;
	[tilespmem:$0x1F000] =	vst v63  }
0x55: {  	s11 =	simm.s32 $0x300  }
0x56: {  	[tilespmem:s26], [sflag:$0x7] =	stream.indirect.gather [hbm4b:s4+s14], $0x40, s11, s14, $0xb8;
	[tilespmem:$0x1F000] =	vst v63  }
0x57: {  	s12 =	simm.s32 $0x380;
	s6 =	simm.s32 $0x0  }
0x58: {  	[tilespmem:s29], [sflag:$0x8] =	stream.indirect.gather [hbm4b:s4+s14], $0x40, s12, s14, $0xb8;
	[tilespmem:$0x1F000] =	vst v63  }
.LBB2_2:
0x59: {  	_ =	swait.ge [sflag:s30], $0x2000  }
0x5a: {  	s11 =	sshra.s32 s6, $0x2;
	[sflag:s30] =	ssyncset.done $0x0  }
0x5b: {  	s12 =	sadd.s32 $0x2800, s11;
	[sflag:s30] =	ssyncadd.s32 $0xFFFFE000  }
0x5c: {  	[spmem:s2] =	stream.indirect.scatter.add.bf16 [tilespmem:s15], [sflag:$0x9], $0x40, s12, s14, $0xb8;
	[tilespmem:$0x1F000] =	vst v63  }
0x5d: {  	_ =	swait.ge [sflag:s31], $0x2000  }
0x5e: {  	[sflag:s31] =	ssyncset.done $0x0  }
0x5f: {  	s3 =	sadd.s32 $0x2880, s11;
	[sflag:s31] =	ssyncadd.s32 $0xFFFFE000  }
0x60: {  	[spmem:s2] =	stream.indirect.scatter.add.bf16 [tilespmem:s16], [sflag:$0xA], $0x40, s3, s14, $0xb8;
	[tilespmem:$0x1F000] =	vst v63  }
0x61: {  	_ =	swait.ge [sflag:s1], $0x2000  }
0x62: {  	[sflag:s1] =	ssyncset.done $0x0  }
0x63: {  	s3 =	sadd.s32 $0x2900, s11;
	[sflag:s1] =	ssyncadd.s32 $0xFFFFE000  }
0x64: {  	[spmem:s2] =	stream.indirect.scatter.add.bf16 [tilespmem:s18], [sflag:$0xB], $0x40, s3, s14, $0xb8;
	[tilespmem:$0x1F000] =	vst v63  }
0x65: {  	_ =	swait.ge [sflag:s0], $0x2000  }
0x66: {  	[sflag:s0] =	ssyncset.done $0x0  }
0x67: {  	s3 =	sadd.s32 $0x2980, s11;
	[sflag:s0] =	ssyncadd.s32 $0xFFFFE000  }
0x68: {  	[spmem:s2] =	stream.indirect.scatter.add.bf16 [tilespmem:s20], [sflag:$0xC], $0x40, s3, s14, $0xb8;
	[tilespmem:$0x1F000] =	vst v63  }
0x69: {  	_ =	swait.ge [sflag:s13], $0x2000  }
0x6a: {  	[sflag:s13] =	ssyncset.done $0x0  }
0x6b: {  	s3 =	sadd.s32 $0x2A00, s11;
	[sflag:s13] =	ssyncadd.s32 $0xFFFFE000  }
0x6c: {  	[spmem:s2] =	stream.indirect.scatter.add.bf16 [tilespmem:s22], [sflag:$0xD], $0x40, s3, s14, $0xb8;
	[tilespmem:$0x1F000] =	vst v63  }
0x6d: {  	_ =	swait.ge [sflag:s17], $0x2000  }
0x6e: {  	[sflag:s17] =	ssyncset.done $0x0  }
0x6f: {  	s3 =	sadd.s32 $0x2A80, s11;
	[sflag:s17] =	ssyncadd.s32 $0xFFFFE000  }
0x70: {  	[spmem:s2] =	stream.indirect.scatter.add.bf16 [tilespmem:s24], [sflag:$0xE], $0x40, s3, s14, $0xb8;
	[tilespmem:$0x1F000] =	vst v63  }
0x71: {  	_ =	swait.ge [sflag:s19], $0x2000  }
0x72: {  	[sflag:s19] =	ssyncset.done $0x0  }
0x73: {  	s3 =	sadd.s32 $0x2B00, s11;
	[sflag:s19] =	ssyncadd.s32 $0xFFFFE000  }
0x74: {  	[spmem:s2] =	stream.indirect.scatter.add.bf16 [tilespmem:s26], [sflag:$0xF], $0x40, s3, s14, $0xb8;
	[tilespmem:$0x1F000] =	vst v63  }
0x75: {  	_ =	swait.ge [sflag:s21], $0x2000  }
0x76: {  	p0 =	seq.s32 s6, $0x9000;
	[sflag:s21] =	ssyncset.done $0x0  }
.Ltmp2:
0x77: {  	s3 =	sadd.s32 $0x2B80, s11;
	[sflag:s21] =	ssyncadd.s32 $0xFFFFE000;
	(pc) =	sbr.rel @p0 .LBB2_4-.Ltmp2, $4  }
0x78: {  	[spmem:s2] =	stream.indirect.scatter.add.bf16 [tilespmem:s29], [sflag:$0x10], $0x40, s3, s14, $0xb8;
	[tilespmem:$0x1F000] =	vst v63  }
0x79: {  	_ =	swait.ge [sflag:s23], $0x2000  }
0x7a: {  	[sflag:s23] =	ssyncset.done $0x0  }
0x7b: {  	[sflag:s23] =	ssyncadd.s32 $0xFFFFE000  }
0x7c: {  	s12 =	sadd.s32 $0x400, s11  }
0x7d: {  	[tilespmem:s15], [sflag:$0x1] =	stream.indirect.gather [hbm4b:s4+s14], $0x40, s12, s14, $0xb8;
	[tilespmem:$0x1F000] =	vst v63  }
0x7e: {  	_ =	swait.ge [sflag:s25], $0x2000  }
0x7f: {  	[sflag:s25] =	ssyncset.done $0x0  }
0x80: {  	s3 =	sadd.s32 $0x480, s11;
	[sflag:s25] =	ssyncadd.s32 $0xFFFFE000  }
0x81: {  	[tilespmem:s16], [sflag:$0x2] =	stream.indirect.gather [hbm4b:s4+s14], $0x40, s3, s14, $0xb8;
	[tilespmem:$0x1F000] =	vst v63  }
0x82: {  	_ =	swait.ge [sflag:s28], $0x2000  }
0x83: {  	[sflag:s28] =	ssyncset.done $0x0  }
0x84: {  	s3 =	sadd.s32 $0x500, s11;
	[sflag:s28] =	ssyncadd.s32 $0xFFFFE000  }
0x85: {  	[tilespmem:s18], [sflag:$0x3] =	stream.indirect.gather [hbm4b:s4+s14], $0x40, s3, s14, $0xb8;
	[tilespmem:$0x1F000] =	vst v63  }
0x86: {  	_ =	swait.ge [sflag:s5], $0x2000  }
0x87: {  	[sflag:s5] =	ssyncset.done $0x0  }
0x88: {  	s3 =	sadd.s32 $0x580, s11;
	[sflag:s5] =	ssyncadd.s32 $0xFFFFE000  }
0x89: {  	[tilespmem:s20], [sflag:$0x4] =	stream.indirect.gather [hbm4b:s4+s14], $0x40, s3, s14, $0xb8;
	[tilespmem:$0x1F000] =	vst v63  }
0x8a: {  	_ =	swait.ge [sflag:s7], $0x2000  }
0x8b: {  	[sflag:s7] =	ssyncset.done $0x0  }
0x8c: {  	s3 =	sadd.s32 $0x600, s11;
	[sflag:s7] =	ssyncadd.s32 $0xFFFFE000  }
0x8d: {  	[tilespmem:s22], [sflag:$0x5] =	stream.indirect.gather [hbm4b:s4+s14], $0x40, s3, s14, $0xb8;
	[tilespmem:$0x1F000] =	vst v63  }
0x8e: {  	_ =	swait.ge [sflag:s8], $0x2000  }
0x8f: {  	[sflag:s8] =	ssyncset.done $0x0  }
0x90: {  	s3 =	sadd.s32 $0x680, s11;
	[sflag:s8] =	ssyncadd.s32 $0xFFFFE000  }
0x91: {  	[tilespmem:s24], [sflag:$0x6] =	stream.indirect.gather [hbm4b:s4+s14], $0x40, s3, s14, $0xb8;
	[tilespmem:$0x1F000] =	vst v63  }
0x92: {  	_ =	swait.ge [sflag:s9], $0x2000  }
0x93: {  	[sflag:s9] =	ssyncset.done $0x0  }
0x94: {  	s3 =	sadd.s32 $0x700, s11;
	[sflag:s9] =	ssyncadd.s32 $0xFFFFE000  }
0x95: {  	[tilespmem:s26], [sflag:$0x7] =	stream.indirect.gather [hbm4b:s4+s14], $0x40, s3, s14, $0xb8;
	[tilespmem:$0x1F000] =	vst v63  }
.Ltmp3:
0x96: {  	_ = 	snop;
	(pc) =	sbr.rel .LBB2_2-.Ltmp3, $4  }
0x97: {  	_ =	swait.ge [sflag:s10], $0x2000  }
0x98: {  	[sflag:s10] =	ssyncset.done $0x0  }
0x99: {  	s6 =	sadd.s32 $0x1000, s6;
	s12 =	sadd.s32 $0x780, s11;
	[sflag:s10] =	ssyncadd.s32 $0xFFFFE000  }
0x9a: {  	[tilespmem:s29], [sflag:$0x8] =	stream.indirect.gather [hbm4b:s4+s14], $0x40, s12, s14, $0xb8;
	[tilespmem:$0x1F000] =	vst v63  }
.LBB2_5:
0x9b: {  	_ =	sfence.sel $0x180000  }
0x9c: {  	[bflag:$0x0] =	sbarrier.arrive $0xFFFF  }
0x9d: {  	_ =	strace $0x90000047  }
0x9e: {  	s0 =	stileid.u32;
	[bflag:$0x2] =	sbarrier.arrive $0xFFFF  }
0x9f: {  	p0 =	sne.s32 s0, $0x0;
	s0 =	rddreg [dreg:$0x2]  }
0xa0: {  	s0 =	sadd.s32 @!p0 $0x100000, s0  }
0xa1: {  	[sflag:s0] =	ssyncadd.tile.s32 @!p0 $0x1;
	_ =	shalt  }
.Lfunc_end2:
_tile_overlayer_lowered:
.L_overlay_start_2:
0xa2: {  	(tag) =	ssettag $0x2  }
0xa3: {  	s0 =	rddreg [dreg:$0x0];
	s2 =	stileid.u32  }
0xa4: {  	s1 =	rddreg [dreg:$0x1];
	p0 =	sne.s32 s2, $0x0  }
0xa5: {  	s3 =	rddreg [dreg:$0x2];
	[bflag:$0x3] =	sbarrier.arrive $0xFFFF;
	s2 =	simm.s32 @!p0 $0x1C11  }
0xa6: {  	[timem:s3], [sflag:s2] =	dma.local @!p0 [hbm:s0], s1  }
0xa7: {  	s0 =	simm.s32 @!p0 $0x11  }
0xa8: {  	_ =	swait.ge @!p0 [sflag:s0], s1  }
0xa9: {  	s1 =	ssub.s32 @!p0 $0x0, s1;
	[sflag:s0] =	ssyncset.done @!p0 $0x0  }
0xaa: {  	[sflag:s0] =	ssyncadd.s32 @!p0 s1  }
0xab: {  	[bflag:$0x3] =	sbarrier.arrive $0xFFFF  }
0xac: {  	_ =	shalt  }

// kernel: kernel.15.cloned.1.call-start
scs
__scs_entry_jumppad:
0x0: {  	(pc) =	sbr.rel $0x88, $3  }
0x1: {  	(tag) =	ssettag $0x0;
	lr =	simm.s32 $0x1  }
0x2: {  	[smem:$0x3F94] =	sst lr;
	_ =	strace $0xD0000000  }
0x3: {  	_ = 	snop  }
0x4: {  	_ = 	snop  }
0x5: {  	_ = 	snop  }
0x6: {  	_ = 	snop  }
0x7: {  	_ = 	snop  }
__scs_overlays_trampoline_lowered:
0x8: {  	[smem:$0x3FA3] =	sst s0  }
0x9: {  	[smem:$0x3FA4] =	sst s1  }
0xa: {  	[smem:$0x3FA5] =	sst s2  }
0xb: {  	[smem:$0x3FA6] =	sst s3  }
0xc: {  	[smem:$0x3FA7] =	sst s4  }
0xd: {  	[smem:$0x3FA8] =	sst s5  }
0xe: {  	[smem:$0x3FA9] =	sst s6  }
0xf: {  	[smem:$0x3FAA] =	sst s7  }
0x10: {  	[smem:$0x3FAB] =	sst s8  }
0x11: {  	[smem:$0x3FAC] =	sst s9;
	s0 =	simm.s32 @!p0 $0x0  }
0x12: {  	s1 =	sld [smem:$0x3F92];
	s0 =	simm.s32 @p0 $0x1  }
0x13: {  	[smem:$0x3FAD] =	sst s0;
	s0 =	simm.s32 @!p1 $0x0  }
0x14: {  	s2 =	sld [smem:$0x3F91];
	s0 =	simm.s32 @p1 $0x1  }
0x15: {  	[smem:$0x3FAE] =	sst s0;
	s0 =	simm.s32 @!p2 $0x0  }
0x16: {  	s3 =	sld [smem:$0x3FDB];
	s0 =	simm.s32 @p2 $0x1  }
0x17: {  	s4 =	simm.s32 $0x1BF5;
	[smem:$0x3FB0] =	sst s0  }
0x18: {  	s0 =	sld [smem:$0x3F93];
	_ =	swait.ge [sflag:s4], $0x0  }
0x19: {  	s7 =	sld [smem:$0x3F94]  }
0x1a: {  	s8 =	sadd.s32 $0xFFFFE003, lr  }
0x1b: {  	s9 =	sadd.s32 $0xFFFFFEF7, lr;
	s5 =	simm.s32 $0xFFFFFFFF;
	p2 =	slt.u32 s8, $0xFFFFF086  }
0x1c: {  	p1 =	slt.u32 s9, $0xF7A;
	s5 =	simm.s32 @!p2 $0x0  }
0x1d: {  	s5 =	simm.s32 @p1 $0x1;
	p0 =	seq.s32 s7, s2  }
0x1e: {  	s7 =	smul.u32 @!p0 $0xF7A, s2;
	p2 =	seq.s32 @!p0 s5, $0x0  }
0x1f: {  	s9 =	smul.u32 $0xF7A, s1;
	s8 =	simm.s32 @!p0 $0x1BF5;
	p2 =	por !p2, p0  }
0x20: {  	[sflag:s8] =	ssyncset.s32 @!p0 $0xFFFFF086;
	s6 =	sadd.s32 @!p0 s3, s7;
	s7 =	simm.s32 @!p0 $0x108  }
0x21: {  	s3 =	sadd.s32 s3, s9;
	s6 =	sadd.s32 @!p0 $0x88, s6;
	s7 =	simm.s32 @p2 $0x1082  }
0x22: {  	[simem:s7], [sflag:s8] =	dma.local @!p0 [hbm:s6], $0xF7A  }
0x23: {  	s9 =	sor.u32 $0xD0000000, s2;
	s6 =	simm.s32 $0x108;
	_ =	swait.ge @!p0 [sflag:s8], $0x0  }
0x24: {  	s3 =	sadd.s32 $0x88, s3;
	s6 =	simm.s32 @!p1 $0x1082;
	[sflag:s4] =	ssyncset.s32 $0xFFFFF086  }
0x25: {  	[simem:s6], [sflag:s4] =	dma.local [hbm:s3], $0xF7A  }
0x26: {  	[smem:$0x3F94] =	sst s1;
	(tag) =	ssettag s2;
	_ =	strace s9  }
0x27: {  	s1 =	sld [smem:$0x3FA4]  }
0x28: {  	s2 =	sld [smem:$0x3FA5]  }
0x29: {  	s4 =	sld [smem:$0x3FA7]  }
0x2a: {  	p0 =	seq.s32 s5, $0x0;
	s5 =	sld [smem:$0x3FA8]  }
0x2b: {  	s6 =	sld [smem:$0x3FA9]  }
0x2c: {  	s7 =	sld [smem:$0x3FAA]  }
0x2d: {  	s3 =	simm.s32 $0x108;
	s8 =	sld [smem:$0x3FAB]  }
0x2e: {  	s3 =	simm.s32 @!p0 $0x1082;
	s9 =	sld [smem:$0x3FAC]  }
0x2f: {  	lr =	sadd.s32 s0, s3;
	s0 =	sld [smem:$0x3FA3]  }
0x30: {  	s3 =	sld [smem:$0x3FA6]  }
0x31: {  	[smem:$0x3FAF] =	sst s10  }
0x32: {  	s10 =	sld [smem:$0x3FAD];
	_ =	sdelay $0x3  }
0x33: {  	p0 =	seq.s32 s10, $0x1;
	s10 =	sld [smem:$0x3FAF];
	_ =	sdelay $0x3  }
0x34: {  	[smem:$0x3FAF] =	sst s10  }
0x35: {  	s10 =	sld [smem:$0x3FAE];
	_ =	sdelay $0x3  }
0x36: {  	p1 =	seq.s32 s10, $0x1;
	s10 =	sld [smem:$0x3FAF];
	_ =	sdelay $0x3  }
0x37: {  	[smem:$0x3FAF] =	sst s10  }
0x38: {  	s10 =	sld [smem:$0x3FB0]  }
0x39: {  	_ = 	snop;
	(pc) =	sbr.ind lr, $3  }
0x3a: {  	_ = 	snop  }
0x3b: {  	_ = 	snop  }
0x3c: {  	p2 =	seq.s32 s10, $0x1;
	s10 =	sld [smem:$0x3FAF]  }
0x3d: {  	_ =	shalt  }
0x3e: {  	_ =	shalt  }
0x3f: {  	_ =	shalt  }
0x40: {  	_ =	shalt  }
0x41: {  	_ =	shalt  }
0x42: {  	_ =	shalt  }
0x43: {  	_ =	shalt  }
0x44: {  	_ =	shalt  }
0x45: {  	_ =	shalt  }
0x46: {  	_ =	shalt  }
0x47: {  	_ =	shalt  }
0x48: {  	_ =	shalt  }
0x49: {  	_ =	shalt  }
0x4a: {  	_ =	shalt  }
0x4b: {  	_ =	shalt  }
0x4c: {  	_ =	shalt  }
0x4d: {  	_ =	shalt  }
0x4e: {  	_ =	shalt  }
0x4f: {  	_ =	shalt  }
0x50: {  	_ =	shalt  }
0x51: {  	_ =	shalt  }
0x52: {  	_ =	shalt  }
0x53: {  	_ =	shalt  }
0x54: {  	_ =	shalt  }
0x55: {  	_ =	shalt  }
0x56: {  	_ =	shalt  }
0x57: {  	_ =	shalt  }
0x58: {  	_ =	shalt  }
0x59: {  	_ =	shalt  }
0x5a: {  	_ =	shalt  }
0x5b: {  	_ =	shalt  }
0x5c: {  	_ =	shalt  }
0x5d: {  	_ =	shalt  }
0x5e: {  	_ =	shalt  }
0x5f: {  	_ =	shalt  }
0x60: {  	_ =	shalt  }
0x61: {  	_ =	shalt  }
0x62: {  	_ =	shalt  }
0x63: {  	_ =	shalt  }
0x64: {  	_ =	shalt  }
0x65: {  	_ =	shalt  }
0x66: {  	_ =	shalt  }
0x67: {  	_ =	shalt  }
0x68: {  	_ =	shalt  }
0x69: {  	_ =	shalt  }
0x6a: {  	_ =	shalt  }
0x6b: {  	_ =	shalt  }
0x6c: {  	_ =	shalt  }
0x6d: {  	_ =	shalt  }
0x6e: {  	_ =	shalt  }
0x6f: {  	_ =	shalt  }
0x70: {  	_ =	shalt  }
0x71: {  	_ =	shalt  }
0x72: {  	_ =	shalt  }
0x73: {  	_ =	shalt  }
0x74: {  	_ =	shalt  }
0x75: {  	_ =	shalt  }
0x76: {  	_ =	shalt  }
0x77: {  	_ =	shalt  }
0x78: {  	_ =	shalt  }
0x79: {  	_ =	shalt  }
0x7a: {  	_ =	shalt  }
0x7b: {  	_ =	shalt  }
0x7c: {  	_ =	shalt  }
0x7d: {  	_ =	shalt  }
0x7e: {  	_ =	shalt  }
0x7f: {  	_ =	shalt  }
0x80: {  	_ =	shalt  }
0x81: {  	_ =	shalt  }
0x82: {  	_ =	shalt  }
0x83: {  	_ =	shalt  }
0x84: {  	_ =	shalt  }
0x85: {  	_ =	shalt  }
0x86: {  	_ =	shalt  }
0x87: {  	_ =	shalt  }
.Lfunc_end0:
.L_simem_size_0:
called_computation.2_lowered:
.L_overlay_start_0:
0x88: {  	s2 =	sld [smem:$0x3FD9]  }
0x89: {  	s3 =	sld [smem:$0x3FFE];
	_ =	sdelay $0x1  }
0x8a: {  	s1 =	srdreg.scid  }
0x8b: {  	s0 =	sand.u32 $0x1, s1  }
0x8c: {  	s17 =	sshll.u32 s0, $0xA;
	s2 =	sadd.s32 s3, s2  }
0x8d: {  	s2 =	sadd.s32 s2, s17  }
0x8e: {  	[smem:$0x3FBB] =	sst s2  }
0x8f: {  	_ = 	snop  }
0x90: {  	(tm) =	ssettm $0x1  }
0x91: {  	s18 =	sld [smem:$0x3FFB];
	_ =	sdelay $0x3  }
0x92: {  	_ =	strace s18  }
0x93: {  	s2 =	sld [smem:$0x3FFC];
	_ =	sdelay $0x3  }
0x94: {  	_ =	strace s2  }
0x95: {  	s2 =	sld [smem:$0x3FFD];
	_ =	sdelay $0x3  }
0x96: {  	_ =	strace s2  }
0x97: {  	_ =	strace $0x8FFFFFFF  }
0x98: {  	s19 =	sld [smem:$0x3FDB];
	_ =	sdelay $0x1  }
0x99: {  	s20 =	simm.s32 $_scs_section_size  }
0x9a: {  	s4 =	simm.s32 $_size__tile_overlayer_lowered;
	s5 =	simm.s32 $_tile_overlayer_lowered  }
0x9b: {  	s6 =	simm.s32 $0x1BFF;
	s21 =	sshll.u32 s5, $0x1;
	s3 =	sadd.s32 s20, s19  }
0x9c: {  	s22 =	simm.s32 $0x0;
	s4 =	sshll.u32 s4, $0x1;
	s5 =	sadd.s32 s21, s3  }
0x9d: {  	[timem:s22], [sflag:s6] =	dma.local [hbm:s5], s4  }
0x9e: {  	_ =	swait.ge [sflag:s6], s4  }
0x9f: {  	s4 =	ssub.s32 $0x0, s4;
	[sflag:s6] =	ssyncset.done $0x0  }
0xa0: {  	[sflag:s6] =	ssyncadd.s32 s4;
	_ =	sdelay $0x1  }
0xa1: {  	s23 =	simm.s32 $0x1B8B  }
0xa2: {  	_ =	swait.ge [sflag:s23], $0x1  }
0xa3: {  	[sflag:s23] =	ssyncset.done $0x0  }
0xa4: {  	[sflag:s23] =	ssyncadd.s32 $0xFFFFFFFF  }
0xa5: {  	s4 =	sld [smem:$0x0]  }
0xa6: {  	s5 =	sand.u32 $0xFFFFFFFE, s1  }
0xa7: {  	p0 =	sne.s32 s1, s5  }
0xa8: {  	s5 =	sshll.u32 @p0 s5, $0xE  }
0xa9: {  	s5 =	sadd.s32 @p0 $0x11B8D, s5;
	s6 =	sshll.u32 @p0 s4, $0x11  }
0xaa: {  	s5 =	sor.u32 @p0 s6, s5  }
0xab: {  	[sflag:s5] =	ssyncadd.remote.s32 @p0 $0x1;
	_ =	sdelay $0x1  }
0xac: {  	s5 =	simm.s32 @p0 $0x1B8D  }
0xad: {  	_ =	swait.eq @p0 [sflag:s5], $0x1  }
0xae: {  	[sflag:s5] =	ssyncadd.s32 @p0 $0xFFFFFFFF  }
0xaf: {  	s6 =	sshll.u32 @!p0 s1, $0xE  }
0xb0: {  	s6 =	sor.u32 @!p0 $0x4000, s6;
	s5 =	simm.s32 @!p0 $0x1B8D  }
0xb1: {  	s4 =	sshll.u32 @!p0 s4, $0x11;
	s6 =	sadd.s32 @!p0 $0x11B8D, s6;
	_ =	swait.eq @!p0 [sflag:s5], $0x1  }
0xb2: {  	s4 =	sor.u32 @!p0 s4, s6;
	[sflag:s5] =	ssyncadd.s32 @!p0 $0xFFFFFFFF  }
0xb3: {  	s25 =	simm.s32 $0x1B8E;
	s24 =	sld [smem:$0x3FFE];
	[sflag:s4] =	ssyncadd.remote.s32 @!p0 $0x1  }
0xb4: {  	s26 =	simm.s32 $execute0_lowered;
	[smem:$0x3FD2] =	sst s25  }
0xb5: {  	s5 =	sshll.u32 s26, $0x1;
	_ =	strace $0x8000004C;
	[dreg:$0x1] =	wrdreg $0xFFFFFFFF  }
0xb6: {  	s28 =	simm.s32 $_size_execute0_lowered;
	s3 =	sadd.s32 s3, s5;
	[dreg:$0x0] =	wrdreg $0x0  }
0xb7: {  	s5 =	sshll.u32 s28, $0x1;
	[dreg:$0x2] =	wrdreg s3  }
0xb8: {  	[dreg:$0x3] =	wrdreg s5  }
0xb9: {  	[dreg:$0x4] =	wrdreg $0xC0  }
0xba: {  	_ =	task [dreg:s22], $0x5FFFF  }
0xbb: {  	[dreg:$0x1] =	wrdreg $0xFFFFFFFF  }
0xbc: {  	[dreg:$0x0] =	wrdreg $0x60  }
0xbd: {  	[dreg:$0x2] =	wrdreg s24  }
0xbe: {  	[dreg:$0x3] =	wrdreg $0x150000  }
0xbf: {  	[dreg:$0x4] =	wrdreg $0xA  }
0xc0: {  	_ =	task.clear_ibuf [dreg:s22], $0x5FFFF;
	_ =	strace $0x9000004C  }
0xc1: {  	s29 =	simm.s32 $0xA;
	_ =	strace $0x8000004E  }
0xc2: {  	_ =	swait.ge [sflag:s29], $0x1  }
0xc3: {  	[sflag:s29] =	ssyncadd.s32 $0xFFFFFFFF  }
0xc4: {  	_ =	strace $0x9000004E  }
0xc5: {  	_ =	sfence  }
0xc6: {  	s30 =	sld [smem:$0x0];
	_ =	sdelay $0x2  }
0xc7: {  	s31 =	sshll.u32 s1, $0xD;
	s1 =	sshrl.u32 s1, $0x2  }
0xc8: {  	s4 =	sand.u32 $0x4000, s31;
	s1 =	sadd.s32 s1, s30  }
0xc9: {  	s0 =	sor.u32 s4, s0;
	s1 =	sshll.u32 s1, $0x11  }
0xca: {  	s0 =	sor.u32 s1, s0  }
0xcb: {  	s0 =	sadd.s32 $0x8F2B, s0  }
0xcc: {  	[sflag:s0] =	ssyncadd.remote.s32 $0x1  }
0xcd: {  	_ =	sfence.sel $0xFFFF  }
0xce: {  	[dreg:$0x0] =	wrdreg $0xFFFFFFFF;
	(pc) =	sbr.abs _section_cstart, $3  }
0xcf: {  	[dreg:$0x1] =	wrdreg $0xFFFFFFFF  }
0xd0: {  	_ =	task.clear_ibuf [dreg:s22], $0x2FFFF;
	_ =	strace $0x9FFFFFFF  }
0xd1: {  	(tm) =	ssettm $0x7FFFFFFF  }
tec
execute0_lowered:
.L_overlay_start_1:
0x0: {  	(tag) =	ssettag $0x1  }
0x1: {  	s0 =	srdreg.scid  }
0x2: {  	s7 =	stileid.u32;
	s3 =	rddreg [dreg:$0x0]  }
0x3: {  	s2 =	rddreg [dreg:$0x1];
	s4 =	simm.s32 $0x0;
	s14 =	simm.s32 $0x80  }
0x4: {  	s15 =	simm.s32 $0x5000;
	s16 =	simm.s32 $0x7000;
	s18 =	simm.s32 $0x9000  }
0x5: {  	s20 =	simm.s32 $0xB000;
	s22 =	simm.s32 $0xD000;
	s29 =	simm.s32 $0x13000  }
0x6: {  	s30 =	simm.s32 $0x1;
	s31 =	simm.s32 $0x2;
	s13 =	simm.s32 $0x5  }
0x7: {  	s17 =	simm.s32 $0x6;
	s19 =	simm.s32 $0x7;
	s21 =	simm.s32 $0x8  }
0x8: {  	s28 =	simm.s32 $0xB;
	s9 =	simm.s32 $0xF;
	s10 =	simm.s32 $0x10  }
0x9: {  	s0 =	sand.u32 $0x1, s0;
	s1 =	sshll.u32 s7, $0x1;
	s5 =	smul.u32 $0x1400, s7  }
0xa: {  	[smem:$0x7FF] =	sst s4;
	s4 =	sadd.s32 $0x1E00, s3;
	s23 =	smul.u32 $0x28000, s7  }
0xb: {  	s8 =	sadd.s32 $0xA00, s3;
	s7 =	sshll.u32 s7, $0x6;
	s1 =	sor.u32 s0, s1  }
0xc: {  	s6 =	smul.u32 $0x14000, s0;
	_ =	strace $0x8000004D;
	[dreg:$0x3] =	wrdreg s8  }
0xd: {  	s0 =	ssub.s32 $0x2, s0;
	s11 =	sor.u32 $0x1C11, s7;
	s7 =	simm.s32 $0xD  }
0xe: {  	s8 =	simm.s32 $0xE;
	s1 =	smul.u32 $0x500, s1;
	s24 =	sshrl.u32 s0, $0x1  }
0xf: {  	[dreg:$0x4] =	wrdreg s11;
	s5 =	sadd.s32 s5, s6;
	s6 =	sshrl.u32 s23, $0x2  }
0x10: {  	s0 =	ssub.s32 s0, s24;
	s24 =	simm.s32 $0xF000;
	s23 =	simm.s32 $0x9  }
0x11: {  	s1 =	sadd.s32 s1, s3;
	s3 =	sadd.s32 s5, s3;
	s0 =	smax.u32 s0, $0x1  }
0x12: {  	s25 =	sadd.s32 s6, s2;
	s6 =	simm.s32 $0x0;
	[dreg:$0x8] =	wrdreg s0  }
.Ltmp0:
0x13: {  	s26 =	sadd.s32 $0x1F800, s1;
	[dreg:$0xa] =	wrdreg s6;
	(pc) =	sbr.rel .LBB2_1-.Ltmp0, $4  }
0x14: {  	s5 =	simm.s32 $0xC;
	s1 =	sadd.s32 $0x15800, s1;
	[dreg:$0x5] =	wrdreg s26  }
0x15: {  	s3 =	sadd.s32 $0x29800, s3;
	s12 =	sshrl.u32 s25, $0x3;
	[dreg:$0x6] =	wrdreg s1  }
0x16: {  	s0 =	simm.s32 $0x4;
	s25 =	simm.s32 $0xA;
	[dreg:$0x7] =	wrdreg s3  }
0x17: {  	s26 =	simm.s32 $0x11000;
	s1 =	simm.s32 $0x3;
	[dreg:$0x9] =	wrdreg s12  }
.LBB2_4:
0x18: {  	_ =	swait.ge [sflag:s25], $0x2000  }
0x19: {  	[sflag:s25] =	ssyncset.done $0x0  }
0x1a: {  	[sflag:s25] =	ssyncadd.s32 $0xFFFFE000  }
0x1b: {  	_ =	swait.ge [sflag:s28], $0x2000  }
0x1c: {  	[sflag:s28] =	ssyncset.done $0x0  }
0x1d: {  	[sflag:s28] =	ssyncadd.s32 $0xFFFFE000  }
0x1e: {  	_ =	swait.ge [sflag:s5], $0x2000  }
0x1f: {  	[sflag:s5] =	ssyncset.done $0x0  }
0x20: {  	[sflag:s5] =	ssyncadd.s32 $0xFFFFE000  }
0x21: {  	_ =	swait.ge [sflag:s7], $0x2000  }
0x22: {  	[sflag:s7] =	ssyncset.done $0x0  }
0x23: {  	[sflag:s7] =	ssyncadd.s32 $0xFFFFE000  }
0x24: {  	_ =	swait.ge [sflag:s8], $0x2000  }
0x25: {  	[sflag:s8] =	ssyncset.done $0x0  }
0x26: {  	[sflag:s8] =	ssyncadd.s32 $0xFFFFE000  }
0x27: {  	_ =	swait.ge [sflag:s9], $0x2000  }
0x28: {  	[sflag:s9] =	ssyncset.done $0x0  }
0x29: {  	[sflag:s9] =	ssyncadd.s32 $0xFFFFE000  }
0x2a: {  	_ =	swait.ge [sflag:s10], $0x2000  }
0x2b: {  	[sflag:s10] =	ssyncset.done $0x0  }
0x2c: {  	[sflag:s10] =	ssyncadd.s32 $0xFFFFE000  }
0x2d: {  	[bflag:$0x0] =	sbarrier.arrive $0xFFFF  }
0x2e: {  	s11 =	rddreg [dreg:$0x4]  }
0x2f: {  	s6 =	rddreg [dreg:$0x7]  }
0x30: {  	s12 =	rddreg [dreg:$0x9]  }
0x31: {  	[hbm:s6], [sflag:s11] =	dma.local [spmem:s12], $0x1400  }
0x32: {  	s6 =	simm.s32 $0x11  }
0x33: {  	_ =	swait.ge [sflag:s6], $0x1400  }
0x34: {  	s3 =	rddreg [dreg:$0xa]  }
0x35: {  	[sflag:s6] =	ssyncset.done $0x0;
	s6 =	rddreg [dreg:$0x8];
	s3 =	sadd.s32 $0x1, s3  }
0x36: {  	p0 =	sne.s32 s3, s6  }
.Ltmp1:
0x37: {  	_ = 	snop;
	(pc) =	sbr.rel @!p0 .LBB2_5-.Ltmp1, $3  }
0x38: {  	_ =	sdelay $0x1  }
0x39: {  	s6 =	simm.s32 $0x11  }
0x3a: {  	[dreg:$0xa] =	wrdreg s3;
	[sflag:s6] =	ssyncadd.s32 $0xFFFFEC00  }
.LBB2_1:
0x3b: {  	s3 =	simm.s32 $0x11;
	s6 =	rddreg [dreg:$0x3]  }
0x3c: {  	[spmem:s12], [sflag:s11] =	dma.local [hbm:s6], $0x1400  }
0x3d: {  	_ =	swait.ge [sflag:s3], $0x1400  }
0x3e: {  	[sflag:s3] =	ssyncset.done $0x0  }
0x3f: {  	[sflag:s3] =	ssyncadd.s32 $0xFFFFEC00  }
0x40: {  	[bflag:$0x0] =	sbarrier.arrive $0xFFFF  }
0x41: {  	s6 =	simm.s32 $0x0;
	s12 =	rddreg [dreg:$0x5]  }
0x42: {  	[tilespmem:s6], [sflag:$0x11] =	stream.linear.gather [hbm4b:s12+s6], $0x2800, $0x38;
	[tilespmem:$0x1F000] =	vst v63  }
0x43: {  	_ =	swait.ge [sflag:s3], $0x2800  }
0x44: {  	[sflag:s3] =	ssyncset.done $0x0  }
0x45: {  	s12 =	simm.s32 $0x2800;
	s11 =	rddreg [dreg:$0x6];
	[sflag:s3] =	ssyncadd.s32 $0xFFFFD800  }
0x46: {  	[tilespmem:s12], [sflag:$0x11] =	stream.linear.gather [hbm4b:s11+s6], $0x2800, $0x38;
	[tilespmem:$0x1F000] =	vst v63  }
0x47: {  	_ =	swait.ge [sflag:s3], $0x2800  }
0x48: {  	[sflag:s3] =	ssyncset.done $0x0  }
0x49: {  	[sflag:s3] =	ssyncadd.s32 $0xFFFFD800  }
0x4a: {  	[tilespmem:s15], [sflag:$0x1] =	stream.indirect.gather [hbm4b:s4+s14], $0x40, s6, s14, $0xb8;
	[tilespmem:$0x1F000] =	vst v63  }
0x4b: {  	_ = 	snop  }
0x4c: {  	[tilespmem:s16], [sflag:$0x2] =	stream.indirect.gather [hbm4b:s4+s14], $0x40, s14, s14, $0xb8;
	[tilespmem:$0x1F000] =	vst v63  }
0x4d: {  	s6 =	simm.s32 $0x100  }
0x4e: {  	[tilespmem:s18], [sflag:$0x3] =	stream.indirect.gather [hbm4b:s4+s14], $0x40, s6, s14, $0xb8;
	[tilespmem:$0x1F000] =	vst v63  }
0x4f: {  	s11 =	simm.s32 $0x180  }
0x50: {  	[tilespmem:s20], [sflag:$0x4] =	stream.indirect.gather [hbm4b:s4+s14], $0x40, s11, s14, $0xb8;
	[tilespmem:$0x1F000] =	vst v63  }
0x51: {  	s12 =	simm.s32 $0x200  }
0x52: {  	[tilespmem:s22], [sflag:$0x5] =	stream.indirect.gather [hbm4b:s4+s14], $0x40, s12, s14, $0xb8;
	[tilespmem:$0x1F000] =	vst v63  }
0x53: {  	s6 =	simm.s32 $0x280  }
0x54: {  	[tilespmem:s24], [sflag:$0x6] =	stream.indirect.gather [hbm4b:s4+s14], $0x40, s6, s14, $0xb8;
	[tilespmem:$0x1F000] =	vst v63  }
0x55: {  	s11 =	simm.s32 $0x300  }
0x56: {  	[tilespmem:s26], [sflag:$0x7] =	stream.indirect.gather [hbm4b:s4+s14], $0x40, s11, s14, $0xb8;
	[tilespmem:$0x1F000] =	vst v63  }
0x57: {  	s12 =	simm.s32 $0x380;
	s6 =	simm.s32 $0x0  }
0x58: {  	[tilespmem:s29], [sflag:$0x8] =	stream.indirect.gather [hbm4b:s4+s14], $0x40, s12, s14, $0xb8;
	[tilespmem:$0x1F000] =	vst v63  }
.LBB2_2:
0x59: {  	_ =	swait.ge [sflag:s30], $0x2000  }
0x5a: {  	s11 =	sshra.s32 s6, $0x2;
	[sflag:s30] =	ssyncset.done $0x0  }
0x5b: {  	s12 =	sadd.s32 $0x2800, s11;
	[sflag:s30] =	ssyncadd.s32 $0xFFFFE000  }
0x5c: {  	[spmem:s2] =	stream.indirect.scatter.add.bf16 [tilespmem:s15], [sflag:$0x9], $0x40, s12, s14, $0xb8;
	[tilespmem:$0x1F000] =	vst v63  }
0x5d: {  	_ =	swait.ge [sflag:s31], $0x2000  }
0x5e: {  	[sflag:s31] =	ssyncset.done $0x0  }
0x5f: {  	s3 =	sadd.s32 $0x2880, s11;
	[sflag:s31] =	ssyncadd.s32 $0xFFFFE000  }
0x60: {  	[spmem:s2] =	stream.indirect.scatter.add.bf16 [tilespmem:s16], [sflag:$0xA], $0x40, s3, s14, $0xb8;
	[tilespmem:$0x1F000] =	vst v63  }
0x61: {  	_ =	swait.ge [sflag:s1], $0x2000  }
0x62: {  	[sflag:s1] =	ssyncset.done $0x0  }
0x63: {  	s3 =	sadd.s32 $0x2900, s11;
	[sflag:s1] =	ssyncadd.s32 $0xFFFFE000  }
0x64: {  	[spmem:s2] =	stream.indirect.scatter.add.bf16 [tilespmem:s18], [sflag:$0xB], $0x40, s3, s14, $0xb8;
	[tilespmem:$0x1F000] =	vst v63  }
0x65: {  	_ =	swait.ge [sflag:s0], $0x2000  }
0x66: {  	[sflag:s0] =	ssyncset.done $0x0  }
0x67: {  	s3 =	sadd.s32 $0x2980, s11;
	[sflag:s0] =	ssyncadd.s32 $0xFFFFE000  }
0x68: {  	[spmem:s2] =	stream.indirect.scatter.add.bf16 [tilespmem:s20], [sflag:$0xC], $0x40, s3, s14, $0xb8;
	[tilespmem:$0x1F000] =	vst v63  }
0x69: {  	_ =	swait.ge [sflag:s13], $0x2000  }
0x6a: {  	[sflag:s13] =	ssyncset.done $0x0  }
0x6b: {  	s3 =	sadd.s32 $0x2A00, s11;
	[sflag:s13] =	ssyncadd.s32 $0xFFFFE000  }
0x6c: {  	[spmem:s2] =	stream.indirect.scatter.add.bf16 [tilespmem:s22], [sflag:$0xD], $0x40, s3, s14, $0xb8;
	[tilespmem:$0x1F000] =	vst v63  }
0x6d: {  	_ =	swait.ge [sflag:s17], $0x2000  }
0x6e: {  	[sflag:s17] =	ssyncset.done $0x0  }
0x6f: {  	s3 =	sadd.s32 $0x2A80, s11;
	[sflag:s17] =	ssyncadd.s32 $0xFFFFE000  }
0x70: {  	[spmem:s2] =	stream.indirect.scatter.add.bf16 [tilespmem:s24], [sflag:$0xE], $0x40, s3, s14, $0xb8;
	[tilespmem:$0x1F000] =	vst v63  }
0x71: {  	_ =	swait.ge [sflag:s19], $0x2000  }
0x72: {  	[sflag:s19] =	ssyncset.done $0x0  }
0x73: {  	s3 =	sadd.s32 $0x2B00, s11;
	[sflag:s19] =	ssyncadd.s32 $0xFFFFE000  }
0x74: {  	[spmem:s2] =	stream.indirect.scatter.add.bf16 [tilespmem:s26], [sflag:$0xF], $0x40, s3, s14, $0xb8;
	[tilespmem:$0x1F000] =	vst v63  }
0x75: {  	_ =	swait.ge [sflag:s21], $0x2000  }
0x76: {  	p0 =	seq.s32 s6, $0x9000;
	[sflag:s21] =	ssyncset.done $0x0  }
.Ltmp2:
0x77: {  	s3 =	sadd.s32 $0x2B80, s11;
	[sflag:s21] =	ssyncadd.s32 $0xFFFFE000;
	(pc) =	sbr.rel @p0 .LBB2_4-.Ltmp2, $4  }
0x78: {  	[spmem:s2] =	stream.indirect.scatter.add.bf16 [tilespmem:s29], [sflag:$0x10], $0x40, s3, s14, $0xb8;
	[tilespmem:$0x1F000] =	vst v63  }
0x79: {  	_ =	swait.ge [sflag:s23], $0x2000  }
0x7a: {  	[sflag:s23] =	ssyncset.done $0x0  }
0x7b: {  	[sflag:s23] =	ssyncadd.s32 $0xFFFFE000  }
0x7c: {  	s12 =	sadd.s32 $0x400, s11  }
0x7d: {  	[tilespmem:s15], [sflag:$0x1] =	stream.indirect.gather [hbm4b:s4+s14], $0x40, s12, s14, $0xb8;
	[tilespmem:$0x1F000] =	vst v63  }
0x7e: {  	_ =	swait.ge [sflag:s25], $0x2000  }
0x7f: {  	[sflag:s25] =	ssyncset.done $0x0  }
0x80: {  	s3 =	sadd.s32 $0x480, s11;
	[sflag:s25] =	ssyncadd.s32 $0xFFFFE000  }
0x81: {  	[tilespmem:s16], [sflag:$0x2] =	stream.indirect.gather [hbm4b:s4+s14], $0x40, s3, s14, $0xb8;
	[tilespmem:$0x1F000] =	vst v63  }
0x82: {  	_ =	swait.ge [sflag:s28], $0x2000  }
0x83: {  	[sflag:s28] =	ssyncset.done $0x0  }
0x84: {  	s3 =	sadd.s32 $0x500, s11;
	[sflag:s28] =	ssyncadd.s32 $0xFFFFE000  }
0x85: {  	[tilespmem:s18], [sflag:$0x3] =	stream.indirect.gather [hbm4b:s4+s14], $0x40, s3, s14, $0xb8;
	[tilespmem:$0x1F000] =	vst v63  }
0x86: {  	_ =	swait.ge [sflag:s5], $0x2000  }
0x87: {  	[sflag:s5] =	ssyncset.done $0x0  }
0x88: {  	s3 =	sadd.s32 $0x580, s11;
	[sflag:s5] =	ssyncadd.s32 $0xFFFFE000  }
0x89: {  	[tilespmem:s20], [sflag:$0x4] =	stream.indirect.gather [hbm4b:s4+s14], $0x40, s3, s14, $0xb8;
	[tilespmem:$0x1F000] =	vst v63  }
0x8a: {  	_ =	swait.ge [sflag:s7], $0x2000  }
0x8b: {  	[sflag:s7] =	ssyncset.done $0x0  }
0x8c: {  	s3 =	sadd.s32 $0x600, s11;
	[sflag:s7] =	ssyncadd.s32 $0xFFFFE000  }
0x8d: {  	[tilespmem:s22], [sflag:$0x5] =	stream.indirect.gather [hbm4b:s4+s14], $0x40, s3, s14, $0xb8;
	[tilespmem:$0x1F000] =	vst v63  }
0x8e: {  	_ =	swait.ge [sflag:s8], $0x2000  }
0x8f: {  	[sflag:s8] =	ssyncset.done $0x0  }
0x90: {  	s3 =	sadd.s32 $0x680, s11;
	[sflag:s8] =	ssyncadd.s32 $0xFFFFE000  }
0x91: {  	[tilespmem:s24], [sflag:$0x6] =	stream.indirect.gather [hbm4b:s4+s14], $0x40, s3, s14, $0xb8;
	[tilespmem:$0x1F000] =	vst v63  }
0x92: {  	_ =	swait.ge [sflag:s9], $0x2000  }
0x93: {  	[sflag:s9] =	ssyncset.done $0x0  }
0x94: {  	s3 =	sadd.s32 $0x700, s11;
	[sflag:s9] =	ssyncadd.s32 $0xFFFFE000  }
0x95: {  	[tilespmem:s26], [sflag:$0x7] =	stream.indirect.gather [hbm4b:s4+s14], $0x40, s3, s14, $0xb8;
	[tilespmem:$0x1F000] =	vst v63  }
.Ltmp3:
0x96: {  	_ = 	snop;
	(pc) =	sbr.rel .LBB2_2-.Ltmp3, $4  }
0x97: {  	_ =	swait.ge [sflag:s10], $0x2000  }
0x98: {  	[sflag:s10] =	ssyncset.done $0x0  }
0x99: {  	s6 =	sadd.s32 $0x1000, s6;
	s12 =	sadd.s32 $0x780, s11;
	[sflag:s10] =	ssyncadd.s32 $0xFFFFE000  }
0x9a: {  	[tilespmem:s29], [sflag:$0x8] =	stream.indirect.gather [hbm4b:s4+s14], $0x40, s12, s14, $0xb8;
	[tilespmem:$0x1F000] =	vst v63  }
.LBB2_5:
0x9b: {  	_ =	sfence.sel $0x180000  }
0x9c: {  	[bflag:$0x0] =	sbarrier.arrive $0xFFFF  }
0x9d: {  	_ =	strace $0x9000004D  }
0x9e: {  	s0 =	stileid.u32;
	[bflag:$0x2] =	sbarrier.arrive $0xFFFF  }
0x9f: {  	p0 =	sne.s32 s0, $0x0;
	s0 =	rddreg [dreg:$0x2]  }
0xa0: {  	s0 =	sadd.s32 @!p0 $0x100000, s0  }
0xa1: {  	[sflag:s0] =	ssyncadd.tile.s32 @!p0 $0x1;
	_ =	shalt  }
.Lfunc_end2:
_tile_overlayer_lowered:
.L_overlay_start_2:
0xa2: {  	(tag) =	ssettag $0x2  }
0xa3: {  	s0 =	rddreg [dreg:$0x0];
	s2 =	stileid.u32  }
0xa4: {  	s1 =	rddreg [dreg:$0x1];
	p0 =	sne.s32 s2, $0x0  }
0xa5: {  	s3 =	rddreg [dreg:$0x2];
	[bflag:$0x3] =	sbarrier.arrive $0xFFFF;
	s2 =	simm.s32 @!p0 $0x1C11  }
0xa6: {  	[timem:s3], [sflag:s2] =	dma.local @!p0 [hbm:s0], s1  }
0xa7: {  	s0 =	simm.s32 @!p0 $0x11  }
0xa8: {  	_ =	swait.ge @!p0 [sflag:s0], s1  }
0xa9: {  	s1 =	ssub.s32 @!p0 $0x0, s1;
	[sflag:s0] =	ssyncset.done @!p0 $0x0  }
0xaa: {  	[sflag:s0] =	ssyncadd.s32 @!p0 s1  }
0xab: {  	[bflag:$0x3] =	sbarrier.arrive $0xFFFF  }
0xac: {  	_ =	shalt  }

// kernel: kernel.9.cloned.1.call-start
scs
__scs_entry_jumppad:
0x0: {  	(pc) =	sbr.rel $0x88, $3  }
0x1: {  	(tag) =	ssettag $0x0;
	lr =	simm.s32 $0x1  }
0x2: {  	[smem:$0x3F94] =	sst lr;
	_ =	strace $0xD0000000  }
0x3: {  	_ = 	snop  }
0x4: {  	_ = 	snop  }
0x5: {  	_ = 	snop  }
0x6: {  	_ = 	snop  }
0x7: {  	_ = 	snop  }
__scs_overlays_trampoline_lowered:
0x8: {  	[smem:$0x3FA3] =	sst s0  }
0x9: {  	[smem:$0x3FA4] =	sst s1  }
0xa: {  	[smem:$0x3FA5] =	sst s2  }
0xb: {  	[smem:$0x3FA6] =	sst s3  }
0xc: {  	[smem:$0x3FA7] =	sst s4  }
0xd: {  	[smem:$0x3FA8] =	sst s5  }
0xe: {  	[smem:$0x3FA9] =	sst s6  }
0xf: {  	[smem:$0x3FAA] =	sst s7  }
0x10: {  	[smem:$0x3FAB] =	sst s8  }
0x11: {  	[smem:$0x3FAC] =	sst s9;
	s0 =	simm.s32 @!p0 $0x0  }
0x12: {  	s1 =	sld [smem:$0x3F92];
	s0 =	simm.s32 @p0 $0x1  }
0x13: {  	[smem:$0x3FAD] =	sst s0;
	s0 =	simm.s32 @!p1 $0x0  }
0x14: {  	s2 =	sld [smem:$0x3F91];
	s0 =	simm.s32 @p1 $0x1  }
0x15: {  	[smem:$0x3FAE] =	sst s0;
	s0 =	simm.s32 @!p2 $0x0  }
0x16: {  	s3 =	sld [smem:$0x3FDB];
	s0 =	simm.s32 @p2 $0x1  }
0x17: {  	s4 =	simm.s32 $0x1BF5;
	[smem:$0x3FB0] =	sst s0  }
0x18: {  	s0 =	sld [smem:$0x3F93];
	_ =	swait.ge [sflag:s4], $0x0  }
0x19: {  	s7 =	sld [smem:$0x3F94]  }
0x1a: {  	s8 =	sadd.s32 $0xFFFFE003, lr  }
0x1b: {  	s9 =	sadd.s32 $0xFFFFFEF7, lr;
	s5 =	simm.s32 $0xFFFFFFFF;
	p2 =	slt.u32 s8, $0xFFFFF086  }
0x1c: {  	p1 =	slt.u32 s9, $0xF7A;
	s5 =	simm.s32 @!p2 $0x0  }
0x1d: {  	s5 =	simm.s32 @p1 $0x1;
	p0 =	seq.s32 s7, s2  }
0x1e: {  	s7 =	smul.u32 @!p0 $0xF7A, s2;
	p2 =	seq.s32 @!p0 s5, $0x0  }
0x1f: {  	s9 =	smul.u32 $0xF7A, s1;
	s8 =	simm.s32 @!p0 $0x1BF5;
	p2 =	por !p2, p0  }
0x20: {  	[sflag:s8] =	ssyncset.s32 @!p0 $0xFFFFF086;
	s6 =	sadd.s32 @!p0 s3, s7;
	s7 =	simm.s32 @!p0 $0x108  }
0x21: {  	s3 =	sadd.s32 s3, s9;
	s6 =	sadd.s32 @!p0 $0x88, s6;
	s7 =	simm.s32 @p2 $0x1082  }
0x22: {  	[simem:s7], [sflag:s8] =	dma.local @!p0 [hbm:s6], $0xF7A  }
0x23: {  	s9 =	sor.u32 $0xD0000000, s2;
	s6 =	simm.s32 $0x108;
	_ =	swait.ge @!p0 [sflag:s8], $0x0  }
0x24: {  	s3 =	sadd.s32 $0x88, s3;
	s6 =	simm.s32 @!p1 $0x1082;
	[sflag:s4] =	ssyncset.s32 $0xFFFFF086  }
0x25: {  	[simem:s6], [sflag:s4] =	dma.local [hbm:s3], $0xF7A  }
0x26: {  	[smem:$0x3F94] =	sst s1;
	(tag) =	ssettag s2;
	_ =	strace s9  }
0x27: {  	s1 =	sld [smem:$0x3FA4]  }
0x28: {  	s2 =	sld [smem:$0x3FA5]  }
0x29: {  	s4 =	sld [smem:$0x3FA7]  }
0x2a: {  	p0 =	seq.s32 s5, $0x0;
	s5 =	sld [smem:$0x3FA8]  }
0x2b: {  	s6 =	sld [smem:$0x3FA9]  }
0x2c: {  	s7 =	sld [smem:$0x3FAA]  }
0x2d: {  	s3 =	simm.s32 $0x108;
	s8 =	sld [smem:$0x3FAB]  }
0x2e: {  	s3 =	simm.s32 @!p0 $0x1082;
	s9 =	sld [smem:$0x3FAC]  }
0x2f: {  	lr =	sadd.s32 s0, s3;
	s0 =	sld [smem:$0x3FA3]  }
0x30: {  	s3 =	sld [smem:$0x3FA6]  }
0x31: {  	[smem:$0x3FAF] =	sst s10  }
0x32: {  	s10 =	sld [smem:$0x3FAD];
	_ =	sdelay $0x3  }
0x33: {  	p0 =	seq.s32 s10, $0x1;
	s10 =	sld [smem:$0x3FAF];
	_ =	sdelay $0x3  }
0x34: {  	[smem:$0x3FAF] =	sst s10  }
0x35: {  	s10 =	sld [smem:$0x3FAE];
	_ =	sdelay $0x3  }
0x36: {  	p1 =	seq.s32 s10, $0x1;
	s10 =	sld [smem:$0x3FAF];
	_ =	sdelay $0x3  }
0x37: {  	[smem:$0x3FAF] =	sst s10  }
0x38: {  	s10 =	sld [smem:$0x3FB0]  }
0x39: {  	_ = 	snop;
	(pc) =	sbr.ind lr, $3  }
0x3a: {  	_ = 	snop  }
0x3b: {  	_ = 	snop  }
0x3c: {  	p2 =	seq.s32 s10, $0x1;
	s10 =	sld [smem:$0x3FAF]  }
0x3d: {  	_ =	shalt  }
0x3e: {  	_ =	shalt  }
0x3f: {  	_ =	shalt  }
0x40: {  	_ =	shalt  }
0x41: {  	_ =	shalt  }
0x42: {  	_ =	shalt  }
0x43: {  	_ =	shalt  }
0x44: {  	_ =	shalt  }
0x45: {  	_ =	shalt  }
0x46: {  	_ =	shalt  }
0x47: {  	_ =	shalt  }
0x48: {  	_ =	shalt  }
0x49: {  	_ =	shalt  }
0x4a: {  	_ =	shalt  }
0x4b: {  	_ =	shalt  }
0x4c: {  	_ =	shalt  }
0x4d: {  	_ =	shalt  }
0x4e: {  	_ =	shalt  }
0x4f: {  	_ =	shalt  }
0x50: {  	_ =	shalt  }
0x51: {  	_ =	shalt  }
0x52: {  	_ =	shalt  }
0x53: {  	_ =	shalt  }
0x54: {  	_ =	shalt  }
0x55: {  	_ =	shalt  }
0x56: {  	_ =	shalt  }
0x57: {  	_ =	shalt  }
0x58: {  	_ =	shalt  }
0x59: {  	_ =	shalt  }
0x5a: {  	_ =	shalt  }
0x5b: {  	_ =	shalt  }
0x5c: {  	_ =	shalt  }
0x5d: {  	_ =	shalt  }
0x5e: {  	_ =	shalt  }
0x5f: {  	_ =	shalt  }
0x60: {  	_ =	shalt  }
0x61: {  	_ =	shalt  }
0x62: {  	_ =	shalt  }
0x63: {  	_ =	shalt  }
0x64: {  	_ =	shalt  }
0x65: {  	_ =	shalt  }
0x66: {  	_ =	shalt  }
0x67: {  	_ =	shalt  }
0x68: {  	_ =	shalt  }
0x69: {  	_ =	shalt  }
0x6a: {  	_ =	shalt  }
0x6b: {  	_ =	shalt  }
0x6c: {  	_ =	shalt  }
0x6d: {  	_ =	shalt  }
0x6e: {  	_ =	shalt  }
0x6f: {  	_ =	shalt  }
0x70: {  	_ =	shalt  }
0x71: {  	_ =	shalt  }
0x72: {  	_ =	shalt  }
0x73: {  	_ =	shalt  }
0x74: {  	_ =	shalt  }
0x75: {  	_ =	shalt  }
0x76: {  	_ =	shalt  }
0x77: {  	_ =	shalt  }
0x78: {  	_ =	shalt  }
0x79: {  	_ =	shalt  }
0x7a: {  	_ =	shalt  }
0x7b: {  	_ =	shalt  }
0x7c: {  	_ =	shalt  }
0x7d: {  	_ =	shalt  }
0x7e: {  	_ =	shalt  }
0x7f: {  	_ =	shalt  }
0x80: {  	_ =	shalt  }
0x81: {  	_ =	shalt  }
0x82: {  	_ =	shalt  }
0x83: {  	_ =	shalt  }
0x84: {  	_ =	shalt  }
0x85: {  	_ =	shalt  }
0x86: {  	_ =	shalt  }
0x87: {  	_ =	shalt  }
.Lfunc_end0:
.L_simem_size_0:
called_computation_lowered:
.L_overlay_start_0:
0x88: {  	s2 =	sld [smem:$0x3FD9]  }
0x89: {  	s3 =	sld [smem:$0x3FFE];
	_ =	sdelay $0x1  }
0x8a: {  	s1 =	srdreg.scid  }
0x8b: {  	s0 =	sand.u32 $0x1, s1  }
0x8c: {  	s17 =	sshll.u32 s0, $0xA;
	s2 =	sadd.s32 s3, s2  }
0x8d: {  	s2 =	sadd.s32 s2, s17  }
0x8e: {  	[smem:$0x3FBB] =	sst s2  }
0x8f: {  	_ = 	snop  }
0x90: {  	(tm) =	ssettm $0x1  }
0x91: {  	s18 =	sld [smem:$0x3FFB];
	_ =	sdelay $0x3  }
0x92: {  	_ =	strace s18  }
0x93: {  	s2 =	sld [smem:$0x3FFC];
	_ =	sdelay $0x3  }
0x94: {  	_ =	strace s2  }
0x95: {  	s2 =	sld [smem:$0x3FFD];
	_ =	sdelay $0x3  }
0x96: {  	_ =	strace s2  }
0x97: {  	_ =	strace $0x8FFFFFFF  }
0x98: {  	s19 =	sld [smem:$0x3FDB];
	_ =	sdelay $0x1  }
0x99: {  	s20 =	simm.s32 $_scs_section_size  }
0x9a: {  	s4 =	simm.s32 $_size__tile_overlayer_lowered;
	s5 =	simm.s32 $_tile_overlayer_lowered  }
0x9b: {  	s6 =	simm.s32 $0x1BFF;
	s21 =	sshll.u32 s5, $0x1;
	s3 =	sadd.s32 s20, s19  }
0x9c: {  	s22 =	simm.s32 $0x0;
	s4 =	sshll.u32 s4, $0x1;
	s5 =	sadd.s32 s21, s3  }
0x9d: {  	[timem:s22], [sflag:s6] =	dma.local [hbm:s5], s4  }
0x9e: {  	_ =	swait.ge [sflag:s6], s4  }
0x9f: {  	s4 =	ssub.s32 $0x0, s4;
	[sflag:s6] =	ssyncset.done $0x0  }
0xa0: {  	[sflag:s6] =	ssyncadd.s32 s4;
	_ =	sdelay $0x1  }
0xa1: {  	s23 =	simm.s32 $0x1B8B  }
0xa2: {  	_ =	swait.ge [sflag:s23], $0x1  }
0xa3: {  	[sflag:s23] =	ssyncset.done $0x0  }
0xa4: {  	[sflag:s23] =	ssyncadd.s32 $0xFFFFFFFF  }
0xa5: {  	s4 =	sld [smem:$0x0]  }
0xa6: {  	s5 =	sand.u32 $0xFFFFFFFE, s1  }
0xa7: {  	p0 =	sne.s32 s1, s5  }
0xa8: {  	s5 =	sshll.u32 @p0 s5, $0xE  }
0xa9: {  	s5 =	sadd.s32 @p0 $0x11B8D, s5;
	s6 =	sshll.u32 @p0 s4, $0x11  }
0xaa: {  	s5 =	sor.u32 @p0 s6, s5  }
0xab: {  	[sflag:s5] =	ssyncadd.remote.s32 @p0 $0x1;
	_ =	sdelay $0x1  }
0xac: {  	s5 =	simm.s32 @p0 $0x1B8D  }
0xad: {  	_ =	swait.eq @p0 [sflag:s5], $0x1  }
0xae: {  	[sflag:s5] =	ssyncadd.s32 @p0 $0xFFFFFFFF  }
0xaf: {  	s6 =	sshll.u32 @!p0 s1, $0xE  }
0xb0: {  	s6 =	sor.u32 @!p0 $0x4000, s6;
	s5 =	simm.s32 @!p0 $0x1B8D  }
0xb1: {  	s4 =	sshll.u32 @!p0 s4, $0x11;
	s6 =	sadd.s32 @!p0 $0x11B8D, s6;
	_ =	swait.eq @!p0 [sflag:s5], $0x1  }
0xb2: {  	s4 =	sor.u32 @!p0 s4, s6;
	[sflag:s5] =	ssyncadd.s32 @!p0 $0xFFFFFFFF  }
0xb3: {  	s25 =	simm.s32 $0x1B8E;
	s24 =	sld [smem:$0x3FFE];
	[sflag:s4] =	ssyncadd.remote.s32 @!p0 $0x1  }
0xb4: {  	s26 =	simm.s32 $execute0_lowered;
	[smem:$0x3FD2] =	sst s25  }
0xb5: {  	s5 =	sshll.u32 s26, $0x1;
	_ =	strace $0x80000049;
	[dreg:$0x1] =	wrdreg $0xFFFFFFFF  }
0xb6: {  	s28 =	simm.s32 $_size_execute0_lowered;
	s3 =	sadd.s32 s3, s5;
	[dreg:$0x0] =	wrdreg $0x0  }
0xb7: {  	s5 =	sshll.u32 s28, $0x1;
	[dreg:$0x2] =	wrdreg s3  }
0xb8: {  	[dreg:$0x3] =	wrdreg s5  }
0xb9: {  	[dreg:$0x4] =	wrdreg $0xC0  }
0xba: {  	_ =	task [dreg:s22], $0x5FFFF  }
0xbb: {  	[dreg:$0x1] =	wrdreg $0xFFFFFFFF  }
0xbc: {  	[dreg:$0x0] =	wrdreg $0x60  }
0xbd: {  	[dreg:$0x2] =	wrdreg s24  }
0xbe: {  	[dreg:$0x3] =	wrdreg $0x58000  }
0xbf: {  	[dreg:$0x4] =	wrdreg $0x9  }
0xc0: {  	_ =	task.clear_ibuf [dreg:s22], $0x5FFFF;
	_ =	strace $0x90000049  }
0xc1: {  	s29 =	simm.s32 $0x9;
	_ =	strace $0x8000004B  }
0xc2: {  	_ =	swait.ge [sflag:s29], $0x1  }
0xc3: {  	[sflag:s29] =	ssyncadd.s32 $0xFFFFFFFF  }
0xc4: {  	_ =	strace $0x9000004B  }
0xc5: {  	_ =	sfence  }
0xc6: {  	s30 =	sld [smem:$0x0];
	_ =	sdelay $0x2  }
0xc7: {  	s31 =	sshll.u32 s1, $0xD;
	s1 =	sshrl.u32 s1, $0x2  }
0xc8: {  	s4 =	sand.u32 $0x4000, s31;
	s1 =	sadd.s32 s1, s30  }
0xc9: {  	s0 =	sor.u32 s4, s0;
	s1 =	sshll.u32 s1, $0x11  }
0xca: {  	s0 =	sor.u32 s1, s0  }
0xcb: {  	s0 =	sadd.s32 $0x8F2B, s0  }
0xcc: {  	[sflag:s0] =	ssyncadd.remote.s32 $0x1  }
0xcd: {  	_ =	sfence.sel $0xFFFF  }
0xce: {  	[dreg:$0x0] =	wrdreg $0xFFFFFFFF;
	(pc) =	sbr.abs _section_cstart, $3  }
0xcf: {  	[dreg:$0x1] =	wrdreg $0xFFFFFFFF  }
0xd0: {  	_ =	task.clear_ibuf [dreg:s22], $0x2FFFF;
	_ =	strace $0x9FFFFFFF  }
0xd1: {  	(tm) =	ssettm $0x7FFFFFFF  }
tec
execute0_lowered:
.L_overlay_start_1:
0x0: {  	(tag) =	ssettag $0x1  }
0x1: {  	s0 =	rddreg [dreg:$0x0]  }
0x2: {  	s1 =	srdreg.scid;
	s8 =	stileid.u32  }
0x3: {  	s2 =	rddreg [dreg:$0x1];
	s4 =	simm.s32 $0x0;
	s14 =	simm.s32 $0x80  }
0x4: {  	s15 =	simm.s32 $0x3800;
	s16 =	simm.s32 $0x3C00;
	s18 =	simm.s32 $0x4000  }
0x5: {  	s20 =	simm.s32 $0x4400;
	s29 =	simm.s32 $0x5400;
	s30 =	simm.s32 $0x1  }
0x6: {  	s31 =	simm.s32 $0x2;
	s13 =	simm.s32 $0x5;
	s17 =	simm.s32 $0x6  }
0x7: {  	s19 =	simm.s32 $0x7;
	s21 =	simm.s32 $0x8;
	s28 =	simm.s32 $0xB  }
0x8: {  	s9 =	simm.s32 $0xF;
	s10 =	simm.s32 $0x10;
	s1 =	sand.u32 $0x1, s1  }
0x9: {  	s3 =	sshll.u32 s8, $0x1;
	[smem:$0x7FF] =	sst s4;
	s5 =	smul.u32 $0x2800, s8  }
0xa: {  	s4 =	sadd.s32 $0x51800, s0;
	s6 =	sadd.s32 $0x7FA00, s0;
	s7 =	smul.u32 $0x50000, s8  }
0xb: {  	s25 =	sshll.u32 s8, $0x6;
	s8 =	simm.s32 $0xE;
	s3 =	sor.u32 s1, s3  }
0xc: {  	_ =	strace $0x8000004A;
	[dreg:$0x3] =	wrdreg s6;
	s22 =	ssub.s32 $0x2, s1  }
0xd: {  	s1 =	smul.u32 $0x28000, s1;
	s11 =	sor.u32 $0x1C11, s25;
	s25 =	simm.s32 $0xA  }
0xe: {  	s3 =	smul.u32 $0x380, s3;
	s23 =	sshrl.u32 s22, $0x1;
	s24 =	sshrl.u32 s7, $0x2  }
0xf: {  	s7 =	simm.s32 $0xD;
	[dreg:$0x4] =	wrdreg s11;
	s6 =	sadd.s32 s24, s2  }
0x10: {  	s24 =	simm.s32 $0x4C00;
	s3 =	sadd.s32 s3, s0;
	s0 =	sadd.s32 s5, s0  }
0x11: {  	s5 =	ssub.s32 s22, s23;
	s12 =	sshrl.u32 s6, $0x3;
	s6 =	simm.s32 $0x0  }
0x12: {  	s22 =	simm.s32 $0x4800;
	s23 =	simm.s32 $0x9;
	[dreg:$0xa] =	wrdreg s6  }
.Ltmp0:
0x13: {  	s26 =	sadd.s32 $0x78A00, s3;
	[dreg:$0x9] =	wrdreg s12;
	(pc) =	sbr.rel .LBB2_1-.Ltmp0, $4  }
0x14: {  	s0 =	sadd.s32 s1, s0;
	s3 =	sadd.s32 $0x82200, s3;
	[dreg:$0x5] =	wrdreg s26  }
0x15: {  	s5 =	smax.u32 s5, $0x1;
	s1 =	simm.s32 $0x3;
	[dreg:$0x6] =	wrdreg s3  }
0x16: {  	s0 =	sadd.s32 $0x89200, s0;
	[dreg:$0x8] =	wrdreg s5;
	s26 =	simm.s32 $0x5000  }
0x17: {  	s5 =	simm.s32 $0xC;
	[dreg:$0x7] =	wrdreg s0;
	s0 =	simm.s32 $0x4  }
.LBB2_4:
0x18: {  	_ =	swait.ge [sflag:s25], $0x400  }
0x19: {  	[sflag:s25] =	ssyncset.done $0x0  }
0x1a: {  	[sflag:s25] =	ssyncadd.s32 $0xFFFFFC00  }
0x1b: {  	_ =	swait.ge [sflag:s28], $0x400  }
0x1c: {  	[sflag:s28] =	ssyncset.done $0x0  }
0x1d: {  	[sflag:s28] =	ssyncadd.s32 $0xFFFFFC00  }
0x1e: {  	_ =	swait.ge [sflag:s5], $0x400  }
0x1f: {  	[sflag:s5] =	ssyncset.done $0x0  }
0x20: {  	[sflag:s5] =	ssyncadd.s32 $0xFFFFFC00  }
0x21: {  	_ =	swait.ge [sflag:s7], $0x400  }
0x22: {  	[sflag:s7] =	ssyncset.done $0x0  }
0x23: {  	[sflag:s7] =	ssyncadd.s32 $0xFFFFFC00  }
0x24: {  	_ =	swait.ge [sflag:s8], $0x400  }
0x25: {  	[sflag:s8] =	ssyncset.done $0x0  }
0x26: {  	[sflag:s8] =	ssyncadd.s32 $0xFFFFFC00  }
0x27: {  	_ =	swait.ge [sflag:s9], $0x400  }
0x28: {  	[sflag:s9] =	ssyncset.done $0x0  }
0x29: {  	[sflag:s9] =	ssyncadd.s32 $0xFFFFFC00  }
0x2a: {  	_ =	swait.ge [sflag:s10], $0x400  }
0x2b: {  	[sflag:s10] =	ssyncset.done $0x0  }
0x2c: {  	[sflag:s10] =	ssyncadd.s32 $0xFFFFFC00  }
0x2d: {  	[bflag:$0x0] =	sbarrier.arrive $0xFFFF  }
0x2e: {  	s11 =	rddreg [dreg:$0x4]  }
0x2f: {  	s6 =	rddreg [dreg:$0x7]  }
0x30: {  	s12 =	rddreg [dreg:$0x9]  }
0x31: {  	[hbm:s6], [sflag:s11] =	dma.local [spmem:s12], $0x2800  }
0x32: {  	s6 =	simm.s32 $0x11  }
0x33: {  	_ =	swait.ge [sflag:s6], $0x2800  }
0x34: {  	s3 =	rddreg [dreg:$0xa]  }
0x35: {  	[sflag:s6] =	ssyncset.done $0x0;
	s6 =	rddreg [dreg:$0x8];
	s3 =	sadd.s32 $0x1, s3  }
0x36: {  	p0 =	sne.s32 s3, s6  }
.Ltmp1:
0x37: {  	_ = 	snop;
	(pc) =	sbr.rel @!p0 .LBB2_5-.Ltmp1, $3  }
0x38: {  	_ =	sdelay $0x1  }
0x39: {  	s6 =	simm.s32 $0x11  }
0x3a: {  	[dreg:$0xa] =	wrdreg s3;
	[sflag:s6] =	ssyncadd.s32 $0xFFFFD800  }
.LBB2_1:
0x3b: {  	s3 =	simm.s32 $0x11;
	s6 =	rddreg [dreg:$0x3]  }
0x3c: {  	[spmem:s12], [sflag:s11] =	dma.local [hbm:s6], $0x2800  }
0x3d: {  	_ =	swait.ge [sflag:s3], $0x2800  }
0x3e: {  	[sflag:s3] =	ssyncset.done $0x0  }
0x3f: {  	[sflag:s3] =	ssyncadd.s32 $0xFFFFD800  }
0x40: {  	[bflag:$0x0] =	sbarrier.arrive $0xFFFF  }
0x41: {  	s6 =	simm.s32 $0x0;
	s12 =	rddreg [dreg:$0x5]  }
0x42: {  	[tilespmem:s6], [sflag:$0x11] =	stream.linear.gather [hbm4b:s12+s6], $0x1C00, $0x38;
	[tilespmem:$0x19800] =	vst v63  }
0x43: {  	_ =	swait.ge [sflag:s3], $0x1C00  }
0x44: {  	[sflag:s3] =	ssyncset.done $0x0  }
0x45: {  	s12 =	simm.s32 $0x1C00;
	s11 =	rddreg [dreg:$0x6];
	[sflag:s3] =	ssyncadd.s32 $0xFFFFE400  }
0x46: {  	[tilespmem:s12], [sflag:$0x11] =	stream.linear.gather [hbm4b:s11+s6], $0x1C00, $0x38;
	[tilespmem:$0x19800] =	vst v63  }
0x47: {  	_ =	swait.ge [sflag:s3], $0x1C00  }
0x48: {  	[sflag:s3] =	ssyncset.done $0x0  }
0x49: {  	[sflag:s3] =	ssyncadd.s32 $0xFFFFE400  }
0x4a: {  	[tilespmem:s15], [sflag:$0x1] =	stream.indirect.gather [hbm4b:s4+s14], $0x8, s6, s14, $0xb8;
	[tilespmem:$0x19800] =	vst v63  }
0x4b: {  	_ = 	snop  }
0x4c: {  	[tilespmem:s16], [sflag:$0x2] =	stream.indirect.gather [hbm4b:s4+s14], $0x8, s14, s14, $0xb8;
	[tilespmem:$0x19800] =	vst v63  }
0x4d: {  	s6 =	simm.s32 $0x100  }
0x4e: {  	[tilespmem:s18], [sflag:$0x3] =	stream.indirect.gather [hbm4b:s4+s14], $0x8, s6, s14, $0xb8;
	[tilespmem:$0x19800] =	vst v63  }
0x4f: {  	s11 =	simm.s32 $0x180  }
0x50: {  	[tilespmem:s20], [sflag:$0x4] =	stream.indirect.gather [hbm4b:s4+s14], $0x8, s11, s14, $0xb8;
	[tilespmem:$0x19800] =	vst v63  }
0x51: {  	s12 =	simm.s32 $0x200  }
0x52: {  	[tilespmem:s22], [sflag:$0x5] =	stream.indirect.gather [hbm4b:s4+s14], $0x8, s12, s14, $0xb8;
	[tilespmem:$0x19800] =	vst v63  }
0x53: {  	s6 =	simm.s32 $0x280  }
0x54: {  	[tilespmem:s24], [sflag:$0x6] =	stream.indirect.gather [hbm4b:s4+s14], $0x8, s6, s14, $0xb8;
	[tilespmem:$0x19800] =	vst v63  }
0x55: {  	s11 =	simm.s32 $0x300  }
0x56: {  	[tilespmem:s26], [sflag:$0x7] =	stream.indirect.gather [hbm4b:s4+s14], $0x8, s11, s14, $0xb8;
	[tilespmem:$0x19800] =	vst v63  }
0x57: {  	s12 =	simm.s32 $0x380;
	s6 =	simm.s32 $0x0  }
0x58: {  	[tilespmem:s29], [sflag:$0x8] =	stream.indirect.gather [hbm4b:s4+s14], $0x8, s12, s14, $0xb8;
	[tilespmem:$0x19800] =	vst v63  }
.LBB2_2:
0x59: {  	_ =	swait.ge [sflag:s30], $0x400  }
0x5a: {  	s11 =	sshra.s32 s6, $0x2;
	[sflag:s30] =	ssyncset.done $0x0  }
0x5b: {  	s12 =	sadd.s32 $0x1C00, s11;
	[sflag:s30] =	ssyncadd.s32 $0xFFFFFC00  }
0x5c: {  	[spmem:s2] =	stream.indirect.scatter.add.bf16 [tilespmem:s15], [sflag:$0x9], $0x8, s12, s14, $0xb8;
	[tilespmem:$0x19800] =	vst v63  }
0x5d: {  	_ =	swait.ge [sflag:s31], $0x400  }
0x5e: {  	[sflag:s31] =	ssyncset.done $0x0  }
0x5f: {  	s3 =	sadd.s32 $0x1C80, s11;
	[sflag:s31] =	ssyncadd.s32 $0xFFFFFC00  }
0x60: {  	[spmem:s2] =	stream.indirect.scatter.add.bf16 [tilespmem:s16], [sflag:$0xA], $0x8, s3, s14, $0xb8;
	[tilespmem:$0x19800] =	vst v63  }
0x61: {  	_ =	swait.ge [sflag:s1], $0x400  }
0x62: {  	[sflag:s1] =	ssyncset.done $0x0  }
0x63: {  	s3 =	sadd.s32 $0x1D00, s11;
	[sflag:s1] =	ssyncadd.s32 $0xFFFFFC00  }
0x64: {  	[spmem:s2] =	stream.indirect.scatter.add.bf16 [tilespmem:s18], [sflag:$0xB], $0x8, s3, s14, $0xb8;
	[tilespmem:$0x19800] =	vst v63  }
0x65: {  	_ =	swait.ge [sflag:s0], $0x400  }
0x66: {  	[sflag:s0] =	ssyncset.done $0x0  }
0x67: {  	s3 =	sadd.s32 $0x1D80, s11;
	[sflag:s0] =	ssyncadd.s32 $0xFFFFFC00  }
0x68: {  	[spmem:s2] =	stream.indirect.scatter.add.bf16 [tilespmem:s20], [sflag:$0xC], $0x8, s3, s14, $0xb8;
	[tilespmem:$0x19800] =	vst v63  }
0x69: {  	_ =	swait.ge [sflag:s13], $0x400  }
0x6a: {  	[sflag:s13] =	ssyncset.done $0x0  }
0x6b: {  	s3 =	sadd.s32 $0x1E00, s11;
	[sflag:s13] =	ssyncadd.s32 $0xFFFFFC00  }
0x6c: {  	[spmem:s2] =	stream.indirect.scatter.add.bf16 [tilespmem:s22], [sflag:$0xD], $0x8, s3, s14, $0xb8;
	[tilespmem:$0x19800] =	vst v63  }
0x6d: {  	_ =	swait.ge [sflag:s17], $0x400  }
0x6e: {  	[sflag:s17] =	ssyncset.done $0x0  }
0x6f: {  	s3 =	sadd.s32 $0x1E80, s11;
	[sflag:s17] =	ssyncadd.s32 $0xFFFFFC00  }
0x70: {  	[spmem:s2] =	stream.indirect.scatter.add.bf16 [tilespmem:s24], [sflag:$0xE], $0x8, s3, s14, $0xb8;
	[tilespmem:$0x19800] =	vst v63  }
0x71: {  	_ =	swait.ge [sflag:s19], $0x400  }
0x72: {  	[sflag:s19] =	ssyncset.done $0x0  }
0x73: {  	s3 =	sadd.s32 $0x1F00, s11;
	[sflag:s19] =	ssyncadd.s32 $0xFFFFFC00  }
0x74: {  	[spmem:s2] =	stream.indirect.scatter.add.bf16 [tilespmem:s26], [sflag:$0xF], $0x8, s3, s14, $0xb8;
	[tilespmem:$0x19800] =	vst v63  }
0x75: {  	_ =	swait.ge [sflag:s21], $0x400  }
0x76: {  	p0 =	seq.s32 s6, $0x6000;
	[sflag:s21] =	ssyncset.done $0x0  }
.Ltmp2:
0x77: {  	s3 =	sadd.s32 $0x1F80, s11;
	[sflag:s21] =	ssyncadd.s32 $0xFFFFFC00;
	(pc) =	sbr.rel @p0 .LBB2_4-.Ltmp2, $4  }
0x78: {  	[spmem:s2] =	stream.indirect.scatter.add.bf16 [tilespmem:s29], [sflag:$0x10], $0x8, s3, s14, $0xb8;
	[tilespmem:$0x19800] =	vst v63  }
0x79: {  	_ =	swait.ge [sflag:s23], $0x400  }
0x7a: {  	[sflag:s23] =	ssyncset.done $0x0  }
0x7b: {  	[sflag:s23] =	ssyncadd.s32 $0xFFFFFC00  }
0x7c: {  	s12 =	sadd.s32 $0x400, s11  }
0x7d: {  	[tilespmem:s15], [sflag:$0x1] =	stream.indirect.gather [hbm4b:s4+s14], $0x8, s12, s14, $0xb8;
	[tilespmem:$0x19800] =	vst v63  }
0x7e: {  	_ =	swait.ge [sflag:s25], $0x400  }
0x7f: {  	[sflag:s25] =	ssyncset.done $0x0  }
0x80: {  	s3 =	sadd.s32 $0x480, s11;
	[sflag:s25] =	ssyncadd.s32 $0xFFFFFC00  }
0x81: {  	[tilespmem:s16], [sflag:$0x2] =	stream.indirect.gather [hbm4b:s4+s14], $0x8, s3, s14, $0xb8;
	[tilespmem:$0x19800] =	vst v63  }
0x82: {  	_ =	swait.ge [sflag:s28], $0x400  }
0x83: {  	[sflag:s28] =	ssyncset.done $0x0  }
0x84: {  	s3 =	sadd.s32 $0x500, s11;
	[sflag:s28] =	ssyncadd.s32 $0xFFFFFC00  }
0x85: {  	[tilespmem:s18], [sflag:$0x3] =	stream.indirect.gather [hbm4b:s4+s14], $0x8, s3, s14, $0xb8;
	[tilespmem:$0x19800] =	vst v63  }
0x86: {  	_ =	swait.ge [sflag:s5], $0x400  }
0x87: {  	[sflag:s5] =	ssyncset.done $0x0  }
0x88: {  	s3 =	sadd.s32 $0x580, s11;
	[sflag:s5] =	ssyncadd.s32 $0xFFFFFC00  }
0x89: {  	[tilespmem:s20], [sflag:$0x4] =	stream.indirect.gather [hbm4b:s4+s14], $0x8, s3, s14, $0xb8;
	[tilespmem:$0x19800] =	vst v63  }
0x8a: {  	_ =	swait.ge [sflag:s7], $0x400  }
0x8b: {  	[sflag:s7] =	ssyncset.done $0x0  }
0x8c: {  	s3 =	sadd.s32 $0x600, s11;
	[sflag:s7] =	ssyncadd.s32 $0xFFFFFC00  }
0x8d: {  	[tilespmem:s22], [sflag:$0x5] =	stream.indirect.gather [hbm4b:s4+s14], $0x8, s3, s14, $0xb8;
	[tilespmem:$0x19800] =	vst v63  }
0x8e: {  	_ =	swait.ge [sflag:s8], $0x400  }
0x8f: {  	[sflag:s8] =	ssyncset.done $0x0  }
0x90: {  	s3 =	sadd.s32 $0x680, s11;
	[sflag:s8] =	ssyncadd.s32 $0xFFFFFC00  }
0x91: {  	[tilespmem:s24], [sflag:$0x6] =	stream.indirect.gather [hbm4b:s4+s14], $0x8, s3, s14, $0xb8;
	[tilespmem:$0x19800] =	vst v63  }
0x92: {  	_ =	swait.ge [sflag:s9], $0x400  }
0x93: {  	[sflag:s9] =	ssyncset.done $0x0  }
0x94: {  	s3 =	sadd.s32 $0x700, s11;
	[sflag:s9] =	ssyncadd.s32 $0xFFFFFC00  }
0x95: {  	[tilespmem:s26], [sflag:$0x7] =	stream.indirect.gather [hbm4b:s4+s14], $0x8, s3, s14, $0xb8;
	[tilespmem:$0x19800] =	vst v63  }
.Ltmp3:
0x96: {  	_ = 	snop;
	(pc) =	sbr.rel .LBB2_2-.Ltmp3, $4  }
0x97: {  	_ =	swait.ge [sflag:s10], $0x400  }
0x98: {  	[sflag:s10] =	ssyncset.done $0x0  }
0x99: {  	s6 =	sadd.s32 $0x1000, s6;
	s12 =	sadd.s32 $0x780, s11;
	[sflag:s10] =	ssyncadd.s32 $0xFFFFFC00  }
0x9a: {  	[tilespmem:s29], [sflag:$0x8] =	stream.indirect.gather [hbm4b:s4+s14], $0x8, s12, s14, $0xb8;
	[tilespmem:$0x19800] =	vst v63  }
.LBB2_5:
0x9b: {  	_ =	sfence.sel $0x180000  }
0x9c: {  	[bflag:$0x0] =	sbarrier.arrive $0xFFFF  }
0x9d: {  	_ =	strace $0x9000004A  }
0x9e: {  	s0 =	stileid.u32;
	[bflag:$0x2] =	sbarrier.arrive $0xFFFF  }
0x9f: {  	p0 =	sne.s32 s0, $0x0;
	s0 =	rddreg [dreg:$0x2]  }
0xa0: {  	s0 =	sadd.s32 @!p0 $0x100000, s0  }
0xa1: {  	[sflag:s0] =	ssyncadd.tile.s32 @!p0 $0x1;
	_ =	shalt  }
.Lfunc_end2:
_tile_overlayer_lowered:
.L_overlay_start_2:
0xa2: {  	(tag) =	ssettag $0x2  }
0xa3: {  	s0 =	rddreg [dreg:$0x0];
	s2 =	stileid.u32  }
0xa4: {  	s1 =	rddreg [dreg:$0x1];
	p0 =	sne.s32 s2, $0x0  }
0xa5: {  	s3 =	rddreg [dreg:$0x2];
	[bflag:$0x3] =	sbarrier.arrive $0xFFFF;
	s2 =	simm.s32 @!p0 $0x1C11  }
0xa6: {  	[timem:s3], [sflag:s2] =	dma.local @!p0 [hbm:s0], s1  }
0xa7: {  	s0 =	simm.s32 @!p0 $0x11  }
0xa8: {  	_ =	swait.ge @!p0 [sflag:s0], s1  }
0xa9: {  	s1 =	ssub.s32 @!p0 $0x0, s1;
	[sflag:s0] =	ssyncset.done @!p0 $0x0  }
0xaa: {  	[sflag:s0] =	ssyncadd.s32 @!p0 s1  }
0xab: {  	[bflag:$0x3] =	sbarrier.arrive $0xFFFF  }
0xac: {  	_ =	shalt  }

</sc_bundles>
